<compile_context>
chip_gen: v7x
topology: tpu7x:2x2x1
jax: 0.10.2.dev20260603
libtpu: 0.0.44.dev20260713+nightly
codegen_flags: <defaults>
</compile_context>

<pallas_src>
import functools

import jax
import jax.numpy as jnp
from jax import lax
from jax.experimental import pallas as pl
from jax.experimental.pallas import tpu as pltpu
from jax.experimental.pallas import tpu_sc as plsc

ROWS = 4096
COLS = 200
B = ROWS * COLS
D = 64
NC = 2
NS = 16
NW = NC * NS
TOK = 128
NB = ROWS // TOK
UNITS = COLS * NB
UPW = UNITS // NW
TPW = UPW * TOK
SKEW = TOK + 1
NSLOT = 4
UNROLL = 4

_mesh = plsc.VectorSubcoreMesh(core_axis_name="c", subcore_axis_name="s")


@functools.partial(
    pl.kernel,
    mesh=_mesh,
    out_type=jax.ShapeDtypeStruct((COLS, D // 8, NB, 8, TOK), jnp.float32),
    scratch_types=[
        pltpu.VMEM((TPW,), jnp.int32),
        pltpu.VMEM((NSLOT, TOK, D), jnp.float32),
        pltpu.VMEM((NSLOT, D // 8, 8, SKEW), jnp.float32),
        [pltpu.SemaphoreType.DMA] * NSLOT,
        [pltpu.SemaphoreType.DMA] * NSLOT,
    ],
    compiler_params=pltpu.CompilerParams(
        use_tc_tiling_on_sc=False, needs_layout_passes=False
    ),
)
def _gather_t_kernel(idxt_hbm, table_hbm, out_hbm, idx_v, rows_v, stg_v, gsems, wsems):
    wid = lax.axis_index("s") * NC + lax.axis_index("c")
    u0 = wid * UPW
    i2 = [lax.iota(jnp.int32, 16) + 16 * k for k in range(4)]
    i2h = [v >> 3 for v in i2]
    i2l = [v & 7 for v in i2]
    zeros16 = jnp.zeros((16,), jnp.int32)

    pltpu.sync_copy(idxt_hbm.at[pl.ds(u0 * TOK, TPW)], idx_v)

    def gstart(u, s):
        pltpu.async_copy(
            table_hbm.at[idx_v.at[pl.ds((u - u0) * TOK, TOK)]], rows_v.at[s], gsems[s]
        )

    def gwait(u, s):
        pltpu.make_async_copy(
            table_hbm.at[idx_v.at[pl.ds((u - u0) * TOK, TOK)]], rows_v.at[s], gsems[s]
        ).wait()

    def wstart(u, s):
        pltpu.async_copy(
            stg_v.at[s, :, :, pl.ds(0, TOK)], out_hbm.at[u >> 5, :, u & 31], wsems[s]
        )

    def wwait(u, s):
        pltpu.make_async_copy(
            stg_v.at[s, :, :, pl.ds(0, TOK)], out_hbm.at[u >> 5, :, u & 31], wsems[s]
        ).wait()

    def transpose(s):
        stg = stg_v.at[s]
        tv0 = [zeros16 + j for j in range(UNROLL)]

        def tokgrp(it, tvs):
            t0 = it * UNROLL
            vs = [
                rows_v[s, t0 + j, pl.ds(16 * k, 16)]
                for j in range(UNROLL)
                for k in range(4)
            ]
            for j in range(UNROLL):
                for k in range(4):
                    plsc.store_scatter(stg, [i2h[k], i2l[k], tvs[j]], vs[4 * j + k])
            return tuple(tv + UNROLL for tv in tvs)

        lax.fori_loop(0, TOK // UNROLL, tokgrp, tuple(tv0))

    for s in range(NSLOT):
        gstart(u0 + s, s)

    def step(u, s, first, last):
        gwait(u, s)
        if not first:
            wwait(u - NSLOT, s)
        transpose(s)
        wstart(u, s)
        if not last:
            gstart(u + NSLOT, s)

    for s in range(NSLOT):
        step(u0 + s, s, True, False)

    def body(r, carry):
        ub = u0 + r * NSLOT
        for s in range(NSLOT):
            step(ub + s, s, False, False)
        return carry

    lax.fori_loop(1, UPW // NSLOT - 1, body, 0)

    ul = u0 + UPW - NSLOT
    for s in range(NSLOT):
        step(ul + s, s, False, True)
    for s in range(NSLOT):
        wwait(ul + s, s)


def kernel(prompt_token_ids, table):
    idx_t = jnp.transpose(prompt_token_ids).reshape(B).astype(jnp.int32)
    out5 = _gather_t_kernel(idx_t, table)
    return jnp.transpose(out5, (2, 4, 0, 1, 3)).reshape(ROWS, COLS, D)

# --- scband reference (transcript-rebuilt; emitter-appended) ---
"""Pipeline reference for scband-embedding-prompt-encoder-38774964748763 (READ-ONLY COPY).

The authoritative reference and input builder live on the scoring server;
editing this copy changes nothing except your own understanding.
"""

import jax, jax.numpy as jnp
import numpy as np

LENGTH = 100000
EMBED_DIM = 64
ID_OFFSET = 0


def setup_inputs(seed: int = 0) -> dict:
    key = jax.random.key(seed)
    k1, k2 = jax.random.split(key)
    prompt_token_ids = jax.random.randint(k1, (4096, 200), 0, LENGTH, dtype=jnp.int64) if jax.config.jax_enable_x64 else jax.random.randint(k1, (4096, 200), 0, LENGTH, dtype=jnp.int32)
    table = jax.random.normal(k2, (LENGTH, EMBED_DIM), dtype=jnp.float32)
    return {"prompt_token_ids": prompt_token_ids, "table": table}


def reference(prompt_token_ids, table):
    # EmbeddingPromptEncoder.forward: subtract id_offset, then embedding lookup
    idx = prompt_token_ids - ID_OFFSET
    return jnp.take(table, idx, axis=0)

if __name__ == "__main__":
    import jax
    _d = setup_inputs()
    print(jax.jit(kernel)(*tuple(_d.values())))

</pallas_src>

<mosaic_0001>
#map = affine_map<(d0, d1) -> (0)>
#map1 = affine_map<(d0, d1) -> (0, 0)>
#map2 = affine_map<(d0, d1) -> (0, 0, 0, 0, 0)>
module attributes {stable_mosaic.version = 14 : i64} {
  func.func @_gather_t_kernel(%arg0: i32, %arg1: i32, %arg2: memref<819200xi32, #tpu.memory_space<hbm>>, %arg3: memref<100000x64xf32, #tpu.memory_space<hbm>>, %arg4: memref<200x8x32x8x128xf32, #tpu.memory_space<hbm>>, %arg5: memref<25600xi32, #tpu.memory_space<vmem>>, %arg6: memref<4x128x64xf32, #tpu.memory_space<vmem>>, %arg7: memref<4x8x8x129xf32, #tpu.memory_space<vmem>>, %arg8: memref<!tpu.dma_semaphore, #tpu.memory_space<semaphore_mem>>, %arg9: memref<!tpu.dma_semaphore, #tpu.memory_space<semaphore_mem>>, %arg10: memref<!tpu.dma_semaphore, #tpu.memory_space<semaphore_mem>>, %arg11: memref<!tpu.dma_semaphore, #tpu.memory_space<semaphore_mem>>, %arg12: memref<!tpu.dma_semaphore, #tpu.memory_space<semaphore_mem>>, %arg13: memref<!tpu.dma_semaphore, #tpu.memory_space<semaphore_mem>>, %arg14: memref<!tpu.dma_semaphore, #tpu.memory_space<semaphore_mem>>, %arg15: memref<!tpu.dma_semaphore, #tpu.memory_space<semaphore_mem>>) attributes {dimension_semantics = [#tpu.dimension_semantics<core_parallel>, #tpu.dimension_semantics<subcore_parallel>], iteration_bounds = array<i64: 2, 16>, scalar_prefetch = 0 : i64, scratch_operands = 11 : i64, tpu.core_type = #tpu.core_type<sc_vector_subcore>, window_params = [{transform_indices = #map}, {transform_indices = #map1}, {transform_indices = #map2}]} {
    %mul3A = arith.constant 2 : i32
    %mul3A_0 = arith.muli %arg1, %mul3A : i32
    %add3A = arith.addi %mul3A_0, %arg0 : i32
    %mul3A_1 = arith.constant 200 : i32
    %mul3A_2 = arith.muli %add3A, %mul3A_1 : i32
    %iota3A = tpu.iota {dimensions = array<i32: 0>} : vector<16xi32>
    %add3A_3 = arith.constant 0 : i32
    %add3A_4 = vector.broadcast %add3A_3 : i32 to vector<16xi32>
    %add3A_5 = arith.addi %iota3A, %add3A_4 : vector<16xi32>
    %iota3A_6 = tpu.iota {dimensions = array<i32: 0>} : vector<16xi32>
    %add3A_7 = arith.constant 16 : i32
    %add3A_8 = vector.broadcast %add3A_7 : i32 to vector<16xi32>
    %add3A_9 = arith.addi %iota3A_6, %add3A_8 : vector<16xi32>
    %iota3A_10 = tpu.iota {dimensions = array<i32: 0>} : vector<16xi32>
    %add3A_11 = arith.constant 32 : i32
    %add3A_12 = vector.broadcast %add3A_11 : i32 to vector<16xi32>
    %add3A_13 = arith.addi %iota3A_10, %add3A_12 : vector<16xi32>
    %iota3A_14 = tpu.iota {dimensions = array<i32: 0>} : vector<16xi32>
    %add3A_15 = arith.constant 48 : i32
    %add3A_16 = vector.broadcast %add3A_15 : i32 to vector<16xi32>
    %add3A_17 = arith.addi %iota3A_14, %add3A_16 : vector<16xi32>
    %shift_right_arithmetic3A = arith.constant 3 : i32
    %shift_right_arithmetic3A_18 = vector.broadcast %shift_right_arithmetic3A : i32 to vector<16xi32>
    %shift_right_arithmetic3A_19 = arith.shrsi %add3A_5, %shift_right_arithmetic3A_18 : vector<16xi32>
    %shift_right_arithmetic3A_20 = arith.constant 3 : i32
    %shift_right_arithmetic3A_21 = vector.broadcast %shift_right_arithmetic3A_20 : i32 to vector<16xi32>
    %shift_right_arithmetic3A_22 = arith.shrsi %add3A_9, %shift_right_arithmetic3A_21 : vector<16xi32>
    %shift_right_arithmetic3A_23 = arith.constant 3 : i32
    %shift_right_arithmetic3A_24 = vector.broadcast %shift_right_arithmetic3A_23 : i32 to vector<16xi32>
    %shift_right_arithmetic3A_25 = arith.shrsi %add3A_13, %shift_right_arithmetic3A_24 : vector<16xi32>
    %shift_right_arithmetic3A_26 = arith.constant 3 : i32
    %shift_right_arithmetic3A_27 = vector.broadcast %shift_right_arithmetic3A_26 : i32 to vector<16xi32>
    %shift_right_arithmetic3A_28 = arith.shrsi %add3A_17, %shift_right_arithmetic3A_27 : vector<16xi32>
    %and3A = arith.constant 7 : i32
    %and3A_29 = vector.broadcast %and3A : i32 to vector<16xi32>
    %and3A_30 = arith.andi %add3A_5, %and3A_29 : vector<16xi32>
    %and3A_31 = arith.constant 7 : i32
    %and3A_32 = vector.broadcast %and3A_31 : i32 to vector<16xi32>
    %and3A_33 = arith.andi %add3A_9, %and3A_32 : vector<16xi32>
    %and3A_34 = arith.constant 7 : i32
    %and3A_35 = vector.broadcast %and3A_34 : i32 to vector<16xi32>
    %and3A_36 = arith.andi %add3A_13, %and3A_35 : vector<16xi32>
    %and3A_37 = arith.constant 7 : i32
    %and3A_38 = vector.broadcast %and3A_37 : i32 to vector<16xi32>
    %and3A_39 = arith.andi %add3A_17, %and3A_38 : vector<16xi32>
    %broadcast_in_dim3A = arith.constant 0 : i32
    %broadcast_in_dim3A_40 = vector.broadcast %broadcast_in_dim3A : i32 to vector<16xi32>
    %mul3A_41 = arith.constant 128 : i32
    %mul3A_42 = arith.muli %mul3A_2, %mul3A_41 : i32
    "tpu.region"() ({
      %run_scoped3A = tpu.sem_alloc : memref<!tpu.dma_semaphore, #tpu.memory_space<semaphore_mem>>
      %dma_start3A_841 = tpu.memref_slice %arg2[%mul3A_42] : memref<819200xi32, #tpu.memory_space<hbm>> -> memref<25600xi32, #tpu.memory_space<hbm>>
      %dma_start3A_842 = tpu.memref_slice %arg2[%mul3A_42] : memref<819200xi32, #tpu.memory_space<hbm>> -> memref<25600xi32, #tpu.memory_space<hbm>>
      tpu.enqueue_dma source(%dma_start3A_842 : memref<25600xi32, #tpu.memory_space<hbm>>) target(%arg5 : memref<25600xi32, #tpu.memory_space<vmem>>) target_semaphore(%run_scoped3A : memref<!tpu.dma_semaphore, #tpu.memory_space<semaphore_mem>>)
      %dma_wait3A_843 = tpu.memref_slice %arg2[%mul3A_42] : memref<819200xi32, #tpu.memory_space<hbm>> -> memref<25600xi32, #tpu.memory_space<hbm>>
      %dma_wait3A_844 = tpu.memref_slice %arg2[%mul3A_42] : memref<819200xi32, #tpu.memory_space<hbm>> -> memref<25600xi32, #tpu.memory_space<hbm>>
      tpu.wait_dma2 semaphore(%run_scoped3A : memref<!tpu.dma_semaphore, #tpu.memory_space<semaphore_mem>>) src(%dma_wait3A_844 : memref<25600xi32, #tpu.memory_space<hbm>>) dst(%arg5 : memref<25600xi32, #tpu.memory_space<vmem>>)
      tpu.yield
    }) : () -> ()
    %add3A_43 = arith.constant 0 : i32
    %add3A_44 = arith.addi %mul3A_2, %add3A_43 : i32
    %sub3A = arith.subi %add3A_44, %mul3A_2 : i32
    %mul3A_45 = arith.constant 128 : i32
    %mul3A_46 = arith.muli %sub3A, %mul3A_45 : i32
    %dma_start3A = arith.constant 0 : i32
    %dma_start3A_47 = arith.constant 0 : i32
    %dma_start3A_48 = arith.constant 0 : i32
    %dma_start3A_49 = tpu.memref_slice %arg6[%dma_start3A, %dma_start3A_47, %dma_start3A_48] : memref<4x128x64xf32, #tpu.memory_space<vmem>> -> memref<1x128x64xf32, #tpu.memory_space<vmem>>
    %dma_start3A_50 = tpu.memref_squeeze %dma_start3A_49 : memref<1x128x64xf32, #tpu.memory_space<vmem>> -> memref<128x64xf32, #tpu.memory_space<vmem>>
    %dma_start3A_51 = tpu.memref_slice %arg5[%mul3A_46] : memref<25600xi32, #tpu.memory_space<vmem>> -> memref<128xi32, #tpu.memory_space<vmem>>
    %dma_start3A_52 = arith.constant 0 : i32
    %dma_start3A_53 = arith.constant 0 : i32
    %dma_start3A_54 = tpu.memref_slice %arg3[%dma_start3A_52, %dma_start3A_53] : memref<100000x64xf32, #tpu.memory_space<hbm>> -> memref<100000x64xf32, #tpu.memory_space<hbm>>
    tpu.enqueue_indirect_dma source(%dma_start3A_54 : memref<100000x64xf32, #tpu.memory_space<hbm>>) target(%dma_start3A_50 : memref<128x64xf32, #tpu.memory_space<vmem>>) offsets(%dma_start3A_51 : memref<128xi32, #tpu.memory_space<vmem>>) semaphore(%arg8 : memref<!tpu.dma_semaphore, #tpu.memory_space<semaphore_mem>>)
    %add3A_55 = arith.constant 1 : i32
    %add3A_56 = arith.addi %mul3A_2, %add3A_55 : i32
    %sub3A_57 = arith.subi %add3A_56, %mul3A_2 : i32
    %mul3A_58 = arith.constant 128 : i32
    %mul3A_59 = arith.muli %sub3A_57, %mul3A_58 : i32
    %dma_start3A_60 = arith.constant 1 : i32
    %dma_start3A_61 = arith.constant 0 : i32
    %dma_start3A_62 = arith.constant 0 : i32
    %dma_start3A_63 = tpu.memref_slice %arg6[%dma_start3A_60, %dma_start3A_61, %dma_start3A_62] : memref<4x128x64xf32, #tpu.memory_space<vmem>> -> memref<1x128x64xf32, #tpu.memory_space<vmem>>
    %dma_start3A_64 = tpu.memref_squeeze %dma_start3A_63 : memref<1x128x64xf32, #tpu.memory_space<vmem>> -> memref<128x64xf32, #tpu.memory_space<vmem>>
    %dma_start3A_65 = tpu.memref_slice %arg5[%mul3A_59] : memref<25600xi32, #tpu.memory_space<vmem>> -> memref<128xi32, #tpu.memory_space<vmem>>
    %dma_start3A_66 = arith.constant 0 : i32
    %dma_start3A_67 = arith.constant 0 : i32
    %dma_start3A_68 = tpu.memref_slice %arg3[%dma_start3A_66, %dma_start3A_67] : memref<100000x64xf32, #tpu.memory_space<hbm>> -> memref<100000x64xf32, #tpu.memory_space<hbm>>
    tpu.enqueue_indirect_dma source(%dma_start3A_68 : memref<100000x64xf32, #tpu.memory_space<hbm>>) target(%dma_start3A_64 : memref<128x64xf32, #tpu.memory_space<vmem>>) offsets(%dma_start3A_65 : memref<128xi32, #tpu.memory_space<vmem>>) semaphore(%arg9 : memref<!tpu.dma_semaphore, #tpu.memory_space<semaphore_mem>>)
    %add3A_69 = arith.constant 2 : i32
    %add3A_70 = arith.addi %mul3A_2, %add3A_69 : i32
    %sub3A_71 = arith.subi %add3A_70, %mul3A_2 : i32
    %mul3A_72 = arith.constant 128 : i32
    %mul3A_73 = arith.muli %sub3A_71, %mul3A_72 : i32
    %dma_start3A_74 = arith.constant 2 : i32
    %dma_start3A_75 = arith.constant 0 : i32
    %dma_start3A_76 = arith.constant 0 : i32
    %dma_start3A_77 = tpu.memref_slice %arg6[%dma_start3A_74, %dma_start3A_75, %dma_start3A_76] : memref<4x128x64xf32, #tpu.memory_space<vmem>> -> memref<1x128x64xf32, #tpu.memory_space<vmem>>
    %dma_start3A_78 = tpu.memref_squeeze %dma_start3A_77 : memref<1x128x64xf32, #tpu.memory_space<vmem>> -> memref<128x64xf32, #tpu.memory_space<vmem>>
    %dma_start3A_79 = tpu.memref_slice %arg5[%mul3A_73] : memref<25600xi32, #tpu.memory_space<vmem>> -> memref<128xi32, #tpu.memory_space<vmem>>
    %dma_start3A_80 = arith.constant 0 : i32
    %dma_start3A_81 = arith.constant 0 : i32
    %dma_start3A_82 = tpu.memref_slice %arg3[%dma_start3A_80, %dma_start3A_81] : memref<100000x64xf32, #tpu.memory_space<hbm>> -> memref<100000x64xf32, #tpu.memory_space<hbm>>
    tpu.enqueue_indirect_dma source(%dma_start3A_82 : memref<100000x64xf32, #tpu.memory_space<hbm>>) target(%dma_start3A_78 : memref<128x64xf32, #tpu.memory_space<vmem>>) offsets(%dma_start3A_79 : memref<128xi32, #tpu.memory_space<vmem>>) semaphore(%arg10 : memref<!tpu.dma_semaphore, #tpu.memory_space<semaphore_mem>>)
    %add3A_83 = arith.constant 3 : i32
    %add3A_84 = arith.addi %mul3A_2, %add3A_83 : i32
    %sub3A_85 = arith.subi %add3A_84, %mul3A_2 : i32
    %mul3A_86 = arith.constant 128 : i32
    %mul3A_87 = arith.muli %sub3A_85, %mul3A_86 : i32
    %dma_start3A_88 = arith.constant 3 : i32
    %dma_start3A_89 = arith.constant 0 : i32
    %dma_start3A_90 = arith.constant 0 : i32
    %dma_start3A_91 = tpu.memref_slice %arg6[%dma_start3A_88, %dma_start3A_89, %dma_start3A_90] : memref<4x128x64xf32, #tpu.memory_space<vmem>> -> memref<1x128x64xf32, #tpu.memory_space<vmem>>
    %dma_start3A_92 = tpu.memref_squeeze %dma_start3A_91 : memref<1x128x64xf32, #tpu.memory_space<vmem>> -> memref<128x64xf32, #tpu.memory_space<vmem>>
    %dma_start3A_93 = tpu.memref_slice %arg5[%mul3A_87] : memref<25600xi32, #tpu.memory_space<vmem>> -> memref<128xi32, #tpu.memory_space<vmem>>
    %dma_start3A_94 = arith.constant 0 : i32
    %dma_start3A_95 = arith.constant 0 : i32
    %dma_start3A_96 = tpu.memref_slice %arg3[%dma_start3A_94, %dma_start3A_95] : memref<100000x64xf32, #tpu.memory_space<hbm>> -> memref<100000x64xf32, #tpu.memory_space<hbm>>
    tpu.enqueue_indirect_dma source(%dma_start3A_96 : memref<100000x64xf32, #tpu.memory_space<hbm>>) target(%dma_start3A_92 : memref<128x64xf32, #tpu.memory_space<vmem>>) offsets(%dma_start3A_93 : memref<128xi32, #tpu.memory_space<vmem>>) semaphore(%arg11 : memref<!tpu.dma_semaphore, #tpu.memory_space<semaphore_mem>>)
    %add3A_97 = arith.constant 0 : i32
    %add3A_98 = arith.addi %mul3A_2, %add3A_97 : i32
    %sub3A_99 = arith.subi %add3A_98, %mul3A_2 : i32
    %mul3A_100 = arith.constant 128 : i32
    %mul3A_101 = arith.muli %sub3A_99, %mul3A_100 : i32
    %dma_wait3A = arith.constant 0 : i32
    %dma_wait3A_102 = arith.constant 0 : i32
    %dma_wait3A_103 = arith.constant 0 : i32
    %dma_wait3A_104 = tpu.memref_slice %arg6[%dma_wait3A, %dma_wait3A_102, %dma_wait3A_103] : memref<4x128x64xf32, #tpu.memory_space<vmem>> -> memref<1x128x64xf32, #tpu.memory_space<vmem>>
    %dma_wait3A_105 = tpu.memref_squeeze %dma_wait3A_104 : memref<1x128x64xf32, #tpu.memory_space<vmem>> -> memref<128x64xf32, #tpu.memory_space<vmem>>
    %dma_wait3A_106 = tpu.memref_slice %arg5[%mul3A_101] : memref<25600xi32, #tpu.memory_space<vmem>> -> memref<128xi32, #tpu.memory_space<vmem>>
    %dma_wait3A_107 = arith.constant 0 : i32
    %dma_wait3A_108 = arith.constant 0 : i32
    %dma_wait3A_109 = tpu.memref_slice %arg3[%dma_wait3A_107, %dma_wait3A_108] : memref<100000x64xf32, #tpu.memory_space<hbm>> -> memref<100000x64xf32, #tpu.memory_space<hbm>>
    tpu.wait_indirect_dma semaphore(%arg8 : memref<!tpu.dma_semaphore, #tpu.memory_space<semaphore_mem>>) src(%dma_wait3A_109 : memref<100000x64xf32, #tpu.memory_space<hbm>>) dst(%dma_wait3A_105 : memref<128x64xf32, #tpu.memory_space<vmem>>)
    %add3A_110 = arith.constant 0 : i32
    %add3A_111 = vector.broadcast %add3A_110 : i32 to vector<16xi32>
    %add3A_112 = arith.addi %broadcast_in_dim3A_40, %add3A_111 : vector<16xi32>
    %add3A_113 = arith.constant 1 : i32
    %add3A_114 = vector.broadcast %add3A_113 : i32 to vector<16xi32>
    %add3A_115 = arith.addi %broadcast_in_dim3A_40, %add3A_114 : vector<16xi32>
    %add3A_116 = arith.constant 2 : i32
    %add3A_117 = vector.broadcast %add3A_116 : i32 to vector<16xi32>
    %add3A_118 = arith.addi %broadcast_in_dim3A_40, %add3A_117 : vector<16xi32>
    %add3A_119 = arith.constant 3 : i32
    %add3A_120 = vector.broadcast %add3A_119 : i32 to vector<16xi32>
    %add3A_121 = arith.addi %broadcast_in_dim3A_40, %add3A_120 : vector<16xi32>
    %scan3A = arith.constant 0 : i32
    %scan3A_122 = arith.constant 0 : i32
    %scan3A_123 = arith.constant 32 : i32
    %scan3A_124 = arith.addi %scan3A_122, %scan3A_123 : i32
    %scan3A_125 = arith.constant 1 : i32
    %scan3A_126:4 = scf.for %scan3A_841 = %scan3A_122 to %scan3A_124 step %scan3A_125 iter_args(%scan3A_842 = %add3A_112, %scan3A_843 = %add3A_115, %scan3A_844 = %add3A_118, %scan3A_845 = %add3A_121) -> (vector<16xi32>, vector<16xi32>, vector<16xi32>, vector<16xi32>)  : i32 {
      %mul3A_846 = arith.constant 4 : i32
      %mul3A_847 = arith.muli %scan3A_841, %mul3A_846 : i32
      %add3A_848 = arith.constant 0 : i32
      %add3A_849 = arith.addi %mul3A_847, %add3A_848 : i32
      %get3A = arith.constant 0 : i32
      %get3A_850 = arith.index_cast %get3A : i32 to index
      %get3A_851 = arith.index_cast %add3A_849 : i32 to index
      %get3A_852 = arith.constant 0 : index
      %get3A_853 = tpu.vector_load %arg6[%get3A_850, %get3A_851, %get3A_852] {strides = array<i32>} : memref<4x128x64xf32, #tpu.memory_space<vmem>>, vector<16xf32>,
      %add3A_854 = arith.constant 0 : i32
      %add3A_855 = arith.addi %mul3A_847, %add3A_854 : i32
      %get3A_856 = arith.constant 0 : i32
      %get3A_857 = arith.index_cast %get3A_856 : i32 to index
      %get3A_858 = arith.index_cast %add3A_855 : i32 to index
      %get3A_859 = arith.constant 16 : index
      %get3A_860 = tpu.vector_load %arg6[%get3A_857, %get3A_858, %get3A_859] {strides = array<i32>} : memref<4x128x64xf32, #tpu.memory_space<vmem>>, vector<16xf32>,
      %add3A_861 = arith.constant 0 : i32
      %add3A_862 = arith.addi %mul3A_847, %add3A_861 : i32
      %get3A_863 = arith.constant 0 : i32
      %get3A_864 = arith.index_cast %get3A_863 : i32 to index
      %get3A_865 = arith.index_cast %add3A_862 : i32 to index
      %get3A_866 = arith.constant 32 : index
      %get3A_867 = tpu.vector_load %arg6[%get3A_864, %get3A_865, %get3A_866] {strides = array<i32>} : memref<4x128x64xf32, #tpu.memory_space<vmem>>, vector<16xf32>,
      %add3A_868 = arith.constant 0 : i32
      %add3A_869 = arith.addi %mul3A_847, %add3A_868 : i32
      %get3A_870 = arith.constant 0 : i32
      %get3A_871 = arith.index_cast %get3A_870 : i32 to index
      %get3A_872 = arith.index_cast %add3A_869 : i32 to index
      %get3A_873 = arith.constant 48 : index
      %get3A_874 = tpu.vector_load %arg6[%get3A_871, %get3A_872, %get3A_873] {strides = array<i32>} : memref<4x128x64xf32, #tpu.memory_space<vmem>>, vector<16xf32>,
      %add3A_875 = arith.constant 1 : i32
      %add3A_876 = arith.addi %mul3A_847, %add3A_875 : i32
      %get3A_877 = arith.constant 0 : i32
      %get3A_878 = arith.index_cast %get3A_877 : i32 to index
      %get3A_879 = arith.index_cast %add3A_876 : i32 to index
      %get3A_880 = arith.constant 0 : index
      %get3A_881 = tpu.vector_load %arg6[%get3A_878, %get3A_879, %get3A_880] {strides = array<i32>} : memref<4x128x64xf32, #tpu.memory_space<vmem>>, vector<16xf32>,
      %add3A_882 = arith.constant 1 : i32
      %add3A_883 = arith.addi %mul3A_847, %add3A_882 : i32
      %get3A_884 = arith.constant 0 : i32
      %get3A_885 = arith.index_cast %get3A_884 : i32 to index
      %get3A_886 = arith.index_cast %add3A_883 : i32 to index
      %get3A_887 = arith.constant 16 : index
      %get3A_888 = tpu.vector_load %arg6[%get3A_885, %get3A_886, %get3A_887] {strides = array<i32>} : memref<4x128x64xf32, #tpu.memory_space<vmem>>, vector<16xf32>,
      %add3A_889 = arith.constant 1 : i32
      %add3A_890 = arith.addi %mul3A_847, %add3A_889 : i32
      %get3A_891 = arith.constant 0 : i32
      %get3A_892 = arith.index_cast %get3A_891 : i32 to index
      %get3A_893 = arith.index_cast %add3A_890 : i32 to index
      %get3A_894 = arith.constant 32 : index
      %get3A_895 = tpu.vector_load %arg6[%get3A_892, %get3A_893, %get3A_894] {strides = array<i32>} : memref<4x128x64xf32, #tpu.memory_space<vmem>>, vector<16xf32>,
      %add3A_896 = arith.constant 1 : i32
      %add3A_897 = arith.addi %mul3A_847, %add3A_896 : i32
      %get3A_898 = arith.constant 0 : i32
      %get3A_899 = arith.index_cast %get3A_898 : i32 to index
      %get3A_900 = arith.index_cast %add3A_897 : i32 to index
      %get3A_901 = arith.constant 48 : index
      %get3A_902 = tpu.vector_load %arg6[%get3A_899, %get3A_900, %get3A_901] {strides = array<i32>} : memref<4x128x64xf32, #tpu.memory_space<vmem>>, vector<16xf32>,
      %add3A_903 = arith.constant 2 : i32
      %add3A_904 = arith.addi %mul3A_847, %add3A_903 : i32
      %get3A_905 = arith.constant 0 : i32
      %get3A_906 = arith.index_cast %get3A_905 : i32 to index
      %get3A_907 = arith.index_cast %add3A_904 : i32 to index
      %get3A_908 = arith.constant 0 : index
      %get3A_909 = tpu.vector_load %arg6[%get3A_906, %get3A_907, %get3A_908] {strides = array<i32>} : memref<4x128x64xf32, #tpu.memory_space<vmem>>, vector<16xf32>,
      %add3A_910 = arith.constant 2 : i32
      %add3A_911 = arith.addi %mul3A_847, %add3A_910 : i32
      %get3A_912 = arith.constant 0 : i32
      %get3A_913 = arith.index_cast %get3A_912 : i32 to index
      %get3A_914 = arith.index_cast %add3A_911 : i32 to index
      %get3A_915 = arith.constant 16 : index
      %get3A_916 = tpu.vector_load %arg6[%get3A_913, %get3A_914, %get3A_915] {strides = array<i32>} : memref<4x128x64xf32, #tpu.memory_space<vmem>>, vector<16xf32>,
      %add3A_917 = arith.constant 2 : i32
      %add3A_918 = arith.addi %mul3A_847, %add3A_917 : i32
      %get3A_919 = arith.constant 0 : i32
      %get3A_920 = arith.index_cast %get3A_919 : i32 to index
      %get3A_921 = arith.index_cast %add3A_918 : i32 to index
      %get3A_922 = arith.constant 32 : index
      %get3A_923 = tpu.vector_load %arg6[%get3A_920, %get3A_921, %get3A_922] {strides = array<i32>} : memref<4x128x64xf32, #tpu.memory_space<vmem>>, vector<16xf32>,
      %add3A_924 = arith.constant 2 : i32
      %add3A_925 = arith.addi %mul3A_847, %add3A_924 : i32
      %get3A_926 = arith.constant 0 : i32
      %get3A_927 = arith.index_cast %get3A_926 : i32 to index
      %get3A_928 = arith.index_cast %add3A_925 : i32 to index
      %get3A_929 = arith.constant 48 : index
      %get3A_930 = tpu.vector_load %arg6[%get3A_927, %get3A_928, %get3A_929] {strides = array<i32>} : memref<4x128x64xf32, #tpu.memory_space<vmem>>, vector<16xf32>,
      %add3A_931 = arith.constant 3 : i32
      %add3A_932 = arith.addi %mul3A_847, %add3A_931 : i32
      %get3A_933 = arith.constant 0 : i32
      %get3A_934 = arith.index_cast %get3A_933 : i32 to index
      %get3A_935 = arith.index_cast %add3A_932 : i32 to index
      %get3A_936 = arith.constant 0 : index
      %get3A_937 = tpu.vector_load %arg6[%get3A_934, %get3A_935, %get3A_936] {strides = array<i32>} : memref<4x128x64xf32, #tpu.memory_space<vmem>>, vector<16xf32>,
      %add3A_938 = arith.constant 3 : i32
      %add3A_939 = arith.addi %mul3A_847, %add3A_938 : i32
      %get3A_940 = arith.constant 0 : i32
      %get3A_941 = arith.index_cast %get3A_940 : i32 to index
      %get3A_942 = arith.index_cast %add3A_939 : i32 to index
      %get3A_943 = arith.constant 16 : index
      %get3A_944 = tpu.vector_load %arg6[%get3A_941, %get3A_942, %get3A_943] {strides = array<i32>} : memref<4x128x64xf32, #tpu.memory_space<vmem>>, vector<16xf32>,
      %add3A_945 = arith.constant 3 : i32
      %add3A_946 = arith.addi %mul3A_847, %add3A_945 : i32
      %get3A_947 = arith.constant 0 : i32
      %get3A_948 = arith.index_cast %get3A_947 : i32 to index
      %get3A_949 = arith.index_cast %add3A_946 : i32 to index
      %get3A_950 = arith.constant 32 : index
      %get3A_951 = tpu.vector_load %arg6[%get3A_948, %get3A_949, %get3A_950] {strides = array<i32>} : memref<4x128x64xf32, #tpu.memory_space<vmem>>, vector<16xf32>,
      %add3A_952 = arith.constant 3 : i32
      %add3A_953 = arith.addi %mul3A_847, %add3A_952 : i32
      %get3A_954 = arith.constant 0 : i32
      %get3A_955 = arith.index_cast %get3A_954 : i32 to index
      %get3A_956 = arith.index_cast %add3A_953 : i32 to index
      %get3A_957 = arith.constant 48 : index
      %get3A_958 = tpu.vector_load %arg6[%get3A_955, %get3A_956, %get3A_957] {strides = array<i32>} : memref<4x128x64xf32, #tpu.memory_space<vmem>>, vector<16xf32>,
      %scatter3A = arith.constant 0 : i32
      %scatter3A_959 = arith.constant 0 : i32
      %scatter3A_960 = arith.constant 0 : i32
      %scatter3A_961 = tpu.memref_slice %arg7[%scan3A, %scatter3A, %scatter3A_959, %scatter3A_960] : memref<4x8x8x129xf32, #tpu.memory_space<vmem>> -> memref<1x8x8x129xf32, #tpu.memory_space<vmem>>
      %scatter3A_962 = tpu.memref_squeeze %scatter3A_961 : memref<1x8x8x129xf32, #tpu.memory_space<vmem>> -> memref<8x8x129xf32, #tpu.memory_space<vmem>>
      tpu.vector_store_idx %scatter3A_962[%shift_right_arithmetic3A_19, %and3A_30, %scan3A_842], %get3A_853 : memref<8x8x129xf32, #tpu.memory_space<vmem>>[vector<16xi32>, vector<16xi32>, vector<16xi32>], vector<16xf32>,
      %scatter3A_963 = arith.constant 0 : i32
      %scatter3A_964 = arith.constant 0 : i32
      %scatter3A_965 = arith.constant 0 : i32
      %scatter3A_966 = tpu.memref_slice %arg7[%scan3A, %scatter3A_963, %scatter3A_964, %scatter3A_965] : memref<4x8x8x129xf32, #tpu.memory_space<vmem>> -> memref<1x8x8x129xf32, #tpu.memory_space<vmem>>
      %scatter3A_967 = tpu.memref_squeeze %scatter3A_966 : memref<1x8x8x129xf32, #tpu.memory_space<vmem>> -> memref<8x8x129xf32, #tpu.memory_space<vmem>>
      tpu.vector_store_idx %scatter3A_967[%shift_right_arithmetic3A_22, %and3A_33, %scan3A_842], %get3A_860 : memref<8x8x129xf32, #tpu.memory_space<vmem>>[vector<16xi32>, vector<16xi32>, vector<16xi32>], vector<16xf32>,
      %scatter3A_968 = arith.constant 0 : i32
      %scatter3A_969 = arith.constant 0 : i32
      %scatter3A_970 = arith.constant 0 : i32
      %scatter3A_971 = tpu.memref_slice %arg7[%scan3A, %scatter3A_968, %scatter3A_969, %scatter3A_970] : memref<4x8x8x129xf32, #tpu.memory_space<vmem>> -> memref<1x8x8x129xf32, #tpu.memory_space<vmem>>
      %scatter3A_972 = tpu.memref_squeeze %scatter3A_971 : memref<1x8x8x129xf32, #tpu.memory_space<vmem>> -> memref<8x8x129xf32, #tpu.memory_space<vmem>>
      tpu.vector_store_idx %scatter3A_972[%shift_right_arithmetic3A_25, %and3A_36, %scan3A_842], %get3A_867 : memref<8x8x129xf32, #tpu.memory_space<vmem>>[vector<16xi32>, vector<16xi32>, vector<16xi32>], vector<16xf32>,
      %scatter3A_973 = arith.constant 0 : i32
      %scatter3A_974 = arith.constant 0 : i32
      %scatter3A_975 = arith.constant 0 : i32
      %scatter3A_976 = tpu.memref_slice %arg7[%scan3A, %scatter3A_973, %scatter3A_974, %scatter3A_975] : memref<4x8x8x129xf32, #tpu.memory_space<vmem>> -> memref<1x8x8x129xf32, #tpu.memory_space<vmem>>
      %scatter3A_977 = tpu.memref_squeeze %scatter3A_976 : memref<1x8x8x129xf32, #tpu.memory_space<vmem>> -> memref<8x8x129xf32, #tpu.memory_space<vmem>>
      tpu.vector_store_idx %scatter3A_977[%shift_right_arithmetic3A_28, %and3A_39, %scan3A_842], %get3A_874 : memref<8x8x129xf32, #tpu.memory_space<vmem>>[vector<16xi32>, vector<16xi32>, vector<16xi32>], vector<16xf32>,
      %scatter3A_978 = arith.constant 0 : i32
      %scatter3A_979 = arith.constant 0 : i32
      %scatter3A_980 = arith.constant 0 : i32
      %scatter3A_981 = tpu.memref_slice %arg7[%scan3A, %scatter3A_978, %scatter3A_979, %scatter3A_980] : memref<4x8x8x129xf32, #tpu.memory_space<vmem>> -> memref<1x8x8x129xf32, #tpu.memory_space<vmem>>
      %scatter3A_982 = tpu.memref_squeeze %scatter3A_981 : memref<1x8x8x129xf32, #tpu.memory_space<vmem>> -> memref<8x8x129xf32, #tpu.memory_space<vmem>>
      tpu.vector_store_idx %scatter3A_982[%shift_right_arithmetic3A_19, %and3A_30, %scan3A_843], %get3A_881 : memref<8x8x129xf32, #tpu.memory_space<vmem>>[vector<16xi32>, vector<16xi32>, vector<16xi32>], vector<16xf32>,
      %scatter3A_983 = arith.constant 0 : i32
      %scatter3A_984 = arith.constant 0 : i32
      %scatter3A_985 = arith.constant 0 : i32
      %scatter3A_986 = tpu.memref_slice %arg7[%scan3A, %scatter3A_983, %scatter3A_984, %scatter3A_985] : memref<4x8x8x129xf32, #tpu.memory_space<vmem>> -> memref<1x8x8x129xf32, #tpu.memory_space<vmem>>
      %scatter3A_987 = tpu.memref_squeeze %scatter3A_986 : memref<1x8x8x129xf32, #tpu.memory_space<vmem>> -> memref<8x8x129xf32, #tpu.memory_space<vmem>>
      tpu.vector_store_idx %scatter3A_987[%shift_right_arithmetic3A_22, %and3A_33, %scan3A_843], %get3A_888 : memref<8x8x129xf32, #tpu.memory_space<vmem>>[vector<16xi32>, vector<16xi32>, vector<16xi32>], vector<16xf32>,
      %scatter3A_988 = arith.constant 0 : i32
      %scatter3A_989 = arith.constant 0 : i32
      %scatter3A_990 = arith.constant 0 : i32
      %scatter3A_991 = tpu.memref_slice %arg7[%scan3A, %scatter3A_988, %scatter3A_989, %scatter3A_990] : memref<4x8x8x129xf32, #tpu.memory_space<vmem>> -> memref<1x8x8x129xf32, #tpu.memory_space<vmem>>
      %scatter3A_992 = tpu.memref_squeeze %scatter3A_991 : memref<1x8x8x129xf32, #tpu.memory_space<vmem>> -> memref<8x8x129xf32, #tpu.memory_space<vmem>>
      tpu.vector_store_idx %scatter3A_992[%shift_right_arithmetic3A_25, %and3A_36, %scan3A_843], %get3A_895 : memref<8x8x129xf32, #tpu.memory_space<vmem>>[vector<16xi32>, vector<16xi32>, vector<16xi32>], vector<16xf32>,
      %scatter3A_993 = arith.constant 0 : i32
      %scatter3A_994 = arith.constant 0 : i32
      %scatter3A_995 = arith.constant 0 : i32
      %scatter3A_996 = tpu.memref_slice %arg7[%scan3A, %scatter3A_993, %scatter3A_994, %scatter3A_995] : memref<4x8x8x129xf32, #tpu.memory_space<vmem>> -> memref<1x8x8x129xf32, #tpu.memory_space<vmem>>
      %scatter3A_997 = tpu.memref_squeeze %scatter3A_996 : memref<1x8x8x129xf32, #tpu.memory_space<vmem>> -> memref<8x8x129xf32, #tpu.memory_space<vmem>>
      tpu.vector_store_idx %scatter3A_997[%shift_right_arithmetic3A_28, %and3A_39, %scan3A_843], %get3A_902 : memref<8x8x129xf32, #tpu.memory_space<vmem>>[vector<16xi32>, vector<16xi32>, vector<16xi32>], vector<16xf32>,
      %scatter3A_998 = arith.constant 0 : i32
      %scatter3A_999 = arith.constant 0 : i32
      %scatter3A_1000 = arith.constant 0 : i32
      %scatter3A_1001 = tpu.memref_slice %arg7[%scan3A, %scatter3A_998, %scatter3A_999, %scatter3A_1000] : memref<4x8x8x129xf32, #tpu.memory_space<vmem>> -> memref<1x8x8x129xf32, #tpu.memory_space<vmem>>
      %scatter3A_1002 = tpu.memref_squeeze %scatter3A_1001 : memref<1x8x8x129xf32, #tpu.memory_space<vmem>> -> memref<8x8x129xf32, #tpu.memory_space<vmem>>
      tpu.vector_store_idx %scatter3A_1002[%shift_right_arithmetic3A_19, %and3A_30, %scan3A_844], %get3A_909 : memref<8x8x129xf32, #tpu.memory_space<vmem>>[vector<16xi32>, vector<16xi32>, vector<16xi32>], vector<16xf32>,
      %scatter3A_1003 = arith.constant 0 : i32
      %scatter3A_1004 = arith.constant 0 : i32
      %scatter3A_1005 = arith.constant 0 : i32
      %scatter3A_1006 = tpu.memref_slice %arg7[%scan3A, %scatter3A_1003, %scatter3A_1004, %scatter3A_1005] : memref<4x8x8x129xf32, #tpu.memory_space<vmem>> -> memref<1x8x8x129xf32, #tpu.memory_space<vmem>>
      %scatter3A_1007 = tpu.memref_squeeze %scatter3A_1006 : memref<1x8x8x129xf32, #tpu.memory_space<vmem>> -> memref<8x8x129xf32, #tpu.memory_space<vmem>>
      tpu.vector_store_idx %scatter3A_1007[%shift_right_arithmetic3A_22, %and3A_33, %scan3A_844], %get3A_916 : memref<8x8x129xf32, #tpu.memory_space<vmem>>[vector<16xi32>, vector<16xi32>, vector<16xi32>], vector<16xf32>,
      %scatter3A_1008 = arith.constant 0 : i32
      %scatter3A_1009 = arith.constant 0 : i32
      %scatter3A_1010 = arith.constant 0 : i32
      %scatter3A_1011 = tpu.memref_slice %arg7[%scan3A, %scatter3A_1008, %scatter3A_1009, %scatter3A_1010] : memref<4x8x8x129xf32, #tpu.memory_space<vmem>> -> memref<1x8x8x129xf32, #tpu.memory_space<vmem>>
      %scatter3A_1012 = tpu.memref_squeeze %scatter3A_1011 : memref<1x8x8x129xf32, #tpu.memory_space<vmem>> -> memref<8x8x129xf32, #tpu.memory_space<vmem>>
      tpu.vector_store_idx %scatter3A_1012[%shift_right_arithmetic3A_25, %and3A_36, %scan3A_844], %get3A_923 : memref<8x8x129xf32, #tpu.memory_space<vmem>>[vector<16xi32>, vector<16xi32>, vector<16xi32>], vector<16xf32>,
      %scatter3A_1013 = arith.constant 0 : i32
      %scatter3A_1014 = arith.constant 0 : i32
      %scatter3A_1015 = arith.constant 0 : i32
      %scatter3A_1016 = tpu.memref_slice %arg7[%scan3A, %scatter3A_1013, %scatter3A_1014, %scatter3A_1015] : memref<4x8x8x129xf32, #tpu.memory_space<vmem>> -> memref<1x8x8x129xf32, #tpu.memory_space<vmem>>
      %scatter3A_1017 = tpu.memref_squeeze %scatter3A_1016 : memref<1x8x8x129xf32, #tpu.memory_space<vmem>> -> memref<8x8x129xf32, #tpu.memory_space<vmem>>
      tpu.vector_store_idx %scatter3A_1017[%shift_right_arithmetic3A_28, %and3A_39, %scan3A_844], %get3A_930 : memref<8x8x129xf32, #tpu.memory_space<vmem>>[vector<16xi32>, vector<16xi32>, vector<16xi32>], vector<16xf32>,
      %scatter3A_1018 = arith.constant 0 : i32
      %scatter3A_1019 = arith.constant 0 : i32
      %scatter3A_1020 = arith.constant 0 : i32
      %scatter3A_1021 = tpu.memref_slice %arg7[%scan3A, %scatter3A_1018, %scatter3A_1019, %scatter3A_1020] : memref<4x8x8x129xf32, #tpu.memory_space<vmem>> -> memref<1x8x8x129xf32, #tpu.memory_space<vmem>>
      %scatter3A_1022 = tpu.memref_squeeze %scatter3A_1021 : memref<1x8x8x129xf32, #tpu.memory_space<vmem>> -> memref<8x8x129xf32, #tpu.memory_space<vmem>>
      tpu.vector_store_idx %scatter3A_1022[%shift_right_arithmetic3A_19, %and3A_30, %scan3A_845], %get3A_937 : memref<8x8x129xf32, #tpu.memory_space<vmem>>[vector<16xi32>, vector<16xi32>, vector<16xi32>], vector<16xf32>,
      %scatter3A_1023 = arith.constant 0 : i32
      %scatter3A_1024 = arith.constant 0 : i32
      %scatter3A_1025 = arith.constant 0 : i32
      %scatter3A_1026 = tpu.memref_slice %arg7[%scan3A, %scatter3A_1023, %scatter3A_1024, %scatter3A_1025] : memref<4x8x8x129xf32, #tpu.memory_space<vmem>> -> memref<1x8x8x129xf32, #tpu.memory_space<vmem>>
      %scatter3A_1027 = tpu.memref_squeeze %scatter3A_1026 : memref<1x8x8x129xf32, #tpu.memory_space<vmem>> -> memref<8x8x129xf32, #tpu.memory_space<vmem>>
      tpu.vector_store_idx %scatter3A_1027[%shift_right_arithmetic3A_22, %and3A_33, %scan3A_845], %get3A_944 : memref<8x8x129xf32, #tpu.memory_space<vmem>>[vector<16xi32>, vector<16xi32>, vector<16xi32>], vector<16xf32>,
      %scatter3A_1028 = arith.constant 0 : i32
      %scatter3A_1029 = arith.constant 0 : i32
      %scatter3A_1030 = arith.constant 0 : i32
      %scatter3A_1031 = tpu.memref_slice %arg7[%scan3A, %scatter3A_1028, %scatter3A_1029, %scatter3A_1030] : memref<4x8x8x129xf32, #tpu.memory_space<vmem>> -> memref<1x8x8x129xf32, #tpu.memory_space<vmem>>
      %scatter3A_1032 = tpu.memref_squeeze %scatter3A_1031 : memref<1x8x8x129xf32, #tpu.memory_space<vmem>> -> memref<8x8x129xf32, #tpu.memory_space<vmem>>
      tpu.vector_store_idx %scatter3A_1032[%shift_right_arithmetic3A_25, %and3A_36, %scan3A_845], %get3A_951 : memref<8x8x129xf32, #tpu.memory_space<vmem>>[vector<16xi32>, vector<16xi32>, vector<16xi32>], vector<16xf32>,
      %scatter3A_1033 = arith.constant 0 : i32
      %scatter3A_1034 = arith.constant 0 : i32
      %scatter3A_1035 = arith.constant 0 : i32
      %scatter3A_1036 = tpu.memref_slice %arg7[%scan3A, %scatter3A_1033, %scatter3A_1034, %scatter3A_1035] : memref<4x8x8x129xf32, #tpu.memory_space<vmem>> -> memref<1x8x8x129xf32, #tpu.memory_space<vmem>>
      %scatter3A_1037 = tpu.memref_squeeze %scatter3A_1036 : memref<1x8x8x129xf32, #tpu.memory_space<vmem>> -> memref<8x8x129xf32, #tpu.memory_space<vmem>>
      tpu.vector_store_idx %scatter3A_1037[%shift_right_arithmetic3A_28, %and3A_39, %scan3A_845], %get3A_958 : memref<8x8x129xf32, #tpu.memory_space<vmem>>[vector<16xi32>, vector<16xi32>, vector<16xi32>], vector<16xf32>,
      %add3A_1038 = arith.constant 4 : i32
      %add3A_1039 = vector.broadcast %add3A_1038 : i32 to vector<16xi32>
      %add3A_1040 = arith.addi %scan3A_842, %add3A_1039 : vector<16xi32>
      %add3A_1041 = arith.constant 4 : i32
      %add3A_1042 = vector.broadcast %add3A_1041 : i32 to vector<16xi32>
      %add3A_1043 = arith.addi %scan3A_843, %add3A_1042 : vector<16xi32>
      %add3A_1044 = arith.constant 4 : i32
      %add3A_1045 = vector.broadcast %add3A_1044 : i32 to vector<16xi32>
      %add3A_1046 = arith.addi %scan3A_844, %add3A_1045 : vector<16xi32>
      %add3A_1047 = arith.constant 4 : i32
      %add3A_1048 = vector.broadcast %add3A_1047 : i32 to vector<16xi32>
      %add3A_1049 = arith.addi %scan3A_845, %add3A_1048 : vector<16xi32>
      scf.yield %add3A_1040, %add3A_1043, %add3A_1046, %add3A_1049 : vector<16xi32>, vector<16xi32>, vector<16xi32>, vector<16xi32>
    }
    %scan3A_127 = arith.constant 32 : i32
    %shift_right_arithmetic3A_128 = arith.constant 5 : i32
    %shift_right_arithmetic3A_129 = arith.shrsi %add3A_98, %shift_right_arithmetic3A_128 : i32
    %and3A_130 = arith.constant 31 : i32
    %and3A_131 = arith.andi %add3A_98, %and3A_130 : i32
    %dma_start3A_132 = arith.constant 0 : i32
    %dma_start3A_133 = arith.constant 0 : i32
    %dma_start3A_134 = arith.constant 0 : i32
    %dma_start3A_135 = arith.constant 0 : i32
    %dma_start3A_136 = tpu.memref_slice %arg7[%dma_start3A_132, %dma_start3A_133, %dma_start3A_134, %dma_start3A_135] : memref<4x8x8x129xf32, #tpu.memory_space<vmem>> -> memref<1x8x8x128xf32, #tpu.memory_space<vmem>>
    %dma_start3A_137 = tpu.memref_squeeze %dma_start3A_136 : memref<1x8x8x128xf32, #tpu.memory_space<vmem>> -> memref<8x8x128xf32, #tpu.memory_space<vmem>>
    %dma_start3A_138 = arith.constant 0 : i32
    %dma_start3A_139 = arith.constant 0 : i32
    %dma_start3A_140 = arith.constant 0 : i32
    %dma_start3A_141 = tpu.memref_slice %arg4[%shift_right_arithmetic3A_129, %dma_start3A_138, %and3A_131, %dma_start3A_139, %dma_start3A_140] : memref<200x8x32x8x128xf32, #tpu.memory_space<hbm>> -> memref<1x8x1x8x128xf32, #tpu.memory_space<hbm>>
    %dma_start3A_142 = tpu.memref_squeeze %dma_start3A_141 : memref<1x8x1x8x128xf32, #tpu.memory_space<hbm>> -> memref<8x8x128xf32, #tpu.memory_space<hbm>>
    %dma_start3A_143 = arith.constant 0 : i32
    %dma_start3A_144 = arith.constant 0 : i32
    %dma_start3A_145 = arith.constant 0 : i32
    %dma_start3A_146 = tpu.memref_slice %arg4[%shift_right_arithmetic3A_129, %dma_start3A_143, %and3A_131, %dma_start3A_144, %dma_start3A_145] : memref<200x8x32x8x128xf32, #tpu.memory_space<hbm>> -> memref<1x8x1x8x128xf32, #tpu.memory_space<hbm>>
    %dma_start3A_147 = tpu.memref_squeeze %dma_start3A_146 : memref<1x8x1x8x128xf32, #tpu.memory_space<hbm>> -> memref<8x8x128xf32, #tpu.memory_space<hbm>>
    %dma_start3A_148 = arith.constant 0 : i32
    %dma_start3A_149 = arith.constant 0 : i32
    %dma_start3A_150 = arith.constant 0 : i32
    %dma_start3A_151 = tpu.memref_slice %arg7[%dma_start3A_132, %dma_start3A_148, %dma_start3A_149, %dma_start3A_150] : memref<4x8x8x129xf32, #tpu.memory_space<vmem>> -> memref<1x8x8x128xf32, #tpu.memory_space<vmem>>
    %dma_start3A_152 = tpu.memref_squeeze %dma_start3A_151 : memref<1x8x8x128xf32, #tpu.memory_space<vmem>> -> memref<8x8x128xf32, #tpu.memory_space<vmem>>
    tpu.enqueue_dma source(%dma_start3A_152 : memref<8x8x128xf32, #tpu.memory_space<vmem>>) target(%dma_start3A_147 : memref<8x8x128xf32, #tpu.memory_space<hbm>>) target_semaphore(%arg12 : memref<!tpu.dma_semaphore, #tpu.memory_space<semaphore_mem>>)
    %add3A_153 = arith.constant 4 : i32
    %add3A_154 = arith.addi %add3A_98, %add3A_153 : i32
    %sub3A_155 = arith.subi %add3A_154, %mul3A_2 : i32
    %mul3A_156 = arith.constant 128 : i32
    %mul3A_157 = arith.muli %sub3A_155, %mul3A_156 : i32
    %dma_start3A_158 = arith.constant 0 : i32
    %dma_start3A_159 = arith.constant 0 : i32
    %dma_start3A_160 = arith.constant 0 : i32
    %dma_start3A_161 = tpu.memref_slice %arg6[%dma_start3A_158, %dma_start3A_159, %dma_start3A_160] : memref<4x128x64xf32, #tpu.memory_space<vmem>> -> memref<1x128x64xf32, #tpu.memory_space<vmem>>
    %dma_start3A_162 = tpu.memref_squeeze %dma_start3A_161 : memref<1x128x64xf32, #tpu.memory_space<vmem>> -> memref<128x64xf32, #tpu.memory_space<vmem>>
    %dma_start3A_163 = tpu.memref_slice %arg5[%mul3A_157] : memref<25600xi32, #tpu.memory_space<vmem>> -> memref<128xi32, #tpu.memory_space<vmem>>
    %dma_start3A_164 = arith.constant 0 : i32
    %dma_start3A_165 = arith.constant 0 : i32
    %dma_start3A_166 = tpu.memref_slice %arg3[%dma_start3A_164, %dma_start3A_165] : memref<100000x64xf32, #tpu.memory_space<hbm>> -> memref<100000x64xf32, #tpu.memory_space<hbm>>
    tpu.enqueue_indirect_dma source(%dma_start3A_166 : memref<100000x64xf32, #tpu.memory_space<hbm>>) target(%dma_start3A_162 : memref<128x64xf32, #tpu.memory_space<vmem>>) offsets(%dma_start3A_163 : memref<128xi32, #tpu.memory_space<vmem>>) semaphore(%arg8 : memref<!tpu.dma_semaphore, #tpu.memory_space<semaphore_mem>>)
    %add3A_167 = arith.constant 1 : i32
    %add3A_168 = arith.addi %mul3A_2, %add3A_167 : i32
    %sub3A_169 = arith.subi %add3A_168, %mul3A_2 : i32
    %mul3A_170 = arith.constant 128 : i32
    %mul3A_171 = arith.muli %sub3A_169, %mul3A_170 : i32
    %dma_wait3A_172 = arith.constant 1 : i32
    %dma_wait3A_173 = arith.constant 0 : i32
    %dma_wait3A_174 = arith.constant 0 : i32
    %dma_wait3A_175 = tpu.memref_slice %arg6[%dma_wait3A_172, %dma_wait3A_173, %dma_wait3A_174] : memref<4x128x64xf32, #tpu.memory_space<vmem>> -> memref<1x128x64xf32, #tpu.memory_space<vmem>>
    %dma_wait3A_176 = tpu.memref_squeeze %dma_wait3A_175 : memref<1x128x64xf32, #tpu.memory_space<vmem>> -> memref<128x64xf32, #tpu.memory_space<vmem>>
    %dma_wait3A_177 = tpu.memref_slice %arg5[%mul3A_171] : memref<25600xi32, #tpu.memory_space<vmem>> -> memref<128xi32, #tpu.memory_space<vmem>>
    %dma_wait3A_178 = arith.constant 0 : i32
    %dma_wait3A_179 = arith.constant 0 : i32
    %dma_wait3A_180 = tpu.memref_slice %arg3[%dma_wait3A_178, %dma_wait3A_179] : memref<100000x64xf32, #tpu.memory_space<hbm>> -> memref<100000x64xf32, #tpu.memory_space<hbm>>
    tpu.wait_indirect_dma semaphore(%arg9 : memref<!tpu.dma_semaphore, #tpu.memory_space<semaphore_mem>>) src(%dma_wait3A_180 : memref<100000x64xf32, #tpu.memory_space<hbm>>) dst(%dma_wait3A_176 : memref<128x64xf32, #tpu.memory_space<vmem>>)
    %add3A_181 = arith.constant 0 : i32
    %add3A_182 = vector.broadcast %add3A_181 : i32 to vector<16xi32>
    %add3A_183 = arith.addi %broadcast_in_dim3A_40, %add3A_182 : vector<16xi32>
    %add3A_184 = arith.constant 1 : i32
    %add3A_185 = vector.broadcast %add3A_184 : i32 to vector<16xi32>
    %add3A_186 = arith.addi %broadcast_in_dim3A_40, %add3A_185 : vector<16xi32>
    %add3A_187 = arith.constant 2 : i32
    %add3A_188 = vector.broadcast %add3A_187 : i32 to vector<16xi32>
    %add3A_189 = arith.addi %broadcast_in_dim3A_40, %add3A_188 : vector<16xi32>
    %add3A_190 = arith.constant 3 : i32
    %add3A_191 = vector.broadcast %add3A_190 : i32 to vector<16xi32>
    %add3A_192 = arith.addi %broadcast_in_dim3A_40, %add3A_191 : vector<16xi32>
    %scan3A_193 = arith.constant 1 : i32
    %scan3A_194 = arith.constant 0 : i32
    %scan3A_195 = arith.constant 32 : i32
    %scan3A_196 = arith.addi %scan3A_194, %scan3A_195 : i32
    %scan3A_197 = arith.constant 1 : i32
    %scan3A_198:4 = scf.for %scan3A_841 = %scan3A_194 to %scan3A_196 step %scan3A_197 iter_args(%scan3A_842 = %add3A_183, %scan3A_843 = %add3A_186, %scan3A_844 = %add3A_189, %scan3A_845 = %add3A_192) -> (vector<16xi32>, vector<16xi32>, vector<16xi32>, vector<16xi32>)  : i32 {
      %mul3A_846 = arith.constant 4 : i32
      %mul3A_847 = arith.muli %scan3A_841, %mul3A_846 : i32
      %add3A_848 = arith.constant 0 : i32
      %add3A_849 = arith.addi %mul3A_847, %add3A_848 : i32
      %get3A = arith.constant 1 : i32
      %get3A_850 = arith.index_cast %get3A : i32 to index
      %get3A_851 = arith.index_cast %add3A_849 : i32 to index
      %get3A_852 = arith.constant 0 : index
      %get3A_853 = tpu.vector_load %arg6[%get3A_850, %get3A_851, %get3A_852] {strides = array<i32>} : memref<4x128x64xf32, #tpu.memory_space<vmem>>, vector<16xf32>,
      %add3A_854 = arith.constant 0 : i32
      %add3A_855 = arith.addi %mul3A_847, %add3A_854 : i32
      %get3A_856 = arith.constant 1 : i32
      %get3A_857 = arith.index_cast %get3A_856 : i32 to index
      %get3A_858 = arith.index_cast %add3A_855 : i32 to index
      %get3A_859 = arith.constant 16 : index
      %get3A_860 = tpu.vector_load %arg6[%get3A_857, %get3A_858, %get3A_859] {strides = array<i32>} : memref<4x128x64xf32, #tpu.memory_space<vmem>>, vector<16xf32>,
      %add3A_861 = arith.constant 0 : i32
      %add3A_862 = arith.addi %mul3A_847, %add3A_861 : i32
      %get3A_863 = arith.constant 1 : i32
      %get3A_864 = arith.index_cast %get3A_863 : i32 to index
      %get3A_865 = arith.index_cast %add3A_862 : i32 to index
      %get3A_866 = arith.constant 32 : index
      %get3A_867 = tpu.vector_load %arg6[%get3A_864, %get3A_865, %get3A_866] {strides = array<i32>} : memref<4x128x64xf32, #tpu.memory_space<vmem>>, vector<16xf32>,
      %add3A_868 = arith.constant 0 : i32
      %add3A_869 = arith.addi %mul3A_847, %add3A_868 : i32
      %get3A_870 = arith.constant 1 : i32
      %get3A_871 = arith.index_cast %get3A_870 : i32 to index
      %get3A_872 = arith.index_cast %add3A_869 : i32 to index
      %get3A_873 = arith.constant 48 : index
      %get3A_874 = tpu.vector_load %arg6[%get3A_871, %get3A_872, %get3A_873] {strides = array<i32>} : memref<4x128x64xf32, #tpu.memory_space<vmem>>, vector<16xf32>,
      %add3A_875 = arith.constant 1 : i32
      %add3A_876 = arith.addi %mul3A_847, %add3A_875 : i32
      %get3A_877 = arith.constant 1 : i32
      %get3A_878 = arith.index_cast %get3A_877 : i32 to index
      %get3A_879 = arith.index_cast %add3A_876 : i32 to index
      %get3A_880 = arith.constant 0 : index
      %get3A_881 = tpu.vector_load %arg6[%get3A_878, %get3A_879, %get3A_880] {strides = array<i32>} : memref<4x128x64xf32, #tpu.memory_space<vmem>>, vector<16xf32>,
      %add3A_882 = arith.constant 1 : i32
      %add3A_883 = arith.addi %mul3A_847, %add3A_882 : i32
      %get3A_884 = arith.constant 1 : i32
      %get3A_885 = arith.index_cast %get3A_884 : i32 to index
      %get3A_886 = arith.index_cast %add3A_883 : i32 to index
      %get3A_887 = arith.constant 16 : index
      %get3A_888 = tpu.vector_load %arg6[%get3A_885, %get3A_886, %get3A_887] {strides = array<i32>} : memref<4x128x64xf32, #tpu.memory_space<vmem>>, vector<16xf32>,
      %add3A_889 = arith.constant 1 : i32
      %add3A_890 = arith.addi %mul3A_847, %add3A_889 : i32
      %get3A_891 = arith.constant 1 : i32
      %get3A_892 = arith.index_cast %get3A_891 : i32 to index
      %get3A_893 = arith.index_cast %add3A_890 : i32 to index
      %get3A_894 = arith.constant 32 : index
      %get3A_895 = tpu.vector_load %arg6[%get3A_892, %get3A_893, %get3A_894] {strides = array<i32>} : memref<4x128x64xf32, #tpu.memory_space<vmem>>, vector<16xf32>,
      %add3A_896 = arith.constant 1 : i32
      %add3A_897 = arith.addi %mul3A_847, %add3A_896 : i32
      %get3A_898 = arith.constant 1 : i32
      %get3A_899 = arith.index_cast %get3A_898 : i32 to index
      %get3A_900 = arith.index_cast %add3A_897 : i32 to index
      %get3A_901 = arith.constant 48 : index
      %get3A_902 = tpu.vector_load %arg6[%get3A_899, %get3A_900, %get3A_901] {strides = array<i32>} : memref<4x128x64xf32, #tpu.memory_space<vmem>>, vector<16xf32>,
      %add3A_903 = arith.constant 2 : i32
      %add3A_904 = arith.addi %mul3A_847, %add3A_903 : i32
      %get3A_905 = arith.constant 1 : i32
      %get3A_906 = arith.index_cast %get3A_905 : i32 to index
      %get3A_907 = arith.index_cast %add3A_904 : i32 to index
      %get3A_908 = arith.constant 0 : index
      %get3A_909 = tpu.vector_load %arg6[%get3A_906, %get3A_907, %get3A_908] {strides = array<i32>} : memref<4x128x64xf32, #tpu.memory_space<vmem>>, vector<16xf32>,
      %add3A_910 = arith.constant 2 : i32
      %add3A_911 = arith.addi %mul3A_847, %add3A_910 : i32
      %get3A_912 = arith.constant 1 : i32
      %get3A_913 = arith.index_cast %get3A_912 : i32 to index
      %get3A_914 = arith.index_cast %add3A_911 : i32 to index
      %get3A_915 = arith.constant 16 : index
      %get3A_916 = tpu.vector_load %arg6[%get3A_913, %get3A_914, %get3A_915] {strides = array<i32>} : memref<4x128x64xf32, #tpu.memory_space<vmem>>, vector<16xf32>,
      %add3A_917 = arith.constant 2 : i32
      %add3A_918 = arith.addi %mul3A_847, %add3A_917 : i32
      %get3A_919 = arith.constant 1 : i32
      %get3A_920 = arith.index_cast %get3A_919 : i32 to index
      %get3A_921 = arith.index_cast %add3A_918 : i32 to index
      %get3A_922 = arith.constant 32 : index
      %get3A_923 = tpu.vector_load %arg6[%get3A_920, %get3A_921, %get3A_922] {strides = array<i32>} : memref<4x128x64xf32, #tpu.memory_space<vmem>>, vector<16xf32>,
      %add3A_924 = arith.constant 2 : i32
      %add3A_925 = arith.addi %mul3A_847, %add3A_924 : i32
      %get3A_926 = arith.constant 1 : i32
      %get3A_927 = arith.index_cast %get3A_926 : i32 to index
      %get3A_928 = arith.index_cast %add3A_925 : i32 to index
      %get3A_929 = arith.constant 48 : index
      %get3A_930 = tpu.vector_load %arg6[%get3A_927, %get3A_928, %get3A_929] {strides = array<i32>} : memref<4x128x64xf32, #tpu.memory_space<vmem>>, vector<16xf32>,
      %add3A_931 = arith.constant 3 : i32
      %add3A_932 = arith.addi %mul3A_847, %add3A_931 : i32
      %get3A_933 = arith.constant 1 : i32
      %get3A_934 = arith.index_cast %get3A_933 : i32 to index
      %get3A_935 = arith.index_cast %add3A_932 : i32 to index
      %get3A_936 = arith.constant 0 : index
      %get3A_937 = tpu.vector_load %arg6[%get3A_934, %get3A_935, %get3A_936] {strides = array<i32>} : memref<4x128x64xf32, #tpu.memory_space<vmem>>, vector<16xf32>,
      %add3A_938 = arith.constant 3 : i32
      %add3A_939 = arith.addi %mul3A_847, %add3A_938 : i32
      %get3A_940 = arith.constant 1 : i32
      %get3A_941 = arith.index_cast %get3A_940 : i32 to index
      %get3A_942 = arith.index_cast %add3A_939 : i32 to index
      %get3A_943 = arith.constant 16 : index
      %get3A_944 = tpu.vector_load %arg6[%get3A_941, %get3A_942, %get3A_943] {strides = array<i32>} : memref<4x128x64xf32, #tpu.memory_space<vmem>>, vector<16xf32>,
      %add3A_945 = arith.constant 3 : i32
      %add3A_946 = arith.addi %mul3A_847, %add3A_945 : i32
      %get3A_947 = arith.constant 1 : i32
      %get3A_948 = arith.index_cast %get3A_947 : i32 to index
      %get3A_949 = arith.index_cast %add3A_946 : i32 to index
      %get3A_950 = arith.constant 32 : index
      %get3A_951 = tpu.vector_load %arg6[%get3A_948, %get3A_949, %get3A_950] {strides = array<i32>} : memref<4x128x64xf32, #tpu.memory_space<vmem>>, vector<16xf32>,
      %add3A_952 = arith.constant 3 : i32
      %add3A_953 = arith.addi %mul3A_847, %add3A_952 : i32
      %get3A_954 = arith.constant 1 : i32
      %get3A_955 = arith.index_cast %get3A_954 : i32 to index
      %get3A_956 = arith.index_cast %add3A_953 : i32 to index
      %get3A_957 = arith.constant 48 : index
      %get3A_958 = tpu.vector_load %arg6[%get3A_955, %get3A_956, %get3A_957] {strides = array<i32>} : memref<4x128x64xf32, #tpu.memory_space<vmem>>, vector<16xf32>,
      %scatter3A = arith.constant 0 : i32
      %scatter3A_959 = arith.constant 0 : i32
      %scatter3A_960 = arith.constant 0 : i32
      %scatter3A_961 = tpu.memref_slice %arg7[%scan3A_193, %scatter3A, %scatter3A_959, %scatter3A_960] : memref<4x8x8x129xf32, #tpu.memory_space<vmem>> -> memref<1x8x8x129xf32, #tpu.memory_space<vmem>>
      %scatter3A_962 = tpu.memref_squeeze %scatter3A_961 : memref<1x8x8x129xf32, #tpu.memory_space<vmem>> -> memref<8x8x129xf32, #tpu.memory_space<vmem>>
      tpu.vector_store_idx %scatter3A_962[%shift_right_arithmetic3A_19, %and3A_30, %scan3A_842], %get3A_853 : memref<8x8x129xf32, #tpu.memory_space<vmem>>[vector<16xi32>, vector<16xi32>, vector<16xi32>], vector<16xf32>,
      %scatter3A_963 = arith.constant 0 : i32
      %scatter3A_964 = arith.constant 0 : i32
      %scatter3A_965 = arith.constant 0 : i32
      %scatter3A_966 = tpu.memref_slice %arg7[%scan3A_193, %scatter3A_963, %scatter3A_964, %scatter3A_965] : memref<4x8x8x129xf32, #tpu.memory_space<vmem>> -> memref<1x8x8x129xf32, #tpu.memory_space<vmem>>
      %scatter3A_967 = tpu.memref_squeeze %scatter3A_966 : memref<1x8x8x129xf32, #tpu.memory_space<vmem>> -> memref<8x8x129xf32, #tpu.memory_space<vmem>>
      tpu.vector_store_idx %scatter3A_967[%shift_right_arithmetic3A_22, %and3A_33, %scan3A_842], %get3A_860 : memref<8x8x129xf32, #tpu.memory_space<vmem>>[vector<16xi32>, vector<16xi32>, vector<16xi32>], vector<16xf32>,
      %scatter3A_968 = arith.constant 0 : i32
      %scatter3A_969 = arith.constant 0 : i32
      %scatter3A_970 = arith.constant 0 : i32
      %scatter3A_971 = tpu.memref_slice %arg7[%scan3A_193, %scatter3A_968, %scatter3A_969, %scatter3A_970] : memref<4x8x8x129xf32, #tpu.memory_space<vmem>> -> memref<1x8x8x129xf32, #tpu.memory_space<vmem>>
      %scatter3A_972 = tpu.memref_squeeze %scatter3A_971 : memref<1x8x8x129xf32, #tpu.memory_space<vmem>> -> memref<8x8x129xf32, #tpu.memory_space<vmem>>
      tpu.vector_store_idx %scatter3A_972[%shift_right_arithmetic3A_25, %and3A_36, %scan3A_842], %get3A_867 : memref<8x8x129xf32, #tpu.memory_space<vmem>>[vector<16xi32>, vector<16xi32>, vector<16xi32>], vector<16xf32>,
      %scatter3A_973 = arith.constant 0 : i32
      %scatter3A_974 = arith.constant 0 : i32
      %scatter3A_975 = arith.constant 0 : i32
      %scatter3A_976 = tpu.memref_slice %arg7[%scan3A_193, %scatter3A_973, %scatter3A_974, %scatter3A_975] : memref<4x8x8x129xf32, #tpu.memory_space<vmem>> -> memref<1x8x8x129xf32, #tpu.memory_space<vmem>>
      %scatter3A_977 = tpu.memref_squeeze %scatter3A_976 : memref<1x8x8x129xf32, #tpu.memory_space<vmem>> -> memref<8x8x129xf32, #tpu.memory_space<vmem>>
      tpu.vector_store_idx %scatter3A_977[%shift_right_arithmetic3A_28, %and3A_39, %scan3A_842], %get3A_874 : memref<8x8x129xf32, #tpu.memory_space<vmem>>[vector<16xi32>, vector<16xi32>, vector<16xi32>], vector<16xf32>,
      %scatter3A_978 = arith.constant 0 : i32
      %scatter3A_979 = arith.constant 0 : i32
      %scatter3A_980 = arith.constant 0 : i32
      %scatter3A_981 = tpu.memref_slice %arg7[%scan3A_193, %scatter3A_978, %scatter3A_979, %scatter3A_980] : memref<4x8x8x129xf32, #tpu.memory_space<vmem>> -> memref<1x8x8x129xf32, #tpu.memory_space<vmem>>
      %scatter3A_982 = tpu.memref_squeeze %scatter3A_981 : memref<1x8x8x129xf32, #tpu.memory_space<vmem>> -> memref<8x8x129xf32, #tpu.memory_space<vmem>>
      tpu.vector_store_idx %scatter3A_982[%shift_right_arithmetic3A_19, %and3A_30, %scan3A_843], %get3A_881 : memref<8x8x129xf32, #tpu.memory_space<vmem>>[vector<16xi32>, vector<16xi32>, vector<16xi32>], vector<16xf32>,
      %scatter3A_983 = arith.constant 0 : i32
      %scatter3A_984 = arith.constant 0 : i32
      %scatter3A_985 = arith.constant 0 : i32
      %scatter3A_986 = tpu.memref_slice %arg7[%scan3A_193, %scatter3A_983, %scatter3A_984, %scatter3A_985] : memref<4x8x8x129xf32, #tpu.memory_space<vmem>> -> memref<1x8x8x129xf32, #tpu.memory_space<vmem>>
      %scatter3A_987 = tpu.memref_squeeze %scatter3A_986 : memref<1x8x8x129xf32, #tpu.memory_space<vmem>> -> memref<8x8x129xf32, #tpu.memory_space<vmem>>
      tpu.vector_store_idx %scatter3A_987[%shift_right_arithmetic3A_22, %and3A_33, %scan3A_843], %get3A_888 : memref<8x8x129xf32, #tpu.memory_space<vmem>>[vector<16xi32>, vector<16xi32>, vector<16xi32>], vector<16xf32>,
      %scatter3A_988 = arith.constant 0 : i32
      %scatter3A_989 = arith.constant 0 : i32
      %scatter3A_990 = arith.constant 0 : i32
      %scatter3A_991 = tpu.memref_slice %arg7[%scan3A_193, %scatter3A_988, %scatter3A_989, %scatter3A_990] : memref<4x8x8x129xf32, #tpu.memory_space<vmem>> -> memref<1x8x8x129xf32, #tpu.memory_space<vmem>>
      %scatter3A_992 = tpu.memref_squeeze %scatter3A_991 : memref<1x8x8x129xf32, #tpu.memory_space<vmem>> -> memref<8x8x129xf32, #tpu.memory_space<vmem>>
      tpu.vector_store_idx %scatter3A_992[%shift_right_arithmetic3A_25, %and3A_36, %scan3A_843], %get3A_895 : memref<8x8x129xf32, #tpu.memory_space<vmem>>[vector<16xi32>, vector<16xi32>, vector<16xi32>], vector<16xf32>,
      %scatter3A_993 = arith.constant 0 : i32
      %scatter3A_994 = arith.constant 0 : i32
      %scatter3A_995 = arith.constant 0 : i32
      %scatter3A_996 = tpu.memref_slice %arg7[%scan3A_193, %scatter3A_993, %scatter3A_994, %scatter3A_995] : memref<4x8x8x129xf32, #tpu.memory_space<vmem>> -> memref<1x8x8x129xf32, #tpu.memory_space<vmem>>
      %scatter3A_997 = tpu.memref_squeeze %scatter3A_996 : memref<1x8x8x129xf32, #tpu.memory_space<vmem>> -> memref<8x8x129xf32, #tpu.memory_space<vmem>>
      tpu.vector_store_idx %scatter3A_997[%shift_right_arithmetic3A_28, %and3A_39, %scan3A_843], %get3A_902 : memref<8x8x129xf32, #tpu.memory_space<vmem>>[vector<16xi32>, vector<16xi32>, vector<16xi32>], vector<16xf32>,
      %scatter3A_998 = arith.constant 0 : i32
      %scatter3A_999 = arith.constant 0 : i32
      %scatter3A_1000 = arith.constant 0 : i32
      %scatter3A_1001 = tpu.memref_slice %arg7[%scan3A_193, %scatter3A_998, %scatter3A_999, %scatter3A_1000] : memref<4x8x8x129xf32, #tpu.memory_space<vmem>> -> memref<1x8x8x129xf32, #tpu.memory_space<vmem>>
      %scatter3A_1002 = tpu.memref_squeeze %scatter3A_1001 : memref<1x8x8x129xf32, #tpu.memory_space<vmem>> -> memref<8x8x129xf32, #tpu.memory_space<vmem>>
      tpu.vector_store_idx %scatter3A_1002[%shift_right_arithmetic3A_19, %and3A_30, %scan3A_844], %get3A_909 : memref<8x8x129xf32, #tpu.memory_space<vmem>>[vector<16xi32>, vector<16xi32>, vector<16xi32>], vector<16xf32>,
      %scatter3A_1003 = arith.constant 0 : i32
      %scatter3A_1004 = arith.constant 0 : i32
      %scatter3A_1005 = arith.constant 0 : i32
      %scatter3A_1006 = tpu.memref_slice %arg7[%scan3A_193, %scatter3A_1003, %scatter3A_1004, %scatter3A_1005] : memref<4x8x8x129xf32, #tpu.memory_space<vmem>> -> memref<1x8x8x129xf32, #tpu.memory_space<vmem>>
      %scatter3A_1007 = tpu.memref_squeeze %scatter3A_1006 : memref<1x8x8x129xf32, #tpu.memory_space<vmem>> -> memref<8x8x129xf32, #tpu.memory_space<vmem>>
      tpu.vector_store_idx %scatter3A_1007[%shift_right_arithmetic3A_22, %and3A_33, %scan3A_844], %get3A_916 : memref<8x8x129xf32, #tpu.memory_space<vmem>>[vector<16xi32>, vector<16xi32>, vector<16xi32>], vector<16xf32>,
      %scatter3A_1008 = arith.constant 0 : i32
      %scatter3A_1009 = arith.constant 0 : i32
      %scatter3A_1010 = arith.constant 0 : i32
      %scatter3A_1011 = tpu.memref_slice %arg7[%scan3A_193, %scatter3A_1008, %scatter3A_1009, %scatter3A_1010] : memref<4x8x8x129xf32, #tpu.memory_space<vmem>> -> memref<1x8x8x129xf32, #tpu.memory_space<vmem>>
      %scatter3A_1012 = tpu.memref_squeeze %scatter3A_1011 : memref<1x8x8x129xf32, #tpu.memory_space<vmem>> -> memref<8x8x129xf32, #tpu.memory_space<vmem>>
      tpu.vector_store_idx %scatter3A_1012[%shift_right_arithmetic3A_25, %and3A_36, %scan3A_844], %get3A_923 : memref<8x8x129xf32, #tpu.memory_space<vmem>>[vector<16xi32>, vector<16xi32>, vector<16xi32>], vector<16xf32>,
      %scatter3A_1013 = arith.constant 0 : i32
      %scatter3A_1014 = arith.constant 0 : i32
      %scatter3A_1015 = arith.constant 0 : i32
      %scatter3A_1016 = tpu.memref_slice %arg7[%scan3A_193, %scatter3A_1013, %scatter3A_1014, %scatter3A_1015] : memref<4x8x8x129xf32, #tpu.memory_space<vmem>> -> memref<1x8x8x129xf32, #tpu.memory_space<vmem>>
      %scatter3A_1017 = tpu.memref_squeeze %scatter3A_1016 : memref<1x8x8x129xf32, #tpu.memory_space<vmem>> -> memref<8x8x129xf32, #tpu.memory_space<vmem>>
      tpu.vector_store_idx %scatter3A_1017[%shift_right_arithmetic3A_28, %and3A_39, %scan3A_844], %get3A_930 : memref<8x8x129xf32, #tpu.memory_space<vmem>>[vector<16xi32>, vector<16xi32>, vector<16xi32>], vector<16xf32>,
      %scatter3A_1018 = arith.constant 0 : i32
      %scatter3A_1019 = arith.constant 0 : i32
      %scatter3A_1020 = arith.constant 0 : i32
      %scatter3A_1021 = tpu.memref_slice %arg7[%scan3A_193, %scatter3A_1018, %scatter3A_1019, %scatter3A_1020] : memref<4x8x8x129xf32, #tpu.memory_space<vmem>> -> memref<1x8x8x129xf32, #tpu.memory_space<vmem>>
      %scatter3A_1022 = tpu.memref_squeeze %scatter3A_1021 : memref<1x8x8x129xf32, #tpu.memory_space<vmem>> -> memref<8x8x129xf32, #tpu.memory_space<vmem>>
      tpu.vector_store_idx %scatter3A_1022[%shift_right_arithmetic3A_19, %and3A_30, %scan3A_845], %get3A_937 : memref<8x8x129xf32, #tpu.memory_space<vmem>>[vector<16xi32>, vector<16xi32>, vector<16xi32>], vector<16xf32>,
      %scatter3A_1023 = arith.constant 0 : i32
      %scatter3A_1024 = arith.constant 0 : i32
      %scatter3A_1025 = arith.constant 0 : i32
      %scatter3A_1026 = tpu.memref_slice %arg7[%scan3A_193, %scatter3A_1023, %scatter3A_1024, %scatter3A_1025] : memref<4x8x8x129xf32, #tpu.memory_space<vmem>> -> memref<1x8x8x129xf32, #tpu.memory_space<vmem>>
      %scatter3A_1027 = tpu.memref_squeeze %scatter3A_1026 : memref<1x8x8x129xf32, #tpu.memory_space<vmem>> -> memref<8x8x129xf32, #tpu.memory_space<vmem>>
      tpu.vector_store_idx %scatter3A_1027[%shift_right_arithmetic3A_22, %and3A_33, %scan3A_845], %get3A_944 : memref<8x8x129xf32, #tpu.memory_space<vmem>>[vector<16xi32>, vector<16xi32>, vector<16xi32>], vector<16xf32>,
      %scatter3A_1028 = arith.constant 0 : i32
      %scatter3A_1029 = arith.constant 0 : i32
      %scatter3A_1030 = arith.constant 0 : i32
      %scatter3A_1031 = tpu.memref_slice %arg7[%scan3A_193, %scatter3A_1028, %scatter3A_1029, %scatter3A_1030] : memref<4x8x8x129xf32, #tpu.memory_space<vmem>> -> memref<1x8x8x129xf32, #tpu.memory_space<vmem>>
      %scatter3A_1032 = tpu.memref_squeeze %scatter3A_1031 : memref<1x8x8x129xf32, #tpu.memory_space<vmem>> -> memref<8x8x129xf32, #tpu.memory_space<vmem>>
      tpu.vector_store_idx %scatter3A_1032[%shift_right_arithmetic3A_25, %and3A_36, %scan3A_845], %get3A_951 : memref<8x8x129xf32, #tpu.memory_space<vmem>>[vector<16xi32>, vector<16xi32>, vector<16xi32>], vector<16xf32>,
      %scatter3A_1033 = arith.constant 0 : i32
      %scatter3A_1034 = arith.constant 0 : i32
      %scatter3A_1035 = arith.constant 0 : i32
      %scatter3A_1036 = tpu.memref_slice %arg7[%scan3A_193, %scatter3A_1033, %scatter3A_1034, %scatter3A_1035] : memref<4x8x8x129xf32, #tpu.memory_space<vmem>> -> memref<1x8x8x129xf32, #tpu.memory_space<vmem>>
      %scatter3A_1037 = tpu.memref_squeeze %scatter3A_1036 : memref<1x8x8x129xf32, #tpu.memory_space<vmem>> -> memref<8x8x129xf32, #tpu.memory_space<vmem>>
      tpu.vector_store_idx %scatter3A_1037[%shift_right_arithmetic3A_28, %and3A_39, %scan3A_845], %get3A_958 : memref<8x8x129xf32, #tpu.memory_space<vmem>>[vector<16xi32>, vector<16xi32>, vector<16xi32>], vector<16xf32>,
      %add3A_1038 = arith.constant 4 : i32
      %add3A_1039 = vector.broadcast %add3A_1038 : i32 to vector<16xi32>
      %add3A_1040 = arith.addi %scan3A_842, %add3A_1039 : vector<16xi32>
      %add3A_1041 = arith.constant 4 : i32
      %add3A_1042 = vector.broadcast %add3A_1041 : i32 to vector<16xi32>
      %add3A_1043 = arith.addi %scan3A_843, %add3A_1042 : vector<16xi32>
      %add3A_1044 = arith.constant 4 : i32
      %add3A_1045 = vector.broadcast %add3A_1044 : i32 to vector<16xi32>
      %add3A_1046 = arith.addi %scan3A_844, %add3A_1045 : vector<16xi32>
      %add3A_1047 = arith.constant 4 : i32
      %add3A_1048 = vector.broadcast %add3A_1047 : i32 to vector<16xi32>
      %add3A_1049 = arith.addi %scan3A_845, %add3A_1048 : vector<16xi32>
      scf.yield %add3A_1040, %add3A_1043, %add3A_1046, %add3A_1049 : vector<16xi32>, vector<16xi32>, vector<16xi32>, vector<16xi32>
    }
    %scan3A_199 = arith.constant 32 : i32
    %shift_right_arithmetic3A_200 = arith.constant 5 : i32
    %shift_right_arithmetic3A_201 = arith.shrsi %add3A_168, %shift_right_arithmetic3A_200 : i32
    %and3A_202 = arith.constant 31 : i32
    %and3A_203 = arith.andi %add3A_168, %and3A_202 : i32
    %dma_start3A_204 = arith.constant 1 : i32
    %dma_start3A_205 = arith.constant 0 : i32
    %dma_start3A_206 = arith.constant 0 : i32
    %dma_start3A_207 = arith.constant 0 : i32
    %dma_start3A_208 = tpu.memref_slice %arg7[%dma_start3A_204, %dma_start3A_205, %dma_start3A_206, %dma_start3A_207] : memref<4x8x8x129xf32, #tpu.memory_space<vmem>> -> memref<1x8x8x128xf32, #tpu.memory_space<vmem>>
    %dma_start3A_209 = tpu.memref_squeeze %dma_start3A_208 : memref<1x8x8x128xf32, #tpu.memory_space<vmem>> -> memref<8x8x128xf32, #tpu.memory_space<vmem>>
    %dma_start3A_210 = arith.constant 0 : i32
    %dma_start3A_211 = arith.constant 0 : i32
    %dma_start3A_212 = arith.constant 0 : i32
    %dma_start3A_213 = tpu.memref_slice %arg4[%shift_right_arithmetic3A_201, %dma_start3A_210, %and3A_203, %dma_start3A_211, %dma_start3A_212] : memref<200x8x32x8x128xf32, #tpu.memory_space<hbm>> -> memref<1x8x1x8x128xf32, #tpu.memory_space<hbm>>
    %dma_start3A_214 = tpu.memref_squeeze %dma_start3A_213 : memref<1x8x1x8x128xf32, #tpu.memory_space<hbm>> -> memref<8x8x128xf32, #tpu.memory_space<hbm>>
    %dma_start3A_215 = arith.constant 0 : i32
    %dma_start3A_216 = arith.constant 0 : i32
    %dma_start3A_217 = arith.constant 0 : i32
    %dma_start3A_218 = tpu.memref_slice %arg4[%shift_right_arithmetic3A_201, %dma_start3A_215, %and3A_203, %dma_start3A_216, %dma_start3A_217] : memref<200x8x32x8x128xf32, #tpu.memory_space<hbm>> -> memref<1x8x1x8x128xf32, #tpu.memory_space<hbm>>
    %dma_start3A_219 = tpu.memref_squeeze %dma_start3A_218 : memref<1x8x1x8x128xf32, #tpu.memory_space<hbm>> -> memref<8x8x128xf32, #tpu.memory_space<hbm>>
    %dma_start3A_220 = arith.constant 0 : i32
    %dma_start3A_221 = arith.constant 0 : i32
    %dma_start3A_222 = arith.constant 0 : i32
    %dma_start3A_223 = tpu.memref_slice %arg7[%dma_start3A_204, %dma_start3A_220, %dma_start3A_221, %dma_start3A_222] : memref<4x8x8x129xf32, #tpu.memory_space<vmem>> -> memref<1x8x8x128xf32, #tpu.memory_space<vmem>>
    %dma_start3A_224 = tpu.memref_squeeze %dma_start3A_223 : memref<1x8x8x128xf32, #tpu.memory_space<vmem>> -> memref<8x8x128xf32, #tpu.memory_space<vmem>>
    tpu.enqueue_dma source(%dma_start3A_224 : memref<8x8x128xf32, #tpu.memory_space<vmem>>) target(%dma_start3A_219 : memref<8x8x128xf32, #tpu.memory_space<hbm>>) target_semaphore(%arg13 : memref<!tpu.dma_semaphore, #tpu.memory_space<semaphore_mem>>)
    %add3A_225 = arith.constant 4 : i32
    %add3A_226 = arith.addi %add3A_168, %add3A_225 : i32
    %sub3A_227 = arith.subi %add3A_226, %mul3A_2 : i32
    %mul3A_228 = arith.constant 128 : i32
    %mul3A_229 = arith.muli %sub3A_227, %mul3A_228 : i32
    %dma_start3A_230 = arith.constant 1 : i32
    %dma_start3A_231 = arith.constant 0 : i32
    %dma_start3A_232 = arith.constant 0 : i32
    %dma_start3A_233 = tpu.memref_slice %arg6[%dma_start3A_230, %dma_start3A_231, %dma_start3A_232] : memref<4x128x64xf32, #tpu.memory_space<vmem>> -> memref<1x128x64xf32, #tpu.memory_space<vmem>>
    %dma_start3A_234 = tpu.memref_squeeze %dma_start3A_233 : memref<1x128x64xf32, #tpu.memory_space<vmem>> -> memref<128x64xf32, #tpu.memory_space<vmem>>
    %dma_start3A_235 = tpu.memref_slice %arg5[%mul3A_229] : memref<25600xi32, #tpu.memory_space<vmem>> -> memref<128xi32, #tpu.memory_space<vmem>>
    %dma_start3A_236 = arith.constant 0 : i32
    %dma_start3A_237 = arith.constant 0 : i32
    %dma_start3A_238 = tpu.memref_slice %arg3[%dma_start3A_236, %dma_start3A_237] : memref<100000x64xf32, #tpu.memory_space<hbm>> -> memref<100000x64xf32, #tpu.memory_space<hbm>>
    tpu.enqueue_indirect_dma source(%dma_start3A_238 : memref<100000x64xf32, #tpu.memory_space<hbm>>) target(%dma_start3A_234 : memref<128x64xf32, #tpu.memory_space<vmem>>) offsets(%dma_start3A_235 : memref<128xi32, #tpu.memory_space<vmem>>) semaphore(%arg9 : memref<!tpu.dma_semaphore, #tpu.memory_space<semaphore_mem>>)
    %add3A_239 = arith.constant 2 : i32
    %add3A_240 = arith.addi %mul3A_2, %add3A_239 : i32
    %sub3A_241 = arith.subi %add3A_240, %mul3A_2 : i32
    %mul3A_242 = arith.constant 128 : i32
    %mul3A_243 = arith.muli %sub3A_241, %mul3A_242 : i32
    %dma_wait3A_244 = arith.constant 2 : i32
    %dma_wait3A_245 = arith.constant 0 : i32
    %dma_wait3A_246 = arith.constant 0 : i32
    %dma_wait3A_247 = tpu.memref_slice %arg6[%dma_wait3A_244, %dma_wait3A_245, %dma_wait3A_246] : memref<4x128x64xf32, #tpu.memory_space<vmem>> -> memref<1x128x64xf32, #tpu.memory_space<vmem>>
    %dma_wait3A_248 = tpu.memref_squeeze %dma_wait3A_247 : memref<1x128x64xf32, #tpu.memory_space<vmem>> -> memref<128x64xf32, #tpu.memory_space<vmem>>
    %dma_wait3A_249 = tpu.memref_slice %arg5[%mul3A_243] : memref<25600xi32, #tpu.memory_space<vmem>> -> memref<128xi32, #tpu.memory_space<vmem>>
    %dma_wait3A_250 = arith.constant 0 : i32
    %dma_wait3A_251 = arith.constant 0 : i32
    %dma_wait3A_252 = tpu.memref_slice %arg3[%dma_wait3A_250, %dma_wait3A_251] : memref<100000x64xf32, #tpu.memory_space<hbm>> -> memref<100000x64xf32, #tpu.memory_space<hbm>>
    tpu.wait_indirect_dma semaphore(%arg10 : memref<!tpu.dma_semaphore, #tpu.memory_space<semaphore_mem>>) src(%dma_wait3A_252 : memref<100000x64xf32, #tpu.memory_space<hbm>>) dst(%dma_wait3A_248 : memref<128x64xf32, #tpu.memory_space<vmem>>)
    %add3A_253 = arith.constant 0 : i32
    %add3A_254 = vector.broadcast %add3A_253 : i32 to vector<16xi32>
    %add3A_255 = arith.addi %broadcast_in_dim3A_40, %add3A_254 : vector<16xi32>
    %add3A_256 = arith.constant 1 : i32
    %add3A_257 = vector.broadcast %add3A_256 : i32 to vector<16xi32>
    %add3A_258 = arith.addi %broadcast_in_dim3A_40, %add3A_257 : vector<16xi32>
    %add3A_259 = arith.constant 2 : i32
    %add3A_260 = vector.broadcast %add3A_259 : i32 to vector<16xi32>
    %add3A_261 = arith.addi %broadcast_in_dim3A_40, %add3A_260 : vector<16xi32>
    %add3A_262 = arith.constant 3 : i32
    %add3A_263 = vector.broadcast %add3A_262 : i32 to vector<16xi32>
    %add3A_264 = arith.addi %broadcast_in_dim3A_40, %add3A_263 : vector<16xi32>
    %scan3A_265 = arith.constant 2 : i32
    %scan3A_266 = arith.constant 0 : i32
    %scan3A_267 = arith.constant 32 : i32
    %scan3A_268 = arith.addi %scan3A_266, %scan3A_267 : i32
    %scan3A_269 = arith.constant 1 : i32
    %scan3A_270:4 = scf.for %scan3A_841 = %scan3A_266 to %scan3A_268 step %scan3A_269 iter_args(%scan3A_842 = %add3A_255, %scan3A_843 = %add3A_258, %scan3A_844 = %add3A_261, %scan3A_845 = %add3A_264) -> (vector<16xi32>, vector<16xi32>, vector<16xi32>, vector<16xi32>)  : i32 {
      %mul3A_846 = arith.constant 4 : i32
      %mul3A_847 = arith.muli %scan3A_841, %mul3A_846 : i32
      %add3A_848 = arith.constant 0 : i32
      %add3A_849 = arith.addi %mul3A_847, %add3A_848 : i32
      %get3A = arith.constant 2 : i32
      %get3A_850 = arith.index_cast %get3A : i32 to index
      %get3A_851 = arith.index_cast %add3A_849 : i32 to index
      %get3A_852 = arith.constant 0 : index
      %get3A_853 = tpu.vector_load %arg6[%get3A_850, %get3A_851, %get3A_852] {strides = array<i32>} : memref<4x128x64xf32, #tpu.memory_space<vmem>>, vector<16xf32>,
      %add3A_854 = arith.constant 0 : i32
      %add3A_855 = arith.addi %mul3A_847, %add3A_854 : i32
      %get3A_856 = arith.constant 2 : i32
      %get3A_857 = arith.index_cast %get3A_856 : i32 to index
      %get3A_858 = arith.index_cast %add3A_855 : i32 to index
      %get3A_859 = arith.constant 16 : index
      %get3A_860 = tpu.vector_load %arg6[%get3A_857, %get3A_858, %get3A_859] {strides = array<i32>} : memref<4x128x64xf32, #tpu.memory_space<vmem>>, vector<16xf32>,
      %add3A_861 = arith.constant 0 : i32
      %add3A_862 = arith.addi %mul3A_847, %add3A_861 : i32
      %get3A_863 = arith.constant 2 : i32
      %get3A_864 = arith.index_cast %get3A_863 : i32 to index
      %get3A_865 = arith.index_cast %add3A_862 : i32 to index
      %get3A_866 = arith.constant 32 : index
      %get3A_867 = tpu.vector_load %arg6[%get3A_864, %get3A_865, %get3A_866] {strides = array<i32>} : memref<4x128x64xf32, #tpu.memory_space<vmem>>, vector<16xf32>,
      %add3A_868 = arith.constant 0 : i32
      %add3A_869 = arith.addi %mul3A_847, %add3A_868 : i32
      %get3A_870 = arith.constant 2 : i32
      %get3A_871 = arith.index_cast %get3A_870 : i32 to index
      %get3A_872 = arith.index_cast %add3A_869 : i32 to index
      %get3A_873 = arith.constant 48 : index
      %get3A_874 = tpu.vector_load %arg6[%get3A_871, %get3A_872, %get3A_873] {strides = array<i32>} : memref<4x128x64xf32, #tpu.memory_space<vmem>>, vector<16xf32>,
      %add3A_875 = arith.constant 1 : i32
      %add3A_876 = arith.addi %mul3A_847, %add3A_875 : i32
      %get3A_877 = arith.constant 2 : i32
      %get3A_878 = arith.index_cast %get3A_877 : i32 to index
      %get3A_879 = arith.index_cast %add3A_876 : i32 to index
      %get3A_880 = arith.constant 0 : index
      %get3A_881 = tpu.vector_load %arg6[%get3A_878, %get3A_879, %get3A_880] {strides = array<i32>} : memref<4x128x64xf32, #tpu.memory_space<vmem>>, vector<16xf32>,
      %add3A_882 = arith.constant 1 : i32
      %add3A_883 = arith.addi %mul3A_847, %add3A_882 : i32
      %get3A_884 = arith.constant 2 : i32
      %get3A_885 = arith.index_cast %get3A_884 : i32 to index
      %get3A_886 = arith.index_cast %add3A_883 : i32 to index
      %get3A_887 = arith.constant 16 : index
      %get3A_888 = tpu.vector_load %arg6[%get3A_885, %get3A_886, %get3A_887] {strides = array<i32>} : memref<4x128x64xf32, #tpu.memory_space<vmem>>, vector<16xf32>,
      %add3A_889 = arith.constant 1 : i32
      %add3A_890 = arith.addi %mul3A_847, %add3A_889 : i32
      %get3A_891 = arith.constant 2 : i32
      %get3A_892 = arith.index_cast %get3A_891 : i32 to index
      %get3A_893 = arith.index_cast %add3A_890 : i32 to index
      %get3A_894 = arith.constant 32 : index
      %get3A_895 = tpu.vector_load %arg6[%get3A_892, %get3A_893, %get3A_894] {strides = array<i32>} : memref<4x128x64xf32, #tpu.memory_space<vmem>>, vector<16xf32>,
      %add3A_896 = arith.constant 1 : i32
      %add3A_897 = arith.addi %mul3A_847, %add3A_896 : i32
      %get3A_898 = arith.constant 2 : i32
      %get3A_899 = arith.index_cast %get3A_898 : i32 to index
      %get3A_900 = arith.index_cast %add3A_897 : i32 to index
      %get3A_901 = arith.constant 48 : index
      %get3A_902 = tpu.vector_load %arg6[%get3A_899, %get3A_900, %get3A_901] {strides = array<i32>} : memref<4x128x64xf32, #tpu.memory_space<vmem>>, vector<16xf32>,
      %add3A_903 = arith.constant 2 : i32
      %add3A_904 = arith.addi %mul3A_847, %add3A_903 : i32
      %get3A_905 = arith.constant 2 : i32
      %get3A_906 = arith.index_cast %get3A_905 : i32 to index
      %get3A_907 = arith.index_cast %add3A_904 : i32 to index
      %get3A_908 = arith.constant 0 : index
      %get3A_909 = tpu.vector_load %arg6[%get3A_906, %get3A_907, %get3A_908] {strides = array<i32>} : memref<4x128x64xf32, #tpu.memory_space<vmem>>, vector<16xf32>,
      %add3A_910 = arith.constant 2 : i32
      %add3A_911 = arith.addi %mul3A_847, %add3A_910 : i32
      %get3A_912 = arith.constant 2 : i32
      %get3A_913 = arith.index_cast %get3A_912 : i32 to index
      %get3A_914 = arith.index_cast %add3A_911 : i32 to index
      %get3A_915 = arith.constant 16 : index
      %get3A_916 = tpu.vector_load %arg6[%get3A_913, %get3A_914, %get3A_915] {strides = array<i32>} : memref<4x128x64xf32, #tpu.memory_space<vmem>>, vector<16xf32>,
      %add3A_917 = arith.constant 2 : i32
      %add3A_918 = arith.addi %mul3A_847, %add3A_917 : i32
      %get3A_919 = arith.constant 2 : i32
      %get3A_920 = arith.index_cast %get3A_919 : i32 to index
      %get3A_921 = arith.index_cast %add3A_918 : i32 to index
      %get3A_922 = arith.constant 32 : index
      %get3A_923 = tpu.vector_load %arg6[%get3A_920, %get3A_921, %get3A_922] {strides = array<i32>} : memref<4x128x64xf32, #tpu.memory_space<vmem>>, vector<16xf32>,
      %add3A_924 = arith.constant 2 : i32
      %add3A_925 = arith.addi %mul3A_847, %add3A_924 : i32
      %get3A_926 = arith.constant 2 : i32
      %get3A_927 = arith.index_cast %get3A_926 : i32 to index
      %get3A_928 = arith.index_cast %add3A_925 : i32 to index
      %get3A_929 = arith.constant 48 : index
      %get3A_930 = tpu.vector_load %arg6[%get3A_927, %get3A_928, %get3A_929] {strides = array<i32>} : memref<4x128x64xf32, #tpu.memory_space<vmem>>, vector<16xf32>,
      %add3A_931 = arith.constant 3 : i32
      %add3A_932 = arith.addi %mul3A_847, %add3A_931 : i32
      %get3A_933 = arith.constant 2 : i32
      %get3A_934 = arith.index_cast %get3A_933 : i32 to index
      %get3A_935 = arith.index_cast %add3A_932 : i32 to index
      %get3A_936 = arith.constant 0 : index
      %get3A_937 = tpu.vector_load %arg6[%get3A_934, %get3A_935, %get3A_936] {strides = array<i32>} : memref<4x128x64xf32, #tpu.memory_space<vmem>>, vector<16xf32>,
      %add3A_938 = arith.constant 3 : i32
      %add3A_939 = arith.addi %mul3A_847, %add3A_938 : i32
      %get3A_940 = arith.constant 2 : i32
      %get3A_941 = arith.index_cast %get3A_940 : i32 to index
      %get3A_942 = arith.index_cast %add3A_939 : i32 to index
      %get3A_943 = arith.constant 16 : index
      %get3A_944 = tpu.vector_load %arg6[%get3A_941, %get3A_942, %get3A_943] {strides = array<i32>} : memref<4x128x64xf32, #tpu.memory_space<vmem>>, vector<16xf32>,
      %add3A_945 = arith.constant 3 : i32
      %add3A_946 = arith.addi %mul3A_847, %add3A_945 : i32
      %get3A_947 = arith.constant 2 : i32
      %get3A_948 = arith.index_cast %get3A_947 : i32 to index
      %get3A_949 = arith.index_cast %add3A_946 : i32 to index
      %get3A_950 = arith.constant 32 : index
      %get3A_951 = tpu.vector_load %arg6[%get3A_948, %get3A_949, %get3A_950] {strides = array<i32>} : memref<4x128x64xf32, #tpu.memory_space<vmem>>, vector<16xf32>,
      %add3A_952 = arith.constant 3 : i32
      %add3A_953 = arith.addi %mul3A_847, %add3A_952 : i32
      %get3A_954 = arith.constant 2 : i32
      %get3A_955 = arith.index_cast %get3A_954 : i32 to index
      %get3A_956 = arith.index_cast %add3A_953 : i32 to index
      %get3A_957 = arith.constant 48 : index
      %get3A_958 = tpu.vector_load %arg6[%get3A_955, %get3A_956, %get3A_957] {strides = array<i32>} : memref<4x128x64xf32, #tpu.memory_space<vmem>>, vector<16xf32>,
      %scatter3A = arith.constant 0 : i32
      %scatter3A_959 = arith.constant 0 : i32
      %scatter3A_960 = arith.constant 0 : i32
      %scatter3A_961 = tpu.memref_slice %arg7[%scan3A_265, %scatter3A, %scatter3A_959, %scatter3A_960] : memref<4x8x8x129xf32, #tpu.memory_space<vmem>> -> memref<1x8x8x129xf32, #tpu.memory_space<vmem>>
      %scatter3A_962 = tpu.memref_squeeze %scatter3A_961 : memref<1x8x8x129xf32, #tpu.memory_space<vmem>> -> memref<8x8x129xf32, #tpu.memory_space<vmem>>
      tpu.vector_store_idx %scatter3A_962[%shift_right_arithmetic3A_19, %and3A_30, %scan3A_842], %get3A_853 : memref<8x8x129xf32, #tpu.memory_space<vmem>>[vector<16xi32>, vector<16xi32>, vector<16xi32>], vector<16xf32>,
      %scatter3A_963 = arith.constant 0 : i32
      %scatter3A_964 = arith.constant 0 : i32
      %scatter3A_965 = arith.constant 0 : i32
      %scatter3A_966 = tpu.memref_slice %arg7[%scan3A_265, %scatter3A_963, %scatter3A_964, %scatter3A_965] : memref<4x8x8x129xf32, #tpu.memory_space<vmem>> -> memref<1x8x8x129xf32, #tpu.memory_space<vmem>>
      %scatter3A_967 = tpu.memref_squeeze %scatter3A_966 : memref<1x8x8x129xf32, #tpu.memory_space<vmem>> -> memref<8x8x129xf32, #tpu.memory_space<vmem>>
      tpu.vector_store_idx %scatter3A_967[%shift_right_arithmetic3A_22, %and3A_33, %scan3A_842], %get3A_860 : memref<8x8x129xf32, #tpu.memory_space<vmem>>[vector<16xi32>, vector<16xi32>, vector<16xi32>], vector<16xf32>,
      %scatter3A_968 = arith.constant 0 : i32
      %scatter3A_969 = arith.constant 0 : i32
      %scatter3A_970 = arith.constant 0 : i32
      %scatter3A_971 = tpu.memref_slice %arg7[%scan3A_265, %scatter3A_968, %scatter3A_969, %scatter3A_970] : memref<4x8x8x129xf32, #tpu.memory_space<vmem>> -> memref<1x8x8x129xf32, #tpu.memory_space<vmem>>
      %scatter3A_972 = tpu.memref_squeeze %scatter3A_971 : memref<1x8x8x129xf32, #tpu.memory_space<vmem>> -> memref<8x8x129xf32, #tpu.memory_space<vmem>>
      tpu.vector_store_idx %scatter3A_972[%shift_right_arithmetic3A_25, %and3A_36, %scan3A_842], %get3A_867 : memref<8x8x129xf32, #tpu.memory_space<vmem>>[vector<16xi32>, vector<16xi32>, vector<16xi32>], vector<16xf32>,
      %scatter3A_973 = arith.constant 0 : i32
      %scatter3A_974 = arith.constant 0 : i32
      %scatter3A_975 = arith.constant 0 : i32
      %scatter3A_976 = tpu.memref_slice %arg7[%scan3A_265, %scatter3A_973, %scatter3A_974, %scatter3A_975] : memref<4x8x8x129xf32, #tpu.memory_space<vmem>> -> memref<1x8x8x129xf32, #tpu.memory_space<vmem>>
      %scatter3A_977 = tpu.memref_squeeze %scatter3A_976 : memref<1x8x8x129xf32, #tpu.memory_space<vmem>> -> memref<8x8x129xf32, #tpu.memory_space<vmem>>
      tpu.vector_store_idx %scatter3A_977[%shift_right_arithmetic3A_28, %and3A_39, %scan3A_842], %get3A_874 : memref<8x8x129xf32, #tpu.memory_space<vmem>>[vector<16xi32>, vector<16xi32>, vector<16xi32>], vector<16xf32>,
      %scatter3A_978 = arith.constant 0 : i32
      %scatter3A_979 = arith.constant 0 : i32
      %scatter3A_980 = arith.constant 0 : i32
      %scatter3A_981 = tpu.memref_slice %arg7[%scan3A_265, %scatter3A_978, %scatter3A_979, %scatter3A_980] : memref<4x8x8x129xf32, #tpu.memory_space<vmem>> -> memref<1x8x8x129xf32, #tpu.memory_space<vmem>>
      %scatter3A_982 = tpu.memref_squeeze %scatter3A_981 : memref<1x8x8x129xf32, #tpu.memory_space<vmem>> -> memref<8x8x129xf32, #tpu.memory_space<vmem>>
      tpu.vector_store_idx %scatter3A_982[%shift_right_arithmetic3A_19, %and3A_30, %scan3A_843], %get3A_881 : memref<8x8x129xf32, #tpu.memory_space<vmem>>[vector<16xi32>, vector<16xi32>, vector<16xi32>], vector<16xf32>,
      %scatter3A_983 = arith.constant 0 : i32
      %scatter3A_984 = arith.constant 0 : i32
      %scatter3A_985 = arith.constant 0 : i32
      %scatter3A_986 = tpu.memref_slice %arg7[%scan3A_265, %scatter3A_983, %scatter3A_984, %scatter3A_985] : memref<4x8x8x129xf32, #tpu.memory_space<vmem>> -> memref<1x8x8x129xf32, #tpu.memory_space<vmem>>
      %scatter3A_987 = tpu.memref_squeeze %scatter3A_986 : memref<1x8x8x129xf32, #tpu.memory_space<vmem>> -> memref<8x8x129xf32, #tpu.memory_space<vmem>>
      tpu.vector_store_idx %scatter3A_987[%shift_right_arithmetic3A_22, %and3A_33, %scan3A_843], %get3A_888 : memref<8x8x129xf32, #tpu.memory_space<vmem>>[vector<16xi32>, vector<16xi32>, vector<16xi32>], vector<16xf32>,
      %scatter3A_988 = arith.constant 0 : i32
      %scatter3A_989 = arith.constant 0 : i32
      %scatter3A_990 = arith.constant 0 : i32
      %scatter3A_991 = tpu.memref_slice %arg7[%scan3A_265, %scatter3A_988, %scatter3A_989, %scatter3A_990] : memref<4x8x8x129xf32, #tpu.memory_space<vmem>> -> memref<1x8x8x129xf32, #tpu.memory_space<vmem>>
      %scatter3A_992 = tpu.memref_squeeze %scatter3A_991 : memref<1x8x8x129xf32, #tpu.memory_space<vmem>> -> memref<8x8x129xf32, #tpu.memory_space<vmem>>
      tpu.vector_store_idx %scatter3A_992[%shift_right_arithmetic3A_25, %and3A_36, %scan3A_843], %get3A_895 : memref<8x8x129xf32, #tpu.memory_space<vmem>>[vector<16xi32>, vector<16xi32>, vector<16xi32>], vector<16xf32>,
      %scatter3A_993 = arith.constant 0 : i32
      %scatter3A_994 = arith.constant 0 : i32
      %scatter3A_995 = arith.constant 0 : i32
      %scatter3A_996 = tpu.memref_slice %arg7[%scan3A_265, %scatter3A_993, %scatter3A_994, %scatter3A_995] : memref<4x8x8x129xf32, #tpu.memory_space<vmem>> -> memref<1x8x8x129xf32, #tpu.memory_space<vmem>>
      %scatter3A_997 = tpu.memref_squeeze %scatter3A_996 : memref<1x8x8x129xf32, #tpu.memory_space<vmem>> -> memref<8x8x129xf32, #tpu.memory_space<vmem>>
      tpu.vector_store_idx %scatter3A_997[%shift_right_arithmetic3A_28, %and3A_39, %scan3A_843], %get3A_902 : memref<8x8x129xf32, #tpu.memory_space<vmem>>[vector<16xi32>, vector<16xi32>, vector<16xi32>], vector<16xf32>,
      %scatter3A_998 = arith.constant 0 : i32
      %scatter3A_999 = arith.constant 0 : i32
      %scatter3A_1000 = arith.constant 0 : i32
      %scatter3A_1001 = tpu.memref_slice %arg7[%scan3A_265, %scatter3A_998, %scatter3A_999, %scatter3A_1000] : memref<4x8x8x129xf32, #tpu.memory_space<vmem>> -> memref<1x8x8x129xf32, #tpu.memory_space<vmem>>
      %scatter3A_1002 = tpu.memref_squeeze %scatter3A_1001 : memref<1x8x8x129xf32, #tpu.memory_space<vmem>> -> memref<8x8x129xf32, #tpu.memory_space<vmem>>
      tpu.vector_store_idx %scatter3A_1002[%shift_right_arithmetic3A_19, %and3A_30, %scan3A_844], %get3A_909 : memref<8x8x129xf32, #tpu.memory_space<vmem>>[vector<16xi32>, vector<16xi32>, vector<16xi32>], vector<16xf32>,
      %scatter3A_1003 = arith.constant 0 : i32
      %scatter3A_1004 = arith.constant 0 : i32
      %scatter3A_1005 = arith.constant 0 : i32
      %scatter3A_1006 = tpu.memref_slice %arg7[%scan3A_265, %scatter3A_1003, %scatter3A_1004, %scatter3A_1005] : memref<4x8x8x129xf32, #tpu.memory_space<vmem>> -> memref<1x8x8x129xf32, #tpu.memory_space<vmem>>
      %scatter3A_1007 = tpu.memref_squeeze %scatter3A_1006 : memref<1x8x8x129xf32, #tpu.memory_space<vmem>> -> memref<8x8x129xf32, #tpu.memory_space<vmem>>
      tpu.vector_store_idx %scatter3A_1007[%shift_right_arithmetic3A_22, %and3A_33, %scan3A_844], %get3A_916 : memref<8x8x129xf32, #tpu.memory_space<vmem>>[vector<16xi32>, vector<16xi32>, vector<16xi32>], vector<16xf32>,
      %scatter3A_1008 = arith.constant 0 : i32
      %scatter3A_1009 = arith.constant 0 : i32
      %scatter3A_1010 = arith.constant 0 : i32
      %scatter3A_1011 = tpu.memref_slice %arg7[%scan3A_265, %scatter3A_1008, %scatter3A_1009, %scatter3A_1010] : memref<4x8x8x129xf32, #tpu.memory_space<vmem>> -> memref<1x8x8x129xf32, #tpu.memory_space<vmem>>
      %scatter3A_1012 = tpu.memref_squeeze %scatter3A_1011 : memref<1x8x8x129xf32, #tpu.memory_space<vmem>> -> memref<8x8x129xf32, #tpu.memory_space<vmem>>
      tpu.vector_store_idx %scatter3A_1012[%shift_right_arithmetic3A_25, %and3A_36, %scan3A_844], %get3A_923 : memref<8x8x129xf32, #tpu.memory_space<vmem>>[vector<16xi32>, vector<16xi32>, vector<16xi32>], vector<16xf32>,
      %scatter3A_1013 = arith.constant 0 : i32
      %scatter3A_1014 = arith.constant 0 : i32
      %scatter3A_1015 = arith.constant 0 : i32
      %scatter3A_1016 = tpu.memref_slice %arg7[%scan3A_265, %scatter3A_1013, %scatter3A_1014, %scatter3A_1015] : memref<4x8x8x129xf32, #tpu.memory_space<vmem>> -> memref<1x8x8x129xf32, #tpu.memory_space<vmem>>
      %scatter3A_1017 = tpu.memref_squeeze %scatter3A_1016 : memref<1x8x8x129xf32, #tpu.memory_space<vmem>> -> memref<8x8x129xf32, #tpu.memory_space<vmem>>
      tpu.vector_store_idx %scatter3A_1017[%shift_right_arithmetic3A_28, %and3A_39, %scan3A_844], %get3A_930 : memref<8x8x129xf32, #tpu.memory_space<vmem>>[vector<16xi32>, vector<16xi32>, vector<16xi32>], vector<16xf32>,
      %scatter3A_1018 = arith.constant 0 : i32
      %scatter3A_1019 = arith.constant 0 : i32
      %scatter3A_1020 = arith.constant 0 : i32
      %scatter3A_1021 = tpu.memref_slice %arg7[%scan3A_265, %scatter3A_1018, %scatter3A_1019, %scatter3A_1020] : memref<4x8x8x129xf32, #tpu.memory_space<vmem>> -> memref<1x8x8x129xf32, #tpu.memory_space<vmem>>
      %scatter3A_1022 = tpu.memref_squeeze %scatter3A_1021 : memref<1x8x8x129xf32, #tpu.memory_space<vmem>> -> memref<8x8x129xf32, #tpu.memory_space<vmem>>
      tpu.vector_store_idx %scatter3A_1022[%shift_right_arithmetic3A_19, %and3A_30, %scan3A_845], %get3A_937 : memref<8x8x129xf32, #tpu.memory_space<vmem>>[vector<16xi32>, vector<16xi32>, vector<16xi32>], vector<16xf32>,
      %scatter3A_1023 = arith.constant 0 : i32
      %scatter3A_1024 = arith.constant 0 : i32
      %scatter3A_1025 = arith.constant 0 : i32
      %scatter3A_1026 = tpu.memref_slice %arg7[%scan3A_265, %scatter3A_1023, %scatter3A_1024, %scatter3A_1025] : memref<4x8x8x129xf32, #tpu.memory_space<vmem>> -> memref<1x8x8x129xf32, #tpu.memory_space<vmem>>
      %scatter3A_1027 = tpu.memref_squeeze %scatter3A_1026 : memref<1x8x8x129xf32, #tpu.memory_space<vmem>> -> memref<8x8x129xf32, #tpu.memory_space<vmem>>
      tpu.vector_store_idx %scatter3A_1027[%shift_right_arithmetic3A_22, %and3A_33, %scan3A_845], %get3A_944 : memref<8x8x129xf32, #tpu.memory_space<vmem>>[vector<16xi32>, vector<16xi32>, vector<16xi32>], vector<16xf32>,
      %scatter3A_1028 = arith.constant 0 : i32
      %scatter3A_1029 = arith.constant 0 : i32
      %scatter3A_1030 = arith.constant 0 : i32
      %scatter3A_1031 = tpu.memref_slice %arg7[%scan3A_265, %scatter3A_1028, %scatter3A_1029, %scatter3A_1030] : memref<4x8x8x129xf32, #tpu.memory_space<vmem>> -> memref<1x8x8x129xf32, #tpu.memory_space<vmem>>
      %scatter3A_1032 = tpu.memref_squeeze %scatter3A_1031 : memref<1x8x8x129xf32, #tpu.memory_space<vmem>> -> memref<8x8x129xf32, #tpu.memory_space<vmem>>
      tpu.vector_store_idx %scatter3A_1032[%shift_right_arithmetic3A_25, %and3A_36, %scan3A_845], %get3A_951 : memref<8x8x129xf32, #tpu.memory_space<vmem>>[vector<16xi32>, vector<16xi32>, vector<16xi32>], vector<16xf32>,
      %scatter3A_1033 = arith.constant 0 : i32
      %scatter3A_1034 = arith.constant 0 : i32
      %scatter3A_1035 = arith.constant 0 : i32
      %scatter3A_1036 = tpu.memref_slice %arg7[%scan3A_265, %scatter3A_1033, %scatter3A_1034, %scatter3A_1035] : memref<4x8x8x129xf32, #tpu.memory_space<vmem>> -> memref<1x8x8x129xf32, #tpu.memory_space<vmem>>
      %scatter3A_1037 = tpu.memref_squeeze %scatter3A_1036 : memref<1x8x8x129xf32, #tpu.memory_space<vmem>> -> memref<8x8x129xf32, #tpu.memory_space<vmem>>
      tpu.vector_store_idx %scatter3A_1037[%shift_right_arithmetic3A_28, %and3A_39, %scan3A_845], %get3A_958 : memref<8x8x129xf32, #tpu.memory_space<vmem>>[vector<16xi32>, vector<16xi32>, vector<16xi32>], vector<16xf32>,
      %add3A_1038 = arith.constant 4 : i32
      %add3A_1039 = vector.broadcast %add3A_1038 : i32 to vector<16xi32>
      %add3A_1040 = arith.addi %scan3A_842, %add3A_1039 : vector<16xi32>
      %add3A_1041 = arith.constant 4 : i32
      %add3A_1042 = vector.broadcast %add3A_1041 : i32 to vector<16xi32>
      %add3A_1043 = arith.addi %scan3A_843, %add3A_1042 : vector<16xi32>
      %add3A_1044 = arith.constant 4 : i32
      %add3A_1045 = vector.broadcast %add3A_1044 : i32 to vector<16xi32>
      %add3A_1046 = arith.addi %scan3A_844, %add3A_1045 : vector<16xi32>
      %add3A_1047 = arith.constant 4 : i32
      %add3A_1048 = vector.broadcast %add3A_1047 : i32 to vector<16xi32>
      %add3A_1049 = arith.addi %scan3A_845, %add3A_1048 : vector<16xi32>
      scf.yield %add3A_1040, %add3A_1043, %add3A_1046, %add3A_1049 : vector<16xi32>, vector<16xi32>, vector<16xi32>, vector<16xi32>
    }
    %scan3A_271 = arith.constant 32 : i32
    %shift_right_arithmetic3A_272 = arith.constant 5 : i32
    %shift_right_arithmetic3A_273 = arith.shrsi %add3A_240, %shift_right_arithmetic3A_272 : i32
    %and3A_274 = arith.constant 31 : i32
    %and3A_275 = arith.andi %add3A_240, %and3A_274 : i32
    %dma_start3A_276 = arith.constant 2 : i32
    %dma_start3A_277 = arith.constant 0 : i32
    %dma_start3A_278 = arith.constant 0 : i32
    %dma_start3A_279 = arith.constant 0 : i32
    %dma_start3A_280 = tpu.memref_slice %arg7[%dma_start3A_276, %dma_start3A_277, %dma_start3A_278, %dma_start3A_279] : memref<4x8x8x129xf32, #tpu.memory_space<vmem>> -> memref<1x8x8x128xf32, #tpu.memory_space<vmem>>
    %dma_start3A_281 = tpu.memref_squeeze %dma_start3A_280 : memref<1x8x8x128xf32, #tpu.memory_space<vmem>> -> memref<8x8x128xf32, #tpu.memory_space<vmem>>
    %dma_start3A_282 = arith.constant 0 : i32
    %dma_start3A_283 = arith.constant 0 : i32
    %dma_start3A_284 = arith.constant 0 : i32
    %dma_start3A_285 = tpu.memref_slice %arg4[%shift_right_arithmetic3A_273, %dma_start3A_282, %and3A_275, %dma_start3A_283, %dma_start3A_284] : memref<200x8x32x8x128xf32, #tpu.memory_space<hbm>> -> memref<1x8x1x8x128xf32, #tpu.memory_space<hbm>>
    %dma_start3A_286 = tpu.memref_squeeze %dma_start3A_285 : memref<1x8x1x8x128xf32, #tpu.memory_space<hbm>> -> memref<8x8x128xf32, #tpu.memory_space<hbm>>
    %dma_start3A_287 = arith.constant 0 : i32
    %dma_start3A_288 = arith.constant 0 : i32
    %dma_start3A_289 = arith.constant 0 : i32
    %dma_start3A_290 = tpu.memref_slice %arg4[%shift_right_arithmetic3A_273, %dma_start3A_287, %and3A_275, %dma_start3A_288, %dma_start3A_289] : memref<200x8x32x8x128xf32, #tpu.memory_space<hbm>> -> memref<1x8x1x8x128xf32, #tpu.memory_space<hbm>>
    %dma_start3A_291 = tpu.memref_squeeze %dma_start3A_290 : memref<1x8x1x8x128xf32, #tpu.memory_space<hbm>> -> memref<8x8x128xf32, #tpu.memory_space<hbm>>
    %dma_start3A_292 = arith.constant 0 : i32
    %dma_start3A_293 = arith.constant 0 : i32
    %dma_start3A_294 = arith.constant 0 : i32
    %dma_start3A_295 = tpu.memref_slice %arg7[%dma_start3A_276, %dma_start3A_292, %dma_start3A_293, %dma_start3A_294] : memref<4x8x8x129xf32, #tpu.memory_space<vmem>> -> memref<1x8x8x128xf32, #tpu.memory_space<vmem>>
    %dma_start3A_296 = tpu.memref_squeeze %dma_start3A_295 : memref<1x8x8x128xf32, #tpu.memory_space<vmem>> -> memref<8x8x128xf32, #tpu.memory_space<vmem>>
    tpu.enqueue_dma source(%dma_start3A_296 : memref<8x8x128xf32, #tpu.memory_space<vmem>>) target(%dma_start3A_291 : memref<8x8x128xf32, #tpu.memory_space<hbm>>) target_semaphore(%arg14 : memref<!tpu.dma_semaphore, #tpu.memory_space<semaphore_mem>>)
    %add3A_297 = arith.constant 4 : i32
    %add3A_298 = arith.addi %add3A_240, %add3A_297 : i32
    %sub3A_299 = arith.subi %add3A_298, %mul3A_2 : i32
    %mul3A_300 = arith.constant 128 : i32
    %mul3A_301 = arith.muli %sub3A_299, %mul3A_300 : i32
    %dma_start3A_302 = arith.constant 2 : i32
    %dma_start3A_303 = arith.constant 0 : i32
    %dma_start3A_304 = arith.constant 0 : i32
    %dma_start3A_305 = tpu.memref_slice %arg6[%dma_start3A_302, %dma_start3A_303, %dma_start3A_304] : memref<4x128x64xf32, #tpu.memory_space<vmem>> -> memref<1x128x64xf32, #tpu.memory_space<vmem>>
    %dma_start3A_306 = tpu.memref_squeeze %dma_start3A_305 : memref<1x128x64xf32, #tpu.memory_space<vmem>> -> memref<128x64xf32, #tpu.memory_space<vmem>>
    %dma_start3A_307 = tpu.memref_slice %arg5[%mul3A_301] : memref<25600xi32, #tpu.memory_space<vmem>> -> memref<128xi32, #tpu.memory_space<vmem>>
    %dma_start3A_308 = arith.constant 0 : i32
    %dma_start3A_309 = arith.constant 0 : i32
    %dma_start3A_310 = tpu.memref_slice %arg3[%dma_start3A_308, %dma_start3A_309] : memref<100000x64xf32, #tpu.memory_space<hbm>> -> memref<100000x64xf32, #tpu.memory_space<hbm>>
    tpu.enqueue_indirect_dma source(%dma_start3A_310 : memref<100000x64xf32, #tpu.memory_space<hbm>>) target(%dma_start3A_306 : memref<128x64xf32, #tpu.memory_space<vmem>>) offsets(%dma_start3A_307 : memref<128xi32, #tpu.memory_space<vmem>>) semaphore(%arg10 : memref<!tpu.dma_semaphore, #tpu.memory_space<semaphore_mem>>)
    %add3A_311 = arith.constant 3 : i32
    %add3A_312 = arith.addi %mul3A_2, %add3A_311 : i32
    %sub3A_313 = arith.subi %add3A_312, %mul3A_2 : i32
    %mul3A_314 = arith.constant 128 : i32
    %mul3A_315 = arith.muli %sub3A_313, %mul3A_314 : i32
    %dma_wait3A_316 = arith.constant 3 : i32
    %dma_wait3A_317 = arith.constant 0 : i32
    %dma_wait3A_318 = arith.constant 0 : i32
    %dma_wait3A_319 = tpu.memref_slice %arg6[%dma_wait3A_316, %dma_wait3A_317, %dma_wait3A_318] : memref<4x128x64xf32, #tpu.memory_space<vmem>> -> memref<1x128x64xf32, #tpu.memory_space<vmem>>
    %dma_wait3A_320 = tpu.memref_squeeze %dma_wait3A_319 : memref<1x128x64xf32, #tpu.memory_space<vmem>> -> memref<128x64xf32, #tpu.memory_space<vmem>>
    %dma_wait3A_321 = tpu.memref_slice %arg5[%mul3A_315] : memref<25600xi32, #tpu.memory_space<vmem>> -> memref<128xi32, #tpu.memory_space<vmem>>
    %dma_wait3A_322 = arith.constant 0 : i32
    %dma_wait3A_323 = arith.constant 0 : i32
    %dma_wait3A_324 = tpu.memref_slice %arg3[%dma_wait3A_322, %dma_wait3A_323] : memref<100000x64xf32, #tpu.memory_space<hbm>> -> memref<100000x64xf32, #tpu.memory_space<hbm>>
    tpu.wait_indirect_dma semaphore(%arg11 : memref<!tpu.dma_semaphore, #tpu.memory_space<semaphore_mem>>) src(%dma_wait3A_324 : memref<100000x64xf32, #tpu.memory_space<hbm>>) dst(%dma_wait3A_320 : memref<128x64xf32, #tpu.memory_space<vmem>>)
    %add3A_325 = arith.constant 0 : i32
    %add3A_326 = vector.broadcast %add3A_325 : i32 to vector<16xi32>
    %add3A_327 = arith.addi %broadcast_in_dim3A_40, %add3A_326 : vector<16xi32>
    %add3A_328 = arith.constant 1 : i32
    %add3A_329 = vector.broadcast %add3A_328 : i32 to vector<16xi32>
    %add3A_330 = arith.addi %broadcast_in_dim3A_40, %add3A_329 : vector<16xi32>
    %add3A_331 = arith.constant 2 : i32
    %add3A_332 = vector.broadcast %add3A_331 : i32 to vector<16xi32>
    %add3A_333 = arith.addi %broadcast_in_dim3A_40, %add3A_332 : vector<16xi32>
    %add3A_334 = arith.constant 3 : i32
    %add3A_335 = vector.broadcast %add3A_334 : i32 to vector<16xi32>
    %add3A_336 = arith.addi %broadcast_in_dim3A_40, %add3A_335 : vector<16xi32>
    %scan3A_337 = arith.constant 3 : i32
    %scan3A_338 = arith.constant 0 : i32
    %scan3A_339 = arith.constant 32 : i32
    %scan3A_340 = arith.addi %scan3A_338, %scan3A_339 : i32
    %scan3A_341 = arith.constant 1 : i32
    %scan3A_342:4 = scf.for %scan3A_841 = %scan3A_338 to %scan3A_340 step %scan3A_341 iter_args(%scan3A_842 = %add3A_327, %scan3A_843 = %add3A_330, %scan3A_844 = %add3A_333, %scan3A_845 = %add3A_336) -> (vector<16xi32>, vector<16xi32>, vector<16xi32>, vector<16xi32>)  : i32 {
      %mul3A_846 = arith.constant 4 : i32
      %mul3A_847 = arith.muli %scan3A_841, %mul3A_846 : i32
      %add3A_848 = arith.constant 0 : i32
      %add3A_849 = arith.addi %mul3A_847, %add3A_848 : i32
      %get3A = arith.constant 3 : i32
      %get3A_850 = arith.index_cast %get3A : i32 to index
      %get3A_851 = arith.index_cast %add3A_849 : i32 to index
      %get3A_852 = arith.constant 0 : index
      %get3A_853 = tpu.vector_load %arg6[%get3A_850, %get3A_851, %get3A_852] {strides = array<i32>} : memref<4x128x64xf32, #tpu.memory_space<vmem>>, vector<16xf32>,
      %add3A_854 = arith.constant 0 : i32
      %add3A_855 = arith.addi %mul3A_847, %add3A_854 : i32
      %get3A_856 = arith.constant 3 : i32
      %get3A_857 = arith.index_cast %get3A_856 : i32 to index
      %get3A_858 = arith.index_cast %add3A_855 : i32 to index
      %get3A_859 = arith.constant 16 : index
      %get3A_860 = tpu.vector_load %arg6[%get3A_857, %get3A_858, %get3A_859] {strides = array<i32>} : memref<4x128x64xf32, #tpu.memory_space<vmem>>, vector<16xf32>,
      %add3A_861 = arith.constant 0 : i32
      %add3A_862 = arith.addi %mul3A_847, %add3A_861 : i32
      %get3A_863 = arith.constant 3 : i32
      %get3A_864 = arith.index_cast %get3A_863 : i32 to index
      %get3A_865 = arith.index_cast %add3A_862 : i32 to index
      %get3A_866 = arith.constant 32 : index
      %get3A_867 = tpu.vector_load %arg6[%get3A_864, %get3A_865, %get3A_866] {strides = array<i32>} : memref<4x128x64xf32, #tpu.memory_space<vmem>>, vector<16xf32>,
      %add3A_868 = arith.constant 0 : i32
      %add3A_869 = arith.addi %mul3A_847, %add3A_868 : i32
      %get3A_870 = arith.constant 3 : i32
      %get3A_871 = arith.index_cast %get3A_870 : i32 to index
      %get3A_872 = arith.index_cast %add3A_869 : i32 to index
      %get3A_873 = arith.constant 48 : index
      %get3A_874 = tpu.vector_load %arg6[%get3A_871, %get3A_872, %get3A_873] {strides = array<i32>} : memref<4x128x64xf32, #tpu.memory_space<vmem>>, vector<16xf32>,
      %add3A_875 = arith.constant 1 : i32
      %add3A_876 = arith.addi %mul3A_847, %add3A_875 : i32
      %get3A_877 = arith.constant 3 : i32
      %get3A_878 = arith.index_cast %get3A_877 : i32 to index
      %get3A_879 = arith.index_cast %add3A_876 : i32 to index
      %get3A_880 = arith.constant 0 : index
      %get3A_881 = tpu.vector_load %arg6[%get3A_878, %get3A_879, %get3A_880] {strides = array<i32>} : memref<4x128x64xf32, #tpu.memory_space<vmem>>, vector<16xf32>,
      %add3A_882 = arith.constant 1 : i32
      %add3A_883 = arith.addi %mul3A_847, %add3A_882 : i32
      %get3A_884 = arith.constant 3 : i32
      %get3A_885 = arith.index_cast %get3A_884 : i32 to index
      %get3A_886 = arith.index_cast %add3A_883 : i32 to index
      %get3A_887 = arith.constant 16 : index
      %get3A_888 = tpu.vector_load %arg6[%get3A_885, %get3A_886, %get3A_887] {strides = array<i32>} : memref<4x128x64xf32, #tpu.memory_space<vmem>>, vector<16xf32>,
      %add3A_889 = arith.constant 1 : i32
      %add3A_890 = arith.addi %mul3A_847, %add3A_889 : i32
      %get3A_891 = arith.constant 3 : i32
      %get3A_892 = arith.index_cast %get3A_891 : i32 to index
      %get3A_893 = arith.index_cast %add3A_890 : i32 to index
      %get3A_894 = arith.constant 32 : index
      %get3A_895 = tpu.vector_load %arg6[%get3A_892, %get3A_893, %get3A_894] {strides = array<i32>} : memref<4x128x64xf32, #tpu.memory_space<vmem>>, vector<16xf32>,
      %add3A_896 = arith.constant 1 : i32
      %add3A_897 = arith.addi %mul3A_847, %add3A_896 : i32
      %get3A_898 = arith.constant 3 : i32
      %get3A_899 = arith.index_cast %get3A_898 : i32 to index
      %get3A_900 = arith.index_cast %add3A_897 : i32 to index
      %get3A_901 = arith.constant 48 : index
      %get3A_902 = tpu.vector_load %arg6[%get3A_899, %get3A_900, %get3A_901] {strides = array<i32>} : memref<4x128x64xf32, #tpu.memory_space<vmem>>, vector<16xf32>,
      %add3A_903 = arith.constant 2 : i32
      %add3A_904 = arith.addi %mul3A_847, %add3A_903 : i32
      %get3A_905 = arith.constant 3 : i32
      %get3A_906 = arith.index_cast %get3A_905 : i32 to index
      %get3A_907 = arith.index_cast %add3A_904 : i32 to index
      %get3A_908 = arith.constant 0 : index
      %get3A_909 = tpu.vector_load %arg6[%get3A_906, %get3A_907, %get3A_908] {strides = array<i32>} : memref<4x128x64xf32, #tpu.memory_space<vmem>>, vector<16xf32>,
      %add3A_910 = arith.constant 2 : i32
      %add3A_911 = arith.addi %mul3A_847, %add3A_910 : i32
      %get3A_912 = arith.constant 3 : i32
      %get3A_913 = arith.index_cast %get3A_912 : i32 to index
      %get3A_914 = arith.index_cast %add3A_911 : i32 to index
      %get3A_915 = arith.constant 16 : index
      %get3A_916 = tpu.vector_load %arg6[%get3A_913, %get3A_914, %get3A_915] {strides = array<i32>} : memref<4x128x64xf32, #tpu.memory_space<vmem>>, vector<16xf32>,
      %add3A_917 = arith.constant 2 : i32
      %add3A_918 = arith.addi %mul3A_847, %add3A_917 : i32
      %get3A_919 = arith.constant 3 : i32
      %get3A_920 = arith.index_cast %get3A_919 : i32 to index
      %get3A_921 = arith.index_cast %add3A_918 : i32 to index
      %get3A_922 = arith.constant 32 : index
      %get3A_923 = tpu.vector_load %arg6[%get3A_920, %get3A_921, %get3A_922] {strides = array<i32>} : memref<4x128x64xf32, #tpu.memory_space<vmem>>, vector<16xf32>,
      %add3A_924 = arith.constant 2 : i32
      %add3A_925 = arith.addi %mul3A_847, %add3A_924 : i32
      %get3A_926 = arith.constant 3 : i32
      %get3A_927 = arith.index_cast %get3A_926 : i32 to index
      %get3A_928 = arith.index_cast %add3A_925 : i32 to index
      %get3A_929 = arith.constant 48 : index
      %get3A_930 = tpu.vector_load %arg6[%get3A_927, %get3A_928, %get3A_929] {strides = array<i32>} : memref<4x128x64xf32, #tpu.memory_space<vmem>>, vector<16xf32>,
      %add3A_931 = arith.constant 3 : i32
      %add3A_932 = arith.addi %mul3A_847, %add3A_931 : i32
      %get3A_933 = arith.constant 3 : i32
      %get3A_934 = arith.index_cast %get3A_933 : i32 to index
      %get3A_935 = arith.index_cast %add3A_932 : i32 to index
      %get3A_936 = arith.constant 0 : index
      %get3A_937 = tpu.vector_load %arg6[%get3A_934, %get3A_935, %get3A_936] {strides = array<i32>} : memref<4x128x64xf32, #tpu.memory_space<vmem>>, vector<16xf32>,
      %add3A_938 = arith.constant 3 : i32
      %add3A_939 = arith.addi %mul3A_847, %add3A_938 : i32
      %get3A_940 = arith.constant 3 : i32
      %get3A_941 = arith.index_cast %get3A_940 : i32 to index
      %get3A_942 = arith.index_cast %add3A_939 : i32 to index
      %get3A_943 = arith.constant 16 : index
      %get3A_944 = tpu.vector_load %arg6[%get3A_941, %get3A_942, %get3A_943] {strides = array<i32>} : memref<4x128x64xf32, #tpu.memory_space<vmem>>, vector<16xf32>,
      %add3A_945 = arith.constant 3 : i32
      %add3A_946 = arith.addi %mul3A_847, %add3A_945 : i32
      %get3A_947 = arith.constant 3 : i32
      %get3A_948 = arith.index_cast %get3A_947 : i32 to index
      %get3A_949 = arith.index_cast %add3A_946 : i32 to index
      %get3A_950 = arith.constant 32 : index
      %get3A_951 = tpu.vector_load %arg6[%get3A_948, %get3A_949, %get3A_950] {strides = array<i32>} : memref<4x128x64xf32, #tpu.memory_space<vmem>>, vector<16xf32>,
      %add3A_952 = arith.constant 3 : i32
      %add3A_953 = arith.addi %mul3A_847, %add3A_952 : i32
      %get3A_954 = arith.constant 3 : i32
      %get3A_955 = arith.index_cast %get3A_954 : i32 to index
      %get3A_956 = arith.index_cast %add3A_953 : i32 to index
      %get3A_957 = arith.constant 48 : index
      %get3A_958 = tpu.vector_load %arg6[%get3A_955, %get3A_956, %get3A_957] {strides = array<i32>} : memref<4x128x64xf32, #tpu.memory_space<vmem>>, vector<16xf32>,
      %scatter3A = arith.constant 0 : i32
      %scatter3A_959 = arith.constant 0 : i32
      %scatter3A_960 = arith.constant 0 : i32
      %scatter3A_961 = tpu.memref_slice %arg7[%scan3A_337, %scatter3A, %scatter3A_959, %scatter3A_960] : memref<4x8x8x129xf32, #tpu.memory_space<vmem>> -> memref<1x8x8x129xf32, #tpu.memory_space<vmem>>
      %scatter3A_962 = tpu.memref_squeeze %scatter3A_961 : memref<1x8x8x129xf32, #tpu.memory_space<vmem>> -> memref<8x8x129xf32, #tpu.memory_space<vmem>>
      tpu.vector_store_idx %scatter3A_962[%shift_right_arithmetic3A_19, %and3A_30, %scan3A_842], %get3A_853 : memref<8x8x129xf32, #tpu.memory_space<vmem>>[vector<16xi32>, vector<16xi32>, vector<16xi32>], vector<16xf32>,
      %scatter3A_963 = arith.constant 0 : i32
      %scatter3A_964 = arith.constant 0 : i32
      %scatter3A_965 = arith.constant 0 : i32
      %scatter3A_966 = tpu.memref_slice %arg7[%scan3A_337, %scatter3A_963, %scatter3A_964, %scatter3A_965] : memref<4x8x8x129xf32, #tpu.memory_space<vmem>> -> memref<1x8x8x129xf32, #tpu.memory_space<vmem>>
      %scatter3A_967 = tpu.memref_squeeze %scatter3A_966 : memref<1x8x8x129xf32, #tpu.memory_space<vmem>> -> memref<8x8x129xf32, #tpu.memory_space<vmem>>
      tpu.vector_store_idx %scatter3A_967[%shift_right_arithmetic3A_22, %and3A_33, %scan3A_842], %get3A_860 : memref<8x8x129xf32, #tpu.memory_space<vmem>>[vector<16xi32>, vector<16xi32>, vector<16xi32>], vector<16xf32>,
      %scatter3A_968 = arith.constant 0 : i32
      %scatter3A_969 = arith.constant 0 : i32
      %scatter3A_970 = arith.constant 0 : i32
      %scatter3A_971 = tpu.memref_slice %arg7[%scan3A_337, %scatter3A_968, %scatter3A_969, %scatter3A_970] : memref<4x8x8x129xf32, #tpu.memory_space<vmem>> -> memref<1x8x8x129xf32, #tpu.memory_space<vmem>>
      %scatter3A_972 = tpu.memref_squeeze %scatter3A_971 : memref<1x8x8x129xf32, #tpu.memory_space<vmem>> -> memref<8x8x129xf32, #tpu.memory_space<vmem>>
      tpu.vector_store_idx %scatter3A_972[%shift_right_arithmetic3A_25, %and3A_36, %scan3A_842], %get3A_867 : memref<8x8x129xf32, #tpu.memory_space<vmem>>[vector<16xi32>, vector<16xi32>, vector<16xi32>], vector<16xf32>,
      %scatter3A_973 = arith.constant 0 : i32
      %scatter3A_974 = arith.constant 0 : i32
      %scatter3A_975 = arith.constant 0 : i32
      %scatter3A_976 = tpu.memref_slice %arg7[%scan3A_337, %scatter3A_973, %scatter3A_974, %scatter3A_975] : memref<4x8x8x129xf32, #tpu.memory_space<vmem>> -> memref<1x8x8x129xf32, #tpu.memory_space<vmem>>
      %scatter3A_977 = tpu.memref_squeeze %scatter3A_976 : memref<1x8x8x129xf32, #tpu.memory_space<vmem>> -> memref<8x8x129xf32, #tpu.memory_space<vmem>>
      tpu.vector_store_idx %scatter3A_977[%shift_right_arithmetic3A_28, %and3A_39, %scan3A_842], %get3A_874 : memref<8x8x129xf32, #tpu.memory_space<vmem>>[vector<16xi32>, vector<16xi32>, vector<16xi32>], vector<16xf32>,
      %scatter3A_978 = arith.constant 0 : i32
      %scatter3A_979 = arith.constant 0 : i32
      %scatter3A_980 = arith.constant 0 : i32
      %scatter3A_981 = tpu.memref_slice %arg7[%scan3A_337, %scatter3A_978, %scatter3A_979, %scatter3A_980] : memref<4x8x8x129xf32, #tpu.memory_space<vmem>> -> memref<1x8x8x129xf32, #tpu.memory_space<vmem>>
      %scatter3A_982 = tpu.memref_squeeze %scatter3A_981 : memref<1x8x8x129xf32, #tpu.memory_space<vmem>> -> memref<8x8x129xf32, #tpu.memory_space<vmem>>
      tpu.vector_store_idx %scatter3A_982[%shift_right_arithmetic3A_19, %and3A_30, %scan3A_843], %get3A_881 : memref<8x8x129xf32, #tpu.memory_space<vmem>>[vector<16xi32>, vector<16xi32>, vector<16xi32>], vector<16xf32>,
      %scatter3A_983 = arith.constant 0 : i32
      %scatter3A_984 = arith.constant 0 : i32
      %scatter3A_985 = arith.constant 0 : i32
      %scatter3A_986 = tpu.memref_slice %arg7[%scan3A_337, %scatter3A_983, %scatter3A_984, %scatter3A_985] : memref<4x8x8x129xf32, #tpu.memory_space<vmem>> -> memref<1x8x8x129xf32, #tpu.memory_space<vmem>>
      %scatter3A_987 = tpu.memref_squeeze %scatter3A_986 : memref<1x8x8x129xf32, #tpu.memory_space<vmem>> -> memref<8x8x129xf32, #tpu.memory_space<vmem>>
      tpu.vector_store_idx %scatter3A_987[%shift_right_arithmetic3A_22, %and3A_33, %scan3A_843], %get3A_888 : memref<8x8x129xf32, #tpu.memory_space<vmem>>[vector<16xi32>, vector<16xi32>, vector<16xi32>], vector<16xf32>,
      %scatter3A_988 = arith.constant 0 : i32
      %scatter3A_989 = arith.constant 0 : i32
      %scatter3A_990 = arith.constant 0 : i32
      %scatter3A_991 = tpu.memref_slice %arg7[%scan3A_337, %scatter3A_988, %scatter3A_989, %scatter3A_990] : memref<4x8x8x129xf32, #tpu.memory_space<vmem>> -> memref<1x8x8x129xf32, #tpu.memory_space<vmem>>
      %scatter3A_992 = tpu.memref_squeeze %scatter3A_991 : memref<1x8x8x129xf32, #tpu.memory_space<vmem>> -> memref<8x8x129xf32, #tpu.memory_space<vmem>>
      tpu.vector_store_idx %scatter3A_992[%shift_right_arithmetic3A_25, %and3A_36, %scan3A_843], %get3A_895 : memref<8x8x129xf32, #tpu.memory_space<vmem>>[vector<16xi32>, vector<16xi32>, vector<16xi32>], vector<16xf32>,
      %scatter3A_993 = arith.constant 0 : i32
      %scatter3A_994 = arith.constant 0 : i32
      %scatter3A_995 = arith.constant 0 : i32
      %scatter3A_996 = tpu.memref_slice %arg7[%scan3A_337, %scatter3A_993, %scatter3A_994, %scatter3A_995] : memref<4x8x8x129xf32, #tpu.memory_space<vmem>> -> memref<1x8x8x129xf32, #tpu.memory_space<vmem>>
      %scatter3A_997 = tpu.memref_squeeze %scatter3A_996 : memref<1x8x8x129xf32, #tpu.memory_space<vmem>> -> memref<8x8x129xf32, #tpu.memory_space<vmem>>
      tpu.vector_store_idx %scatter3A_997[%shift_right_arithmetic3A_28, %and3A_39, %scan3A_843], %get3A_902 : memref<8x8x129xf32, #tpu.memory_space<vmem>>[vector<16xi32>, vector<16xi32>, vector<16xi32>], vector<16xf32>,
      %scatter3A_998 = arith.constant 0 : i32
      %scatter3A_999 = arith.constant 0 : i32
      %scatter3A_1000 = arith.constant 0 : i32
      %scatter3A_1001 = tpu.memref_slice %arg7[%scan3A_337, %scatter3A_998, %scatter3A_999, %scatter3A_1000] : memref<4x8x8x129xf32, #tpu.memory_space<vmem>> -> memref<1x8x8x129xf32, #tpu.memory_space<vmem>>
      %scatter3A_1002 = tpu.memref_squeeze %scatter3A_1001 : memref<1x8x8x129xf32, #tpu.memory_space<vmem>> -> memref<8x8x129xf32, #tpu.memory_space<vmem>>
      tpu.vector_store_idx %scatter3A_1002[%shift_right_arithmetic3A_19, %and3A_30, %scan3A_844], %get3A_909 : memref<8x8x129xf32, #tpu.memory_space<vmem>>[vector<16xi32>, vector<16xi32>, vector<16xi32>], vector<16xf32>,
      %scatter3A_1003 = arith.constant 0 : i32
      %scatter3A_1004 = arith.constant 0 : i32
      %scatter3A_1005 = arith.constant 0 : i32
      %scatter3A_1006 = tpu.memref_slice %arg7[%scan3A_337, %scatter3A_1003, %scatter3A_1004, %scatter3A_1005] : memref<4x8x8x129xf32, #tpu.memory_space<vmem>> -> memref<1x8x8x129xf32, #tpu.memory_space<vmem>>
      %scatter3A_1007 = tpu.memref_squeeze %scatter3A_1006 : memref<1x8x8x129xf32, #tpu.memory_space<vmem>> -> memref<8x8x129xf32, #tpu.memory_space<vmem>>
      tpu.vector_store_idx %scatter3A_1007[%shift_right_arithmetic3A_22, %and3A_33, %scan3A_844], %get3A_916 : memref<8x8x129xf32, #tpu.memory_space<vmem>>[vector<16xi32>, vector<16xi32>, vector<16xi32>], vector<16xf32>,
      %scatter3A_1008 = arith.constant 0 : i32
      %scatter3A_1009 = arith.constant 0 : i32
      %scatter3A_1010 = arith.constant 0 : i32
      %scatter3A_1011 = tpu.memref_slice %arg7[%scan3A_337, %scatter3A_1008, %scatter3A_1009, %scatter3A_1010] : memref<4x8x8x129xf32, #tpu.memory_space<vmem>> -> memref<1x8x8x129xf32, #tpu.memory_space<vmem>>
      %scatter3A_1012 = tpu.memref_squeeze %scatter3A_1011 : memref<1x8x8x129xf32, #tpu.memory_space<vmem>> -> memref<8x8x129xf32, #tpu.memory_space<vmem>>
      tpu.vector_store_idx %scatter3A_1012[%shift_right_arithmetic3A_25, %and3A_36, %scan3A_844], %get3A_923 : memref<8x8x129xf32, #tpu.memory_space<vmem>>[vector<16xi32>, vector<16xi32>, vector<16xi32>], vector<16xf32>,
      %scatter3A_1013 = arith.constant 0 : i32
      %scatter3A_1014 = arith.constant 0 : i32
      %scatter3A_1015 = arith.constant 0 : i32
      %scatter3A_1016 = tpu.memref_slice %arg7[%scan3A_337, %scatter3A_1013, %scatter3A_1014, %scatter3A_1015] : memref<4x8x8x129xf32, #tpu.memory_space<vmem>> -> memref<1x8x8x129xf32, #tpu.memory_space<vmem>>
      %scatter3A_1017 = tpu.memref_squeeze %scatter3A_1016 : memref<1x8x8x129xf32, #tpu.memory_space<vmem>> -> memref<8x8x129xf32, #tpu.memory_space<vmem>>
      tpu.vector_store_idx %scatter3A_1017[%shift_right_arithmetic3A_28, %and3A_39, %scan3A_844], %get3A_930 : memref<8x8x129xf32, #tpu.memory_space<vmem>>[vector<16xi32>, vector<16xi32>, vector<16xi32>], vector<16xf32>,
      %scatter3A_1018 = arith.constant 0 : i32
      %scatter3A_1019 = arith.constant 0 : i32
      %scatter3A_1020 = arith.constant 0 : i32
      %scatter3A_1021 = tpu.memref_slice %arg7[%scan3A_337, %scatter3A_1018, %scatter3A_1019, %scatter3A_1020] : memref<4x8x8x129xf32, #tpu.memory_space<vmem>> -> memref<1x8x8x129xf32, #tpu.memory_space<vmem>>
      %scatter3A_1022 = tpu.memref_squeeze %scatter3A_1021 : memref<1x8x8x129xf32, #tpu.memory_space<vmem>> -> memref<8x8x129xf32, #tpu.memory_space<vmem>>
      tpu.vector_store_idx %scatter3A_1022[%shift_right_arithmetic3A_19, %and3A_30, %scan3A_845], %get3A_937 : memref<8x8x129xf32, #tpu.memory_space<vmem>>[vector<16xi32>, vector<16xi32>, vector<16xi32>], vector<16xf32>,
      %scatter3A_1023 = arith.constant 0 : i32
      %scatter3A_1024 = arith.constant 0 : i32
      %scatter3A_1025 = arith.constant 0 : i32
      %scatter3A_1026 = tpu.memref_slice %arg7[%scan3A_337, %scatter3A_1023, %scatter3A_1024, %scatter3A_1025] : memref<4x8x8x129xf32, #tpu.memory_space<vmem>> -> memref<1x8x8x129xf32, #tpu.memory_space<vmem>>
      %scatter3A_1027 = tpu.memref_squeeze %scatter3A_1026 : memref<1x8x8x129xf32, #tpu.memory_space<vmem>> -> memref<8x8x129xf32, #tpu.memory_space<vmem>>
      tpu.vector_store_idx %scatter3A_1027[%shift_right_arithmetic3A_22, %and3A_33, %scan3A_845], %get3A_944 : memref<8x8x129xf32, #tpu.memory_space<vmem>>[vector<16xi32>, vector<16xi32>, vector<16xi32>], vector<16xf32>,
      %scatter3A_1028 = arith.constant 0 : i32
      %scatter3A_1029 = arith.constant 0 : i32
      %scatter3A_1030 = arith.constant 0 : i32
      %scatter3A_1031 = tpu.memref_slice %arg7[%scan3A_337, %scatter3A_1028, %scatter3A_1029, %scatter3A_1030] : memref<4x8x8x129xf32, #tpu.memory_space<vmem>> -> memref<1x8x8x129xf32, #tpu.memory_space<vmem>>
      %scatter3A_1032 = tpu.memref_squeeze %scatter3A_1031 : memref<1x8x8x129xf32, #tpu.memory_space<vmem>> -> memref<8x8x129xf32, #tpu.memory_space<vmem>>
      tpu.vector_store_idx %scatter3A_1032[%shift_right_arithmetic3A_25, %and3A_36, %scan3A_845], %get3A_951 : memref<8x8x129xf32, #tpu.memory_space<vmem>>[vector<16xi32>, vector<16xi32>, vector<16xi32>], vector<16xf32>,
      %scatter3A_1033 = arith.constant 0 : i32
      %scatter3A_1034 = arith.constant 0 : i32
      %scatter3A_1035 = arith.constant 0 : i32
      %scatter3A_1036 = tpu.memref_slice %arg7[%scan3A_337, %scatter3A_1033, %scatter3A_1034, %scatter3A_1035] : memref<4x8x8x129xf32, #tpu.memory_space<vmem>> -> memref<1x8x8x129xf32, #tpu.memory_space<vmem>>
      %scatter3A_1037 = tpu.memref_squeeze %scatter3A_1036 : memref<1x8x8x129xf32, #tpu.memory_space<vmem>> -> memref<8x8x129xf32, #tpu.memory_space<vmem>>
      tpu.vector_store_idx %scatter3A_1037[%shift_right_arithmetic3A_28, %and3A_39, %scan3A_845], %get3A_958 : memref<8x8x129xf32, #tpu.memory_space<vmem>>[vector<16xi32>, vector<16xi32>, vector<16xi32>], vector<16xf32>,
      %add3A_1038 = arith.constant 4 : i32
      %add3A_1039 = vector.broadcast %add3A_1038 : i32 to vector<16xi32>
      %add3A_1040 = arith.addi %scan3A_842, %add3A_1039 : vector<16xi32>
      %add3A_1041 = arith.constant 4 : i32
      %add3A_1042 = vector.broadcast %add3A_1041 : i32 to vector<16xi32>
      %add3A_1043 = arith.addi %scan3A_843, %add3A_1042 : vector<16xi32>
      %add3A_1044 = arith.constant 4 : i32
      %add3A_1045 = vector.broadcast %add3A_1044 : i32 to vector<16xi32>
      %add3A_1046 = arith.addi %scan3A_844, %add3A_1045 : vector<16xi32>
      %add3A_1047 = arith.constant 4 : i32
      %add3A_1048 = vector.broadcast %add3A_1047 : i32 to vector<16xi32>
      %add3A_1049 = arith.addi %scan3A_845, %add3A_1048 : vector<16xi32>
      scf.yield %add3A_1040, %add3A_1043, %add3A_1046, %add3A_1049 : vector<16xi32>, vector<16xi32>, vector<16xi32>, vector<16xi32>
    }
    %scan3A_343 = arith.constant 32 : i32
    %shift_right_arithmetic3A_344 = arith.constant 5 : i32
    %shift_right_arithmetic3A_345 = arith.shrsi %add3A_312, %shift_right_arithmetic3A_344 : i32
    %and3A_346 = arith.constant 31 : i32
    %and3A_347 = arith.andi %add3A_312, %and3A_346 : i32
    %dma_start3A_348 = arith.constant 3 : i32
    %dma_start3A_349 = arith.constant 0 : i32
    %dma_start3A_350 = arith.constant 0 : i32
    %dma_start3A_351 = arith.constant 0 : i32
    %dma_start3A_352 = tpu.memref_slice %arg7[%dma_start3A_348, %dma_start3A_349, %dma_start3A_350, %dma_start3A_351] : memref<4x8x8x129xf32, #tpu.memory_space<vmem>> -> memref<1x8x8x128xf32, #tpu.memory_space<vmem>>
    %dma_start3A_353 = tpu.memref_squeeze %dma_start3A_352 : memref<1x8x8x128xf32, #tpu.memory_space<vmem>> -> memref<8x8x128xf32, #tpu.memory_space<vmem>>
    %dma_start3A_354 = arith.constant 0 : i32
    %dma_start3A_355 = arith.constant 0 : i32
    %dma_start3A_356 = arith.constant 0 : i32
    %dma_start3A_357 = tpu.memref_slice %arg4[%shift_right_arithmetic3A_345, %dma_start3A_354, %and3A_347, %dma_start3A_355, %dma_start3A_356] : memref<200x8x32x8x128xf32, #tpu.memory_space<hbm>> -> memref<1x8x1x8x128xf32, #tpu.memory_space<hbm>>
    %dma_start3A_358 = tpu.memref_squeeze %dma_start3A_357 : memref<1x8x1x8x128xf32, #tpu.memory_space<hbm>> -> memref<8x8x128xf32, #tpu.memory_space<hbm>>
    %dma_start3A_359 = arith.constant 0 : i32
    %dma_start3A_360 = arith.constant 0 : i32
    %dma_start3A_361 = arith.constant 0 : i32
    %dma_start3A_362 = tpu.memref_slice %arg4[%shift_right_arithmetic3A_345, %dma_start3A_359, %and3A_347, %dma_start3A_360, %dma_start3A_361] : memref<200x8x32x8x128xf32, #tpu.memory_space<hbm>> -> memref<1x8x1x8x128xf32, #tpu.memory_space<hbm>>
    %dma_start3A_363 = tpu.memref_squeeze %dma_start3A_362 : memref<1x8x1x8x128xf32, #tpu.memory_space<hbm>> -> memref<8x8x128xf32, #tpu.memory_space<hbm>>
    %dma_start3A_364 = arith.constant 0 : i32
    %dma_start3A_365 = arith.constant 0 : i32
    %dma_start3A_366 = arith.constant 0 : i32
    %dma_start3A_367 = tpu.memref_slice %arg7[%dma_start3A_348, %dma_start3A_364, %dma_start3A_365, %dma_start3A_366] : memref<4x8x8x129xf32, #tpu.memory_space<vmem>> -> memref<1x8x8x128xf32, #tpu.memory_space<vmem>>
    %dma_start3A_368 = tpu.memref_squeeze %dma_start3A_367 : memref<1x8x8x128xf32, #tpu.memory_space<vmem>> -> memref<8x8x128xf32, #tpu.memory_space<vmem>>
    tpu.enqueue_dma source(%dma_start3A_368 : memref<8x8x128xf32, #tpu.memory_space<vmem>>) target(%dma_start3A_363 : memref<8x8x128xf32, #tpu.memory_space<hbm>>) target_semaphore(%arg15 : memref<!tpu.dma_semaphore, #tpu.memory_space<semaphore_mem>>)
    %add3A_369 = arith.constant 4 : i32
    %add3A_370 = arith.addi %add3A_312, %add3A_369 : i32
    %sub3A_371 = arith.subi %add3A_370, %mul3A_2 : i32
    %mul3A_372 = arith.constant 128 : i32
    %mul3A_373 = arith.muli %sub3A_371, %mul3A_372 : i32
    %dma_start3A_374 = arith.constant 3 : i32
    %dma_start3A_375 = arith.constant 0 : i32
    %dma_start3A_376 = arith.constant 0 : i32
    %dma_start3A_377 = tpu.memref_slice %arg6[%dma_start3A_374, %dma_start3A_375, %dma_start3A_376] : memref<4x128x64xf32, #tpu.memory_space<vmem>> -> memref<1x128x64xf32, #tpu.memory_space<vmem>>
    %dma_start3A_378 = tpu.memref_squeeze %dma_start3A_377 : memref<1x128x64xf32, #tpu.memory_space<vmem>> -> memref<128x64xf32, #tpu.memory_space<vmem>>
    %dma_start3A_379 = tpu.memref_slice %arg5[%mul3A_373] : memref<25600xi32, #tpu.memory_space<vmem>> -> memref<128xi32, #tpu.memory_space<vmem>>
    %dma_start3A_380 = arith.constant 0 : i32
    %dma_start3A_381 = arith.constant 0 : i32
    %dma_start3A_382 = tpu.memref_slice %arg3[%dma_start3A_380, %dma_start3A_381] : memref<100000x64xf32, #tpu.memory_space<hbm>> -> memref<100000x64xf32, #tpu.memory_space<hbm>>
    tpu.enqueue_indirect_dma source(%dma_start3A_382 : memref<100000x64xf32, #tpu.memory_space<hbm>>) target(%dma_start3A_378 : memref<128x64xf32, #tpu.memory_space<vmem>>) offsets(%dma_start3A_379 : memref<128xi32, #tpu.memory_space<vmem>>) semaphore(%arg11 : memref<!tpu.dma_semaphore, #tpu.memory_space<semaphore_mem>>)
    %scan3A_383 = arith.constant 0 : i32
    %scan3A_384 = arith.constant 1 : i32
    %scan3A_385 = arith.constant 48 : i32
    %scan3A_386 = arith.addi %scan3A_384, %scan3A_385 : i32
    %scan3A_387 = arith.constant 1 : i32
    scf.for %scan3A_841 = %scan3A_384 to %scan3A_386 step %scan3A_387  : i32 {
      %mul3A_842 = arith.constant 4 : i32
      %mul3A_843 = arith.muli %scan3A_841, %mul3A_842 : i32
      %add3A_844 = arith.addi %mul3A_2, %mul3A_843 : i32
      %add3A_845 = arith.constant 0 : i32
      %add3A_846 = arith.addi %add3A_844, %add3A_845 : i32
      %sub3A_847 = arith.subi %add3A_846, %mul3A_2 : i32
      %mul3A_848 = arith.constant 128 : i32
      %mul3A_849 = arith.muli %sub3A_847, %mul3A_848 : i32
      %dma_wait3A_850 = arith.constant 0 : i32
      %dma_wait3A_851 = arith.constant 0 : i32
      %dma_wait3A_852 = arith.constant 0 : i32
      %dma_wait3A_853 = tpu.memref_slice %arg6[%dma_wait3A_850, %dma_wait3A_851, %dma_wait3A_852] : memref<4x128x64xf32, #tpu.memory_space<vmem>> -> memref<1x128x64xf32, #tpu.memory_space<vmem>>
      %dma_wait3A_854 = tpu.memref_squeeze %dma_wait3A_853 : memref<1x128x64xf32, #tpu.memory_space<vmem>> -> memref<128x64xf32, #tpu.memory_space<vmem>>
      %dma_wait3A_855 = tpu.memref_slice %arg5[%mul3A_849] : memref<25600xi32, #tpu.memory_space<vmem>> -> memref<128xi32, #tpu.memory_space<vmem>>
      %dma_wait3A_856 = arith.constant 0 : i32
      %dma_wait3A_857 = arith.constant 0 : i32
      %dma_wait3A_858 = tpu.memref_slice %arg3[%dma_wait3A_856, %dma_wait3A_857] : memref<100000x64xf32, #tpu.memory_space<hbm>> -> memref<100000x64xf32, #tpu.memory_space<hbm>>
      tpu.wait_indirect_dma semaphore(%arg8 : memref<!tpu.dma_semaphore, #tpu.memory_space<semaphore_mem>>) src(%dma_wait3A_858 : memref<100000x64xf32, #tpu.memory_space<hbm>>) dst(%dma_wait3A_854 : memref<128x64xf32, #tpu.memory_space<vmem>>)
      %sub3A_859 = arith.constant 4 : i32
      %sub3A_860 = arith.subi %add3A_846, %sub3A_859 : i32
      %shift_right_arithmetic3A_861 = arith.constant 5 : i32
      %shift_right_arithmetic3A_862 = arith.shrsi %sub3A_860, %shift_right_arithmetic3A_861 : i32
      %and3A_863 = arith.constant 31 : i32
      %and3A_864 = arith.andi %sub3A_860, %and3A_863 : i32
      %dma_wait3A_865 = arith.constant 0 : i32
      %dma_wait3A_866 = arith.constant 0 : i32
      %dma_wait3A_867 = arith.constant 0 : i32
      %dma_wait3A_868 = arith.constant 0 : i32
      %dma_wait3A_869 = tpu.memref_slice %arg7[%dma_wait3A_865, %dma_wait3A_866, %dma_wait3A_867, %dma_wait3A_868] : memref<4x8x8x129xf32, #tpu.memory_space<vmem>> -> memref<1x8x8x128xf32, #tpu.memory_space<vmem>>
      %dma_wait3A_870 = tpu.memref_squeeze %dma_wait3A_869 : memref<1x8x8x128xf32, #tpu.memory_space<vmem>> -> memref<8x8x128xf32, #tpu.memory_space<vmem>>
      %dma_wait3A_871 = arith.constant 0 : i32
      %dma_wait3A_872 = arith.constant 0 : i32
      %dma_wait3A_873 = arith.constant 0 : i32
      %dma_wait3A_874 = tpu.memref_slice %arg4[%shift_right_arithmetic3A_862, %dma_wait3A_871, %and3A_864, %dma_wait3A_872, %dma_wait3A_873] : memref<200x8x32x8x128xf32, #tpu.memory_space<hbm>> -> memref<1x8x1x8x128xf32, #tpu.memory_space<hbm>>
      %dma_wait3A_875 = tpu.memref_squeeze %dma_wait3A_874 : memref<1x8x1x8x128xf32, #tpu.memory_space<hbm>> -> memref<8x8x128xf32, #tpu.memory_space<hbm>>
      %dma_wait3A_876 = arith.constant 0 : i32
      %dma_wait3A_877 = arith.constant 0 : i32
      %dma_wait3A_878 = arith.constant 0 : i32
      %dma_wait3A_879 = tpu.memref_slice %arg4[%shift_right_arithmetic3A_862, %dma_wait3A_876, %and3A_864, %dma_wait3A_877, %dma_wait3A_878] : memref<200x8x32x8x128xf32, #tpu.memory_space<hbm>> -> memref<1x8x1x8x128xf32, #tpu.memory_space<hbm>>
      %dma_wait3A_880 = tpu.memref_squeeze %dma_wait3A_879 : memref<1x8x1x8x128xf32, #tpu.memory_space<hbm>> -> memref<8x8x128xf32, #tpu.memory_space<hbm>>
      %dma_wait3A_881 = arith.constant 0 : i32
      %dma_wait3A_882 = arith.constant 0 : i32
      %dma_wait3A_883 = arith.constant 0 : i32
      %dma_wait3A_884 = tpu.memref_slice %arg7[%dma_wait3A_865, %dma_wait3A_881, %dma_wait3A_882, %dma_wait3A_883] : memref<4x8x8x129xf32, #tpu.memory_space<vmem>> -> memref<1x8x8x128xf32, #tpu.memory_space<vmem>>
      %dma_wait3A_885 = tpu.memref_squeeze %dma_wait3A_884 : memref<1x8x8x128xf32, #tpu.memory_space<vmem>> -> memref<8x8x128xf32, #tpu.memory_space<vmem>>
      tpu.wait_dma2 semaphore(%arg12 : memref<!tpu.dma_semaphore, #tpu.memory_space<semaphore_mem>>) src(%dma_wait3A_885 : memref<8x8x128xf32, #tpu.memory_space<vmem>>) dst(%dma_wait3A_880 : memref<8x8x128xf32, #tpu.memory_space<hbm>>)
      %add3A_886 = arith.constant 0 : i32
      %add3A_887 = vector.broadcast %add3A_886 : i32 to vector<16xi32>
      %add3A_888 = arith.addi %broadcast_in_dim3A_40, %add3A_887 : vector<16xi32>
      %add3A_889 = arith.constant 1 : i32
      %add3A_890 = vector.broadcast %add3A_889 : i32 to vector<16xi32>
      %add3A_891 = arith.addi %broadcast_in_dim3A_40, %add3A_890 : vector<16xi32>
      %add3A_892 = arith.constant 2 : i32
      %add3A_893 = vector.broadcast %add3A_892 : i32 to vector<16xi32>
      %add3A_894 = arith.addi %broadcast_in_dim3A_40, %add3A_893 : vector<16xi32>
      %add3A_895 = arith.constant 3 : i32
      %add3A_896 = vector.broadcast %add3A_895 : i32 to vector<16xi32>
      %add3A_897 = arith.addi %broadcast_in_dim3A_40, %add3A_896 : vector<16xi32>
      %scan3A_898 = arith.constant 0 : i32
      %scan3A_899 = arith.constant 0 : i32
      %scan3A_900 = arith.constant 32 : i32
      %scan3A_901 = arith.addi %scan3A_899, %scan3A_900 : i32
      %scan3A_902 = arith.constant 1 : i32
      %scan3A_903:4 = scf.for %scan3A_1241 = %scan3A_899 to %scan3A_901 step %scan3A_902 iter_args(%scan3A_1242 = %add3A_888, %scan3A_1243 = %add3A_891, %scan3A_1244 = %add3A_894, %scan3A_1245 = %add3A_897) -> (vector<16xi32>, vector<16xi32>, vector<16xi32>, vector<16xi32>)  : i32 {
        %mul3A_1246 = arith.constant 4 : i32
        %mul3A_1247 = arith.muli %scan3A_1241, %mul3A_1246 : i32
        %add3A_1248 = arith.constant 0 : i32
        %add3A_1249 = arith.addi %mul3A_1247, %add3A_1248 : i32
        %get3A = arith.constant 0 : i32
        %get3A_1250 = arith.index_cast %get3A : i32 to index
        %get3A_1251 = arith.index_cast %add3A_1249 : i32 to index
        %get3A_1252 = arith.constant 0 : index
        %get3A_1253 = tpu.vector_load %arg6[%get3A_1250, %get3A_1251, %get3A_1252] {strides = array<i32>} : memref<4x128x64xf32, #tpu.memory_space<vmem>>, vector<16xf32>,
        %add3A_1254 = arith.constant 0 : i32
        %add3A_1255 = arith.addi %mul3A_1247, %add3A_1254 : i32
        %get3A_1256 = arith.constant 0 : i32
        %get3A_1257 = arith.index_cast %get3A_1256 : i32 to index
        %get3A_1258 = arith.index_cast %add3A_1255 : i32 to index
        %get3A_1259 = arith.constant 16 : index
        %get3A_1260 = tpu.vector_load %arg6[%get3A_1257, %get3A_1258, %get3A_1259] {strides = array<i32>} : memref<4x128x64xf32, #tpu.memory_space<vmem>>, vector<16xf32>,
        %add3A_1261 = arith.constant 0 : i32
        %add3A_1262 = arith.addi %mul3A_1247, %add3A_1261 : i32
        %get3A_1263 = arith.constant 0 : i32
        %get3A_1264 = arith.index_cast %get3A_1263 : i32 to index
        %get3A_1265 = arith.index_cast %add3A_1262 : i32 to index
        %get3A_1266 = arith.constant 32 : index
        %get3A_1267 = tpu.vector_load %arg6[%get3A_1264, %get3A_1265, %get3A_1266] {strides = array<i32>} : memref<4x128x64xf32, #tpu.memory_space<vmem>>, vector<16xf32>,
        %add3A_1268 = arith.constant 0 : i32
        %add3A_1269 = arith.addi %mul3A_1247, %add3A_1268 : i32
        %get3A_1270 = arith.constant 0 : i32
        %get3A_1271 = arith.index_cast %get3A_1270 : i32 to index
        %get3A_1272 = arith.index_cast %add3A_1269 : i32 to index
        %get3A_1273 = arith.constant 48 : index
        %get3A_1274 = tpu.vector_load %arg6[%get3A_1271, %get3A_1272, %get3A_1273] {strides = array<i32>} : memref<4x128x64xf32, #tpu.memory_space<vmem>>, vector<16xf32>,
        %add3A_1275 = arith.constant 1 : i32
        %add3A_1276 = arith.addi %mul3A_1247, %add3A_1275 : i32
        %get3A_1277 = arith.constant 0 : i32
        %get3A_1278 = arith.index_cast %get3A_1277 : i32 to index
        %get3A_1279 = arith.index_cast %add3A_1276 : i32 to index
        %get3A_1280 = arith.constant 0 : index
        %get3A_1281 = tpu.vector_load %arg6[%get3A_1278, %get3A_1279, %get3A_1280] {strides = array<i32>} : memref<4x128x64xf32, #tpu.memory_space<vmem>>, vector<16xf32>,
        %add3A_1282 = arith.constant 1 : i32
        %add3A_1283 = arith.addi %mul3A_1247, %add3A_1282 : i32
        %get3A_1284 = arith.constant 0 : i32
        %get3A_1285 = arith.index_cast %get3A_1284 : i32 to index
        %get3A_1286 = arith.index_cast %add3A_1283 : i32 to index
        %get3A_1287 = arith.constant 16 : index
        %get3A_1288 = tpu.vector_load %arg6[%get3A_1285, %get3A_1286, %get3A_1287] {strides = array<i32>} : memref<4x128x64xf32, #tpu.memory_space<vmem>>, vector<16xf32>,
        %add3A_1289 = arith.constant 1 : i32
        %add3A_1290 = arith.addi %mul3A_1247, %add3A_1289 : i32
        %get3A_1291 = arith.constant 0 : i32
        %get3A_1292 = arith.index_cast %get3A_1291 : i32 to index
        %get3A_1293 = arith.index_cast %add3A_1290 : i32 to index
        %get3A_1294 = arith.constant 32 : index
        %get3A_1295 = tpu.vector_load %arg6[%get3A_1292, %get3A_1293, %get3A_1294] {strides = array<i32>} : memref<4x128x64xf32, #tpu.memory_space<vmem>>, vector<16xf32>,
        %add3A_1296 = arith.constant 1 : i32
        %add3A_1297 = arith.addi %mul3A_1247, %add3A_1296 : i32
        %get3A_1298 = arith.constant 0 : i32
        %get3A_1299 = arith.index_cast %get3A_1298 : i32 to index
        %get3A_1300 = arith.index_cast %add3A_1297 : i32 to index
        %get3A_1301 = arith.constant 48 : index
        %get3A_1302 = tpu.vector_load %arg6[%get3A_1299, %get3A_1300, %get3A_1301] {strides = array<i32>} : memref<4x128x64xf32, #tpu.memory_space<vmem>>, vector<16xf32>,
        %add3A_1303 = arith.constant 2 : i32
        %add3A_1304 = arith.addi %mul3A_1247, %add3A_1303 : i32
        %get3A_1305 = arith.constant 0 : i32
        %get3A_1306 = arith.index_cast %get3A_1305 : i32 to index
        %get3A_1307 = arith.index_cast %add3A_1304 : i32 to index
        %get3A_1308 = arith.constant 0 : index
        %get3A_1309 = tpu.vector_load %arg6[%get3A_1306, %get3A_1307, %get3A_1308] {strides = array<i32>} : memref<4x128x64xf32, #tpu.memory_space<vmem>>, vector<16xf32>,
        %add3A_1310 = arith.constant 2 : i32
        %add3A_1311 = arith.addi %mul3A_1247, %add3A_1310 : i32
        %get3A_1312 = arith.constant 0 : i32
        %get3A_1313 = arith.index_cast %get3A_1312 : i32 to index
        %get3A_1314 = arith.index_cast %add3A_1311 : i32 to index
        %get3A_1315 = arith.constant 16 : index
        %get3A_1316 = tpu.vector_load %arg6[%get3A_1313, %get3A_1314, %get3A_1315] {strides = array<i32>} : memref<4x128x64xf32, #tpu.memory_space<vmem>>, vector<16xf32>,
        %add3A_1317 = arith.constant 2 : i32
        %add3A_1318 = arith.addi %mul3A_1247, %add3A_1317 : i32
        %get3A_1319 = arith.constant 0 : i32
        %get3A_1320 = arith.index_cast %get3A_1319 : i32 to index
        %get3A_1321 = arith.index_cast %add3A_1318 : i32 to index
        %get3A_1322 = arith.constant 32 : index
        %get3A_1323 = tpu.vector_load %arg6[%get3A_1320, %get3A_1321, %get3A_1322] {strides = array<i32>} : memref<4x128x64xf32, #tpu.memory_space<vmem>>, vector<16xf32>,
        %add3A_1324 = arith.constant 2 : i32
        %add3A_1325 = arith.addi %mul3A_1247, %add3A_1324 : i32
        %get3A_1326 = arith.constant 0 : i32
        %get3A_1327 = arith.index_cast %get3A_1326 : i32 to index
        %get3A_1328 = arith.index_cast %add3A_1325 : i32 to index
        %get3A_1329 = arith.constant 48 : index
        %get3A_1330 = tpu.vector_load %arg6[%get3A_1327, %get3A_1328, %get3A_1329] {strides = array<i32>} : memref<4x128x64xf32, #tpu.memory_space<vmem>>, vector<16xf32>,
        %add3A_1331 = arith.constant 3 : i32
        %add3A_1332 = arith.addi %mul3A_1247, %add3A_1331 : i32
        %get3A_1333 = arith.constant 0 : i32
        %get3A_1334 = arith.index_cast %get3A_1333 : i32 to index
        %get3A_1335 = arith.index_cast %add3A_1332 : i32 to index
        %get3A_1336 = arith.constant 0 : index
        %get3A_1337 = tpu.vector_load %arg6[%get3A_1334, %get3A_1335, %get3A_1336] {strides = array<i32>} : memref<4x128x64xf32, #tpu.memory_space<vmem>>, vector<16xf32>,
        %add3A_1338 = arith.constant 3 : i32
        %add3A_1339 = arith.addi %mul3A_1247, %add3A_1338 : i32
        %get3A_1340 = arith.constant 0 : i32
        %get3A_1341 = arith.index_cast %get3A_1340 : i32 to index
        %get3A_1342 = arith.index_cast %add3A_1339 : i32 to index
        %get3A_1343 = arith.constant 16 : index
        %get3A_1344 = tpu.vector_load %arg6[%get3A_1341, %get3A_1342, %get3A_1343] {strides = array<i32>} : memref<4x128x64xf32, #tpu.memory_space<vmem>>, vector<16xf32>,
        %add3A_1345 = arith.constant 3 : i32
        %add3A_1346 = arith.addi %mul3A_1247, %add3A_1345 : i32
        %get3A_1347 = arith.constant 0 : i32
        %get3A_1348 = arith.index_cast %get3A_1347 : i32 to index
        %get3A_1349 = arith.index_cast %add3A_1346 : i32 to index
        %get3A_1350 = arith.constant 32 : index
        %get3A_1351 = tpu.vector_load %arg6[%get3A_1348, %get3A_1349, %get3A_1350] {strides = array<i32>} : memref<4x128x64xf32, #tpu.memory_space<vmem>>, vector<16xf32>,
        %add3A_1352 = arith.constant 3 : i32
        %add3A_1353 = arith.addi %mul3A_1247, %add3A_1352 : i32
        %get3A_1354 = arith.constant 0 : i32
        %get3A_1355 = arith.index_cast %get3A_1354 : i32 to index
        %get3A_1356 = arith.index_cast %add3A_1353 : i32 to index
        %get3A_1357 = arith.constant 48 : index
        %get3A_1358 = tpu.vector_load %arg6[%get3A_1355, %get3A_1356, %get3A_1357] {strides = array<i32>} : memref<4x128x64xf32, #tpu.memory_space<vmem>>, vector<16xf32>,
        %scatter3A = arith.constant 0 : i32
        %scatter3A_1359 = arith.constant 0 : i32
        %scatter3A_1360 = arith.constant 0 : i32
        %scatter3A_1361 = tpu.memref_slice %arg7[%scan3A_898, %scatter3A, %scatter3A_1359, %scatter3A_1360] : memref<4x8x8x129xf32, #tpu.memory_space<vmem>> -> memref<1x8x8x129xf32, #tpu.memory_space<vmem>>
        %scatter3A_1362 = tpu.memref_squeeze %scatter3A_1361 : memref<1x8x8x129xf32, #tpu.memory_space<vmem>> -> memref<8x8x129xf32, #tpu.memory_space<vmem>>
        tpu.vector_store_idx %scatter3A_1362[%shift_right_arithmetic3A_19, %and3A_30, %scan3A_1242], %get3A_1253 : memref<8x8x129xf32, #tpu.memory_space<vmem>>[vector<16xi32>, vector<16xi32>, vector<16xi32>], vector<16xf32>,
        %scatter3A_1363 = arith.constant 0 : i32
        %scatter3A_1364 = arith.constant 0 : i32
        %scatter3A_1365 = arith.constant 0 : i32
        %scatter3A_1366 = tpu.memref_slice %arg7[%scan3A_898, %scatter3A_1363, %scatter3A_1364, %scatter3A_1365] : memref<4x8x8x129xf32, #tpu.memory_space<vmem>> -> memref<1x8x8x129xf32, #tpu.memory_space<vmem>>
        %scatter3A_1367 = tpu.memref_squeeze %scatter3A_1366 : memref<1x8x8x129xf32, #tpu.memory_space<vmem>> -> memref<8x8x129xf32, #tpu.memory_space<vmem>>
        tpu.vector_store_idx %scatter3A_1367[%shift_right_arithmetic3A_22, %and3A_33, %scan3A_1242], %get3A_1260 : memref<8x8x129xf32, #tpu.memory_space<vmem>>[vector<16xi32>, vector<16xi32>, vector<16xi32>], vector<16xf32>,
        %scatter3A_1368 = arith.constant 0 : i32
        %scatter3A_1369 = arith.constant 0 : i32
        %scatter3A_1370 = arith.constant 0 : i32
        %scatter3A_1371 = tpu.memref_slice %arg7[%scan3A_898, %scatter3A_1368, %scatter3A_1369, %scatter3A_1370] : memref<4x8x8x129xf32, #tpu.memory_space<vmem>> -> memref<1x8x8x129xf32, #tpu.memory_space<vmem>>
        %scatter3A_1372 = tpu.memref_squeeze %scatter3A_1371 : memref<1x8x8x129xf32, #tpu.memory_space<vmem>> -> memref<8x8x129xf32, #tpu.memory_space<vmem>>
        tpu.vector_store_idx %scatter3A_1372[%shift_right_arithmetic3A_25, %and3A_36, %scan3A_1242], %get3A_1267 : memref<8x8x129xf32, #tpu.memory_space<vmem>>[vector<16xi32>, vector<16xi32>, vector<16xi32>], vector<16xf32>,
        %scatter3A_1373 = arith.constant 0 : i32
        %scatter3A_1374 = arith.constant 0 : i32
        %scatter3A_1375 = arith.constant 0 : i32
        %scatter3A_1376 = tpu.memref_slice %arg7[%scan3A_898, %scatter3A_1373, %scatter3A_1374, %scatter3A_1375] : memref<4x8x8x129xf32, #tpu.memory_space<vmem>> -> memref<1x8x8x129xf32, #tpu.memory_space<vmem>>
        %scatter3A_1377 = tpu.memref_squeeze %scatter3A_1376 : memref<1x8x8x129xf32, #tpu.memory_space<vmem>> -> memref<8x8x129xf32, #tpu.memory_space<vmem>>
        tpu.vector_store_idx %scatter3A_1377[%shift_right_arithmetic3A_28, %and3A_39, %scan3A_1242], %get3A_1274 : memref<8x8x129xf32, #tpu.memory_space<vmem>>[vector<16xi32>, vector<16xi32>, vector<16xi32>], vector<16xf32>,
        %scatter3A_1378 = arith.constant 0 : i32
        %scatter3A_1379 = arith.constant 0 : i32
        %scatter3A_1380 = arith.constant 0 : i32
        %scatter3A_1381 = tpu.memref_slice %arg7[%scan3A_898, %scatter3A_1378, %scatter3A_1379, %scatter3A_1380] : memref<4x8x8x129xf32, #tpu.memory_space<vmem>> -> memref<1x8x8x129xf32, #tpu.memory_space<vmem>>
        %scatter3A_1382 = tpu.memref_squeeze %scatter3A_1381 : memref<1x8x8x129xf32, #tpu.memory_space<vmem>> -> memref<8x8x129xf32, #tpu.memory_space<vmem>>
        tpu.vector_store_idx %scatter3A_1382[%shift_right_arithmetic3A_19, %and3A_30, %scan3A_1243], %get3A_1281 : memref<8x8x129xf32, #tpu.memory_space<vmem>>[vector<16xi32>, vector<16xi32>, vector<16xi32>], vector<16xf32>,
        %scatter3A_1383 = arith.constant 0 : i32
        %scatter3A_1384 = arith.constant 0 : i32
        %scatter3A_1385 = arith.constant 0 : i32
        %scatter3A_1386 = tpu.memref_slice %arg7[%scan3A_898, %scatter3A_1383, %scatter3A_1384, %scatter3A_1385] : memref<4x8x8x129xf32, #tpu.memory_space<vmem>> -> memref<1x8x8x129xf32, #tpu.memory_space<vmem>>
        %scatter3A_1387 = tpu.memref_squeeze %scatter3A_1386 : memref<1x8x8x129xf32, #tpu.memory_space<vmem>> -> memref<8x8x129xf32, #tpu.memory_space<vmem>>
        tpu.vector_store_idx %scatter3A_1387[%shift_right_arithmetic3A_22, %and3A_33, %scan3A_1243], %get3A_1288 : memref<8x8x129xf32, #tpu.memory_space<vmem>>[vector<16xi32>, vector<16xi32>, vector<16xi32>], vector<16xf32>,
        %scatter3A_1388 = arith.constant 0 : i32
        %scatter3A_1389 = arith.constant 0 : i32
        %scatter3A_1390 = arith.constant 0 : i32
        %scatter3A_1391 = tpu.memref_slice %arg7[%scan3A_898, %scatter3A_1388, %scatter3A_1389, %scatter3A_1390] : memref<4x8x8x129xf32, #tpu.memory_space<vmem>> -> memref<1x8x8x129xf32, #tpu.memory_space<vmem>>
        %scatter3A_1392 = tpu.memref_squeeze %scatter3A_1391 : memref<1x8x8x129xf32, #tpu.memory_space<vmem>> -> memref<8x8x129xf32, #tpu.memory_space<vmem>>
        tpu.vector_store_idx %scatter3A_1392[%shift_right_arithmetic3A_25, %and3A_36, %scan3A_1243], %get3A_1295 : memref<8x8x129xf32, #tpu.memory_space<vmem>>[vector<16xi32>, vector<16xi32>, vector<16xi32>], vector<16xf32>,
        %scatter3A_1393 = arith.constant 0 : i32
        %scatter3A_1394 = arith.constant 0 : i32
        %scatter3A_1395 = arith.constant 0 : i32
        %scatter3A_1396 = tpu.memref_slice %arg7[%scan3A_898, %scatter3A_1393, %scatter3A_1394, %scatter3A_1395] : memref<4x8x8x129xf32, #tpu.memory_space<vmem>> -> memref<1x8x8x129xf32, #tpu.memory_space<vmem>>
        %scatter3A_1397 = tpu.memref_squeeze %scatter3A_1396 : memref<1x8x8x129xf32, #tpu.memory_space<vmem>> -> memref<8x8x129xf32, #tpu.memory_space<vmem>>
        tpu.vector_store_idx %scatter3A_1397[%shift_right_arithmetic3A_28, %and3A_39, %scan3A_1243], %get3A_1302 : memref<8x8x129xf32, #tpu.memory_space<vmem>>[vector<16xi32>, vector<16xi32>, vector<16xi32>], vector<16xf32>,
        %scatter3A_1398 = arith.constant 0 : i32
        %scatter3A_1399 = arith.constant 0 : i32
        %scatter3A_1400 = arith.constant 0 : i32
        %scatter3A_1401 = tpu.memref_slice %arg7[%scan3A_898, %scatter3A_1398, %scatter3A_1399, %scatter3A_1400] : memref<4x8x8x129xf32, #tpu.memory_space<vmem>> -> memref<1x8x8x129xf32, #tpu.memory_space<vmem>>
        %scatter3A_1402 = tpu.memref_squeeze %scatter3A_1401 : memref<1x8x8x129xf32, #tpu.memory_space<vmem>> -> memref<8x8x129xf32, #tpu.memory_space<vmem>>
        tpu.vector_store_idx %scatter3A_1402[%shift_right_arithmetic3A_19, %and3A_30, %scan3A_1244], %get3A_1309 : memref<8x8x129xf32, #tpu.memory_space<vmem>>[vector<16xi32>, vector<16xi32>, vector<16xi32>], vector<16xf32>,
        %scatter3A_1403 = arith.constant 0 : i32
        %scatter3A_1404 = arith.constant 0 : i32
        %scatter3A_1405 = arith.constant 0 : i32
        %scatter3A_1406 = tpu.memref_slice %arg7[%scan3A_898, %scatter3A_1403, %scatter3A_1404, %scatter3A_1405] : memref<4x8x8x129xf32, #tpu.memory_space<vmem>> -> memref<1x8x8x129xf32, #tpu.memory_space<vmem>>
        %scatter3A_1407 = tpu.memref_squeeze %scatter3A_1406 : memref<1x8x8x129xf32, #tpu.memory_space<vmem>> -> memref<8x8x129xf32, #tpu.memory_space<vmem>>
        tpu.vector_store_idx %scatter3A_1407[%shift_right_arithmetic3A_22, %and3A_33, %scan3A_1244], %get3A_1316 : memref<8x8x129xf32, #tpu.memory_space<vmem>>[vector<16xi32>, vector<16xi32>, vector<16xi32>], vector<16xf32>,
        %scatter3A_1408 = arith.constant 0 : i32
        %scatter3A_1409 = arith.constant 0 : i32
        %scatter3A_1410 = arith.constant 0 : i32
        %scatter3A_1411 = tpu.memref_slice %arg7[%scan3A_898, %scatter3A_1408, %scatter3A_1409, %scatter3A_1410] : memref<4x8x8x129xf32, #tpu.memory_space<vmem>> -> memref<1x8x8x129xf32, #tpu.memory_space<vmem>>
        %scatter3A_1412 = tpu.memref_squeeze %scatter3A_1411 : memref<1x8x8x129xf32, #tpu.memory_space<vmem>> -> memref<8x8x129xf32, #tpu.memory_space<vmem>>
        tpu.vector_store_idx %scatter3A_1412[%shift_right_arithmetic3A_25, %and3A_36, %scan3A_1244], %get3A_1323 : memref<8x8x129xf32, #tpu.memory_space<vmem>>[vector<16xi32>, vector<16xi32>, vector<16xi32>], vector<16xf32>,
        %scatter3A_1413 = arith.constant 0 : i32
        %scatter3A_1414 = arith.constant 0 : i32
        %scatter3A_1415 = arith.constant 0 : i32
        %scatter3A_1416 = tpu.memref_slice %arg7[%scan3A_898, %scatter3A_1413, %scatter3A_1414, %scatter3A_1415] : memref<4x8x8x129xf32, #tpu.memory_space<vmem>> -> memref<1x8x8x129xf32, #tpu.memory_space<vmem>>
        %scatter3A_1417 = tpu.memref_squeeze %scatter3A_1416 : memref<1x8x8x129xf32, #tpu.memory_space<vmem>> -> memref<8x8x129xf32, #tpu.memory_space<vmem>>
        tpu.vector_store_idx %scatter3A_1417[%shift_right_arithmetic3A_28, %and3A_39, %scan3A_1244], %get3A_1330 : memref<8x8x129xf32, #tpu.memory_space<vmem>>[vector<16xi32>, vector<16xi32>, vector<16xi32>], vector<16xf32>,
        %scatter3A_1418 = arith.constant 0 : i32
        %scatter3A_1419 = arith.constant 0 : i32
        %scatter3A_1420 = arith.constant 0 : i32
        %scatter3A_1421 = tpu.memref_slice %arg7[%scan3A_898, %scatter3A_1418, %scatter3A_1419, %scatter3A_1420] : memref<4x8x8x129xf32, #tpu.memory_space<vmem>> -> memref<1x8x8x129xf32, #tpu.memory_space<vmem>>
        %scatter3A_1422 = tpu.memref_squeeze %scatter3A_1421 : memref<1x8x8x129xf32, #tpu.memory_space<vmem>> -> memref<8x8x129xf32, #tpu.memory_space<vmem>>
        tpu.vector_store_idx %scatter3A_1422[%shift_right_arithmetic3A_19, %and3A_30, %scan3A_1245], %get3A_1337 : memref<8x8x129xf32, #tpu.memory_space<vmem>>[vector<16xi32>, vector<16xi32>, vector<16xi32>], vector<16xf32>,
        %scatter3A_1423 = arith.constant 0 : i32
        %scatter3A_1424 = arith.constant 0 : i32
        %scatter3A_1425 = arith.constant 0 : i32
        %scatter3A_1426 = tpu.memref_slice %arg7[%scan3A_898, %scatter3A_1423, %scatter3A_1424, %scatter3A_1425] : memref<4x8x8x129xf32, #tpu.memory_space<vmem>> -> memref<1x8x8x129xf32, #tpu.memory_space<vmem>>
        %scatter3A_1427 = tpu.memref_squeeze %scatter3A_1426 : memref<1x8x8x129xf32, #tpu.memory_space<vmem>> -> memref<8x8x129xf32, #tpu.memory_space<vmem>>
        tpu.vector_store_idx %scatter3A_1427[%shift_right_arithmetic3A_22, %and3A_33, %scan3A_1245], %get3A_1344 : memref<8x8x129xf32, #tpu.memory_space<vmem>>[vector<16xi32>, vector<16xi32>, vector<16xi32>], vector<16xf32>,
        %scatter3A_1428 = arith.constant 0 : i32
        %scatter3A_1429 = arith.constant 0 : i32
        %scatter3A_1430 = arith.constant 0 : i32
        %scatter3A_1431 = tpu.memref_slice %arg7[%scan3A_898, %scatter3A_1428, %scatter3A_1429, %scatter3A_1430] : memref<4x8x8x129xf32, #tpu.memory_space<vmem>> -> memref<1x8x8x129xf32, #tpu.memory_space<vmem>>
        %scatter3A_1432 = tpu.memref_squeeze %scatter3A_1431 : memref<1x8x8x129xf32, #tpu.memory_space<vmem>> -> memref<8x8x129xf32, #tpu.memory_space<vmem>>
        tpu.vector_store_idx %scatter3A_1432[%shift_right_arithmetic3A_25, %and3A_36, %scan3A_1245], %get3A_1351 : memref<8x8x129xf32, #tpu.memory_space<vmem>>[vector<16xi32>, vector<16xi32>, vector<16xi32>], vector<16xf32>,
        %scatter3A_1433 = arith.constant 0 : i32
        %scatter3A_1434 = arith.constant 0 : i32
        %scatter3A_1435 = arith.constant 0 : i32
        %scatter3A_1436 = tpu.memref_slice %arg7[%scan3A_898, %scatter3A_1433, %scatter3A_1434, %scatter3A_1435] : memref<4x8x8x129xf32, #tpu.memory_space<vmem>> -> memref<1x8x8x129xf32, #tpu.memory_space<vmem>>
        %scatter3A_1437 = tpu.memref_squeeze %scatter3A_1436 : memref<1x8x8x129xf32, #tpu.memory_space<vmem>> -> memref<8x8x129xf32, #tpu.memory_space<vmem>>
        tpu.vector_store_idx %scatter3A_1437[%shift_right_arithmetic3A_28, %and3A_39, %scan3A_1245], %get3A_1358 : memref<8x8x129xf32, #tpu.memory_space<vmem>>[vector<16xi32>, vector<16xi32>, vector<16xi32>], vector<16xf32>,
        %add3A_1438 = arith.constant 4 : i32
        %add3A_1439 = vector.broadcast %add3A_1438 : i32 to vector<16xi32>
        %add3A_1440 = arith.addi %scan3A_1242, %add3A_1439 : vector<16xi32>
        %add3A_1441 = arith.constant 4 : i32
        %add3A_1442 = vector.broadcast %add3A_1441 : i32 to vector<16xi32>
        %add3A_1443 = arith.addi %scan3A_1243, %add3A_1442 : vector<16xi32>
        %add3A_1444 = arith.constant 4 : i32
        %add3A_1445 = vector.broadcast %add3A_1444 : i32 to vector<16xi32>
        %add3A_1446 = arith.addi %scan3A_1244, %add3A_1445 : vector<16xi32>
        %add3A_1447 = arith.constant 4 : i32
        %add3A_1448 = vector.broadcast %add3A_1447 : i32 to vector<16xi32>
        %add3A_1449 = arith.addi %scan3A_1245, %add3A_1448 : vector<16xi32>
        scf.yield %add3A_1440, %add3A_1443, %add3A_1446, %add3A_1449 : vector<16xi32>, vector<16xi32>, vector<16xi32>, vector<16xi32>
      }
      %scan3A_904 = arith.constant 32 : i32
      %shift_right_arithmetic3A_905 = arith.constant 5 : i32
      %shift_right_arithmetic3A_906 = arith.shrsi %add3A_846, %shift_right_arithmetic3A_905 : i32
      %and3A_907 = arith.constant 31 : i32
      %and3A_908 = arith.andi %add3A_846, %and3A_907 : i32
      %dma_start3A_909 = arith.constant 0 : i32
      %dma_start3A_910 = arith.constant 0 : i32
      %dma_start3A_911 = arith.constant 0 : i32
      %dma_start3A_912 = arith.constant 0 : i32
      %dma_start3A_913 = tpu.memref_slice %arg7[%dma_start3A_909, %dma_start3A_910, %dma_start3A_911, %dma_start3A_912] : memref<4x8x8x129xf32, #tpu.memory_space<vmem>> -> memref<1x8x8x128xf32, #tpu.memory_space<vmem>>
      %dma_start3A_914 = tpu.memref_squeeze %dma_start3A_913 : memref<1x8x8x128xf32, #tpu.memory_space<vmem>> -> memref<8x8x128xf32, #tpu.memory_space<vmem>>
      %dma_start3A_915 = arith.constant 0 : i32
      %dma_start3A_916 = arith.constant 0 : i32
      %dma_start3A_917 = arith.constant 0 : i32
      %dma_start3A_918 = tpu.memref_slice %arg4[%shift_right_arithmetic3A_906, %dma_start3A_915, %and3A_908, %dma_start3A_916, %dma_start3A_917] : memref<200x8x32x8x128xf32, #tpu.memory_space<hbm>> -> memref<1x8x1x8x128xf32, #tpu.memory_space<hbm>>
      %dma_start3A_919 = tpu.memref_squeeze %dma_start3A_918 : memref<1x8x1x8x128xf32, #tpu.memory_space<hbm>> -> memref<8x8x128xf32, #tpu.memory_space<hbm>>
      %dma_start3A_920 = arith.constant 0 : i32
      %dma_start3A_921 = arith.constant 0 : i32
      %dma_start3A_922 = arith.constant 0 : i32
      %dma_start3A_923 = tpu.memref_slice %arg4[%shift_right_arithmetic3A_906, %dma_start3A_920, %and3A_908, %dma_start3A_921, %dma_start3A_922] : memref<200x8x32x8x128xf32, #tpu.memory_space<hbm>> -> memref<1x8x1x8x128xf32, #tpu.memory_space<hbm>>
      %dma_start3A_924 = tpu.memref_squeeze %dma_start3A_923 : memref<1x8x1x8x128xf32, #tpu.memory_space<hbm>> -> memref<8x8x128xf32, #tpu.memory_space<hbm>>
      %dma_start3A_925 = arith.constant 0 : i32
      %dma_start3A_926 = arith.constant 0 : i32
      %dma_start3A_927 = arith.constant 0 : i32
      %dma_start3A_928 = tpu.memref_slice %arg7[%dma_start3A_909, %dma_start3A_925, %dma_start3A_926, %dma_start3A_927] : memref<4x8x8x129xf32, #tpu.memory_space<vmem>> -> memref<1x8x8x128xf32, #tpu.memory_space<vmem>>
      %dma_start3A_929 = tpu.memref_squeeze %dma_start3A_928 : memref<1x8x8x128xf32, #tpu.memory_space<vmem>> -> memref<8x8x128xf32, #tpu.memory_space<vmem>>
      tpu.enqueue_dma source(%dma_start3A_929 : memref<8x8x128xf32, #tpu.memory_space<vmem>>) target(%dma_start3A_924 : memref<8x8x128xf32, #tpu.memory_space<hbm>>) target_semaphore(%arg12 : memref<!tpu.dma_semaphore, #tpu.memory_space<semaphore_mem>>)
      %add3A_930 = arith.constant 4 : i32
      %add3A_931 = arith.addi %add3A_846, %add3A_930 : i32
      %sub3A_932 = arith.subi %add3A_931, %mul3A_2 : i32
      %mul3A_933 = arith.constant 128 : i32
      %mul3A_934 = arith.muli %sub3A_932, %mul3A_933 : i32
      %dma_start3A_935 = arith.constant 0 : i32
      %dma_start3A_936 = arith.constant 0 : i32
      %dma_start3A_937 = arith.constant 0 : i32
      %dma_start3A_938 = tpu.memref_slice %arg6[%dma_start3A_935, %dma_start3A_936, %dma_start3A_937] : memref<4x128x64xf32, #tpu.memory_space<vmem>> -> memref<1x128x64xf32, #tpu.memory_space<vmem>>
      %dma_start3A_939 = tpu.memref_squeeze %dma_start3A_938 : memref<1x128x64xf32, #tpu.memory_space<vmem>> -> memref<128x64xf32, #tpu.memory_space<vmem>>
      %dma_start3A_940 = tpu.memref_slice %arg5[%mul3A_934] : memref<25600xi32, #tpu.memory_space<vmem>> -> memref<128xi32, #tpu.memory_space<vmem>>
      %dma_start3A_941 = arith.constant 0 : i32
      %dma_start3A_942 = arith.constant 0 : i32
      %dma_start3A_943 = tpu.memref_slice %arg3[%dma_start3A_941, %dma_start3A_942] : memref<100000x64xf32, #tpu.memory_space<hbm>> -> memref<100000x64xf32, #tpu.memory_space<hbm>>
      tpu.enqueue_indirect_dma source(%dma_start3A_943 : memref<100000x64xf32, #tpu.memory_space<hbm>>) target(%dma_start3A_939 : memref<128x64xf32, #tpu.memory_space<vmem>>) offsets(%dma_start3A_940 : memref<128xi32, #tpu.memory_space<vmem>>) semaphore(%arg8 : memref<!tpu.dma_semaphore, #tpu.memory_space<semaphore_mem>>)
      %add3A_944 = arith.constant 1 : i32
      %add3A_945 = arith.addi %add3A_844, %add3A_944 : i32
      %sub3A_946 = arith.subi %add3A_945, %mul3A_2 : i32
      %mul3A_947 = arith.constant 128 : i32
      %mul3A_948 = arith.muli %sub3A_946, %mul3A_947 : i32
      %dma_wait3A_949 = arith.constant 1 : i32
      %dma_wait3A_950 = arith.constant 0 : i32
      %dma_wait3A_951 = arith.constant 0 : i32
      %dma_wait3A_952 = tpu.memref_slice %arg6[%dma_wait3A_949, %dma_wait3A_950, %dma_wait3A_951] : memref<4x128x64xf32, #tpu.memory_space<vmem>> -> memref<1x128x64xf32, #tpu.memory_space<vmem>>
      %dma_wait3A_953 = tpu.memref_squeeze %dma_wait3A_952 : memref<1x128x64xf32, #tpu.memory_space<vmem>> -> memref<128x64xf32, #tpu.memory_space<vmem>>
      %dma_wait3A_954 = tpu.memref_slice %arg5[%mul3A_948] : memref<25600xi32, #tpu.memory_space<vmem>> -> memref<128xi32, #tpu.memory_space<vmem>>
      %dma_wait3A_955 = arith.constant 0 : i32
      %dma_wait3A_956 = arith.constant 0 : i32
      %dma_wait3A_957 = tpu.memref_slice %arg3[%dma_wait3A_955, %dma_wait3A_956] : memref<100000x64xf32, #tpu.memory_space<hbm>> -> memref<100000x64xf32, #tpu.memory_space<hbm>>
      tpu.wait_indirect_dma semaphore(%arg9 : memref<!tpu.dma_semaphore, #tpu.memory_space<semaphore_mem>>) src(%dma_wait3A_957 : memref<100000x64xf32, #tpu.memory_space<hbm>>) dst(%dma_wait3A_953 : memref<128x64xf32, #tpu.memory_space<vmem>>)
      %sub3A_958 = arith.constant 4 : i32
      %sub3A_959 = arith.subi %add3A_945, %sub3A_958 : i32
      %shift_right_arithmetic3A_960 = arith.constant 5 : i32
      %shift_right_arithmetic3A_961 = arith.shrsi %sub3A_959, %shift_right_arithmetic3A_960 : i32
      %and3A_962 = arith.constant 31 : i32
      %and3A_963 = arith.andi %sub3A_959, %and3A_962 : i32
      %dma_wait3A_964 = arith.constant 1 : i32
      %dma_wait3A_965 = arith.constant 0 : i32
      %dma_wait3A_966 = arith.constant 0 : i32
      %dma_wait3A_967 = arith.constant 0 : i32
      %dma_wait3A_968 = tpu.memref_slice %arg7[%dma_wait3A_964, %dma_wait3A_965, %dma_wait3A_966, %dma_wait3A_967] : memref<4x8x8x129xf32, #tpu.memory_space<vmem>> -> memref<1x8x8x128xf32, #tpu.memory_space<vmem>>
      %dma_wait3A_969 = tpu.memref_squeeze %dma_wait3A_968 : memref<1x8x8x128xf32, #tpu.memory_space<vmem>> -> memref<8x8x128xf32, #tpu.memory_space<vmem>>
      %dma_wait3A_970 = arith.constant 0 : i32
      %dma_wait3A_971 = arith.constant 0 : i32
      %dma_wait3A_972 = arith.constant 0 : i32
      %dma_wait3A_973 = tpu.memref_slice %arg4[%shift_right_arithmetic3A_961, %dma_wait3A_970, %and3A_963, %dma_wait3A_971, %dma_wait3A_972] : memref<200x8x32x8x128xf32, #tpu.memory_space<hbm>> -> memref<1x8x1x8x128xf32, #tpu.memory_space<hbm>>
      %dma_wait3A_974 = tpu.memref_squeeze %dma_wait3A_973 : memref<1x8x1x8x128xf32, #tpu.memory_space<hbm>> -> memref<8x8x128xf32, #tpu.memory_space<hbm>>
      %dma_wait3A_975 = arith.constant 0 : i32
      %dma_wait3A_976 = arith.constant 0 : i32
      %dma_wait3A_977 = arith.constant 0 : i32
      %dma_wait3A_978 = tpu.memref_slice %arg4[%shift_right_arithmetic3A_961, %dma_wait3A_975, %and3A_963, %dma_wait3A_976, %dma_wait3A_977] : memref<200x8x32x8x128xf32, #tpu.memory_space<hbm>> -> memref<1x8x1x8x128xf32, #tpu.memory_space<hbm>>
      %dma_wait3A_979 = tpu.memref_squeeze %dma_wait3A_978 : memref<1x8x1x8x128xf32, #tpu.memory_space<hbm>> -> memref<8x8x128xf32, #tpu.memory_space<hbm>>
      %dma_wait3A_980 = arith.constant 0 : i32
      %dma_wait3A_981 = arith.constant 0 : i32
      %dma_wait3A_982 = arith.constant 0 : i32
      %dma_wait3A_983 = tpu.memref_slice %arg7[%dma_wait3A_964, %dma_wait3A_980, %dma_wait3A_981, %dma_wait3A_982] : memref<4x8x8x129xf32, #tpu.memory_space<vmem>> -> memref<1x8x8x128xf32, #tpu.memory_space<vmem>>
      %dma_wait3A_984 = tpu.memref_squeeze %dma_wait3A_983 : memref<1x8x8x128xf32, #tpu.memory_space<vmem>> -> memref<8x8x128xf32, #tpu.memory_space<vmem>>
      tpu.wait_dma2 semaphore(%arg13 : memref<!tpu.dma_semaphore, #tpu.memory_space<semaphore_mem>>) src(%dma_wait3A_984 : memref<8x8x128xf32, #tpu.memory_space<vmem>>) dst(%dma_wait3A_979 : memref<8x8x128xf32, #tpu.memory_space<hbm>>)
      %add3A_985 = arith.constant 0 : i32
      %add3A_986 = vector.broadcast %add3A_985 : i32 to vector<16xi32>
      %add3A_987 = arith.addi %broadcast_in_dim3A_40, %add3A_986 : vector<16xi32>
      %add3A_988 = arith.constant 1 : i32
      %add3A_989 = vector.broadcast %add3A_988 : i32 to vector<16xi32>
      %add3A_990 = arith.addi %broadcast_in_dim3A_40, %add3A_989 : vector<16xi32>
      %add3A_991 = arith.constant 2 : i32
      %add3A_992 = vector.broadcast %add3A_991 : i32 to vector<16xi32>
      %add3A_993 = arith.addi %broadcast_in_dim3A_40, %add3A_992 : vector<16xi32>
      %add3A_994 = arith.constant 3 : i32
      %add3A_995 = vector.broadcast %add3A_994 : i32 to vector<16xi32>
      %add3A_996 = arith.addi %broadcast_in_dim3A_40, %add3A_995 : vector<16xi32>
      %scan3A_997 = arith.constant 1 : i32
      %scan3A_998 = arith.constant 0 : i32
      %scan3A_999 = arith.constant 32 : i32
      %scan3A_1000 = arith.addi %scan3A_998, %scan3A_999 : i32
      %scan3A_1001 = arith.constant 1 : i32
      %scan3A_1002:4 = scf.for %scan3A_1241 = %scan3A_998 to %scan3A_1000 step %scan3A_1001 iter_args(%scan3A_1242 = %add3A_987, %scan3A_1243 = %add3A_990, %scan3A_1244 = %add3A_993, %scan3A_1245 = %add3A_996) -> (vector<16xi32>, vector<16xi32>, vector<16xi32>, vector<16xi32>)  : i32 {
        %mul3A_1246 = arith.constant 4 : i32
        %mul3A_1247 = arith.muli %scan3A_1241, %mul3A_1246 : i32
        %add3A_1248 = arith.constant 0 : i32
        %add3A_1249 = arith.addi %mul3A_1247, %add3A_1248 : i32
        %get3A = arith.constant 1 : i32
        %get3A_1250 = arith.index_cast %get3A : i32 to index
        %get3A_1251 = arith.index_cast %add3A_1249 : i32 to index
        %get3A_1252 = arith.constant 0 : index
        %get3A_1253 = tpu.vector_load %arg6[%get3A_1250, %get3A_1251, %get3A_1252] {strides = array<i32>} : memref<4x128x64xf32, #tpu.memory_space<vmem>>, vector<16xf32>,
        %add3A_1254 = arith.constant 0 : i32
        %add3A_1255 = arith.addi %mul3A_1247, %add3A_1254 : i32
        %get3A_1256 = arith.constant 1 : i32
        %get3A_1257 = arith.index_cast %get3A_1256 : i32 to index
        %get3A_1258 = arith.index_cast %add3A_1255 : i32 to index
        %get3A_1259 = arith.constant 16 : index
        %get3A_1260 = tpu.vector_load %arg6[%get3A_1257, %get3A_1258, %get3A_1259] {strides = array<i32>} : memref<4x128x64xf32, #tpu.memory_space<vmem>>, vector<16xf32>,
        %add3A_1261 = arith.constant 0 : i32
        %add3A_1262 = arith.addi %mul3A_1247, %add3A_1261 : i32
        %get3A_1263 = arith.constant 1 : i32
        %get3A_1264 = arith.index_cast %get3A_1263 : i32 to index
        %get3A_1265 = arith.index_cast %add3A_1262 : i32 to index
        %get3A_1266 = arith.constant 32 : index
        %get3A_1267 = tpu.vector_load %arg6[%get3A_1264, %get3A_1265, %get3A_1266] {strides = array<i32>} : memref<4x128x64xf32, #tpu.memory_space<vmem>>, vector<16xf32>,
        %add3A_1268 = arith.constant 0 : i32
        %add3A_1269 = arith.addi %mul3A_1247, %add3A_1268 : i32
        %get3A_1270 = arith.constant 1 : i32
        %get3A_1271 = arith.index_cast %get3A_1270 : i32 to index
        %get3A_1272 = arith.index_cast %add3A_1269 : i32 to index
        %get3A_1273 = arith.constant 48 : index
        %get3A_1274 = tpu.vector_load %arg6[%get3A_1271, %get3A_1272, %get3A_1273] {strides = array<i32>} : memref<4x128x64xf32, #tpu.memory_space<vmem>>, vector<16xf32>,
        %add3A_1275 = arith.constant 1 : i32
        %add3A_1276 = arith.addi %mul3A_1247, %add3A_1275 : i32
        %get3A_1277 = arith.constant 1 : i32
        %get3A_1278 = arith.index_cast %get3A_1277 : i32 to index
        %get3A_1279 = arith.index_cast %add3A_1276 : i32 to index
        %get3A_1280 = arith.constant 0 : index
        %get3A_1281 = tpu.vector_load %arg6[%get3A_1278, %get3A_1279, %get3A_1280] {strides = array<i32>} : memref<4x128x64xf32, #tpu.memory_space<vmem>>, vector<16xf32>,
        %add3A_1282 = arith.constant 1 : i32
        %add3A_1283 = arith.addi %mul3A_1247, %add3A_1282 : i32
        %get3A_1284 = arith.constant 1 : i32
        %get3A_1285 = arith.index_cast %get3A_1284 : i32 to index
        %get3A_1286 = arith.index_cast %add3A_1283 : i32 to index
        %get3A_1287 = arith.constant 16 : index
        %get3A_1288 = tpu.vector_load %arg6[%get3A_1285, %get3A_1286, %get3A_1287] {strides = array<i32>} : memref<4x128x64xf32, #tpu.memory_space<vmem>>, vector<16xf32>,
        %add3A_1289 = arith.constant 1 : i32
        %add3A_1290 = arith.addi %mul3A_1247, %add3A_1289 : i32
        %get3A_1291 = arith.constant 1 : i32
        %get3A_1292 = arith.index_cast %get3A_1291 : i32 to index
        %get3A_1293 = arith.index_cast %add3A_1290 : i32 to index
        %get3A_1294 = arith.constant 32 : index
        %get3A_1295 = tpu.vector_load %arg6[%get3A_1292, %get3A_1293, %get3A_1294] {strides = array<i32>} : memref<4x128x64xf32, #tpu.memory_space<vmem>>, vector<16xf32>,
        %add3A_1296 = arith.constant 1 : i32
        %add3A_1297 = arith.addi %mul3A_1247, %add3A_1296 : i32
        %get3A_1298 = arith.constant 1 : i32
        %get3A_1299 = arith.index_cast %get3A_1298 : i32 to index
        %get3A_1300 = arith.index_cast %add3A_1297 : i32 to index
        %get3A_1301 = arith.constant 48 : index
        %get3A_1302 = tpu.vector_load %arg6[%get3A_1299, %get3A_1300, %get3A_1301] {strides = array<i32>} : memref<4x128x64xf32, #tpu.memory_space<vmem>>, vector<16xf32>,
        %add3A_1303 = arith.constant 2 : i32
        %add3A_1304 = arith.addi %mul3A_1247, %add3A_1303 : i32
        %get3A_1305 = arith.constant 1 : i32
        %get3A_1306 = arith.index_cast %get3A_1305 : i32 to index
        %get3A_1307 = arith.index_cast %add3A_1304 : i32 to index
        %get3A_1308 = arith.constant 0 : index
        %get3A_1309 = tpu.vector_load %arg6[%get3A_1306, %get3A_1307, %get3A_1308] {strides = array<i32>} : memref<4x128x64xf32, #tpu.memory_space<vmem>>, vector<16xf32>,
        %add3A_1310 = arith.constant 2 : i32
        %add3A_1311 = arith.addi %mul3A_1247, %add3A_1310 : i32
        %get3A_1312 = arith.constant 1 : i32
        %get3A_1313 = arith.index_cast %get3A_1312 : i32 to index
        %get3A_1314 = arith.index_cast %add3A_1311 : i32 to index
        %get3A_1315 = arith.constant 16 : index
        %get3A_1316 = tpu.vector_load %arg6[%get3A_1313, %get3A_1314, %get3A_1315] {strides = array<i32>} : memref<4x128x64xf32, #tpu.memory_space<vmem>>, vector<16xf32>,
        %add3A_1317 = arith.constant 2 : i32
        %add3A_1318 = arith.addi %mul3A_1247, %add3A_1317 : i32
        %get3A_1319 = arith.constant 1 : i32
        %get3A_1320 = arith.index_cast %get3A_1319 : i32 to index
        %get3A_1321 = arith.index_cast %add3A_1318 : i32 to index
        %get3A_1322 = arith.constant 32 : index
        %get3A_1323 = tpu.vector_load %arg6[%get3A_1320, %get3A_1321, %get3A_1322] {strides = array<i32>} : memref<4x128x64xf32, #tpu.memory_space<vmem>>, vector<16xf32>,
        %add3A_1324 = arith.constant 2 : i32
        %add3A_1325 = arith.addi %mul3A_1247, %add3A_1324 : i32
        %get3A_1326 = arith.constant 1 : i32
        %get3A_1327 = arith.index_cast %get3A_1326 : i32 to index
        %get3A_1328 = arith.index_cast %add3A_1325 : i32 to index
        %get3A_1329 = arith.constant 48 : index
        %get3A_1330 = tpu.vector_load %arg6[%get3A_1327, %get3A_1328, %get3A_1329] {strides = array<i32>} : memref<4x128x64xf32, #tpu.memory_space<vmem>>, vector<16xf32>,
        %add3A_1331 = arith.constant 3 : i32
        %add3A_1332 = arith.addi %mul3A_1247, %add3A_1331 : i32
        %get3A_1333 = arith.constant 1 : i32
        %get3A_1334 = arith.index_cast %get3A_1333 : i32 to index
        %get3A_1335 = arith.index_cast %add3A_1332 : i32 to index
        %get3A_1336 = arith.constant 0 : index
        %get3A_1337 = tpu.vector_load %arg6[%get3A_1334, %get3A_1335, %get3A_1336] {strides = array<i32>} : memref<4x128x64xf32, #tpu.memory_space<vmem>>, vector<16xf32>,
        %add3A_1338 = arith.constant 3 : i32
        %add3A_1339 = arith.addi %mul3A_1247, %add3A_1338 : i32
        %get3A_1340 = arith.constant 1 : i32
        %get3A_1341 = arith.index_cast %get3A_1340 : i32 to index
        %get3A_1342 = arith.index_cast %add3A_1339 : i32 to index
        %get3A_1343 = arith.constant 16 : index
        %get3A_1344 = tpu.vector_load %arg6[%get3A_1341, %get3A_1342, %get3A_1343] {strides = array<i32>} : memref<4x128x64xf32, #tpu.memory_space<vmem>>, vector<16xf32>,
        %add3A_1345 = arith.constant 3 : i32
        %add3A_1346 = arith.addi %mul3A_1247, %add3A_1345 : i32
        %get3A_1347 = arith.constant 1 : i32
        %get3A_1348 = arith.index_cast %get3A_1347 : i32 to index
        %get3A_1349 = arith.index_cast %add3A_1346 : i32 to index
        %get3A_1350 = arith.constant 32 : index
        %get3A_1351 = tpu.vector_load %arg6[%get3A_1348, %get3A_1349, %get3A_1350] {strides = array<i32>} : memref<4x128x64xf32, #tpu.memory_space<vmem>>, vector<16xf32>,
        %add3A_1352 = arith.constant 3 : i32
        %add3A_1353 = arith.addi %mul3A_1247, %add3A_1352 : i32
        %get3A_1354 = arith.constant 1 : i32
        %get3A_1355 = arith.index_cast %get3A_1354 : i32 to index
        %get3A_1356 = arith.index_cast %add3A_1353 : i32 to index
        %get3A_1357 = arith.constant 48 : index
        %get3A_1358 = tpu.vector_load %arg6[%get3A_1355, %get3A_1356, %get3A_1357] {strides = array<i32>} : memref<4x128x64xf32, #tpu.memory_space<vmem>>, vector<16xf32>,
        %scatter3A = arith.constant 0 : i32
        %scatter3A_1359 = arith.constant 0 : i32
        %scatter3A_1360 = arith.constant 0 : i32
        %scatter3A_1361 = tpu.memref_slice %arg7[%scan3A_997, %scatter3A, %scatter3A_1359, %scatter3A_1360] : memref<4x8x8x129xf32, #tpu.memory_space<vmem>> -> memref<1x8x8x129xf32, #tpu.memory_space<vmem>>
        %scatter3A_1362 = tpu.memref_squeeze %scatter3A_1361 : memref<1x8x8x129xf32, #tpu.memory_space<vmem>> -> memref<8x8x129xf32, #tpu.memory_space<vmem>>
        tpu.vector_store_idx %scatter3A_1362[%shift_right_arithmetic3A_19, %and3A_30, %scan3A_1242], %get3A_1253 : memref<8x8x129xf32, #tpu.memory_space<vmem>>[vector<16xi32>, vector<16xi32>, vector<16xi32>], vector<16xf32>,
        %scatter3A_1363 = arith.constant 0 : i32
        %scatter3A_1364 = arith.constant 0 : i32
        %scatter3A_1365 = arith.constant 0 : i32
        %scatter3A_1366 = tpu.memref_slice %arg7[%scan3A_997, %scatter3A_1363, %scatter3A_1364, %scatter3A_1365] : memref<4x8x8x129xf32, #tpu.memory_space<vmem>> -> memref<1x8x8x129xf32, #tpu.memory_space<vmem>>
        %scatter3A_1367 = tpu.memref_squeeze %scatter3A_1366 : memref<1x8x8x129xf32, #tpu.memory_space<vmem>> -> memref<8x8x129xf32, #tpu.memory_space<vmem>>
        tpu.vector_store_idx %scatter3A_1367[%shift_right_arithmetic3A_22, %and3A_33, %scan3A_1242], %get3A_1260 : memref<8x8x129xf32, #tpu.memory_space<vmem>>[vector<16xi32>, vector<16xi32>, vector<16xi32>], vector<16xf32>,
        %scatter3A_1368 = arith.constant 0 : i32
        %scatter3A_1369 = arith.constant 0 : i32
        %scatter3A_1370 = arith.constant 0 : i32
        %scatter3A_1371 = tpu.memref_slice %arg7[%scan3A_997, %scatter3A_1368, %scatter3A_1369, %scatter3A_1370] : memref<4x8x8x129xf32, #tpu.memory_space<vmem>> -> memref<1x8x8x129xf32, #tpu.memory_space<vmem>>
        %scatter3A_1372 = tpu.memref_squeeze %scatter3A_1371 : memref<1x8x8x129xf32, #tpu.memory_space<vmem>> -> memref<8x8x129xf32, #tpu.memory_space<vmem>>
        tpu.vector_store_idx %scatter3A_1372[%shift_right_arithmetic3A_25, %and3A_36, %scan3A_1242], %get3A_1267 : memref<8x8x129xf32, #tpu.memory_space<vmem>>[vector<16xi32>, vector<16xi32>, vector<16xi32>], vector<16xf32>,
        %scatter3A_1373 = arith.constant 0 : i32
        %scatter3A_1374 = arith.constant 0 : i32
        %scatter3A_1375 = arith.constant 0 : i32
        %scatter3A_1376 = tpu.memref_slice %arg7[%scan3A_997, %scatter3A_1373, %scatter3A_1374, %scatter3A_1375] : memref<4x8x8x129xf32, #tpu.memory_space<vmem>> -> memref<1x8x8x129xf32, #tpu.memory_space<vmem>>
        %scatter3A_1377 = tpu.memref_squeeze %scatter3A_1376 : memref<1x8x8x129xf32, #tpu.memory_space<vmem>> -> memref<8x8x129xf32, #tpu.memory_space<vmem>>
        tpu.vector_store_idx %scatter3A_1377[%shift_right_arithmetic3A_28, %and3A_39, %scan3A_1242], %get3A_1274 : memref<8x8x129xf32, #tpu.memory_space<vmem>>[vector<16xi32>, vector<16xi32>, vector<16xi32>], vector<16xf32>,
        %scatter3A_1378 = arith.constant 0 : i32
        %scatter3A_1379 = arith.constant 0 : i32
        %scatter3A_1380 = arith.constant 0 : i32
        %scatter3A_1381 = tpu.memref_slice %arg7[%scan3A_997, %scatter3A_1378, %scatter3A_1379, %scatter3A_1380] : memref<4x8x8x129xf32, #tpu.memory_space<vmem>> -> memref<1x8x8x129xf32, #tpu.memory_space<vmem>>
        %scatter3A_1382 = tpu.memref_squeeze %scatter3A_1381 : memref<1x8x8x129xf32, #tpu.memory_space<vmem>> -> memref<8x8x129xf32, #tpu.memory_space<vmem>>
        tpu.vector_store_idx %scatter3A_1382[%shift_right_arithmetic3A_19, %and3A_30, %scan3A_1243], %get3A_1281 : memref<8x8x129xf32, #tpu.memory_space<vmem>>[vector<16xi32>, vector<16xi32>, vector<16xi32>], vector<16xf32>,
        %scatter3A_1383 = arith.constant 0 : i32
        %scatter3A_1384 = arith.constant 0 : i32
        %scatter3A_1385 = arith.constant 0 : i32
        %scatter3A_1386 = tpu.memref_slice %arg7[%scan3A_997, %scatter3A_1383, %scatter3A_1384, %scatter3A_1385] : memref<4x8x8x129xf32, #tpu.memory_space<vmem>> -> memref<1x8x8x129xf32, #tpu.memory_space<vmem>>
        %scatter3A_1387 = tpu.memref_squeeze %scatter3A_1386 : memref<1x8x8x129xf32, #tpu.memory_space<vmem>> -> memref<8x8x129xf32, #tpu.memory_space<vmem>>
        tpu.vector_store_idx %scatter3A_1387[%shift_right_arithmetic3A_22, %and3A_33, %scan3A_1243], %get3A_1288 : memref<8x8x129xf32, #tpu.memory_space<vmem>>[vector<16xi32>, vector<16xi32>, vector<16xi32>], vector<16xf32>,
        %scatter3A_1388 = arith.constant 0 : i32
        %scatter3A_1389 = arith.constant 0 : i32
        %scatter3A_1390 = arith.constant 0 : i32
        %scatter3A_1391 = tpu.memref_slice %arg7[%scan3A_997, %scatter3A_1388, %scatter3A_1389, %scatter3A_1390] : memref<4x8x8x129xf32, #tpu.memory_space<vmem>> -> memref<1x8x8x129xf32, #tpu.memory_space<vmem>>
        %scatter3A_1392 = tpu.memref_squeeze %scatter3A_1391 : memref<1x8x8x129xf32, #tpu.memory_space<vmem>> -> memref<8x8x129xf32, #tpu.memory_space<vmem>>
        tpu.vector_store_idx %scatter3A_1392[%shift_right_arithmetic3A_25, %and3A_36, %scan3A_1243], %get3A_1295 : memref<8x8x129xf32, #tpu.memory_space<vmem>>[vector<16xi32>, vector<16xi32>, vector<16xi32>], vector<16xf32>,
        %scatter3A_1393 = arith.constant 0 : i32
        %scatter3A_1394 = arith.constant 0 : i32
        %scatter3A_1395 = arith.constant 0 : i32
        %scatter3A_1396 = tpu.memref_slice %arg7[%scan3A_997, %scatter3A_1393, %scatter3A_1394, %scatter3A_1395] : memref<4x8x8x129xf32, #tpu.memory_space<vmem>> -> memref<1x8x8x129xf32, #tpu.memory_space<vmem>>
        %scatter3A_1397 = tpu.memref_squeeze %scatter3A_1396 : memref<1x8x8x129xf32, #tpu.memory_space<vmem>> -> memref<8x8x129xf32, #tpu.memory_space<vmem>>
        tpu.vector_store_idx %scatter3A_1397[%shift_right_arithmetic3A_28, %and3A_39, %scan3A_1243], %get3A_1302 : memref<8x8x129xf32, #tpu.memory_space<vmem>>[vector<16xi32>, vector<16xi32>, vector<16xi32>], vector<16xf32>,
        %scatter3A_1398 = arith.constant 0 : i32
        %scatter3A_1399 = arith.constant 0 : i32
        %scatter3A_1400 = arith.constant 0 : i32
        %scatter3A_1401 = tpu.memref_slice %arg7[%scan3A_997, %scatter3A_1398, %scatter3A_1399, %scatter3A_1400] : memref<4x8x8x129xf32, #tpu.memory_space<vmem>> -> memref<1x8x8x129xf32, #tpu.memory_space<vmem>>
        %scatter3A_1402 = tpu.memref_squeeze %scatter3A_1401 : memref<1x8x8x129xf32, #tpu.memory_space<vmem>> -> memref<8x8x129xf32, #tpu.memory_space<vmem>>
        tpu.vector_store_idx %scatter3A_1402[%shift_right_arithmetic3A_19, %and3A_30, %scan3A_1244], %get3A_1309 : memref<8x8x129xf32, #tpu.memory_space<vmem>>[vector<16xi32>, vector<16xi32>, vector<16xi32>], vector<16xf32>,
        %scatter3A_1403 = arith.constant 0 : i32
        %scatter3A_1404 = arith.constant 0 : i32
        %scatter3A_1405 = arith.constant 0 : i32
        %scatter3A_1406 = tpu.memref_slice %arg7[%scan3A_997, %scatter3A_1403, %scatter3A_1404, %scatter3A_1405] : memref<4x8x8x129xf32, #tpu.memory_space<vmem>> -> memref<1x8x8x129xf32, #tpu.memory_space<vmem>>
        %scatter3A_1407 = tpu.memref_squeeze %scatter3A_1406 : memref<1x8x8x129xf32, #tpu.memory_space<vmem>> -> memref<8x8x129xf32, #tpu.memory_space<vmem>>
        tpu.vector_store_idx %scatter3A_1407[%shift_right_arithmetic3A_22, %and3A_33, %scan3A_1244], %get3A_1316 : memref<8x8x129xf32, #tpu.memory_space<vmem>>[vector<16xi32>, vector<16xi32>, vector<16xi32>], vector<16xf32>,
        %scatter3A_1408 = arith.constant 0 : i32
        %scatter3A_1409 = arith.constant 0 : i32
        %scatter3A_1410 = arith.constant 0 : i32
        %scatter3A_1411 = tpu.memref_slice %arg7[%scan3A_997, %scatter3A_1408, %scatter3A_1409, %scatter3A_1410] : memref<4x8x8x129xf32, #tpu.memory_space<vmem>> -> memref<1x8x8x129xf32, #tpu.memory_space<vmem>>
        %scatter3A_1412 = tpu.memref_squeeze %scatter3A_1411 : memref<1x8x8x129xf32, #tpu.memory_space<vmem>> -> memref<8x8x129xf32, #tpu.memory_space<vmem>>
        tpu.vector_store_idx %scatter3A_1412[%shift_right_arithmetic3A_25, %and3A_36, %scan3A_1244], %get3A_1323 : memref<8x8x129xf32, #tpu.memory_space<vmem>>[vector<16xi32>, vector<16xi32>, vector<16xi32>], vector<16xf32>,
        %scatter3A_1413 = arith.constant 0 : i32
        %scatter3A_1414 = arith.constant 0 : i32
        %scatter3A_1415 = arith.constant 0 : i32
        %scatter3A_1416 = tpu.memref_slice %arg7[%scan3A_997, %scatter3A_1413, %scatter3A_1414, %scatter3A_1415] : memref<4x8x8x129xf32, #tpu.memory_space<vmem>> -> memref<1x8x8x129xf32, #tpu.memory_space<vmem>>
        %scatter3A_1417 = tpu.memref_squeeze %scatter3A_1416 : memref<1x8x8x129xf32, #tpu.memory_space<vmem>> -> memref<8x8x129xf32, #tpu.memory_space<vmem>>
        tpu.vector_store_idx %scatter3A_1417[%shift_right_arithmetic3A_28, %and3A_39, %scan3A_1244], %get3A_1330 : memref<8x8x129xf32, #tpu.memory_space<vmem>>[vector<16xi32>, vector<16xi32>, vector<16xi32>], vector<16xf32>,
        %scatter3A_1418 = arith.constant 0 : i32
        %scatter3A_1419 = arith.constant 0 : i32
        %scatter3A_1420 = arith.constant 0 : i32
        %scatter3A_1421 = tpu.memref_slice %arg7[%scan3A_997, %scatter3A_1418, %scatter3A_1419, %scatter3A_1420] : memref<4x8x8x129xf32, #tpu.memory_space<vmem>> -> memref<1x8x8x129xf32, #tpu.memory_space<vmem>>
        %scatter3A_1422 = tpu.memref_squeeze %scatter3A_1421 : memref<1x8x8x129xf32, #tpu.memory_space<vmem>> -> memref<8x8x129xf32, #tpu.memory_space<vmem>>
        tpu.vector_store_idx %scatter3A_1422[%shift_right_arithmetic3A_19, %and3A_30, %scan3A_1245], %get3A_1337 : memref<8x8x129xf32, #tpu.memory_space<vmem>>[vector<16xi32>, vector<16xi32>, vector<16xi32>], vector<16xf32>,
        %scatter3A_1423 = arith.constant 0 : i32
        %scatter3A_1424 = arith.constant 0 : i32
        %scatter3A_1425 = arith.constant 0 : i32
        %scatter3A_1426 = tpu.memref_slice %arg7[%scan3A_997, %scatter3A_1423, %scatter3A_1424, %scatter3A_1425] : memref<4x8x8x129xf32, #tpu.memory_space<vmem>> -> memref<1x8x8x129xf32, #tpu.memory_space<vmem>>
        %scatter3A_1427 = tpu.memref_squeeze %scatter3A_1426 : memref<1x8x8x129xf32, #tpu.memory_space<vmem>> -> memref<8x8x129xf32, #tpu.memory_space<vmem>>
        tpu.vector_store_idx %scatter3A_1427[%shift_right_arithmetic3A_22, %and3A_33, %scan3A_1245], %get3A_1344 : memref<8x8x129xf32, #tpu.memory_space<vmem>>[vector<16xi32>, vector<16xi32>, vector<16xi32>], vector<16xf32>,
        %scatter3A_1428 = arith.constant 0 : i32
        %scatter3A_1429 = arith.constant 0 : i32
        %scatter3A_1430 = arith.constant 0 : i32
        %scatter3A_1431 = tpu.memref_slice %arg7[%scan3A_997, %scatter3A_1428, %scatter3A_1429, %scatter3A_1430] : memref<4x8x8x129xf32, #tpu.memory_space<vmem>> -> memref<1x8x8x129xf32, #tpu.memory_space<vmem>>
        %scatter3A_1432 = tpu.memref_squeeze %scatter3A_1431 : memref<1x8x8x129xf32, #tpu.memory_space<vmem>> -> memref<8x8x129xf32, #tpu.memory_space<vmem>>
        tpu.vector_store_idx %scatter3A_1432[%shift_right_arithmetic3A_25, %and3A_36, %scan3A_1245], %get3A_1351 : memref<8x8x129xf32, #tpu.memory_space<vmem>>[vector<16xi32>, vector<16xi32>, vector<16xi32>], vector<16xf32>,
        %scatter3A_1433 = arith.constant 0 : i32
        %scatter3A_1434 = arith.constant 0 : i32
        %scatter3A_1435 = arith.constant 0 : i32
        %scatter3A_1436 = tpu.memref_slice %arg7[%scan3A_997, %scatter3A_1433, %scatter3A_1434, %scatter3A_1435] : memref<4x8x8x129xf32, #tpu.memory_space<vmem>> -> memref<1x8x8x129xf32, #tpu.memory_space<vmem>>
        %scatter3A_1437 = tpu.memref_squeeze %scatter3A_1436 : memref<1x8x8x129xf32, #tpu.memory_space<vmem>> -> memref<8x8x129xf32, #tpu.memory_space<vmem>>
        tpu.vector_store_idx %scatter3A_1437[%shift_right_arithmetic3A_28, %and3A_39, %scan3A_1245], %get3A_1358 : memref<8x8x129xf32, #tpu.memory_space<vmem>>[vector<16xi32>, vector<16xi32>, vector<16xi32>], vector<16xf32>,
        %add3A_1438 = arith.constant 4 : i32
        %add3A_1439 = vector.broadcast %add3A_1438 : i32 to vector<16xi32>
        %add3A_1440 = arith.addi %scan3A_1242, %add3A_1439 : vector<16xi32>
        %add3A_1441 = arith.constant 4 : i32
        %add3A_1442 = vector.broadcast %add3A_1441 : i32 to vector<16xi32>
        %add3A_1443 = arith.addi %scan3A_1243, %add3A_1442 : vector<16xi32>
        %add3A_1444 = arith.constant 4 : i32
        %add3A_1445 = vector.broadcast %add3A_1444 : i32 to vector<16xi32>
        %add3A_1446 = arith.addi %scan3A_1244, %add3A_1445 : vector<16xi32>
        %add3A_1447 = arith.constant 4 : i32
        %add3A_1448 = vector.broadcast %add3A_1447 : i32 to vector<16xi32>
        %add3A_1449 = arith.addi %scan3A_1245, %add3A_1448 : vector<16xi32>
        scf.yield %add3A_1440, %add3A_1443, %add3A_1446, %add3A_1449 : vector<16xi32>, vector<16xi32>, vector<16xi32>, vector<16xi32>
      }
      %scan3A_1003 = arith.constant 32 : i32
      %shift_right_arithmetic3A_1004 = arith.constant 5 : i32
      %shift_right_arithmetic3A_1005 = arith.shrsi %add3A_945, %shift_right_arithmetic3A_1004 : i32
      %and3A_1006 = arith.constant 31 : i32
      %and3A_1007 = arith.andi %add3A_945, %and3A_1006 : i32
      %dma_start3A_1008 = arith.constant 1 : i32
      %dma_start3A_1009 = arith.constant 0 : i32
      %dma_start3A_1010 = arith.constant 0 : i32
      %dma_start3A_1011 = arith.constant 0 : i32
      %dma_start3A_1012 = tpu.memref_slice %arg7[%dma_start3A_1008, %dma_start3A_1009, %dma_start3A_1010, %dma_start3A_1011] : memref<4x8x8x129xf32, #tpu.memory_space<vmem>> -> memref<1x8x8x128xf32, #tpu.memory_space<vmem>>
      %dma_start3A_1013 = tpu.memref_squeeze %dma_start3A_1012 : memref<1x8x8x128xf32, #tpu.memory_space<vmem>> -> memref<8x8x128xf32, #tpu.memory_space<vmem>>
      %dma_start3A_1014 = arith.constant 0 : i32
      %dma_start3A_1015 = arith.constant 0 : i32
      %dma_start3A_1016 = arith.constant 0 : i32
      %dma_start3A_1017 = tpu.memref_slice %arg4[%shift_right_arithmetic3A_1005, %dma_start3A_1014, %and3A_1007, %dma_start3A_1015, %dma_start3A_1016] : memref<200x8x32x8x128xf32, #tpu.memory_space<hbm>> -> memref<1x8x1x8x128xf32, #tpu.memory_space<hbm>>
      %dma_start3A_1018 = tpu.memref_squeeze %dma_start3A_1017 : memref<1x8x1x8x128xf32, #tpu.memory_space<hbm>> -> memref<8x8x128xf32, #tpu.memory_space<hbm>>
      %dma_start3A_1019 = arith.constant 0 : i32
      %dma_start3A_1020 = arith.constant 0 : i32
      %dma_start3A_1021 = arith.constant 0 : i32
      %dma_start3A_1022 = tpu.memref_slice %arg4[%shift_right_arithmetic3A_1005, %dma_start3A_1019, %and3A_1007, %dma_start3A_1020, %dma_start3A_1021] : memref<200x8x32x8x128xf32, #tpu.memory_space<hbm>> -> memref<1x8x1x8x128xf32, #tpu.memory_space<hbm>>
      %dma_start3A_1023 = tpu.memref_squeeze %dma_start3A_1022 : memref<1x8x1x8x128xf32, #tpu.memory_space<hbm>> -> memref<8x8x128xf32, #tpu.memory_space<hbm>>
      %dma_start3A_1024 = arith.constant 0 : i32
      %dma_start3A_1025 = arith.constant 0 : i32
      %dma_start3A_1026 = arith.constant 0 : i32
      %dma_start3A_1027 = tpu.memref_slice %arg7[%dma_start3A_1008, %dma_start3A_1024, %dma_start3A_1025, %dma_start3A_1026] : memref<4x8x8x129xf32, #tpu.memory_space<vmem>> -> memref<1x8x8x128xf32, #tpu.memory_space<vmem>>
      %dma_start3A_1028 = tpu.memref_squeeze %dma_start3A_1027 : memref<1x8x8x128xf32, #tpu.memory_space<vmem>> -> memref<8x8x128xf32, #tpu.memory_space<vmem>>
      tpu.enqueue_dma source(%dma_start3A_1028 : memref<8x8x128xf32, #tpu.memory_space<vmem>>) target(%dma_start3A_1023 : memref<8x8x128xf32, #tpu.memory_space<hbm>>) target_semaphore(%arg13 : memref<!tpu.dma_semaphore, #tpu.memory_space<semaphore_mem>>)
      %add3A_1029 = arith.constant 4 : i32
      %add3A_1030 = arith.addi %add3A_945, %add3A_1029 : i32
      %sub3A_1031 = arith.subi %add3A_1030, %mul3A_2 : i32
      %mul3A_1032 = arith.constant 128 : i32
      %mul3A_1033 = arith.muli %sub3A_1031, %mul3A_1032 : i32
      %dma_start3A_1034 = arith.constant 1 : i32
      %dma_start3A_1035 = arith.constant 0 : i32
      %dma_start3A_1036 = arith.constant 0 : i32
      %dma_start3A_1037 = tpu.memref_slice %arg6[%dma_start3A_1034, %dma_start3A_1035, %dma_start3A_1036] : memref<4x128x64xf32, #tpu.memory_space<vmem>> -> memref<1x128x64xf32, #tpu.memory_space<vmem>>
      %dma_start3A_1038 = tpu.memref_squeeze %dma_start3A_1037 : memref<1x128x64xf32, #tpu.memory_space<vmem>> -> memref<128x64xf32, #tpu.memory_space<vmem>>
      %dma_start3A_1039 = tpu.memref_slice %arg5[%mul3A_1033] : memref<25600xi32, #tpu.memory_space<vmem>> -> memref<128xi32, #tpu.memory_space<vmem>>
      %dma_start3A_1040 = arith.constant 0 : i32
      %dma_start3A_1041 = arith.constant 0 : i32
      %dma_start3A_1042 = tpu.memref_slice %arg3[%dma_start3A_1040, %dma_start3A_1041] : memref<100000x64xf32, #tpu.memory_space<hbm>> -> memref<100000x64xf32, #tpu.memory_space<hbm>>
      tpu.enqueue_indirect_dma source(%dma_start3A_1042 : memref<100000x64xf32, #tpu.memory_space<hbm>>) target(%dma_start3A_1038 : memref<128x64xf32, #tpu.memory_space<vmem>>) offsets(%dma_start3A_1039 : memref<128xi32, #tpu.memory_space<vmem>>) semaphore(%arg9 : memref<!tpu.dma_semaphore, #tpu.memory_space<semaphore_mem>>)
      %add3A_1043 = arith.constant 2 : i32
      %add3A_1044 = arith.addi %add3A_844, %add3A_1043 : i32
      %sub3A_1045 = arith.subi %add3A_1044, %mul3A_2 : i32
      %mul3A_1046 = arith.constant 128 : i32
      %mul3A_1047 = arith.muli %sub3A_1045, %mul3A_1046 : i32
      %dma_wait3A_1048 = arith.constant 2 : i32
      %dma_wait3A_1049 = arith.constant 0 : i32
      %dma_wait3A_1050 = arith.constant 0 : i32
      %dma_wait3A_1051 = tpu.memref_slice %arg6[%dma_wait3A_1048, %dma_wait3A_1049, %dma_wait3A_1050] : memref<4x128x64xf32, #tpu.memory_space<vmem>> -> memref<1x128x64xf32, #tpu.memory_space<vmem>>
      %dma_wait3A_1052 = tpu.memref_squeeze %dma_wait3A_1051 : memref<1x128x64xf32, #tpu.memory_space<vmem>> -> memref<128x64xf32, #tpu.memory_space<vmem>>
      %dma_wait3A_1053 = tpu.memref_slice %arg5[%mul3A_1047] : memref<25600xi32, #tpu.memory_space<vmem>> -> memref<128xi32, #tpu.memory_space<vmem>>
      %dma_wait3A_1054 = arith.constant 0 : i32
      %dma_wait3A_1055 = arith.constant 0 : i32
      %dma_wait3A_1056 = tpu.memref_slice %arg3[%dma_wait3A_1054, %dma_wait3A_1055] : memref<100000x64xf32, #tpu.memory_space<hbm>> -> memref<100000x64xf32, #tpu.memory_space<hbm>>
      tpu.wait_indirect_dma semaphore(%arg10 : memref<!tpu.dma_semaphore, #tpu.memory_space<semaphore_mem>>) src(%dma_wait3A_1056 : memref<100000x64xf32, #tpu.memory_space<hbm>>) dst(%dma_wait3A_1052 : memref<128x64xf32, #tpu.memory_space<vmem>>)
      %sub3A_1057 = arith.constant 4 : i32
      %sub3A_1058 = arith.subi %add3A_1044, %sub3A_1057 : i32
      %shift_right_arithmetic3A_1059 = arith.constant 5 : i32
      %shift_right_arithmetic3A_1060 = arith.shrsi %sub3A_1058, %shift_right_arithmetic3A_1059 : i32
      %and3A_1061 = arith.constant 31 : i32
      %and3A_1062 = arith.andi %sub3A_1058, %and3A_1061 : i32
      %dma_wait3A_1063 = arith.constant 2 : i32
      %dma_wait3A_1064 = arith.constant 0 : i32
      %dma_wait3A_1065 = arith.constant 0 : i32
      %dma_wait3A_1066 = arith.constant 0 : i32
      %dma_wait3A_1067 = tpu.memref_slice %arg7[%dma_wait3A_1063, %dma_wait3A_1064, %dma_wait3A_1065, %dma_wait3A_1066] : memref<4x8x8x129xf32, #tpu.memory_space<vmem>> -> memref<1x8x8x128xf32, #tpu.memory_space<vmem>>
      %dma_wait3A_1068 = tpu.memref_squeeze %dma_wait3A_1067 : memref<1x8x8x128xf32, #tpu.memory_space<vmem>> -> memref<8x8x128xf32, #tpu.memory_space<vmem>>
      %dma_wait3A_1069 = arith.constant 0 : i32
      %dma_wait3A_1070 = arith.constant 0 : i32
      %dma_wait3A_1071 = arith.constant 0 : i32
      %dma_wait3A_1072 = tpu.memref_slice %arg4[%shift_right_arithmetic3A_1060, %dma_wait3A_1069, %and3A_1062, %dma_wait3A_1070, %dma_wait3A_1071] : memref<200x8x32x8x128xf32, #tpu.memory_space<hbm>> -> memref<1x8x1x8x128xf32, #tpu.memory_space<hbm>>
      %dma_wait3A_1073 = tpu.memref_squeeze %dma_wait3A_1072 : memref<1x8x1x8x128xf32, #tpu.memory_space<hbm>> -> memref<8x8x128xf32, #tpu.memory_space<hbm>>
      %dma_wait3A_1074 = arith.constant 0 : i32
      %dma_wait3A_1075 = arith.constant 0 : i32
      %dma_wait3A_1076 = arith.constant 0 : i32
      %dma_wait3A_1077 = tpu.memref_slice %arg4[%shift_right_arithmetic3A_1060, %dma_wait3A_1074, %and3A_1062, %dma_wait3A_1075, %dma_wait3A_1076] : memref<200x8x32x8x128xf32, #tpu.memory_space<hbm>> -> memref<1x8x1x8x128xf32, #tpu.memory_space<hbm>>
      %dma_wait3A_1078 = tpu.memref_squeeze %dma_wait3A_1077 : memref<1x8x1x8x128xf32, #tpu.memory_space<hbm>> -> memref<8x8x128xf32, #tpu.memory_space<hbm>>
      %dma_wait3A_1079 = arith.constant 0 : i32
      %dma_wait3A_1080 = arith.constant 0 : i32
      %dma_wait3A_1081 = arith.constant 0 : i32
      %dma_wait3A_1082 = tpu.memref_slice %arg7[%dma_wait3A_1063, %dma_wait3A_1079, %dma_wait3A_1080, %dma_wait3A_1081] : memref<4x8x8x129xf32, #tpu.memory_space<vmem>> -> memref<1x8x8x128xf32, #tpu.memory_space<vmem>>
      %dma_wait3A_1083 = tpu.memref_squeeze %dma_wait3A_1082 : memref<1x8x8x128xf32, #tpu.memory_space<vmem>> -> memref<8x8x128xf32, #tpu.memory_space<vmem>>
      tpu.wait_dma2 semaphore(%arg14 : memref<!tpu.dma_semaphore, #tpu.memory_space<semaphore_mem>>) src(%dma_wait3A_1083 : memref<8x8x128xf32, #tpu.memory_space<vmem>>) dst(%dma_wait3A_1078 : memref<8x8x128xf32, #tpu.memory_space<hbm>>)
      %add3A_1084 = arith.constant 0 : i32
      %add3A_1085 = vector.broadcast %add3A_1084 : i32 to vector<16xi32>
      %add3A_1086 = arith.addi %broadcast_in_dim3A_40, %add3A_1085 : vector<16xi32>
      %add3A_1087 = arith.constant 1 : i32
      %add3A_1088 = vector.broadcast %add3A_1087 : i32 to vector<16xi32>
      %add3A_1089 = arith.addi %broadcast_in_dim3A_40, %add3A_1088 : vector<16xi32>
      %add3A_1090 = arith.constant 2 : i32
      %add3A_1091 = vector.broadcast %add3A_1090 : i32 to vector<16xi32>
      %add3A_1092 = arith.addi %broadcast_in_dim3A_40, %add3A_1091 : vector<16xi32>
      %add3A_1093 = arith.constant 3 : i32
      %add3A_1094 = vector.broadcast %add3A_1093 : i32 to vector<16xi32>
      %add3A_1095 = arith.addi %broadcast_in_dim3A_40, %add3A_1094 : vector<16xi32>
      %scan3A_1096 = arith.constant 2 : i32
      %scan3A_1097 = arith.constant 0 : i32
      %scan3A_1098 = arith.constant 32 : i32
      %scan3A_1099 = arith.addi %scan3A_1097, %scan3A_1098 : i32
      %scan3A_1100 = arith.constant 1 : i32
      %scan3A_1101:4 = scf.for %scan3A_1241 = %scan3A_1097 to %scan3A_1099 step %scan3A_1100 iter_args(%scan3A_1242 = %add3A_1086, %scan3A_1243 = %add3A_1089, %scan3A_1244 = %add3A_1092, %scan3A_1245 = %add3A_1095) -> (vector<16xi32>, vector<16xi32>, vector<16xi32>, vector<16xi32>)  : i32 {
        %mul3A_1246 = arith.constant 4 : i32
        %mul3A_1247 = arith.muli %scan3A_1241, %mul3A_1246 : i32
        %add3A_1248 = arith.constant 0 : i32
        %add3A_1249 = arith.addi %mul3A_1247, %add3A_1248 : i32
        %get3A = arith.constant 2 : i32
        %get3A_1250 = arith.index_cast %get3A : i32 to index
        %get3A_1251 = arith.index_cast %add3A_1249 : i32 to index
        %get3A_1252 = arith.constant 0 : index
        %get3A_1253 = tpu.vector_load %arg6[%get3A_1250, %get3A_1251, %get3A_1252] {strides = array<i32>} : memref<4x128x64xf32, #tpu.memory_space<vmem>>, vector<16xf32>,
        %add3A_1254 = arith.constant 0 : i32
        %add3A_1255 = arith.addi %mul3A_1247, %add3A_1254 : i32
        %get3A_1256 = arith.constant 2 : i32
        %get3A_1257 = arith.index_cast %get3A_1256 : i32 to index
        %get3A_1258 = arith.index_cast %add3A_1255 : i32 to index
        %get3A_1259 = arith.constant 16 : index
        %get3A_1260 = tpu.vector_load %arg6[%get3A_1257, %get3A_1258, %get3A_1259] {strides = array<i32>} : memref<4x128x64xf32, #tpu.memory_space<vmem>>, vector<16xf32>,
        %add3A_1261 = arith.constant 0 : i32
        %add3A_1262 = arith.addi %mul3A_1247, %add3A_1261 : i32
        %get3A_1263 = arith.constant 2 : i32
        %get3A_1264 = arith.index_cast %get3A_1263 : i32 to index
        %get3A_1265 = arith.index_cast %add3A_1262 : i32 to index
        %get3A_1266 = arith.constant 32 : index
        %get3A_1267 = tpu.vector_load %arg6[%get3A_1264, %get3A_1265, %get3A_1266] {strides = array<i32>} : memref<4x128x64xf32, #tpu.memory_space<vmem>>, vector<16xf32>,
        %add3A_1268 = arith.constant 0 : i32
        %add3A_1269 = arith.addi %mul3A_1247, %add3A_1268 : i32
        %get3A_1270 = arith.constant 2 : i32
        %get3A_1271 = arith.index_cast %get3A_1270 : i32 to index
        %get3A_1272 = arith.index_cast %add3A_1269 : i32 to index
        %get3A_1273 = arith.constant 48 : index
        %get3A_1274 = tpu.vector_load %arg6[%get3A_1271, %get3A_1272, %get3A_1273] {strides = array<i32>} : memref<4x128x64xf32, #tpu.memory_space<vmem>>, vector<16xf32>,
        %add3A_1275 = arith.constant 1 : i32
        %add3A_1276 = arith.addi %mul3A_1247, %add3A_1275 : i32
        %get3A_1277 = arith.constant 2 : i32
        %get3A_1278 = arith.index_cast %get3A_1277 : i32 to index
        %get3A_1279 = arith.index_cast %add3A_1276 : i32 to index
        %get3A_1280 = arith.constant 0 : index
        %get3A_1281 = tpu.vector_load %arg6[%get3A_1278, %get3A_1279, %get3A_1280] {strides = array<i32>} : memref<4x128x64xf32, #tpu.memory_space<vmem>>, vector<16xf32>,
        %add3A_1282 = arith.constant 1 : i32
        %add3A_1283 = arith.addi %mul3A_1247, %add3A_1282 : i32
        %get3A_1284 = arith.constant 2 : i32
        %get3A_1285 = arith.index_cast %get3A_1284 : i32 to index
        %get3A_1286 = arith.index_cast %add3A_1283 : i32 to index
        %get3A_1287 = arith.constant 16 : index
        %get3A_1288 = tpu.vector_load %arg6[%get3A_1285, %get3A_1286, %get3A_1287] {strides = array<i32>} : memref<4x128x64xf32, #tpu.memory_space<vmem>>, vector<16xf32>,
        %add3A_1289 = arith.constant 1 : i32
        %add3A_1290 = arith.addi %mul3A_1247, %add3A_1289 : i32
        %get3A_1291 = arith.constant 2 : i32
        %get3A_1292 = arith.index_cast %get3A_1291 : i32 to index
        %get3A_1293 = arith.index_cast %add3A_1290 : i32 to index
        %get3A_1294 = arith.constant 32 : index
        %get3A_1295 = tpu.vector_load %arg6[%get3A_1292, %get3A_1293, %get3A_1294] {strides = array<i32>} : memref<4x128x64xf32, #tpu.memory_space<vmem>>, vector<16xf32>,
        %add3A_1296 = arith.constant 1 : i32
        %add3A_1297 = arith.addi %mul3A_1247, %add3A_1296 : i32
        %get3A_1298 = arith.constant 2 : i32
        %get3A_1299 = arith.index_cast %get3A_1298 : i32 to index
        %get3A_1300 = arith.index_cast %add3A_1297 : i32 to index
        %get3A_1301 = arith.constant 48 : index
        %get3A_1302 = tpu.vector_load %arg6[%get3A_1299, %get3A_1300, %get3A_1301] {strides = array<i32>} : memref<4x128x64xf32, #tpu.memory_space<vmem>>, vector<16xf32>,
        %add3A_1303 = arith.constant 2 : i32
        %add3A_1304 = arith.addi %mul3A_1247, %add3A_1303 : i32
        %get3A_1305 = arith.constant 2 : i32
        %get3A_1306 = arith.index_cast %get3A_1305 : i32 to index
        %get3A_1307 = arith.index_cast %add3A_1304 : i32 to index
        %get3A_1308 = arith.constant 0 : index
        %get3A_1309 = tpu.vector_load %arg6[%get3A_1306, %get3A_1307, %get3A_1308] {strides = array<i32>} : memref<4x128x64xf32, #tpu.memory_space<vmem>>, vector<16xf32>,
        %add3A_1310 = arith.constant 2 : i32
        %add3A_1311 = arith.addi %mul3A_1247, %add3A_1310 : i32
        %get3A_1312 = arith.constant 2 : i32
        %get3A_1313 = arith.index_cast %get3A_1312 : i32 to index
        %get3A_1314 = arith.index_cast %add3A_1311 : i32 to index
        %get3A_1315 = arith.constant 16 : index
        %get3A_1316 = tpu.vector_load %arg6[%get3A_1313, %get3A_1314, %get3A_1315] {strides = array<i32>} : memref<4x128x64xf32, #tpu.memory_space<vmem>>, vector<16xf32>,
        %add3A_1317 = arith.constant 2 : i32
        %add3A_1318 = arith.addi %mul3A_1247, %add3A_1317 : i32
        %get3A_1319 = arith.constant 2 : i32
        %get3A_1320 = arith.index_cast %get3A_1319 : i32 to index
        %get3A_1321 = arith.index_cast %add3A_1318 : i32 to index
        %get3A_1322 = arith.constant 32 : index
        %get3A_1323 = tpu.vector_load %arg6[%get3A_1320, %get3A_1321, %get3A_1322] {strides = array<i32>} : memref<4x128x64xf32, #tpu.memory_space<vmem>>, vector<16xf32>,
        %add3A_1324 = arith.constant 2 : i32
        %add3A_1325 = arith.addi %mul3A_1247, %add3A_1324 : i32
        %get3A_1326 = arith.constant 2 : i32
        %get3A_1327 = arith.index_cast %get3A_1326 : i32 to index
        %get3A_1328 = arith.index_cast %add3A_1325 : i32 to index
        %get3A_1329 = arith.constant 48 : index
        %get3A_1330 = tpu.vector_load %arg6[%get3A_1327, %get3A_1328, %get3A_1329] {strides = array<i32>} : memref<4x128x64xf32, #tpu.memory_space<vmem>>, vector<16xf32>,
        %add3A_1331 = arith.constant 3 : i32
        %add3A_1332 = arith.addi %mul3A_1247, %add3A_1331 : i32
        %get3A_1333 = arith.constant 2 : i32
        %get3A_1334 = arith.index_cast %get3A_1333 : i32 to index
        %get3A_1335 = arith.index_cast %add3A_1332 : i32 to index
        %get3A_1336 = arith.constant 0 : index
        %get3A_1337 = tpu.vector_load %arg6[%get3A_1334, %get3A_1335, %get3A_1336] {strides = array<i32>} : memref<4x128x64xf32, #tpu.memory_space<vmem>>, vector<16xf32>,
        %add3A_1338 = arith.constant 3 : i32
        %add3A_1339 = arith.addi %mul3A_1247, %add3A_1338 : i32
        %get3A_1340 = arith.constant 2 : i32
        %get3A_1341 = arith.index_cast %get3A_1340 : i32 to index
        %get3A_1342 = arith.index_cast %add3A_1339 : i32 to index
        %get3A_1343 = arith.constant 16 : index
        %get3A_1344 = tpu.vector_load %arg6[%get3A_1341, %get3A_1342, %get3A_1343] {strides = array<i32>} : memref<4x128x64xf32, #tpu.memory_space<vmem>>, vector<16xf32>,
        %add3A_1345 = arith.constant 3 : i32
        %add3A_1346 = arith.addi %mul3A_1247, %add3A_1345 : i32
        %get3A_1347 = arith.constant 2 : i32
        %get3A_1348 = arith.index_cast %get3A_1347 : i32 to index
        %get3A_1349 = arith.index_cast %add3A_1346 : i32 to index
        %get3A_1350 = arith.constant 32 : index
        %get3A_1351 = tpu.vector_load %arg6[%get3A_1348, %get3A_1349, %get3A_1350] {strides = array<i32>} : memref<4x128x64xf32, #tpu.memory_space<vmem>>, vector<16xf32>,
        %add3A_1352 = arith.constant 3 : i32
        %add3A_1353 = arith.addi %mul3A_1247, %add3A_1352 : i32
        %get3A_1354 = arith.constant 2 : i32
        %get3A_1355 = arith.index_cast %get3A_1354 : i32 to index
        %get3A_1356 = arith.index_cast %add3A_1353 : i32 to index
        %get3A_1357 = arith.constant 48 : index
        %get3A_1358 = tpu.vector_load %arg6[%get3A_1355, %get3A_1356, %get3A_1357] {strides = array<i32>} : memref<4x128x64xf32, #tpu.memory_space<vmem>>, vector<16xf32>,
        %scatter3A = arith.constant 0 : i32
        %scatter3A_1359 = arith.constant 0 : i32
        %scatter3A_1360 = arith.constant 0 : i32
        %scatter3A_1361 = tpu.memref_slice %arg7[%scan3A_1096, %scatter3A, %scatter3A_1359, %scatter3A_1360] : memref<4x8x8x129xf32, #tpu.memory_space<vmem>> -> memref<1x8x8x129xf32, #tpu.memory_space<vmem>>
        %scatter3A_1362 = tpu.memref_squeeze %scatter3A_1361 : memref<1x8x8x129xf32, #tpu.memory_space<vmem>> -> memref<8x8x129xf32, #tpu.memory_space<vmem>>
        tpu.vector_store_idx %scatter3A_1362[%shift_right_arithmetic3A_19, %and3A_30, %scan3A_1242], %get3A_1253 : memref<8x8x129xf32, #tpu.memory_space<vmem>>[vector<16xi32>, vector<16xi32>, vector<16xi32>], vector<16xf32>,
        %scatter3A_1363 = arith.constant 0 : i32
        %scatter3A_1364 = arith.constant 0 : i32
        %scatter3A_1365 = arith.constant 0 : i32
        %scatter3A_1366 = tpu.memref_slice %arg7[%scan3A_1096, %scatter3A_1363, %scatter3A_1364, %scatter3A_1365] : memref<4x8x8x129xf32, #tpu.memory_space<vmem>> -> memref<1x8x8x129xf32, #tpu.memory_space<vmem>>
        %scatter3A_1367 = tpu.memref_squeeze %scatter3A_1366 : memref<1x8x8x129xf32, #tpu.memory_space<vmem>> -> memref<8x8x129xf32, #tpu.memory_space<vmem>>
        tpu.vector_store_idx %scatter3A_1367[%shift_right_arithmetic3A_22, %and3A_33, %scan3A_1242], %get3A_1260 : memref<8x8x129xf32, #tpu.memory_space<vmem>>[vector<16xi32>, vector<16xi32>, vector<16xi32>], vector<16xf32>,
        %scatter3A_1368 = arith.constant 0 : i32
        %scatter3A_1369 = arith.constant 0 : i32
        %scatter3A_1370 = arith.constant 0 : i32
        %scatter3A_1371 = tpu.memref_slice %arg7[%scan3A_1096, %scatter3A_1368, %scatter3A_1369, %scatter3A_1370] : memref<4x8x8x129xf32, #tpu.memory_space<vmem>> -> memref<1x8x8x129xf32, #tpu.memory_space<vmem>>
        %scatter3A_1372 = tpu.memref_squeeze %scatter3A_1371 : memref<1x8x8x129xf32, #tpu.memory_space<vmem>> -> memref<8x8x129xf32, #tpu.memory_space<vmem>>
        tpu.vector_store_idx %scatter3A_1372[%shift_right_arithmetic3A_25, %and3A_36, %scan3A_1242], %get3A_1267 : memref<8x8x129xf32, #tpu.memory_space<vmem>>[vector<16xi32>, vector<16xi32>, vector<16xi32>], vector<16xf32>,
        %scatter3A_1373 = arith.constant 0 : i32
        %scatter3A_1374 = arith.constant 0 : i32
        %scatter3A_1375 = arith.constant 0 : i32
        %scatter3A_1376 = tpu.memref_slice %arg7[%scan3A_1096, %scatter3A_1373, %scatter3A_1374, %scatter3A_1375] : memref<4x8x8x129xf32, #tpu.memory_space<vmem>> -> memref<1x8x8x129xf32, #tpu.memory_space<vmem>>
        %scatter3A_1377 = tpu.memref_squeeze %scatter3A_1376 : memref<1x8x8x129xf32, #tpu.memory_space<vmem>> -> memref<8x8x129xf32, #tpu.memory_space<vmem>>
        tpu.vector_store_idx %scatter3A_1377[%shift_right_arithmetic3A_28, %and3A_39, %scan3A_1242], %get3A_1274 : memref<8x8x129xf32, #tpu.memory_space<vmem>>[vector<16xi32>, vector<16xi32>, vector<16xi32>], vector<16xf32>,
        %scatter3A_1378 = arith.constant 0 : i32
        %scatter3A_1379 = arith.constant 0 : i32
        %scatter3A_1380 = arith.constant 0 : i32
        %scatter3A_1381 = tpu.memref_slice %arg7[%scan3A_1096, %scatter3A_1378, %scatter3A_1379, %scatter3A_1380] : memref<4x8x8x129xf32, #tpu.memory_space<vmem>> -> memref<1x8x8x129xf32, #tpu.memory_space<vmem>>
        %scatter3A_1382 = tpu.memref_squeeze %scatter3A_1381 : memref<1x8x8x129xf32, #tpu.memory_space<vmem>> -> memref<8x8x129xf32, #tpu.memory_space<vmem>>
        tpu.vector_store_idx %scatter3A_1382[%shift_right_arithmetic3A_19, %and3A_30, %scan3A_1243], %get3A_1281 : memref<8x8x129xf32, #tpu.memory_space<vmem>>[vector<16xi32>, vector<16xi32>, vector<16xi32>], vector<16xf32>,
        %scatter3A_1383 = arith.constant 0 : i32
        %scatter3A_1384 = arith.constant 0 : i32
        %scatter3A_1385 = arith.constant 0 : i32
        %scatter3A_1386 = tpu.memref_slice %arg7[%scan3A_1096, %scatter3A_1383, %scatter3A_1384, %scatter3A_1385] : memref<4x8x8x129xf32, #tpu.memory_space<vmem>> -> memref<1x8x8x129xf32, #tpu.memory_space<vmem>>
        %scatter3A_1387 = tpu.memref_squeeze %scatter3A_1386 : memref<1x8x8x129xf32, #tpu.memory_space<vmem>> -> memref<8x8x129xf32, #tpu.memory_space<vmem>>
        tpu.vector_store_idx %scatter3A_1387[%shift_right_arithmetic3A_22, %and3A_33, %scan3A_1243], %get3A_1288 : memref<8x8x129xf32, #tpu.memory_space<vmem>>[vector<16xi32>, vector<16xi32>, vector<16xi32>], vector<16xf32>,
        %scatter3A_1388 = arith.constant 0 : i32
        %scatter3A_1389 = arith.constant 0 : i32
        %scatter3A_1390 = arith.constant 0 : i32
        %scatter3A_1391 = tpu.memref_slice %arg7[%scan3A_1096, %scatter3A_1388, %scatter3A_1389, %scatter3A_1390] : memref<4x8x8x129xf32, #tpu.memory_space<vmem>> -> memref<1x8x8x129xf32, #tpu.memory_space<vmem>>
        %scatter3A_1392 = tpu.memref_squeeze %scatter3A_1391 : memref<1x8x8x129xf32, #tpu.memory_space<vmem>> -> memref<8x8x129xf32, #tpu.memory_space<vmem>>
        tpu.vector_store_idx %scatter3A_1392[%shift_right_arithmetic3A_25, %and3A_36, %scan3A_1243], %get3A_1295 : memref<8x8x129xf32, #tpu.memory_space<vmem>>[vector<16xi32>, vector<16xi32>, vector<16xi32>], vector<16xf32>,
        %scatter3A_1393 = arith.constant 0 : i32
        %scatter3A_1394 = arith.constant 0 : i32
        %scatter3A_1395 = arith.constant 0 : i32
        %scatter3A_1396 = tpu.memref_slice %arg7[%scan3A_1096, %scatter3A_1393, %scatter3A_1394, %scatter3A_1395] : memref<4x8x8x129xf32, #tpu.memory_space<vmem>> -> memref<1x8x8x129xf32, #tpu.memory_space<vmem>>
        %scatter3A_1397 = tpu.memref_squeeze %scatter3A_1396 : memref<1x8x8x129xf32, #tpu.memory_space<vmem>> -> memref<8x8x129xf32, #tpu.memory_space<vmem>>
        tpu.vector_store_idx %scatter3A_1397[%shift_right_arithmetic3A_28, %and3A_39, %scan3A_1243], %get3A_1302 : memref<8x8x129xf32, #tpu.memory_space<vmem>>[vector<16xi32>, vector<16xi32>, vector<16xi32>], vector<16xf32>,
        %scatter3A_1398 = arith.constant 0 : i32
        %scatter3A_1399 = arith.constant 0 : i32
        %scatter3A_1400 = arith.constant 0 : i32
        %scatter3A_1401 = tpu.memref_slice %arg7[%scan3A_1096, %scatter3A_1398, %scatter3A_1399, %scatter3A_1400] : memref<4x8x8x129xf32, #tpu.memory_space<vmem>> -> memref<1x8x8x129xf32, #tpu.memory_space<vmem>>
        %scatter3A_1402 = tpu.memref_squeeze %scatter3A_1401 : memref<1x8x8x129xf32, #tpu.memory_space<vmem>> -> memref<8x8x129xf32, #tpu.memory_space<vmem>>
        tpu.vector_store_idx %scatter3A_1402[%shift_right_arithmetic3A_19, %and3A_30, %scan3A_1244], %get3A_1309 : memref<8x8x129xf32, #tpu.memory_space<vmem>>[vector<16xi32>, vector<16xi32>, vector<16xi32>], vector<16xf32>,
        %scatter3A_1403 = arith.constant 0 : i32
        %scatter3A_1404 = arith.constant 0 : i32
        %scatter3A_1405 = arith.constant 0 : i32
        %scatter3A_1406 = tpu.memref_slice %arg7[%scan3A_1096, %scatter3A_1403, %scatter3A_1404, %scatter3A_1405] : memref<4x8x8x129xf32, #tpu.memory_space<vmem>> -> memref<1x8x8x129xf32, #tpu.memory_space<vmem>>
        %scatter3A_1407 = tpu.memref_squeeze %scatter3A_1406 : memref<1x8x8x129xf32, #tpu.memory_space<vmem>> -> memref<8x8x129xf32, #tpu.memory_space<vmem>>
        tpu.vector_store_idx %scatter3A_1407[%shift_right_arithmetic3A_22, %and3A_33, %scan3A_1244], %get3A_1316 : memref<8x8x129xf32, #tpu.memory_space<vmem>>[vector<16xi32>, vector<16xi32>, vector<16xi32>], vector<16xf32>,
        %scatter3A_1408 = arith.constant 0 : i32
        %scatter3A_1409 = arith.constant 0 : i32
        %scatter3A_1410 = arith.constant 0 : i32
        %scatter3A_1411 = tpu.memref_slice %arg7[%scan3A_1096, %scatter3A_1408, %scatter3A_1409, %scatter3A_1410] : memref<4x8x8x129xf32, #tpu.memory_space<vmem>> -> memref<1x8x8x129xf32, #tpu.memory_space<vmem>>
        %scatter3A_1412 = tpu.memref_squeeze %scatter3A_1411 : memref<1x8x8x129xf32, #tpu.memory_space<vmem>> -> memref<8x8x129xf32, #tpu.memory_space<vmem>>
        tpu.vector_store_idx %scatter3A_1412[%shift_right_arithmetic3A_25, %and3A_36, %scan3A_1244], %get3A_1323 : memref<8x8x129xf32, #tpu.memory_space<vmem>>[vector<16xi32>, vector<16xi32>, vector<16xi32>], vector<16xf32>,
        %scatter3A_1413 = arith.constant 0 : i32
        %scatter3A_1414 = arith.constant 0 : i32
        %scatter3A_1415 = arith.constant 0 : i32
        %scatter3A_1416 = tpu.memref_slice %arg7[%scan3A_1096, %scatter3A_1413, %scatter3A_1414, %scatter3A_1415] : memref<4x8x8x129xf32, #tpu.memory_space<vmem>> -> memref<1x8x8x129xf32, #tpu.memory_space<vmem>>
        %scatter3A_1417 = tpu.memref_squeeze %scatter3A_1416 : memref<1x8x8x129xf32, #tpu.memory_space<vmem>> -> memref<8x8x129xf32, #tpu.memory_space<vmem>>
        tpu.vector_store_idx %scatter3A_1417[%shift_right_arithmetic3A_28, %and3A_39, %scan3A_1244], %get3A_1330 : memref<8x8x129xf32, #tpu.memory_space<vmem>>[vector<16xi32>, vector<16xi32>, vector<16xi32>], vector<16xf32>,
        %scatter3A_1418 = arith.constant 0 : i32
        %scatter3A_1419 = arith.constant 0 : i32
        %scatter3A_1420 = arith.constant 0 : i32
        %scatter3A_1421 = tpu.memref_slice %arg7[%scan3A_1096, %scatter3A_1418, %scatter3A_1419, %scatter3A_1420] : memref<4x8x8x129xf32, #tpu.memory_space<vmem>> -> memref<1x8x8x129xf32, #tpu.memory_space<vmem>>
        %scatter3A_1422 = tpu.memref_squeeze %scatter3A_1421 : memref<1x8x8x129xf32, #tpu.memory_space<vmem>> -> memref<8x8x129xf32, #tpu.memory_space<vmem>>
        tpu.vector_store_idx %scatter3A_1422[%shift_right_arithmetic3A_19, %and3A_30, %scan3A_1245], %get3A_1337 : memref<8x8x129xf32, #tpu.memory_space<vmem>>[vector<16xi32>, vector<16xi32>, vector<16xi32>], vector<16xf32>,
        %scatter3A_1423 = arith.constant 0 : i32
        %scatter3A_1424 = arith.constant 0 : i32
        %scatter3A_1425 = arith.constant 0 : i32
        %scatter3A_1426 = tpu.memref_slice %arg7[%scan3A_1096, %scatter3A_1423, %scatter3A_1424, %scatter3A_1425] : memref<4x8x8x129xf32, #tpu.memory_space<vmem>> -> memref<1x8x8x129xf32, #tpu.memory_space<vmem>>
        %scatter3A_1427 = tpu.memref_squeeze %scatter3A_1426 : memref<1x8x8x129xf32, #tpu.memory_space<vmem>> -> memref<8x8x129xf32, #tpu.memory_space<vmem>>
        tpu.vector_store_idx %scatter3A_1427[%shift_right_arithmetic3A_22, %and3A_33, %scan3A_1245], %get3A_1344 : memref<8x8x129xf32, #tpu.memory_space<vmem>>[vector<16xi32>, vector<16xi32>, vector<16xi32>], vector<16xf32>,
        %scatter3A_1428 = arith.constant 0 : i32
        %scatter3A_1429 = arith.constant 0 : i32
        %scatter3A_1430 = arith.constant 0 : i32
        %scatter3A_1431 = tpu.memref_slice %arg7[%scan3A_1096, %scatter3A_1428, %scatter3A_1429, %scatter3A_1430] : memref<4x8x8x129xf32, #tpu.memory_space<vmem>> -> memref<1x8x8x129xf32, #tpu.memory_space<vmem>>
        %scatter3A_1432 = tpu.memref_squeeze %scatter3A_1431 : memref<1x8x8x129xf32, #tpu.memory_space<vmem>> -> memref<8x8x129xf32, #tpu.memory_space<vmem>>
        tpu.vector_store_idx %scatter3A_1432[%shift_right_arithmetic3A_25, %and3A_36, %scan3A_1245], %get3A_1351 : memref<8x8x129xf32, #tpu.memory_space<vmem>>[vector<16xi32>, vector<16xi32>, vector<16xi32>], vector<16xf32>,
        %scatter3A_1433 = arith.constant 0 : i32
        %scatter3A_1434 = arith.constant 0 : i32
        %scatter3A_1435 = arith.constant 0 : i32
        %scatter3A_1436 = tpu.memref_slice %arg7[%scan3A_1096, %scatter3A_1433, %scatter3A_1434, %scatter3A_1435] : memref<4x8x8x129xf32, #tpu.memory_space<vmem>> -> memref<1x8x8x129xf32, #tpu.memory_space<vmem>>
        %scatter3A_1437 = tpu.memref_squeeze %scatter3A_1436 : memref<1x8x8x129xf32, #tpu.memory_space<vmem>> -> memref<8x8x129xf32, #tpu.memory_space<vmem>>
        tpu.vector_store_idx %scatter3A_1437[%shift_right_arithmetic3A_28, %and3A_39, %scan3A_1245], %get3A_1358 : memref<8x8x129xf32, #tpu.memory_space<vmem>>[vector<16xi32>, vector<16xi32>, vector<16xi32>], vector<16xf32>,
        %add3A_1438 = arith.constant 4 : i32
        %add3A_1439 = vector.broadcast %add3A_1438 : i32 to vector<16xi32>
        %add3A_1440 = arith.addi %scan3A_1242, %add3A_1439 : vector<16xi32>
        %add3A_1441 = arith.constant 4 : i32
        %add3A_1442 = vector.broadcast %add3A_1441 : i32 to vector<16xi32>
        %add3A_1443 = arith.addi %scan3A_1243, %add3A_1442 : vector<16xi32>
        %add3A_1444 = arith.constant 4 : i32
        %add3A_1445 = vector.broadcast %add3A_1444 : i32 to vector<16xi32>
        %add3A_1446 = arith.addi %scan3A_1244, %add3A_1445 : vector<16xi32>
        %add3A_1447 = arith.constant 4 : i32
        %add3A_1448 = vector.broadcast %add3A_1447 : i32 to vector<16xi32>
        %add3A_1449 = arith.addi %scan3A_1245, %add3A_1448 : vector<16xi32>
        scf.yield %add3A_1440, %add3A_1443, %add3A_1446, %add3A_1449 : vector<16xi32>, vector<16xi32>, vector<16xi32>, vector<16xi32>
      }
      %scan3A_1102 = arith.constant 32 : i32
      %shift_right_arithmetic3A_1103 = arith.constant 5 : i32
      %shift_right_arithmetic3A_1104 = arith.shrsi %add3A_1044, %shift_right_arithmetic3A_1103 : i32
      %and3A_1105 = arith.constant 31 : i32
      %and3A_1106 = arith.andi %add3A_1044, %and3A_1105 : i32
      %dma_start3A_1107 = arith.constant 2 : i32
      %dma_start3A_1108 = arith.constant 0 : i32
      %dma_start3A_1109 = arith.constant 0 : i32
      %dma_start3A_1110 = arith.constant 0 : i32
      %dma_start3A_1111 = tpu.memref_slice %arg7[%dma_start3A_1107, %dma_start3A_1108, %dma_start3A_1109, %dma_start3A_1110] : memref<4x8x8x129xf32, #tpu.memory_space<vmem>> -> memref<1x8x8x128xf32, #tpu.memory_space<vmem>>
      %dma_start3A_1112 = tpu.memref_squeeze %dma_start3A_1111 : memref<1x8x8x128xf32, #tpu.memory_space<vmem>> -> memref<8x8x128xf32, #tpu.memory_space<vmem>>
      %dma_start3A_1113 = arith.constant 0 : i32
      %dma_start3A_1114 = arith.constant 0 : i32
      %dma_start3A_1115 = arith.constant 0 : i32
      %dma_start3A_1116 = tpu.memref_slice %arg4[%shift_right_arithmetic3A_1104, %dma_start3A_1113, %and3A_1106, %dma_start3A_1114, %dma_start3A_1115] : memref<200x8x32x8x128xf32, #tpu.memory_space<hbm>> -> memref<1x8x1x8x128xf32, #tpu.memory_space<hbm>>
      %dma_start3A_1117 = tpu.memref_squeeze %dma_start3A_1116 : memref<1x8x1x8x128xf32, #tpu.memory_space<hbm>> -> memref<8x8x128xf32, #tpu.memory_space<hbm>>
      %dma_start3A_1118 = arith.constant 0 : i32
      %dma_start3A_1119 = arith.constant 0 : i32
      %dma_start3A_1120 = arith.constant 0 : i32
      %dma_start3A_1121 = tpu.memref_slice %arg4[%shift_right_arithmetic3A_1104, %dma_start3A_1118, %and3A_1106, %dma_start3A_1119, %dma_start3A_1120] : memref<200x8x32x8x128xf32, #tpu.memory_space<hbm>> -> memref<1x8x1x8x128xf32, #tpu.memory_space<hbm>>
      %dma_start3A_1122 = tpu.memref_squeeze %dma_start3A_1121 : memref<1x8x1x8x128xf32, #tpu.memory_space<hbm>> -> memref<8x8x128xf32, #tpu.memory_space<hbm>>
      %dma_start3A_1123 = arith.constant 0 : i32
      %dma_start3A_1124 = arith.constant 0 : i32
      %dma_start3A_1125 = arith.constant 0 : i32
      %dma_start3A_1126 = tpu.memref_slice %arg7[%dma_start3A_1107, %dma_start3A_1123, %dma_start3A_1124, %dma_start3A_1125] : memref<4x8x8x129xf32, #tpu.memory_space<vmem>> -> memref<1x8x8x128xf32, #tpu.memory_space<vmem>>
      %dma_start3A_1127 = tpu.memref_squeeze %dma_start3A_1126 : memref<1x8x8x128xf32, #tpu.memory_space<vmem>> -> memref<8x8x128xf32, #tpu.memory_space<vmem>>
      tpu.enqueue_dma source(%dma_start3A_1127 : memref<8x8x128xf32, #tpu.memory_space<vmem>>) target(%dma_start3A_1122 : memref<8x8x128xf32, #tpu.memory_space<hbm>>) target_semaphore(%arg14 : memref<!tpu.dma_semaphore, #tpu.memory_space<semaphore_mem>>)
      %add3A_1128 = arith.constant 4 : i32
      %add3A_1129 = arith.addi %add3A_1044, %add3A_1128 : i32
      %sub3A_1130 = arith.subi %add3A_1129, %mul3A_2 : i32
      %mul3A_1131 = arith.constant 128 : i32
      %mul3A_1132 = arith.muli %sub3A_1130, %mul3A_1131 : i32
      %dma_start3A_1133 = arith.constant 2 : i32
      %dma_start3A_1134 = arith.constant 0 : i32
      %dma_start3A_1135 = arith.constant 0 : i32
      %dma_start3A_1136 = tpu.memref_slice %arg6[%dma_start3A_1133, %dma_start3A_1134, %dma_start3A_1135] : memref<4x128x64xf32, #tpu.memory_space<vmem>> -> memref<1x128x64xf32, #tpu.memory_space<vmem>>
      %dma_start3A_1137 = tpu.memref_squeeze %dma_start3A_1136 : memref<1x128x64xf32, #tpu.memory_space<vmem>> -> memref<128x64xf32, #tpu.memory_space<vmem>>
      %dma_start3A_1138 = tpu.memref_slice %arg5[%mul3A_1132] : memref<25600xi32, #tpu.memory_space<vmem>> -> memref<128xi32, #tpu.memory_space<vmem>>
      %dma_start3A_1139 = arith.constant 0 : i32
      %dma_start3A_1140 = arith.constant 0 : i32
      %dma_start3A_1141 = tpu.memref_slice %arg3[%dma_start3A_1139, %dma_start3A_1140] : memref<100000x64xf32, #tpu.memory_space<hbm>> -> memref<100000x64xf32, #tpu.memory_space<hbm>>
      tpu.enqueue_indirect_dma source(%dma_start3A_1141 : memref<100000x64xf32, #tpu.memory_space<hbm>>) target(%dma_start3A_1137 : memref<128x64xf32, #tpu.memory_space<vmem>>) offsets(%dma_start3A_1138 : memref<128xi32, #tpu.memory_space<vmem>>) semaphore(%arg10 : memref<!tpu.dma_semaphore, #tpu.memory_space<semaphore_mem>>)
      %add3A_1142 = arith.constant 3 : i32
      %add3A_1143 = arith.addi %add3A_844, %add3A_1142 : i32
      %sub3A_1144 = arith.subi %add3A_1143, %mul3A_2 : i32
      %mul3A_1145 = arith.constant 128 : i32
      %mul3A_1146 = arith.muli %sub3A_1144, %mul3A_1145 : i32
      %dma_wait3A_1147 = arith.constant 3 : i32
      %dma_wait3A_1148 = arith.constant 0 : i32
      %dma_wait3A_1149 = arith.constant 0 : i32
      %dma_wait3A_1150 = tpu.memref_slice %arg6[%dma_wait3A_1147, %dma_wait3A_1148, %dma_wait3A_1149] : memref<4x128x64xf32, #tpu.memory_space<vmem>> -> memref<1x128x64xf32, #tpu.memory_space<vmem>>
      %dma_wait3A_1151 = tpu.memref_squeeze %dma_wait3A_1150 : memref<1x128x64xf32, #tpu.memory_space<vmem>> -> memref<128x64xf32, #tpu.memory_space<vmem>>
      %dma_wait3A_1152 = tpu.memref_slice %arg5[%mul3A_1146] : memref<25600xi32, #tpu.memory_space<vmem>> -> memref<128xi32, #tpu.memory_space<vmem>>
      %dma_wait3A_1153 = arith.constant 0 : i32
      %dma_wait3A_1154 = arith.constant 0 : i32
      %dma_wait3A_1155 = tpu.memref_slice %arg3[%dma_wait3A_1153, %dma_wait3A_1154] : memref<100000x64xf32, #tpu.memory_space<hbm>> -> memref<100000x64xf32, #tpu.memory_space<hbm>>
      tpu.wait_indirect_dma semaphore(%arg11 : memref<!tpu.dma_semaphore, #tpu.memory_space<semaphore_mem>>) src(%dma_wait3A_1155 : memref<100000x64xf32, #tpu.memory_space<hbm>>) dst(%dma_wait3A_1151 : memref<128x64xf32, #tpu.memory_space<vmem>>)
      %sub3A_1156 = arith.constant 4 : i32
      %sub3A_1157 = arith.subi %add3A_1143, %sub3A_1156 : i32
      %shift_right_arithmetic3A_1158 = arith.constant 5 : i32
      %shift_right_arithmetic3A_1159 = arith.shrsi %sub3A_1157, %shift_right_arithmetic3A_1158 : i32
      %and3A_1160 = arith.constant 31 : i32
      %and3A_1161 = arith.andi %sub3A_1157, %and3A_1160 : i32
      %dma_wait3A_1162 = arith.constant 3 : i32
      %dma_wait3A_1163 = arith.constant 0 : i32
      %dma_wait3A_1164 = arith.constant 0 : i32
      %dma_wait3A_1165 = arith.constant 0 : i32
      %dma_wait3A_1166 = tpu.memref_slice %arg7[%dma_wait3A_1162, %dma_wait3A_1163, %dma_wait3A_1164, %dma_wait3A_1165] : memref<4x8x8x129xf32, #tpu.memory_space<vmem>> -> memref<1x8x8x128xf32, #tpu.memory_space<vmem>>
      %dma_wait3A_1167 = tpu.memref_squeeze %dma_wait3A_1166 : memref<1x8x8x128xf32, #tpu.memory_space<vmem>> -> memref<8x8x128xf32, #tpu.memory_space<vmem>>
      %dma_wait3A_1168 = arith.constant 0 : i32
      %dma_wait3A_1169 = arith.constant 0 : i32
      %dma_wait3A_1170 = arith.constant 0 : i32
      %dma_wait3A_1171 = tpu.memref_slice %arg4[%shift_right_arithmetic3A_1159, %dma_wait3A_1168, %and3A_1161, %dma_wait3A_1169, %dma_wait3A_1170] : memref<200x8x32x8x128xf32, #tpu.memory_space<hbm>> -> memref<1x8x1x8x128xf32, #tpu.memory_space<hbm>>
      %dma_wait3A_1172 = tpu.memref_squeeze %dma_wait3A_1171 : memref<1x8x1x8x128xf32, #tpu.memory_space<hbm>> -> memref<8x8x128xf32, #tpu.memory_space<hbm>>
      %dma_wait3A_1173 = arith.constant 0 : i32
      %dma_wait3A_1174 = arith.constant 0 : i32
      %dma_wait3A_1175 = arith.constant 0 : i32
      %dma_wait3A_1176 = tpu.memref_slice %arg4[%shift_right_arithmetic3A_1159, %dma_wait3A_1173, %and3A_1161, %dma_wait3A_1174, %dma_wait3A_1175] : memref<200x8x32x8x128xf32, #tpu.memory_space<hbm>> -> memref<1x8x1x8x128xf32, #tpu.memory_space<hbm>>
      %dma_wait3A_1177 = tpu.memref_squeeze %dma_wait3A_1176 : memref<1x8x1x8x128xf32, #tpu.memory_space<hbm>> -> memref<8x8x128xf32, #tpu.memory_space<hbm>>
      %dma_wait3A_1178 = arith.constant 0 : i32
      %dma_wait3A_1179 = arith.constant 0 : i32
      %dma_wait3A_1180 = arith.constant 0 : i32
      %dma_wait3A_1181 = tpu.memref_slice %arg7[%dma_wait3A_1162, %dma_wait3A_1178, %dma_wait3A_1179, %dma_wait3A_1180] : memref<4x8x8x129xf32, #tpu.memory_space<vmem>> -> memref<1x8x8x128xf32, #tpu.memory_space<vmem>>
      %dma_wait3A_1182 = tpu.memref_squeeze %dma_wait3A_1181 : memref<1x8x8x128xf32, #tpu.memory_space<vmem>> -> memref<8x8x128xf32, #tpu.memory_space<vmem>>
      tpu.wait_dma2 semaphore(%arg15 : memref<!tpu.dma_semaphore, #tpu.memory_space<semaphore_mem>>) src(%dma_wait3A_1182 : memref<8x8x128xf32, #tpu.memory_space<vmem>>) dst(%dma_wait3A_1177 : memref<8x8x128xf32, #tpu.memory_space<hbm>>)
      %add3A_1183 = arith.constant 0 : i32
      %add3A_1184 = vector.broadcast %add3A_1183 : i32 to vector<16xi32>
      %add3A_1185 = arith.addi %broadcast_in_dim3A_40, %add3A_1184 : vector<16xi32>
      %add3A_1186 = arith.constant 1 : i32
      %add3A_1187 = vector.broadcast %add3A_1186 : i32 to vector<16xi32>
      %add3A_1188 = arith.addi %broadcast_in_dim3A_40, %add3A_1187 : vector<16xi32>
      %add3A_1189 = arith.constant 2 : i32
      %add3A_1190 = vector.broadcast %add3A_1189 : i32 to vector<16xi32>
      %add3A_1191 = arith.addi %broadcast_in_dim3A_40, %add3A_1190 : vector<16xi32>
      %add3A_1192 = arith.constant 3 : i32
      %add3A_1193 = vector.broadcast %add3A_1192 : i32 to vector<16xi32>
      %add3A_1194 = arith.addi %broadcast_in_dim3A_40, %add3A_1193 : vector<16xi32>
      %scan3A_1195 = arith.constant 3 : i32
      %scan3A_1196 = arith.constant 0 : i32
      %scan3A_1197 = arith.constant 32 : i32
      %scan3A_1198 = arith.addi %scan3A_1196, %scan3A_1197 : i32
      %scan3A_1199 = arith.constant 1 : i32
      %scan3A_1200:4 = scf.for %scan3A_1241 = %scan3A_1196 to %scan3A_1198 step %scan3A_1199 iter_args(%scan3A_1242 = %add3A_1185, %scan3A_1243 = %add3A_1188, %scan3A_1244 = %add3A_1191, %scan3A_1245 = %add3A_1194) -> (vector<16xi32>, vector<16xi32>, vector<16xi32>, vector<16xi32>)  : i32 {
        %mul3A_1246 = arith.constant 4 : i32
        %mul3A_1247 = arith.muli %scan3A_1241, %mul3A_1246 : i32
        %add3A_1248 = arith.constant 0 : i32
        %add3A_1249 = arith.addi %mul3A_1247, %add3A_1248 : i32
        %get3A = arith.constant 3 : i32
        %get3A_1250 = arith.index_cast %get3A : i32 to index
        %get3A_1251 = arith.index_cast %add3A_1249 : i32 to index
        %get3A_1252 = arith.constant 0 : index
        %get3A_1253 = tpu.vector_load %arg6[%get3A_1250, %get3A_1251, %get3A_1252] {strides = array<i32>} : memref<4x128x64xf32, #tpu.memory_space<vmem>>, vector<16xf32>,
        %add3A_1254 = arith.constant 0 : i32
        %add3A_1255 = arith.addi %mul3A_1247, %add3A_1254 : i32
        %get3A_1256 = arith.constant 3 : i32
        %get3A_1257 = arith.index_cast %get3A_1256 : i32 to index
        %get3A_1258 = arith.index_cast %add3A_1255 : i32 to index
        %get3A_1259 = arith.constant 16 : index
        %get3A_1260 = tpu.vector_load %arg6[%get3A_1257, %get3A_1258, %get3A_1259] {strides = array<i32>} : memref<4x128x64xf32, #tpu.memory_space<vmem>>, vector<16xf32>,
        %add3A_1261 = arith.constant 0 : i32
        %add3A_1262 = arith.addi %mul3A_1247, %add3A_1261 : i32
        %get3A_1263 = arith.constant 3 : i32
        %get3A_1264 = arith.index_cast %get3A_1263 : i32 to index
        %get3A_1265 = arith.index_cast %add3A_1262 : i32 to index
        %get3A_1266 = arith.constant 32 : index
        %get3A_1267 = tpu.vector_load %arg6[%get3A_1264, %get3A_1265, %get3A_1266] {strides = array<i32>} : memref<4x128x64xf32, #tpu.memory_space<vmem>>, vector<16xf32>,
        %add3A_1268 = arith.constant 0 : i32
        %add3A_1269 = arith.addi %mul3A_1247, %add3A_1268 : i32
        %get3A_1270 = arith.constant 3 : i32
        %get3A_1271 = arith.index_cast %get3A_1270 : i32 to index
        %get3A_1272 = arith.index_cast %add3A_1269 : i32 to index
        %get3A_1273 = arith.constant 48 : index
        %get3A_1274 = tpu.vector_load %arg6[%get3A_1271, %get3A_1272, %get3A_1273] {strides = array<i32>} : memref<4x128x64xf32, #tpu.memory_space<vmem>>, vector<16xf32>,
        %add3A_1275 = arith.constant 1 : i32
        %add3A_1276 = arith.addi %mul3A_1247, %add3A_1275 : i32
        %get3A_1277 = arith.constant 3 : i32
        %get3A_1278 = arith.index_cast %get3A_1277 : i32 to index
        %get3A_1279 = arith.index_cast %add3A_1276 : i32 to index
        %get3A_1280 = arith.constant 0 : index
        %get3A_1281 = tpu.vector_load %arg6[%get3A_1278, %get3A_1279, %get3A_1280] {strides = array<i32>} : memref<4x128x64xf32, #tpu.memory_space<vmem>>, vector<16xf32>,
        %add3A_1282 = arith.constant 1 : i32
        %add3A_1283 = arith.addi %mul3A_1247, %add3A_1282 : i32
        %get3A_1284 = arith.constant 3 : i32
        %get3A_1285 = arith.index_cast %get3A_1284 : i32 to index
        %get3A_1286 = arith.index_cast %add3A_1283 : i32 to index
        %get3A_1287 = arith.constant 16 : index
        %get3A_1288 = tpu.vector_load %arg6[%get3A_1285, %get3A_1286, %get3A_1287] {strides = array<i32>} : memref<4x128x64xf32, #tpu.memory_space<vmem>>, vector<16xf32>,
        %add3A_1289 = arith.constant 1 : i32
        %add3A_1290 = arith.addi %mul3A_1247, %add3A_1289 : i32
        %get3A_1291 = arith.constant 3 : i32
        %get3A_1292 = arith.index_cast %get3A_1291 : i32 to index
        %get3A_1293 = arith.index_cast %add3A_1290 : i32 to index
        %get3A_1294 = arith.constant 32 : index
        %get3A_1295 = tpu.vector_load %arg6[%get3A_1292, %get3A_1293, %get3A_1294] {strides = array<i32>} : memref<4x128x64xf32, #tpu.memory_space<vmem>>, vector<16xf32>,
        %add3A_1296 = arith.constant 1 : i32
        %add3A_1297 = arith.addi %mul3A_1247, %add3A_1296 : i32
        %get3A_1298 = arith.constant 3 : i32
        %get3A_1299 = arith.index_cast %get3A_1298 : i32 to index
        %get3A_1300 = arith.index_cast %add3A_1297 : i32 to index
        %get3A_1301 = arith.constant 48 : index
        %get3A_1302 = tpu.vector_load %arg6[%get3A_1299, %get3A_1300, %get3A_1301] {strides = array<i32>} : memref<4x128x64xf32, #tpu.memory_space<vmem>>, vector<16xf32>,
        %add3A_1303 = arith.constant 2 : i32
        %add3A_1304 = arith.addi %mul3A_1247, %add3A_1303 : i32
        %get3A_1305 = arith.constant 3 : i32
        %get3A_1306 = arith.index_cast %get3A_1305 : i32 to index
        %get3A_1307 = arith.index_cast %add3A_1304 : i32 to index
        %get3A_1308 = arith.constant 0 : index
        %get3A_1309 = tpu.vector_load %arg6[%get3A_1306, %get3A_1307, %get3A_1308] {strides = array<i32>} : memref<4x128x64xf32, #tpu.memory_space<vmem>>, vector<16xf32>,
        %add3A_1310 = arith.constant 2 : i32
        %add3A_1311 = arith.addi %mul3A_1247, %add3A_1310 : i32
        %get3A_1312 = arith.constant 3 : i32
        %get3A_1313 = arith.index_cast %get3A_1312 : i32 to index
        %get3A_1314 = arith.index_cast %add3A_1311 : i32 to index
        %get3A_1315 = arith.constant 16 : index
        %get3A_1316 = tpu.vector_load %arg6[%get3A_1313, %get3A_1314, %get3A_1315] {strides = array<i32>} : memref<4x128x64xf32, #tpu.memory_space<vmem>>, vector<16xf32>,
        %add3A_1317 = arith.constant 2 : i32
        %add3A_1318 = arith.addi %mul3A_1247, %add3A_1317 : i32
        %get3A_1319 = arith.constant 3 : i32
        %get3A_1320 = arith.index_cast %get3A_1319 : i32 to index
        %get3A_1321 = arith.index_cast %add3A_1318 : i32 to index
        %get3A_1322 = arith.constant 32 : index
        %get3A_1323 = tpu.vector_load %arg6[%get3A_1320, %get3A_1321, %get3A_1322] {strides = array<i32>} : memref<4x128x64xf32, #tpu.memory_space<vmem>>, vector<16xf32>,
        %add3A_1324 = arith.constant 2 : i32
        %add3A_1325 = arith.addi %mul3A_1247, %add3A_1324 : i32
        %get3A_1326 = arith.constant 3 : i32
        %get3A_1327 = arith.index_cast %get3A_1326 : i32 to index
        %get3A_1328 = arith.index_cast %add3A_1325 : i32 to index
        %get3A_1329 = arith.constant 48 : index
        %get3A_1330 = tpu.vector_load %arg6[%get3A_1327, %get3A_1328, %get3A_1329] {strides = array<i32>} : memref<4x128x64xf32, #tpu.memory_space<vmem>>, vector<16xf32>,
        %add3A_1331 = arith.constant 3 : i32
        %add3A_1332 = arith.addi %mul3A_1247, %add3A_1331 : i32
        %get3A_1333 = arith.constant 3 : i32
        %get3A_1334 = arith.index_cast %get3A_1333 : i32 to index
        %get3A_1335 = arith.index_cast %add3A_1332 : i32 to index
        %get3A_1336 = arith.constant 0 : index
        %get3A_1337 = tpu.vector_load %arg6[%get3A_1334, %get3A_1335, %get3A_1336] {strides = array<i32>} : memref<4x128x64xf32, #tpu.memory_space<vmem>>, vector<16xf32>,
        %add3A_1338 = arith.constant 3 : i32
        %add3A_1339 = arith.addi %mul3A_1247, %add3A_1338 : i32
        %get3A_1340 = arith.constant 3 : i32
        %get3A_1341 = arith.index_cast %get3A_1340 : i32 to index
        %get3A_1342 = arith.index_cast %add3A_1339 : i32 to index
        %get3A_1343 = arith.constant 16 : index
        %get3A_1344 = tpu.vector_load %arg6[%get3A_1341, %get3A_1342, %get3A_1343] {strides = array<i32>} : memref<4x128x64xf32, #tpu.memory_space<vmem>>, vector<16xf32>,
        %add3A_1345 = arith.constant 3 : i32
        %add3A_1346 = arith.addi %mul3A_1247, %add3A_1345 : i32
        %get3A_1347 = arith.constant 3 : i32
        %get3A_1348 = arith.index_cast %get3A_1347 : i32 to index
        %get3A_1349 = arith.index_cast %add3A_1346 : i32 to index
        %get3A_1350 = arith.constant 32 : index
        %get3A_1351 = tpu.vector_load %arg6[%get3A_1348, %get3A_1349, %get3A_1350] {strides = array<i32>} : memref<4x128x64xf32, #tpu.memory_space<vmem>>, vector<16xf32>,
        %add3A_1352 = arith.constant 3 : i32
        %add3A_1353 = arith.addi %mul3A_1247, %add3A_1352 : i32
        %get3A_1354 = arith.constant 3 : i32
        %get3A_1355 = arith.index_cast %get3A_1354 : i32 to index
        %get3A_1356 = arith.index_cast %add3A_1353 : i32 to index
        %get3A_1357 = arith.constant 48 : index
        %get3A_1358 = tpu.vector_load %arg6[%get3A_1355, %get3A_1356, %get3A_1357] {strides = array<i32>} : memref<4x128x64xf32, #tpu.memory_space<vmem>>, vector<16xf32>,
        %scatter3A = arith.constant 0 : i32
        %scatter3A_1359 = arith.constant 0 : i32
        %scatter3A_1360 = arith.constant 0 : i32
        %scatter3A_1361 = tpu.memref_slice %arg7[%scan3A_1195, %scatter3A, %scatter3A_1359, %scatter3A_1360] : memref<4x8x8x129xf32, #tpu.memory_space<vmem>> -> memref<1x8x8x129xf32, #tpu.memory_space<vmem>>
        %scatter3A_1362 = tpu.memref_squeeze %scatter3A_1361 : memref<1x8x8x129xf32, #tpu.memory_space<vmem>> -> memref<8x8x129xf32, #tpu.memory_space<vmem>>
        tpu.vector_store_idx %scatter3A_1362[%shift_right_arithmetic3A_19, %and3A_30, %scan3A_1242], %get3A_1253 : memref<8x8x129xf32, #tpu.memory_space<vmem>>[vector<16xi32>, vector<16xi32>, vector<16xi32>], vector<16xf32>,
        %scatter3A_1363 = arith.constant 0 : i32
        %scatter3A_1364 = arith.constant 0 : i32
        %scatter3A_1365 = arith.constant 0 : i32
        %scatter3A_1366 = tpu.memref_slice %arg7[%scan3A_1195, %scatter3A_1363, %scatter3A_1364, %scatter3A_1365] : memref<4x8x8x129xf32, #tpu.memory_space<vmem>> -> memref<1x8x8x129xf32, #tpu.memory_space<vmem>>
        %scatter3A_1367 = tpu.memref_squeeze %scatter3A_1366 : memref<1x8x8x129xf32, #tpu.memory_space<vmem>> -> memref<8x8x129xf32, #tpu.memory_space<vmem>>
        tpu.vector_store_idx %scatter3A_1367[%shift_right_arithmetic3A_22, %and3A_33, %scan3A_1242], %get3A_1260 : memref<8x8x129xf32, #tpu.memory_space<vmem>>[vector<16xi32>, vector<16xi32>, vector<16xi32>], vector<16xf32>,
        %scatter3A_1368 = arith.constant 0 : i32
        %scatter3A_1369 = arith.constant 0 : i32
        %scatter3A_1370 = arith.constant 0 : i32
        %scatter3A_1371 = tpu.memref_slice %arg7[%scan3A_1195, %scatter3A_1368, %scatter3A_1369, %scatter3A_1370] : memref<4x8x8x129xf32, #tpu.memory_space<vmem>> -> memref<1x8x8x129xf32, #tpu.memory_space<vmem>>
        %scatter3A_1372 = tpu.memref_squeeze %scatter3A_1371 : memref<1x8x8x129xf32, #tpu.memory_space<vmem>> -> memref<8x8x129xf32, #tpu.memory_space<vmem>>
        tpu.vector_store_idx %scatter3A_1372[%shift_right_arithmetic3A_25, %and3A_36, %scan3A_1242], %get3A_1267 : memref<8x8x129xf32, #tpu.memory_space<vmem>>[vector<16xi32>, vector<16xi32>, vector<16xi32>], vector<16xf32>,
        %scatter3A_1373 = arith.constant 0 : i32
        %scatter3A_1374 = arith.constant 0 : i32
        %scatter3A_1375 = arith.constant 0 : i32
        %scatter3A_1376 = tpu.memref_slice %arg7[%scan3A_1195, %scatter3A_1373, %scatter3A_1374, %scatter3A_1375] : memref<4x8x8x129xf32, #tpu.memory_space<vmem>> -> memref<1x8x8x129xf32, #tpu.memory_space<vmem>>
        %scatter3A_1377 = tpu.memref_squeeze %scatter3A_1376 : memref<1x8x8x129xf32, #tpu.memory_space<vmem>> -> memref<8x8x129xf32, #tpu.memory_space<vmem>>
        tpu.vector_store_idx %scatter3A_1377[%shift_right_arithmetic3A_28, %and3A_39, %scan3A_1242], %get3A_1274 : memref<8x8x129xf32, #tpu.memory_space<vmem>>[vector<16xi32>, vector<16xi32>, vector<16xi32>], vector<16xf32>,
        %scatter3A_1378 = arith.constant 0 : i32
        %scatter3A_1379 = arith.constant 0 : i32
        %scatter3A_1380 = arith.constant 0 : i32
        %scatter3A_1381 = tpu.memref_slice %arg7[%scan3A_1195, %scatter3A_1378, %scatter3A_1379, %scatter3A_1380] : memref<4x8x8x129xf32, #tpu.memory_space<vmem>> -> memref<1x8x8x129xf32, #tpu.memory_space<vmem>>
        %scatter3A_1382 = tpu.memref_squeeze %scatter3A_1381 : memref<1x8x8x129xf32, #tpu.memory_space<vmem>> -> memref<8x8x129xf32, #tpu.memory_space<vmem>>
        tpu.vector_store_idx %scatter3A_1382[%shift_right_arithmetic3A_19, %and3A_30, %scan3A_1243], %get3A_1281 : memref<8x8x129xf32, #tpu.memory_space<vmem>>[vector<16xi32>, vector<16xi32>, vector<16xi32>], vector<16xf32>,
        %scatter3A_1383 = arith.constant 0 : i32
        %scatter3A_1384 = arith.constant 0 : i32
        %scatter3A_1385 = arith.constant 0 : i32
        %scatter3A_1386 = tpu.memref_slice %arg7[%scan3A_1195, %scatter3A_1383, %scatter3A_1384, %scatter3A_1385] : memref<4x8x8x129xf32, #tpu.memory_space<vmem>> -> memref<1x8x8x129xf32, #tpu.memory_space<vmem>>
        %scatter3A_1387 = tpu.memref_squeeze %scatter3A_1386 : memref<1x8x8x129xf32, #tpu.memory_space<vmem>> -> memref<8x8x129xf32, #tpu.memory_space<vmem>>
        tpu.vector_store_idx %scatter3A_1387[%shift_right_arithmetic3A_22, %and3A_33, %scan3A_1243], %get3A_1288 : memref<8x8x129xf32, #tpu.memory_space<vmem>>[vector<16xi32>, vector<16xi32>, vector<16xi32>], vector<16xf32>,
        %scatter3A_1388 = arith.constant 0 : i32
        %scatter3A_1389 = arith.constant 0 : i32
        %scatter3A_1390 = arith.constant 0 : i32
        %scatter3A_1391 = tpu.memref_slice %arg7[%scan3A_1195, %scatter3A_1388, %scatter3A_1389, %scatter3A_1390] : memref<4x8x8x129xf32, #tpu.memory_space<vmem>> -> memref<1x8x8x129xf32, #tpu.memory_space<vmem>>
        %scatter3A_1392 = tpu.memref_squeeze %scatter3A_1391 : memref<1x8x8x129xf32, #tpu.memory_space<vmem>> -> memref<8x8x129xf32, #tpu.memory_space<vmem>>
        tpu.vector_store_idx %scatter3A_1392[%shift_right_arithmetic3A_25, %and3A_36, %scan3A_1243], %get3A_1295 : memref<8x8x129xf32, #tpu.memory_space<vmem>>[vector<16xi32>, vector<16xi32>, vector<16xi32>], vector<16xf32>,
        %scatter3A_1393 = arith.constant 0 : i32
        %scatter3A_1394 = arith.constant 0 : i32
        %scatter3A_1395 = arith.constant 0 : i32
        %scatter3A_1396 = tpu.memref_slice %arg7[%scan3A_1195, %scatter3A_1393, %scatter3A_1394, %scatter3A_1395] : memref<4x8x8x129xf32, #tpu.memory_space<vmem>> -> memref<1x8x8x129xf32, #tpu.memory_space<vmem>>
        %scatter3A_1397 = tpu.memref_squeeze %scatter3A_1396 : memref<1x8x8x129xf32, #tpu.memory_space<vmem>> -> memref<8x8x129xf32, #tpu.memory_space<vmem>>
        tpu.vector_store_idx %scatter3A_1397[%shift_right_arithmetic3A_28, %and3A_39, %scan3A_1243], %get3A_1302 : memref<8x8x129xf32, #tpu.memory_space<vmem>>[vector<16xi32>, vector<16xi32>, vector<16xi32>], vector<16xf32>,
        %scatter3A_1398 = arith.constant 0 : i32
        %scatter3A_1399 = arith.constant 0 : i32
        %scatter3A_1400 = arith.constant 0 : i32
        %scatter3A_1401 = tpu.memref_slice %arg7[%scan3A_1195, %scatter3A_1398, %scatter3A_1399, %scatter3A_1400] : memref<4x8x8x129xf32, #tpu.memory_space<vmem>> -> memref<1x8x8x129xf32, #tpu.memory_space<vmem>>
        %scatter3A_1402 = tpu.memref_squeeze %scatter3A_1401 : memref<1x8x8x129xf32, #tpu.memory_space<vmem>> -> memref<8x8x129xf32, #tpu.memory_space<vmem>>
        tpu.vector_store_idx %scatter3A_1402[%shift_right_arithmetic3A_19, %and3A_30, %scan3A_1244], %get3A_1309 : memref<8x8x129xf32, #tpu.memory_space<vmem>>[vector<16xi32>, vector<16xi32>, vector<16xi32>], vector<16xf32>,
        %scatter3A_1403 = arith.constant 0 : i32
        %scatter3A_1404 = arith.constant 0 : i32
        %scatter3A_1405 = arith.constant 0 : i32
        %scatter3A_1406 = tpu.memref_slice %arg7[%scan3A_1195, %scatter3A_1403, %scatter3A_1404, %scatter3A_1405] : memref<4x8x8x129xf32, #tpu.memory_space<vmem>> -> memref<1x8x8x129xf32, #tpu.memory_space<vmem>>
        %scatter3A_1407 = tpu.memref_squeeze %scatter3A_1406 : memref<1x8x8x129xf32, #tpu.memory_space<vmem>> -> memref<8x8x129xf32, #tpu.memory_space<vmem>>
        tpu.vector_store_idx %scatter3A_1407[%shift_right_arithmetic3A_22, %and3A_33, %scan3A_1244], %get3A_1316 : memref<8x8x129xf32, #tpu.memory_space<vmem>>[vector<16xi32>, vector<16xi32>, vector<16xi32>], vector<16xf32>,
        %scatter3A_1408 = arith.constant 0 : i32
        %scatter3A_1409 = arith.constant 0 : i32
        %scatter3A_1410 = arith.constant 0 : i32
        %scatter3A_1411 = tpu.memref_slice %arg7[%scan3A_1195, %scatter3A_1408, %scatter3A_1409, %scatter3A_1410] : memref<4x8x8x129xf32, #tpu.memory_space<vmem>> -> memref<1x8x8x129xf32, #tpu.memory_space<vmem>>
        %scatter3A_1412 = tpu.memref_squeeze %scatter3A_1411 : memref<1x8x8x129xf32, #tpu.memory_space<vmem>> -> memref<8x8x129xf32, #tpu.memory_space<vmem>>
        tpu.vector_store_idx %scatter3A_1412[%shift_right_arithmetic3A_25, %and3A_36, %scan3A_1244], %get3A_1323 : memref<8x8x129xf32, #tpu.memory_space<vmem>>[vector<16xi32>, vector<16xi32>, vector<16xi32>], vector<16xf32>,
        %scatter3A_1413 = arith.constant 0 : i32
        %scatter3A_1414 = arith.constant 0 : i32
        %scatter3A_1415 = arith.constant 0 : i32
        %scatter3A_1416 = tpu.memref_slice %arg7[%scan3A_1195, %scatter3A_1413, %scatter3A_1414, %scatter3A_1415] : memref<4x8x8x129xf32, #tpu.memory_space<vmem>> -> memref<1x8x8x129xf32, #tpu.memory_space<vmem>>
        %scatter3A_1417 = tpu.memref_squeeze %scatter3A_1416 : memref<1x8x8x129xf32, #tpu.memory_space<vmem>> -> memref<8x8x129xf32, #tpu.memory_space<vmem>>
        tpu.vector_store_idx %scatter3A_1417[%shift_right_arithmetic3A_28, %and3A_39, %scan3A_1244], %get3A_1330 : memref<8x8x129xf32, #tpu.memory_space<vmem>>[vector<16xi32>, vector<16xi32>, vector<16xi32>], vector<16xf32>,
        %scatter3A_1418 = arith.constant 0 : i32
        %scatter3A_1419 = arith.constant 0 : i32
        %scatter3A_1420 = arith.constant 0 : i32
        %scatter3A_1421 = tpu.memref_slice %arg7[%scan3A_1195, %scatter3A_1418, %scatter3A_1419, %scatter3A_1420] : memref<4x8x8x129xf32, #tpu.memory_space<vmem>> -> memref<1x8x8x129xf32, #tpu.memory_space<vmem>>
        %scatter3A_1422 = tpu.memref_squeeze %scatter3A_1421 : memref<1x8x8x129xf32, #tpu.memory_space<vmem>> -> memref<8x8x129xf32, #tpu.memory_space<vmem>>
        tpu.vector_store_idx %scatter3A_1422[%shift_right_arithmetic3A_19, %and3A_30, %scan3A_1245], %get3A_1337 : memref<8x8x129xf32, #tpu.memory_space<vmem>>[vector<16xi32>, vector<16xi32>, vector<16xi32>], vector<16xf32>,
        %scatter3A_1423 = arith.constant 0 : i32
        %scatter3A_1424 = arith.constant 0 : i32
        %scatter3A_1425 = arith.constant 0 : i32
        %scatter3A_1426 = tpu.memref_slice %arg7[%scan3A_1195, %scatter3A_1423, %scatter3A_1424, %scatter3A_1425] : memref<4x8x8x129xf32, #tpu.memory_space<vmem>> -> memref<1x8x8x129xf32, #tpu.memory_space<vmem>>
        %scatter3A_1427 = tpu.memref_squeeze %scatter3A_1426 : memref<1x8x8x129xf32, #tpu.memory_space<vmem>> -> memref<8x8x129xf32, #tpu.memory_space<vmem>>
        tpu.vector_store_idx %scatter3A_1427[%shift_right_arithmetic3A_22, %and3A_33, %scan3A_1245], %get3A_1344 : memref<8x8x129xf32, #tpu.memory_space<vmem>>[vector<16xi32>, vector<16xi32>, vector<16xi32>], vector<16xf32>,
        %scatter3A_1428 = arith.constant 0 : i32
        %scatter3A_1429 = arith.constant 0 : i32
        %scatter3A_1430 = arith.constant 0 : i32
        %scatter3A_1431 = tpu.memref_slice %arg7[%scan3A_1195, %scatter3A_1428, %scatter3A_1429, %scatter3A_1430] : memref<4x8x8x129xf32, #tpu.memory_space<vmem>> -> memref<1x8x8x129xf32, #tpu.memory_space<vmem>>
        %scatter3A_1432 = tpu.memref_squeeze %scatter3A_1431 : memref<1x8x8x129xf32, #tpu.memory_space<vmem>> -> memref<8x8x129xf32, #tpu.memory_space<vmem>>
        tpu.vector_store_idx %scatter3A_1432[%shift_right_arithmetic3A_25, %and3A_36, %scan3A_1245], %get3A_1351 : memref<8x8x129xf32, #tpu.memory_space<vmem>>[vector<16xi32>, vector<16xi32>, vector<16xi32>], vector<16xf32>,
        %scatter3A_1433 = arith.constant 0 : i32
        %scatter3A_1434 = arith.constant 0 : i32
        %scatter3A_1435 = arith.constant 0 : i32
        %scatter3A_1436 = tpu.memref_slice %arg7[%scan3A_1195, %scatter3A_1433, %scatter3A_1434, %scatter3A_1435] : memref<4x8x8x129xf32, #tpu.memory_space<vmem>> -> memref<1x8x8x129xf32, #tpu.memory_space<vmem>>
        %scatter3A_1437 = tpu.memref_squeeze %scatter3A_1436 : memref<1x8x8x129xf32, #tpu.memory_space<vmem>> -> memref<8x8x129xf32, #tpu.memory_space<vmem>>
        tpu.vector_store_idx %scatter3A_1437[%shift_right_arithmetic3A_28, %and3A_39, %scan3A_1245], %get3A_1358 : memref<8x8x129xf32, #tpu.memory_space<vmem>>[vector<16xi32>, vector<16xi32>, vector<16xi32>], vector<16xf32>,
        %add3A_1438 = arith.constant 4 : i32
        %add3A_1439 = vector.broadcast %add3A_1438 : i32 to vector<16xi32>
        %add3A_1440 = arith.addi %scan3A_1242, %add3A_1439 : vector<16xi32>
        %add3A_1441 = arith.constant 4 : i32
        %add3A_1442 = vector.broadcast %add3A_1441 : i32 to vector<16xi32>
        %add3A_1443 = arith.addi %scan3A_1243, %add3A_1442 : vector<16xi32>
        %add3A_1444 = arith.constant 4 : i32
        %add3A_1445 = vector.broadcast %add3A_1444 : i32 to vector<16xi32>
        %add3A_1446 = arith.addi %scan3A_1244, %add3A_1445 : vector<16xi32>
        %add3A_1447 = arith.constant 4 : i32
        %add3A_1448 = vector.broadcast %add3A_1447 : i32 to vector<16xi32>
        %add3A_1449 = arith.addi %scan3A_1245, %add3A_1448 : vector<16xi32>
        scf.yield %add3A_1440, %add3A_1443, %add3A_1446, %add3A_1449 : vector<16xi32>, vector<16xi32>, vector<16xi32>, vector<16xi32>
      }
      %scan3A_1201 = arith.constant 32 : i32
      %shift_right_arithmetic3A_1202 = arith.constant 5 : i32
      %shift_right_arithmetic3A_1203 = arith.shrsi %add3A_1143, %shift_right_arithmetic3A_1202 : i32
      %and3A_1204 = arith.constant 31 : i32
      %and3A_1205 = arith.andi %add3A_1143, %and3A_1204 : i32
      %dma_start3A_1206 = arith.constant 3 : i32
      %dma_start3A_1207 = arith.constant 0 : i32
      %dma_start3A_1208 = arith.constant 0 : i32
      %dma_start3A_1209 = arith.constant 0 : i32
      %dma_start3A_1210 = tpu.memref_slice %arg7[%dma_start3A_1206, %dma_start3A_1207, %dma_start3A_1208, %dma_start3A_1209] : memref<4x8x8x129xf32, #tpu.memory_space<vmem>> -> memref<1x8x8x128xf32, #tpu.memory_space<vmem>>
      %dma_start3A_1211 = tpu.memref_squeeze %dma_start3A_1210 : memref<1x8x8x128xf32, #tpu.memory_space<vmem>> -> memref<8x8x128xf32, #tpu.memory_space<vmem>>
      %dma_start3A_1212 = arith.constant 0 : i32
      %dma_start3A_1213 = arith.constant 0 : i32
      %dma_start3A_1214 = arith.constant 0 : i32
      %dma_start3A_1215 = tpu.memref_slice %arg4[%shift_right_arithmetic3A_1203, %dma_start3A_1212, %and3A_1205, %dma_start3A_1213, %dma_start3A_1214] : memref<200x8x32x8x128xf32, #tpu.memory_space<hbm>> -> memref<1x8x1x8x128xf32, #tpu.memory_space<hbm>>
      %dma_start3A_1216 = tpu.memref_squeeze %dma_start3A_1215 : memref<1x8x1x8x128xf32, #tpu.memory_space<hbm>> -> memref<8x8x128xf32, #tpu.memory_space<hbm>>
      %dma_start3A_1217 = arith.constant 0 : i32
      %dma_start3A_1218 = arith.constant 0 : i32
      %dma_start3A_1219 = arith.constant 0 : i32
      %dma_start3A_1220 = tpu.memref_slice %arg4[%shift_right_arithmetic3A_1203, %dma_start3A_1217, %and3A_1205, %dma_start3A_1218, %dma_start3A_1219] : memref<200x8x32x8x128xf32, #tpu.memory_space<hbm>> -> memref<1x8x1x8x128xf32, #tpu.memory_space<hbm>>
      %dma_start3A_1221 = tpu.memref_squeeze %dma_start3A_1220 : memref<1x8x1x8x128xf32, #tpu.memory_space<hbm>> -> memref<8x8x128xf32, #tpu.memory_space<hbm>>
      %dma_start3A_1222 = arith.constant 0 : i32
      %dma_start3A_1223 = arith.constant 0 : i32
      %dma_start3A_1224 = arith.constant 0 : i32
      %dma_start3A_1225 = tpu.memref_slice %arg7[%dma_start3A_1206, %dma_start3A_1222, %dma_start3A_1223, %dma_start3A_1224] : memref<4x8x8x129xf32, #tpu.memory_space<vmem>> -> memref<1x8x8x128xf32, #tpu.memory_space<vmem>>
      %dma_start3A_1226 = tpu.memref_squeeze %dma_start3A_1225 : memref<1x8x8x128xf32, #tpu.memory_space<vmem>> -> memref<8x8x128xf32, #tpu.memory_space<vmem>>
      tpu.enqueue_dma source(%dma_start3A_1226 : memref<8x8x128xf32, #tpu.memory_space<vmem>>) target(%dma_start3A_1221 : memref<8x8x128xf32, #tpu.memory_space<hbm>>) target_semaphore(%arg15 : memref<!tpu.dma_semaphore, #tpu.memory_space<semaphore_mem>>)
      %add3A_1227 = arith.constant 4 : i32
      %add3A_1228 = arith.addi %add3A_1143, %add3A_1227 : i32
      %sub3A_1229 = arith.subi %add3A_1228, %mul3A_2 : i32
      %mul3A_1230 = arith.constant 128 : i32
      %mul3A_1231 = arith.muli %sub3A_1229, %mul3A_1230 : i32
      %dma_start3A_1232 = arith.constant 3 : i32
      %dma_start3A_1233 = arith.constant 0 : i32
      %dma_start3A_1234 = arith.constant 0 : i32
      %dma_start3A_1235 = tpu.memref_slice %arg6[%dma_start3A_1232, %dma_start3A_1233, %dma_start3A_1234] : memref<4x128x64xf32, #tpu.memory_space<vmem>> -> memref<1x128x64xf32, #tpu.memory_space<vmem>>
      %dma_start3A_1236 = tpu.memref_squeeze %dma_start3A_1235 : memref<1x128x64xf32, #tpu.memory_space<vmem>> -> memref<128x64xf32, #tpu.memory_space<vmem>>
      %dma_start3A_1237 = tpu.memref_slice %arg5[%mul3A_1231] : memref<25600xi32, #tpu.memory_space<vmem>> -> memref<128xi32, #tpu.memory_space<vmem>>
      %dma_start3A_1238 = arith.constant 0 : i32
      %dma_start3A_1239 = arith.constant 0 : i32
      %dma_start3A_1240 = tpu.memref_slice %arg3[%dma_start3A_1238, %dma_start3A_1239] : memref<100000x64xf32, #tpu.memory_space<hbm>> -> memref<100000x64xf32, #tpu.memory_space<hbm>>
      tpu.enqueue_indirect_dma source(%dma_start3A_1240 : memref<100000x64xf32, #tpu.memory_space<hbm>>) target(%dma_start3A_1236 : memref<128x64xf32, #tpu.memory_space<vmem>>) offsets(%dma_start3A_1237 : memref<128xi32, #tpu.memory_space<vmem>>) semaphore(%arg11 : memref<!tpu.dma_semaphore, #tpu.memory_space<semaphore_mem>>)
    }
    %scan3A_388 = arith.constant 48 : i32
    %add3A_389 = arith.constant 200 : i32
    %add3A_390 = arith.addi %mul3A_2, %add3A_389 : i32
    %sub3A_391 = arith.constant 4 : i32
    %sub3A_392 = arith.subi %add3A_390, %sub3A_391 : i32
    %add3A_393 = arith.constant 0 : i32
    %add3A_394 = arith.addi %sub3A_392, %add3A_393 : i32
    %sub3A_395 = arith.subi %add3A_394, %mul3A_2 : i32
    %mul3A_396 = arith.constant 128 : i32
    %mul3A_397 = arith.muli %sub3A_395, %mul3A_396 : i32
    %dma_wait3A_398 = arith.constant 0 : i32
    %dma_wait3A_399 = arith.constant 0 : i32
    %dma_wait3A_400 = arith.constant 0 : i32
    %dma_wait3A_401 = tpu.memref_slice %arg6[%dma_wait3A_398, %dma_wait3A_399, %dma_wait3A_400] : memref<4x128x64xf32, #tpu.memory_space<vmem>> -> memref<1x128x64xf32, #tpu.memory_space<vmem>>
    %dma_wait3A_402 = tpu.memref_squeeze %dma_wait3A_401 : memref<1x128x64xf32, #tpu.memory_space<vmem>> -> memref<128x64xf32, #tpu.memory_space<vmem>>
    %dma_wait3A_403 = tpu.memref_slice %arg5[%mul3A_397] : memref<25600xi32, #tpu.memory_space<vmem>> -> memref<128xi32, #tpu.memory_space<vmem>>
    %dma_wait3A_404 = arith.constant 0 : i32
    %dma_wait3A_405 = arith.constant 0 : i32
    %dma_wait3A_406 = tpu.memref_slice %arg3[%dma_wait3A_404, %dma_wait3A_405] : memref<100000x64xf32, #tpu.memory_space<hbm>> -> memref<100000x64xf32, #tpu.memory_space<hbm>>
    tpu.wait_indirect_dma semaphore(%arg8 : memref<!tpu.dma_semaphore, #tpu.memory_space<semaphore_mem>>) src(%dma_wait3A_406 : memref<100000x64xf32, #tpu.memory_space<hbm>>) dst(%dma_wait3A_402 : memref<128x64xf32, #tpu.memory_space<vmem>>)
    %sub3A_407 = arith.constant 4 : i32
    %sub3A_408 = arith.subi %add3A_394, %sub3A_407 : i32
    %shift_right_arithmetic3A_409 = arith.constant 5 : i32
    %shift_right_arithmetic3A_410 = arith.shrsi %sub3A_408, %shift_right_arithmetic3A_409 : i32
    %and3A_411 = arith.constant 31 : i32
    %and3A_412 = arith.andi %sub3A_408, %and3A_411 : i32
    %dma_wait3A_413 = arith.constant 0 : i32
    %dma_wait3A_414 = arith.constant 0 : i32
    %dma_wait3A_415 = arith.constant 0 : i32
    %dma_wait3A_416 = arith.constant 0 : i32
    %dma_wait3A_417 = tpu.memref_slice %arg7[%dma_wait3A_413, %dma_wait3A_414, %dma_wait3A_415, %dma_wait3A_416] : memref<4x8x8x129xf32, #tpu.memory_space<vmem>> -> memref<1x8x8x128xf32, #tpu.memory_space<vmem>>
    %dma_wait3A_418 = tpu.memref_squeeze %dma_wait3A_417 : memref<1x8x8x128xf32, #tpu.memory_space<vmem>> -> memref<8x8x128xf32, #tpu.memory_space<vmem>>
    %dma_wait3A_419 = arith.constant 0 : i32
    %dma_wait3A_420 = arith.constant 0 : i32
    %dma_wait3A_421 = arith.constant 0 : i32
    %dma_wait3A_422 = tpu.memref_slice %arg4[%shift_right_arithmetic3A_410, %dma_wait3A_419, %and3A_412, %dma_wait3A_420, %dma_wait3A_421] : memref<200x8x32x8x128xf32, #tpu.memory_space<hbm>> -> memref<1x8x1x8x128xf32, #tpu.memory_space<hbm>>
    %dma_wait3A_423 = tpu.memref_squeeze %dma_wait3A_422 : memref<1x8x1x8x128xf32, #tpu.memory_space<hbm>> -> memref<8x8x128xf32, #tpu.memory_space<hbm>>
    %dma_wait3A_424 = arith.constant 0 : i32
    %dma_wait3A_425 = arith.constant 0 : i32
    %dma_wait3A_426 = arith.constant 0 : i32
    %dma_wait3A_427 = tpu.memref_slice %arg4[%shift_right_arithmetic3A_410, %dma_wait3A_424, %and3A_412, %dma_wait3A_425, %dma_wait3A_426] : memref<200x8x32x8x128xf32, #tpu.memory_space<hbm>> -> memref<1x8x1x8x128xf32, #tpu.memory_space<hbm>>
    %dma_wait3A_428 = tpu.memref_squeeze %dma_wait3A_427 : memref<1x8x1x8x128xf32, #tpu.memory_space<hbm>> -> memref<8x8x128xf32, #tpu.memory_space<hbm>>
    %dma_wait3A_429 = arith.constant 0 : i32
    %dma_wait3A_430 = arith.constant 0 : i32
    %dma_wait3A_431 = arith.constant 0 : i32
    %dma_wait3A_432 = tpu.memref_slice %arg7[%dma_wait3A_413, %dma_wait3A_429, %dma_wait3A_430, %dma_wait3A_431] : memref<4x8x8x129xf32, #tpu.memory_space<vmem>> -> memref<1x8x8x128xf32, #tpu.memory_space<vmem>>
    %dma_wait3A_433 = tpu.memref_squeeze %dma_wait3A_432 : memref<1x8x8x128xf32, #tpu.memory_space<vmem>> -> memref<8x8x128xf32, #tpu.memory_space<vmem>>
    tpu.wait_dma2 semaphore(%arg12 : memref<!tpu.dma_semaphore, #tpu.memory_space<semaphore_mem>>) src(%dma_wait3A_433 : memref<8x8x128xf32, #tpu.memory_space<vmem>>) dst(%dma_wait3A_428 : memref<8x8x128xf32, #tpu.memory_space<hbm>>)
    %add3A_434 = arith.constant 0 : i32
    %add3A_435 = vector.broadcast %add3A_434 : i32 to vector<16xi32>
    %add3A_436 = arith.addi %broadcast_in_dim3A_40, %add3A_435 : vector<16xi32>
    %add3A_437 = arith.constant 1 : i32
    %add3A_438 = vector.broadcast %add3A_437 : i32 to vector<16xi32>
    %add3A_439 = arith.addi %broadcast_in_dim3A_40, %add3A_438 : vector<16xi32>
    %add3A_440 = arith.constant 2 : i32
    %add3A_441 = vector.broadcast %add3A_440 : i32 to vector<16xi32>
    %add3A_442 = arith.addi %broadcast_in_dim3A_40, %add3A_441 : vector<16xi32>
    %add3A_443 = arith.constant 3 : i32
    %add3A_444 = vector.broadcast %add3A_443 : i32 to vector<16xi32>
    %add3A_445 = arith.addi %broadcast_in_dim3A_40, %add3A_444 : vector<16xi32>
    %scan3A_446 = arith.constant 0 : i32
    %scan3A_447 = arith.constant 0 : i32
    %scan3A_448 = arith.constant 32 : i32
    %scan3A_449 = arith.addi %scan3A_447, %scan3A_448 : i32
    %scan3A_450 = arith.constant 1 : i32
    %scan3A_451:4 = scf.for %scan3A_841 = %scan3A_447 to %scan3A_449 step %scan3A_450 iter_args(%scan3A_842 = %add3A_436, %scan3A_843 = %add3A_439, %scan3A_844 = %add3A_442, %scan3A_845 = %add3A_445) -> (vector<16xi32>, vector<16xi32>, vector<16xi32>, vector<16xi32>)  : i32 {
      %mul3A_846 = arith.constant 4 : i32
      %mul3A_847 = arith.muli %scan3A_841, %mul3A_846 : i32
      %add3A_848 = arith.constant 0 : i32
      %add3A_849 = arith.addi %mul3A_847, %add3A_848 : i32
      %get3A = arith.constant 0 : i32
      %get3A_850 = arith.index_cast %get3A : i32 to index
      %get3A_851 = arith.index_cast %add3A_849 : i32 to index
      %get3A_852 = arith.constant 0 : index
      %get3A_853 = tpu.vector_load %arg6[%get3A_850, %get3A_851, %get3A_852] {strides = array<i32>} : memref<4x128x64xf32, #tpu.memory_space<vmem>>, vector<16xf32>,
      %add3A_854 = arith.constant 0 : i32
      %add3A_855 = arith.addi %mul3A_847, %add3A_854 : i32
      %get3A_856 = arith.constant 0 : i32
      %get3A_857 = arith.index_cast %get3A_856 : i32 to index
      %get3A_858 = arith.index_cast %add3A_855 : i32 to index
      %get3A_859 = arith.constant 16 : index
      %get3A_860 = tpu.vector_load %arg6[%get3A_857, %get3A_858, %get3A_859] {strides = array<i32>} : memref<4x128x64xf32, #tpu.memory_space<vmem>>, vector<16xf32>,
      %add3A_861 = arith.constant 0 : i32
      %add3A_862 = arith.addi %mul3A_847, %add3A_861 : i32
      %get3A_863 = arith.constant 0 : i32
      %get3A_864 = arith.index_cast %get3A_863 : i32 to index
      %get3A_865 = arith.index_cast %add3A_862 : i32 to index
      %get3A_866 = arith.constant 32 : index
      %get3A_867 = tpu.vector_load %arg6[%get3A_864, %get3A_865, %get3A_866] {strides = array<i32>} : memref<4x128x64xf32, #tpu.memory_space<vmem>>, vector<16xf32>,
      %add3A_868 = arith.constant 0 : i32
      %add3A_869 = arith.addi %mul3A_847, %add3A_868 : i32
      %get3A_870 = arith.constant 0 : i32
      %get3A_871 = arith.index_cast %get3A_870 : i32 to index
      %get3A_872 = arith.index_cast %add3A_869 : i32 to index
      %get3A_873 = arith.constant 48 : index
      %get3A_874 = tpu.vector_load %arg6[%get3A_871, %get3A_872, %get3A_873] {strides = array<i32>} : memref<4x128x64xf32, #tpu.memory_space<vmem>>, vector<16xf32>,
      %add3A_875 = arith.constant 1 : i32
      %add3A_876 = arith.addi %mul3A_847, %add3A_875 : i32
      %get3A_877 = arith.constant 0 : i32
      %get3A_878 = arith.index_cast %get3A_877 : i32 to index
      %get3A_879 = arith.index_cast %add3A_876 : i32 to index
      %get3A_880 = arith.constant 0 : index
      %get3A_881 = tpu.vector_load %arg6[%get3A_878, %get3A_879, %get3A_880] {strides = array<i32>} : memref<4x128x64xf32, #tpu.memory_space<vmem>>, vector<16xf32>,
      %add3A_882 = arith.constant 1 : i32
      %add3A_883 = arith.addi %mul3A_847, %add3A_882 : i32
      %get3A_884 = arith.constant 0 : i32
      %get3A_885 = arith.index_cast %get3A_884 : i32 to index
      %get3A_886 = arith.index_cast %add3A_883 : i32 to index
      %get3A_887 = arith.constant 16 : index
      %get3A_888 = tpu.vector_load %arg6[%get3A_885, %get3A_886, %get3A_887] {strides = array<i32>} : memref<4x128x64xf32, #tpu.memory_space<vmem>>, vector<16xf32>,
      %add3A_889 = arith.constant 1 : i32
      %add3A_890 = arith.addi %mul3A_847, %add3A_889 : i32
      %get3A_891 = arith.constant 0 : i32
      %get3A_892 = arith.index_cast %get3A_891 : i32 to index
      %get3A_893 = arith.index_cast %add3A_890 : i32 to index
      %get3A_894 = arith.constant 32 : index
      %get3A_895 = tpu.vector_load %arg6[%get3A_892, %get3A_893, %get3A_894] {strides = array<i32>} : memref<4x128x64xf32, #tpu.memory_space<vmem>>, vector<16xf32>,
      %add3A_896 = arith.constant 1 : i32
      %add3A_897 = arith.addi %mul3A_847, %add3A_896 : i32
      %get3A_898 = arith.constant 0 : i32
      %get3A_899 = arith.index_cast %get3A_898 : i32 to index
      %get3A_900 = arith.index_cast %add3A_897 : i32 to index
      %get3A_901 = arith.constant 48 : index
      %get3A_902 = tpu.vector_load %arg6[%get3A_899, %get3A_900, %get3A_901] {strides = array<i32>} : memref<4x128x64xf32, #tpu.memory_space<vmem>>, vector<16xf32>,
      %add3A_903 = arith.constant 2 : i32
      %add3A_904 = arith.addi %mul3A_847, %add3A_903 : i32
      %get3A_905 = arith.constant 0 : i32
      %get3A_906 = arith.index_cast %get3A_905 : i32 to index
      %get3A_907 = arith.index_cast %add3A_904 : i32 to index
      %get3A_908 = arith.constant 0 : index
      %get3A_909 = tpu.vector_load %arg6[%get3A_906, %get3A_907, %get3A_908] {strides = array<i32>} : memref<4x128x64xf32, #tpu.memory_space<vmem>>, vector<16xf32>,
      %add3A_910 = arith.constant 2 : i32
      %add3A_911 = arith.addi %mul3A_847, %add3A_910 : i32
      %get3A_912 = arith.constant 0 : i32
      %get3A_913 = arith.index_cast %get3A_912 : i32 to index
      %get3A_914 = arith.index_cast %add3A_911 : i32 to index
      %get3A_915 = arith.constant 16 : index
      %get3A_916 = tpu.vector_load %arg6[%get3A_913, %get3A_914, %get3A_915] {strides = array<i32>} : memref<4x128x64xf32, #tpu.memory_space<vmem>>, vector<16xf32>,
      %add3A_917 = arith.constant 2 : i32
      %add3A_918 = arith.addi %mul3A_847, %add3A_917 : i32
      %get3A_919 = arith.constant 0 : i32
      %get3A_920 = arith.index_cast %get3A_919 : i32 to index
      %get3A_921 = arith.index_cast %add3A_918 : i32 to index
      %get3A_922 = arith.constant 32 : index
      %get3A_923 = tpu.vector_load %arg6[%get3A_920, %get3A_921, %get3A_922] {strides = array<i32>} : memref<4x128x64xf32, #tpu.memory_space<vmem>>, vector<16xf32>,
      %add3A_924 = arith.constant 2 : i32
      %add3A_925 = arith.addi %mul3A_847, %add3A_924 : i32
      %get3A_926 = arith.constant 0 : i32
      %get3A_927 = arith.index_cast %get3A_926 : i32 to index
      %get3A_928 = arith.index_cast %add3A_925 : i32 to index
      %get3A_929 = arith.constant 48 : index
      %get3A_930 = tpu.vector_load %arg6[%get3A_927, %get3A_928, %get3A_929] {strides = array<i32>} : memref<4x128x64xf32, #tpu.memory_space<vmem>>, vector<16xf32>,
      %add3A_931 = arith.constant 3 : i32
      %add3A_932 = arith.addi %mul3A_847, %add3A_931 : i32
      %get3A_933 = arith.constant 0 : i32
      %get3A_934 = arith.index_cast %get3A_933 : i32 to index
      %get3A_935 = arith.index_cast %add3A_932 : i32 to index
      %get3A_936 = arith.constant 0 : index
      %get3A_937 = tpu.vector_load %arg6[%get3A_934, %get3A_935, %get3A_936] {strides = array<i32>} : memref<4x128x64xf32, #tpu.memory_space<vmem>>, vector<16xf32>,
      %add3A_938 = arith.constant 3 : i32
      %add3A_939 = arith.addi %mul3A_847, %add3A_938 : i32
      %get3A_940 = arith.constant 0 : i32
      %get3A_941 = arith.index_cast %get3A_940 : i32 to index
      %get3A_942 = arith.index_cast %add3A_939 : i32 to index
      %get3A_943 = arith.constant 16 : index
      %get3A_944 = tpu.vector_load %arg6[%get3A_941, %get3A_942, %get3A_943] {strides = array<i32>} : memref<4x128x64xf32, #tpu.memory_space<vmem>>, vector<16xf32>,
      %add3A_945 = arith.constant 3 : i32
      %add3A_946 = arith.addi %mul3A_847, %add3A_945 : i32
      %get3A_947 = arith.constant 0 : i32
      %get3A_948 = arith.index_cast %get3A_947 : i32 to index
      %get3A_949 = arith.index_cast %add3A_946 : i32 to index
      %get3A_950 = arith.constant 32 : index
      %get3A_951 = tpu.vector_load %arg6[%get3A_948, %get3A_949, %get3A_950] {strides = array<i32>} : memref<4x128x64xf32, #tpu.memory_space<vmem>>, vector<16xf32>,
      %add3A_952 = arith.constant 3 : i32
      %add3A_953 = arith.addi %mul3A_847, %add3A_952 : i32
      %get3A_954 = arith.constant 0 : i32
      %get3A_955 = arith.index_cast %get3A_954 : i32 to index
      %get3A_956 = arith.index_cast %add3A_953 : i32 to index
      %get3A_957 = arith.constant 48 : index
      %get3A_958 = tpu.vector_load %arg6[%get3A_955, %get3A_956, %get3A_957] {strides = array<i32>} : memref<4x128x64xf32, #tpu.memory_space<vmem>>, vector<16xf32>,
      %scatter3A = arith.constant 0 : i32
      %scatter3A_959 = arith.constant 0 : i32
      %scatter3A_960 = arith.constant 0 : i32
      %scatter3A_961 = tpu.memref_slice %arg7[%scan3A_446, %scatter3A, %scatter3A_959, %scatter3A_960] : memref<4x8x8x129xf32, #tpu.memory_space<vmem>> -> memref<1x8x8x129xf32, #tpu.memory_space<vmem>>
      %scatter3A_962 = tpu.memref_squeeze %scatter3A_961 : memref<1x8x8x129xf32, #tpu.memory_space<vmem>> -> memref<8x8x129xf32, #tpu.memory_space<vmem>>
      tpu.vector_store_idx %scatter3A_962[%shift_right_arithmetic3A_19, %and3A_30, %scan3A_842], %get3A_853 : memref<8x8x129xf32, #tpu.memory_space<vmem>>[vector<16xi32>, vector<16xi32>, vector<16xi32>], vector<16xf32>,
      %scatter3A_963 = arith.constant 0 : i32
      %scatter3A_964 = arith.constant 0 : i32
      %scatter3A_965 = arith.constant 0 : i32
      %scatter3A_966 = tpu.memref_slice %arg7[%scan3A_446, %scatter3A_963, %scatter3A_964, %scatter3A_965] : memref<4x8x8x129xf32, #tpu.memory_space<vmem>> -> memref<1x8x8x129xf32, #tpu.memory_space<vmem>>
      %scatter3A_967 = tpu.memref_squeeze %scatter3A_966 : memref<1x8x8x129xf32, #tpu.memory_space<vmem>> -> memref<8x8x129xf32, #tpu.memory_space<vmem>>
      tpu.vector_store_idx %scatter3A_967[%shift_right_arithmetic3A_22, %and3A_33, %scan3A_842], %get3A_860 : memref<8x8x129xf32, #tpu.memory_space<vmem>>[vector<16xi32>, vector<16xi32>, vector<16xi32>], vector<16xf32>,
      %scatter3A_968 = arith.constant 0 : i32
      %scatter3A_969 = arith.constant 0 : i32
      %scatter3A_970 = arith.constant 0 : i32
      %scatter3A_971 = tpu.memref_slice %arg7[%scan3A_446, %scatter3A_968, %scatter3A_969, %scatter3A_970] : memref<4x8x8x129xf32, #tpu.memory_space<vmem>> -> memref<1x8x8x129xf32, #tpu.memory_space<vmem>>
      %scatter3A_972 = tpu.memref_squeeze %scatter3A_971 : memref<1x8x8x129xf32, #tpu.memory_space<vmem>> -> memref<8x8x129xf32, #tpu.memory_space<vmem>>
      tpu.vector_store_idx %scatter3A_972[%shift_right_arithmetic3A_25, %and3A_36, %scan3A_842], %get3A_867 : memref<8x8x129xf32, #tpu.memory_space<vmem>>[vector<16xi32>, vector<16xi32>, vector<16xi32>], vector<16xf32>,
      %scatter3A_973 = arith.constant 0 : i32
      %scatter3A_974 = arith.constant 0 : i32
      %scatter3A_975 = arith.constant 0 : i32
      %scatter3A_976 = tpu.memref_slice %arg7[%scan3A_446, %scatter3A_973, %scatter3A_974, %scatter3A_975] : memref<4x8x8x129xf32, #tpu.memory_space<vmem>> -> memref<1x8x8x129xf32, #tpu.memory_space<vmem>>
      %scatter3A_977 = tpu.memref_squeeze %scatter3A_976 : memref<1x8x8x129xf32, #tpu.memory_space<vmem>> -> memref<8x8x129xf32, #tpu.memory_space<vmem>>
      tpu.vector_store_idx %scatter3A_977[%shift_right_arithmetic3A_28, %and3A_39, %scan3A_842], %get3A_874 : memref<8x8x129xf32, #tpu.memory_space<vmem>>[vector<16xi32>, vector<16xi32>, vector<16xi32>], vector<16xf32>,
      %scatter3A_978 = arith.constant 0 : i32
      %scatter3A_979 = arith.constant 0 : i32
      %scatter3A_980 = arith.constant 0 : i32
      %scatter3A_981 = tpu.memref_slice %arg7[%scan3A_446, %scatter3A_978, %scatter3A_979, %scatter3A_980] : memref<4x8x8x129xf32, #tpu.memory_space<vmem>> -> memref<1x8x8x129xf32, #tpu.memory_space<vmem>>
      %scatter3A_982 = tpu.memref_squeeze %scatter3A_981 : memref<1x8x8x129xf32, #tpu.memory_space<vmem>> -> memref<8x8x129xf32, #tpu.memory_space<vmem>>
      tpu.vector_store_idx %scatter3A_982[%shift_right_arithmetic3A_19, %and3A_30, %scan3A_843], %get3A_881 : memref<8x8x129xf32, #tpu.memory_space<vmem>>[vector<16xi32>, vector<16xi32>, vector<16xi32>], vector<16xf32>,
      %scatter3A_983 = arith.constant 0 : i32
      %scatter3A_984 = arith.constant 0 : i32
      %scatter3A_985 = arith.constant 0 : i32
      %scatter3A_986 = tpu.memref_slice %arg7[%scan3A_446, %scatter3A_983, %scatter3A_984, %scatter3A_985] : memref<4x8x8x129xf32, #tpu.memory_space<vmem>> -> memref<1x8x8x129xf32, #tpu.memory_space<vmem>>
      %scatter3A_987 = tpu.memref_squeeze %scatter3A_986 : memref<1x8x8x129xf32, #tpu.memory_space<vmem>> -> memref<8x8x129xf32, #tpu.memory_space<vmem>>
      tpu.vector_store_idx %scatter3A_987[%shift_right_arithmetic3A_22, %and3A_33, %scan3A_843], %get3A_888 : memref<8x8x129xf32, #tpu.memory_space<vmem>>[vector<16xi32>, vector<16xi32>, vector<16xi32>], vector<16xf32>,
      %scatter3A_988 = arith.constant 0 : i32
      %scatter3A_989 = arith.constant 0 : i32
      %scatter3A_990 = arith.constant 0 : i32
      %scatter3A_991 = tpu.memref_slice %arg7[%scan3A_446, %scatter3A_988, %scatter3A_989, %scatter3A_990] : memref<4x8x8x129xf32, #tpu.memory_space<vmem>> -> memref<1x8x8x129xf32, #tpu.memory_space<vmem>>
      %scatter3A_992 = tpu.memref_squeeze %scatter3A_991 : memref<1x8x8x129xf32, #tpu.memory_space<vmem>> -> memref<8x8x129xf32, #tpu.memory_space<vmem>>
      tpu.vector_store_idx %scatter3A_992[%shift_right_arithmetic3A_25, %and3A_36, %scan3A_843], %get3A_895 : memref<8x8x129xf32, #tpu.memory_space<vmem>>[vector<16xi32>, vector<16xi32>, vector<16xi32>], vector<16xf32>,
      %scatter3A_993 = arith.constant 0 : i32
      %scatter3A_994 = arith.constant 0 : i32
      %scatter3A_995 = arith.constant 0 : i32
      %scatter3A_996 = tpu.memref_slice %arg7[%scan3A_446, %scatter3A_993, %scatter3A_994, %scatter3A_995] : memref<4x8x8x129xf32, #tpu.memory_space<vmem>> -> memref<1x8x8x129xf32, #tpu.memory_space<vmem>>
      %scatter3A_997 = tpu.memref_squeeze %scatter3A_996 : memref<1x8x8x129xf32, #tpu.memory_space<vmem>> -> memref<8x8x129xf32, #tpu.memory_space<vmem>>
      tpu.vector_store_idx %scatter3A_997[%shift_right_arithmetic3A_28, %and3A_39, %scan3A_843], %get3A_902 : memref<8x8x129xf32, #tpu.memory_space<vmem>>[vector<16xi32>, vector<16xi32>, vector<16xi32>], vector<16xf32>,
      %scatter3A_998 = arith.constant 0 : i32
      %scatter3A_999 = arith.constant 0 : i32
      %scatter3A_1000 = arith.constant 0 : i32
      %scatter3A_1001 = tpu.memref_slice %arg7[%scan3A_446, %scatter3A_998, %scatter3A_999, %scatter3A_1000] : memref<4x8x8x129xf32, #tpu.memory_space<vmem>> -> memref<1x8x8x129xf32, #tpu.memory_space<vmem>>
      %scatter3A_1002 = tpu.memref_squeeze %scatter3A_1001 : memref<1x8x8x129xf32, #tpu.memory_space<vmem>> -> memref<8x8x129xf32, #tpu.memory_space<vmem>>
      tpu.vector_store_idx %scatter3A_1002[%shift_right_arithmetic3A_19, %and3A_30, %scan3A_844], %get3A_909 : memref<8x8x129xf32, #tpu.memory_space<vmem>>[vector<16xi32>, vector<16xi32>, vector<16xi32>], vector<16xf32>,
      %scatter3A_1003 = arith.constant 0 : i32
      %scatter3A_1004 = arith.constant 0 : i32
      %scatter3A_1005 = arith.constant 0 : i32
      %scatter3A_1006 = tpu.memref_slice %arg7[%scan3A_446, %scatter3A_1003, %scatter3A_1004, %scatter3A_1005] : memref<4x8x8x129xf32, #tpu.memory_space<vmem>> -> memref<1x8x8x129xf32, #tpu.memory_space<vmem>>
      %scatter3A_1007 = tpu.memref_squeeze %scatter3A_1006 : memref<1x8x8x129xf32, #tpu.memory_space<vmem>> -> memref<8x8x129xf32, #tpu.memory_space<vmem>>
      tpu.vector_store_idx %scatter3A_1007[%shift_right_arithmetic3A_22, %and3A_33, %scan3A_844], %get3A_916 : memref<8x8x129xf32, #tpu.memory_space<vmem>>[vector<16xi32>, vector<16xi32>, vector<16xi32>], vector<16xf32>,
      %scatter3A_1008 = arith.constant 0 : i32
      %scatter3A_1009 = arith.constant 0 : i32
      %scatter3A_1010 = arith.constant 0 : i32
      %scatter3A_1011 = tpu.memref_slice %arg7[%scan3A_446, %scatter3A_1008, %scatter3A_1009, %scatter3A_1010] : memref<4x8x8x129xf32, #tpu.memory_space<vmem>> -> memref<1x8x8x129xf32, #tpu.memory_space<vmem>>
      %scatter3A_1012 = tpu.memref_squeeze %scatter3A_1011 : memref<1x8x8x129xf32, #tpu.memory_space<vmem>> -> memref<8x8x129xf32, #tpu.memory_space<vmem>>
      tpu.vector_store_idx %scatter3A_1012[%shift_right_arithmetic3A_25, %and3A_36, %scan3A_844], %get3A_923 : memref<8x8x129xf32, #tpu.memory_space<vmem>>[vector<16xi32>, vector<16xi32>, vector<16xi32>], vector<16xf32>,
      %scatter3A_1013 = arith.constant 0 : i32
      %scatter3A_1014 = arith.constant 0 : i32
      %scatter3A_1015 = arith.constant 0 : i32
      %scatter3A_1016 = tpu.memref_slice %arg7[%scan3A_446, %scatter3A_1013, %scatter3A_1014, %scatter3A_1015] : memref<4x8x8x129xf32, #tpu.memory_space<vmem>> -> memref<1x8x8x129xf32, #tpu.memory_space<vmem>>
      %scatter3A_1017 = tpu.memref_squeeze %scatter3A_1016 : memref<1x8x8x129xf32, #tpu.memory_space<vmem>> -> memref<8x8x129xf32, #tpu.memory_space<vmem>>
      tpu.vector_store_idx %scatter3A_1017[%shift_right_arithmetic3A_28, %and3A_39, %scan3A_844], %get3A_930 : memref<8x8x129xf32, #tpu.memory_space<vmem>>[vector<16xi32>, vector<16xi32>, vector<16xi32>], vector<16xf32>,
      %scatter3A_1018 = arith.constant 0 : i32
      %scatter3A_1019 = arith.constant 0 : i32
      %scatter3A_1020 = arith.constant 0 : i32
      %scatter3A_1021 = tpu.memref_slice %arg7[%scan3A_446, %scatter3A_1018, %scatter3A_1019, %scatter3A_1020] : memref<4x8x8x129xf32, #tpu.memory_space<vmem>> -> memref<1x8x8x129xf32, #tpu.memory_space<vmem>>
      %scatter3A_1022 = tpu.memref_squeeze %scatter3A_1021 : memref<1x8x8x129xf32, #tpu.memory_space<vmem>> -> memref<8x8x129xf32, #tpu.memory_space<vmem>>
      tpu.vector_store_idx %scatter3A_1022[%shift_right_arithmetic3A_19, %and3A_30, %scan3A_845], %get3A_937 : memref<8x8x129xf32, #tpu.memory_space<vmem>>[vector<16xi32>, vector<16xi32>, vector<16xi32>], vector<16xf32>,
      %scatter3A_1023 = arith.constant 0 : i32
      %scatter3A_1024 = arith.constant 0 : i32
      %scatter3A_1025 = arith.constant 0 : i32
      %scatter3A_1026 = tpu.memref_slice %arg7[%scan3A_446, %scatter3A_1023, %scatter3A_1024, %scatter3A_1025] : memref<4x8x8x129xf32, #tpu.memory_space<vmem>> -> memref<1x8x8x129xf32, #tpu.memory_space<vmem>>
      %scatter3A_1027 = tpu.memref_squeeze %scatter3A_1026 : memref<1x8x8x129xf32, #tpu.memory_space<vmem>> -> memref<8x8x129xf32, #tpu.memory_space<vmem>>
      tpu.vector_store_idx %scatter3A_1027[%shift_right_arithmetic3A_22, %and3A_33, %scan3A_845], %get3A_944 : memref<8x8x129xf32, #tpu.memory_space<vmem>>[vector<16xi32>, vector<16xi32>, vector<16xi32>], vector<16xf32>,
      %scatter3A_1028 = arith.constant 0 : i32
      %scatter3A_1029 = arith.constant 0 : i32
      %scatter3A_1030 = arith.constant 0 : i32
      %scatter3A_1031 = tpu.memref_slice %arg7[%scan3A_446, %scatter3A_1028, %scatter3A_1029, %scatter3A_1030] : memref<4x8x8x129xf32, #tpu.memory_space<vmem>> -> memref<1x8x8x129xf32, #tpu.memory_space<vmem>>
      %scatter3A_1032 = tpu.memref_squeeze %scatter3A_1031 : memref<1x8x8x129xf32, #tpu.memory_space<vmem>> -> memref<8x8x129xf32, #tpu.memory_space<vmem>>
      tpu.vector_store_idx %scatter3A_1032[%shift_right_arithmetic3A_25, %and3A_36, %scan3A_845], %get3A_951 : memref<8x8x129xf32, #tpu.memory_space<vmem>>[vector<16xi32>, vector<16xi32>, vector<16xi32>], vector<16xf32>,
      %scatter3A_1033 = arith.constant 0 : i32
      %scatter3A_1034 = arith.constant 0 : i32
      %scatter3A_1035 = arith.constant 0 : i32
      %scatter3A_1036 = tpu.memref_slice %arg7[%scan3A_446, %scatter3A_1033, %scatter3A_1034, %scatter3A_1035] : memref<4x8x8x129xf32, #tpu.memory_space<vmem>> -> memref<1x8x8x129xf32, #tpu.memory_space<vmem>>
      %scatter3A_1037 = tpu.memref_squeeze %scatter3A_1036 : memref<1x8x8x129xf32, #tpu.memory_space<vmem>> -> memref<8x8x129xf32, #tpu.memory_space<vmem>>
      tpu.vector_store_idx %scatter3A_1037[%shift_right_arithmetic3A_28, %and3A_39, %scan3A_845], %get3A_958 : memref<8x8x129xf32, #tpu.memory_space<vmem>>[vector<16xi32>, vector<16xi32>, vector<16xi32>], vector<16xf32>,
      %add3A_1038 = arith.constant 4 : i32
      %add3A_1039 = vector.broadcast %add3A_1038 : i32 to vector<16xi32>
      %add3A_1040 = arith.addi %scan3A_842, %add3A_1039 : vector<16xi32>
      %add3A_1041 = arith.constant 4 : i32
      %add3A_1042 = vector.broadcast %add3A_1041 : i32 to vector<16xi32>
      %add3A_1043 = arith.addi %scan3A_843, %add3A_1042 : vector<16xi32>
      %add3A_1044 = arith.constant 4 : i32
      %add3A_1045 = vector.broadcast %add3A_1044 : i32 to vector<16xi32>
      %add3A_1046 = arith.addi %scan3A_844, %add3A_1045 : vector<16xi32>
      %add3A_1047 = arith.constant 4 : i32
      %add3A_1048 = vector.broadcast %add3A_1047 : i32 to vector<16xi32>
      %add3A_1049 = arith.addi %scan3A_845, %add3A_1048 : vector<16xi32>
      scf.yield %add3A_1040, %add3A_1043, %add3A_1046, %add3A_1049 : vector<16xi32>, vector<16xi32>, vector<16xi32>, vector<16xi32>
    }
    %scan3A_452 = arith.constant 32 : i32
    %shift_right_arithmetic3A_453 = arith.constant 5 : i32
    %shift_right_arithmetic3A_454 = arith.shrsi %add3A_394, %shift_right_arithmetic3A_453 : i32
    %and3A_455 = arith.constant 31 : i32
    %and3A_456 = arith.andi %add3A_394, %and3A_455 : i32
    %dma_start3A_457 = arith.constant 0 : i32
    %dma_start3A_458 = arith.constant 0 : i32
    %dma_start3A_459 = arith.constant 0 : i32
    %dma_start3A_460 = arith.constant 0 : i32
    %dma_start3A_461 = tpu.memref_slice %arg7[%dma_start3A_457, %dma_start3A_458, %dma_start3A_459, %dma_start3A_460] : memref<4x8x8x129xf32, #tpu.memory_space<vmem>> -> memref<1x8x8x128xf32, #tpu.memory_space<vmem>>
    %dma_start3A_462 = tpu.memref_squeeze %dma_start3A_461 : memref<1x8x8x128xf32, #tpu.memory_space<vmem>> -> memref<8x8x128xf32, #tpu.memory_space<vmem>>
    %dma_start3A_463 = arith.constant 0 : i32
    %dma_start3A_464 = arith.constant 0 : i32
    %dma_start3A_465 = arith.constant 0 : i32
    %dma_start3A_466 = tpu.memref_slice %arg4[%shift_right_arithmetic3A_454, %dma_start3A_463, %and3A_456, %dma_start3A_464, %dma_start3A_465] : memref<200x8x32x8x128xf32, #tpu.memory_space<hbm>> -> memref<1x8x1x8x128xf32, #tpu.memory_space<hbm>>
    %dma_start3A_467 = tpu.memref_squeeze %dma_start3A_466 : memref<1x8x1x8x128xf32, #tpu.memory_space<hbm>> -> memref<8x8x128xf32, #tpu.memory_space<hbm>>
    %dma_start3A_468 = arith.constant 0 : i32
    %dma_start3A_469 = arith.constant 0 : i32
    %dma_start3A_470 = arith.constant 0 : i32
    %dma_start3A_471 = tpu.memref_slice %arg4[%shift_right_arithmetic3A_454, %dma_start3A_468, %and3A_456, %dma_start3A_469, %dma_start3A_470] : memref<200x8x32x8x128xf32, #tpu.memory_space<hbm>> -> memref<1x8x1x8x128xf32, #tpu.memory_space<hbm>>
    %dma_start3A_472 = tpu.memref_squeeze %dma_start3A_471 : memref<1x8x1x8x128xf32, #tpu.memory_space<hbm>> -> memref<8x8x128xf32, #tpu.memory_space<hbm>>
    %dma_start3A_473 = arith.constant 0 : i32
    %dma_start3A_474 = arith.constant 0 : i32
    %dma_start3A_475 = arith.constant 0 : i32
    %dma_start3A_476 = tpu.memref_slice %arg7[%dma_start3A_457, %dma_start3A_473, %dma_start3A_474, %dma_start3A_475] : memref<4x8x8x129xf32, #tpu.memory_space<vmem>> -> memref<1x8x8x128xf32, #tpu.memory_space<vmem>>
    %dma_start3A_477 = tpu.memref_squeeze %dma_start3A_476 : memref<1x8x8x128xf32, #tpu.memory_space<vmem>> -> memref<8x8x128xf32, #tpu.memory_space<vmem>>
    tpu.enqueue_dma source(%dma_start3A_477 : memref<8x8x128xf32, #tpu.memory_space<vmem>>) target(%dma_start3A_472 : memref<8x8x128xf32, #tpu.memory_space<hbm>>) target_semaphore(%arg12 : memref<!tpu.dma_semaphore, #tpu.memory_space<semaphore_mem>>)
    %add3A_478 = arith.constant 1 : i32
    %add3A_479 = arith.addi %sub3A_392, %add3A_478 : i32
    %sub3A_480 = arith.subi %add3A_479, %mul3A_2 : i32
    %mul3A_481 = arith.constant 128 : i32
    %mul3A_482 = arith.muli %sub3A_480, %mul3A_481 : i32
    %dma_wait3A_483 = arith.constant 1 : i32
    %dma_wait3A_484 = arith.constant 0 : i32
    %dma_wait3A_485 = arith.constant 0 : i32
    %dma_wait3A_486 = tpu.memref_slice %arg6[%dma_wait3A_483, %dma_wait3A_484, %dma_wait3A_485] : memref<4x128x64xf32, #tpu.memory_space<vmem>> -> memref<1x128x64xf32, #tpu.memory_space<vmem>>
    %dma_wait3A_487 = tpu.memref_squeeze %dma_wait3A_486 : memref<1x128x64xf32, #tpu.memory_space<vmem>> -> memref<128x64xf32, #tpu.memory_space<vmem>>
    %dma_wait3A_488 = tpu.memref_slice %arg5[%mul3A_482] : memref<25600xi32, #tpu.memory_space<vmem>> -> memref<128xi32, #tpu.memory_space<vmem>>
    %dma_wait3A_489 = arith.constant 0 : i32
    %dma_wait3A_490 = arith.constant 0 : i32
    %dma_wait3A_491 = tpu.memref_slice %arg3[%dma_wait3A_489, %dma_wait3A_490] : memref<100000x64xf32, #tpu.memory_space<hbm>> -> memref<100000x64xf32, #tpu.memory_space<hbm>>
    tpu.wait_indirect_dma semaphore(%arg9 : memref<!tpu.dma_semaphore, #tpu.memory_space<semaphore_mem>>) src(%dma_wait3A_491 : memref<100000x64xf32, #tpu.memory_space<hbm>>) dst(%dma_wait3A_487 : memref<128x64xf32, #tpu.memory_space<vmem>>)
    %sub3A_492 = arith.constant 4 : i32
    %sub3A_493 = arith.subi %add3A_479, %sub3A_492 : i32
    %shift_right_arithmetic3A_494 = arith.constant 5 : i32
    %shift_right_arithmetic3A_495 = arith.shrsi %sub3A_493, %shift_right_arithmetic3A_494 : i32
    %and3A_496 = arith.constant 31 : i32
    %and3A_497 = arith.andi %sub3A_493, %and3A_496 : i32
    %dma_wait3A_498 = arith.constant 1 : i32
    %dma_wait3A_499 = arith.constant 0 : i32
    %dma_wait3A_500 = arith.constant 0 : i32
    %dma_wait3A_501 = arith.constant 0 : i32
    %dma_wait3A_502 = tpu.memref_slice %arg7[%dma_wait3A_498, %dma_wait3A_499, %dma_wait3A_500, %dma_wait3A_501] : memref<4x8x8x129xf32, #tpu.memory_space<vmem>> -> memref<1x8x8x128xf32, #tpu.memory_space<vmem>>
    %dma_wait3A_503 = tpu.memref_squeeze %dma_wait3A_502 : memref<1x8x8x128xf32, #tpu.memory_space<vmem>> -> memref<8x8x128xf32, #tpu.memory_space<vmem>>
    %dma_wait3A_504 = arith.constant 0 : i32
    %dma_wait3A_505 = arith.constant 0 : i32
    %dma_wait3A_506 = arith.constant 0 : i32
    %dma_wait3A_507 = tpu.memref_slice %arg4[%shift_right_arithmetic3A_495, %dma_wait3A_504, %and3A_497, %dma_wait3A_505, %dma_wait3A_506] : memref<200x8x32x8x128xf32, #tpu.memory_space<hbm>> -> memref<1x8x1x8x128xf32, #tpu.memory_space<hbm>>
    %dma_wait3A_508 = tpu.memref_squeeze %dma_wait3A_507 : memref<1x8x1x8x128xf32, #tpu.memory_space<hbm>> -> memref<8x8x128xf32, #tpu.memory_space<hbm>>
    %dma_wait3A_509 = arith.constant 0 : i32
    %dma_wait3A_510 = arith.constant 0 : i32
    %dma_wait3A_511 = arith.constant 0 : i32
    %dma_wait3A_512 = tpu.memref_slice %arg4[%shift_right_arithmetic3A_495, %dma_wait3A_509, %and3A_497, %dma_wait3A_510, %dma_wait3A_511] : memref<200x8x32x8x128xf32, #tpu.memory_space<hbm>> -> memref<1x8x1x8x128xf32, #tpu.memory_space<hbm>>
    %dma_wait3A_513 = tpu.memref_squeeze %dma_wait3A_512 : memref<1x8x1x8x128xf32, #tpu.memory_space<hbm>> -> memref<8x8x128xf32, #tpu.memory_space<hbm>>
    %dma_wait3A_514 = arith.constant 0 : i32
    %dma_wait3A_515 = arith.constant 0 : i32
    %dma_wait3A_516 = arith.constant 0 : i32
    %dma_wait3A_517 = tpu.memref_slice %arg7[%dma_wait3A_498, %dma_wait3A_514, %dma_wait3A_515, %dma_wait3A_516] : memref<4x8x8x129xf32, #tpu.memory_space<vmem>> -> memref<1x8x8x128xf32, #tpu.memory_space<vmem>>
    %dma_wait3A_518 = tpu.memref_squeeze %dma_wait3A_517 : memref<1x8x8x128xf32, #tpu.memory_space<vmem>> -> memref<8x8x128xf32, #tpu.memory_space<vmem>>
    tpu.wait_dma2 semaphore(%arg13 : memref<!tpu.dma_semaphore, #tpu.memory_space<semaphore_mem>>) src(%dma_wait3A_518 : memref<8x8x128xf32, #tpu.memory_space<vmem>>) dst(%dma_wait3A_513 : memref<8x8x128xf32, #tpu.memory_space<hbm>>)
    %add3A_519 = arith.constant 0 : i32
    %add3A_520 = vector.broadcast %add3A_519 : i32 to vector<16xi32>
    %add3A_521 = arith.addi %broadcast_in_dim3A_40, %add3A_520 : vector<16xi32>
    %add3A_522 = arith.constant 1 : i32
    %add3A_523 = vector.broadcast %add3A_522 : i32 to vector<16xi32>
    %add3A_524 = arith.addi %broadcast_in_dim3A_40, %add3A_523 : vector<16xi32>
    %add3A_525 = arith.constant 2 : i32
    %add3A_526 = vector.broadcast %add3A_525 : i32 to vector<16xi32>
    %add3A_527 = arith.addi %broadcast_in_dim3A_40, %add3A_526 : vector<16xi32>
    %add3A_528 = arith.constant 3 : i32
    %add3A_529 = vector.broadcast %add3A_528 : i32 to vector<16xi32>
    %add3A_530 = arith.addi %broadcast_in_dim3A_40, %add3A_529 : vector<16xi32>
    %scan3A_531 = arith.constant 1 : i32
    %scan3A_532 = arith.constant 0 : i32
    %scan3A_533 = arith.constant 32 : i32
    %scan3A_534 = arith.addi %scan3A_532, %scan3A_533 : i32
    %scan3A_535 = arith.constant 1 : i32
    %scan3A_536:4 = scf.for %scan3A_841 = %scan3A_532 to %scan3A_534 step %scan3A_535 iter_args(%scan3A_842 = %add3A_521, %scan3A_843 = %add3A_524, %scan3A_844 = %add3A_527, %scan3A_845 = %add3A_530) -> (vector<16xi32>, vector<16xi32>, vector<16xi32>, vector<16xi32>)  : i32 {
      %mul3A_846 = arith.constant 4 : i32
      %mul3A_847 = arith.muli %scan3A_841, %mul3A_846 : i32
      %add3A_848 = arith.constant 0 : i32
      %add3A_849 = arith.addi %mul3A_847, %add3A_848 : i32
      %get3A = arith.constant 1 : i32
      %get3A_850 = arith.index_cast %get3A : i32 to index
      %get3A_851 = arith.index_cast %add3A_849 : i32 to index
      %get3A_852 = arith.constant 0 : index
      %get3A_853 = tpu.vector_load %arg6[%get3A_850, %get3A_851, %get3A_852] {strides = array<i32>} : memref<4x128x64xf32, #tpu.memory_space<vmem>>, vector<16xf32>,
      %add3A_854 = arith.constant 0 : i32
      %add3A_855 = arith.addi %mul3A_847, %add3A_854 : i32
      %get3A_856 = arith.constant 1 : i32
      %get3A_857 = arith.index_cast %get3A_856 : i32 to index
      %get3A_858 = arith.index_cast %add3A_855 : i32 to index
      %get3A_859 = arith.constant 16 : index
      %get3A_860 = tpu.vector_load %arg6[%get3A_857, %get3A_858, %get3A_859] {strides = array<i32>} : memref<4x128x64xf32, #tpu.memory_space<vmem>>, vector<16xf32>,
      %add3A_861 = arith.constant 0 : i32
      %add3A_862 = arith.addi %mul3A_847, %add3A_861 : i32
      %get3A_863 = arith.constant 1 : i32
      %get3A_864 = arith.index_cast %get3A_863 : i32 to index
      %get3A_865 = arith.index_cast %add3A_862 : i32 to index
      %get3A_866 = arith.constant 32 : index
      %get3A_867 = tpu.vector_load %arg6[%get3A_864, %get3A_865, %get3A_866] {strides = array<i32>} : memref<4x128x64xf32, #tpu.memory_space<vmem>>, vector<16xf32>,
      %add3A_868 = arith.constant 0 : i32
      %add3A_869 = arith.addi %mul3A_847, %add3A_868 : i32
      %get3A_870 = arith.constant 1 : i32
      %get3A_871 = arith.index_cast %get3A_870 : i32 to index
      %get3A_872 = arith.index_cast %add3A_869 : i32 to index
      %get3A_873 = arith.constant 48 : index
      %get3A_874 = tpu.vector_load %arg6[%get3A_871, %get3A_872, %get3A_873] {strides = array<i32>} : memref<4x128x64xf32, #tpu.memory_space<vmem>>, vector<16xf32>,
      %add3A_875 = arith.constant 1 : i32
      %add3A_876 = arith.addi %mul3A_847, %add3A_875 : i32
      %get3A_877 = arith.constant 1 : i32
      %get3A_878 = arith.index_cast %get3A_877 : i32 to index
      %get3A_879 = arith.index_cast %add3A_876 : i32 to index
      %get3A_880 = arith.constant 0 : index
      %get3A_881 = tpu.vector_load %arg6[%get3A_878, %get3A_879, %get3A_880] {strides = array<i32>} : memref<4x128x64xf32, #tpu.memory_space<vmem>>, vector<16xf32>,
      %add3A_882 = arith.constant 1 : i32
      %add3A_883 = arith.addi %mul3A_847, %add3A_882 : i32
      %get3A_884 = arith.constant 1 : i32
      %get3A_885 = arith.index_cast %get3A_884 : i32 to index
      %get3A_886 = arith.index_cast %add3A_883 : i32 to index
      %get3A_887 = arith.constant 16 : index
      %get3A_888 = tpu.vector_load %arg6[%get3A_885, %get3A_886, %get3A_887] {strides = array<i32>} : memref<4x128x64xf32, #tpu.memory_space<vmem>>, vector<16xf32>,
      %add3A_889 = arith.constant 1 : i32
      %add3A_890 = arith.addi %mul3A_847, %add3A_889 : i32
      %get3A_891 = arith.constant 1 : i32
      %get3A_892 = arith.index_cast %get3A_891 : i32 to index
      %get3A_893 = arith.index_cast %add3A_890 : i32 to index
      %get3A_894 = arith.constant 32 : index
      %get3A_895 = tpu.vector_load %arg6[%get3A_892, %get3A_893, %get3A_894] {strides = array<i32>} : memref<4x128x64xf32, #tpu.memory_space<vmem>>, vector<16xf32>,
      %add3A_896 = arith.constant 1 : i32
      %add3A_897 = arith.addi %mul3A_847, %add3A_896 : i32
      %get3A_898 = arith.constant 1 : i32
      %get3A_899 = arith.index_cast %get3A_898 : i32 to index
      %get3A_900 = arith.index_cast %add3A_897 : i32 to index
      %get3A_901 = arith.constant 48 : index
      %get3A_902 = tpu.vector_load %arg6[%get3A_899, %get3A_900, %get3A_901] {strides = array<i32>} : memref<4x128x64xf32, #tpu.memory_space<vmem>>, vector<16xf32>,
      %add3A_903 = arith.constant 2 : i32
      %add3A_904 = arith.addi %mul3A_847, %add3A_903 : i32
      %get3A_905 = arith.constant 1 : i32
      %get3A_906 = arith.index_cast %get3A_905 : i32 to index
      %get3A_907 = arith.index_cast %add3A_904 : i32 to index
      %get3A_908 = arith.constant 0 : index
      %get3A_909 = tpu.vector_load %arg6[%get3A_906, %get3A_907, %get3A_908] {strides = array<i32>} : memref<4x128x64xf32, #tpu.memory_space<vmem>>, vector<16xf32>,
      %add3A_910 = arith.constant 2 : i32
      %add3A_911 = arith.addi %mul3A_847, %add3A_910 : i32
      %get3A_912 = arith.constant 1 : i32
      %get3A_913 = arith.index_cast %get3A_912 : i32 to index
      %get3A_914 = arith.index_cast %add3A_911 : i32 to index
      %get3A_915 = arith.constant 16 : index
      %get3A_916 = tpu.vector_load %arg6[%get3A_913, %get3A_914, %get3A_915] {strides = array<i32>} : memref<4x128x64xf32, #tpu.memory_space<vmem>>, vector<16xf32>,
      %add3A_917 = arith.constant 2 : i32
      %add3A_918 = arith.addi %mul3A_847, %add3A_917 : i32
      %get3A_919 = arith.constant 1 : i32
      %get3A_920 = arith.index_cast %get3A_919 : i32 to index
      %get3A_921 = arith.index_cast %add3A_918 : i32 to index
      %get3A_922 = arith.constant 32 : index
      %get3A_923 = tpu.vector_load %arg6[%get3A_920, %get3A_921, %get3A_922] {strides = array<i32>} : memref<4x128x64xf32, #tpu.memory_space<vmem>>, vector<16xf32>,
      %add3A_924 = arith.constant 2 : i32
      %add3A_925 = arith.addi %mul3A_847, %add3A_924 : i32
      %get3A_926 = arith.constant 1 : i32
      %get3A_927 = arith.index_cast %get3A_926 : i32 to index
      %get3A_928 = arith.index_cast %add3A_925 : i32 to index
      %get3A_929 = arith.constant 48 : index
      %get3A_930 = tpu.vector_load %arg6[%get3A_927, %get3A_928, %get3A_929] {strides = array<i32>} : memref<4x128x64xf32, #tpu.memory_space<vmem>>, vector<16xf32>,
      %add3A_931 = arith.constant 3 : i32
      %add3A_932 = arith.addi %mul3A_847, %add3A_931 : i32
      %get3A_933 = arith.constant 1 : i32
      %get3A_934 = arith.index_cast %get3A_933 : i32 to index
      %get3A_935 = arith.index_cast %add3A_932 : i32 to index
      %get3A_936 = arith.constant 0 : index
      %get3A_937 = tpu.vector_load %arg6[%get3A_934, %get3A_935, %get3A_936] {strides = array<i32>} : memref<4x128x64xf32, #tpu.memory_space<vmem>>, vector<16xf32>,
      %add3A_938 = arith.constant 3 : i32
      %add3A_939 = arith.addi %mul3A_847, %add3A_938 : i32
      %get3A_940 = arith.constant 1 : i32
      %get3A_941 = arith.index_cast %get3A_940 : i32 to index
      %get3A_942 = arith.index_cast %add3A_939 : i32 to index
      %get3A_943 = arith.constant 16 : index
      %get3A_944 = tpu.vector_load %arg6[%get3A_941, %get3A_942, %get3A_943] {strides = array<i32>} : memref<4x128x64xf32, #tpu.memory_space<vmem>>, vector<16xf32>,
      %add3A_945 = arith.constant 3 : i32
      %add3A_946 = arith.addi %mul3A_847, %add3A_945 : i32
      %get3A_947 = arith.constant 1 : i32
      %get3A_948 = arith.index_cast %get3A_947 : i32 to index
      %get3A_949 = arith.index_cast %add3A_946 : i32 to index
      %get3A_950 = arith.constant 32 : index
      %get3A_951 = tpu.vector_load %arg6[%get3A_948, %get3A_949, %get3A_950] {strides = array<i32>} : memref<4x128x64xf32, #tpu.memory_space<vmem>>, vector<16xf32>,
      %add3A_952 = arith.constant 3 : i32
      %add3A_953 = arith.addi %mul3A_847, %add3A_952 : i32
      %get3A_954 = arith.constant 1 : i32
      %get3A_955 = arith.index_cast %get3A_954 : i32 to index
      %get3A_956 = arith.index_cast %add3A_953 : i32 to index
      %get3A_957 = arith.constant 48 : index
      %get3A_958 = tpu.vector_load %arg6[%get3A_955, %get3A_956, %get3A_957] {strides = array<i32>} : memref<4x128x64xf32, #tpu.memory_space<vmem>>, vector<16xf32>,
      %scatter3A = arith.constant 0 : i32
      %scatter3A_959 = arith.constant 0 : i32
      %scatter3A_960 = arith.constant 0 : i32
      %scatter3A_961 = tpu.memref_slice %arg7[%scan3A_531, %scatter3A, %scatter3A_959, %scatter3A_960] : memref<4x8x8x129xf32, #tpu.memory_space<vmem>> -> memref<1x8x8x129xf32, #tpu.memory_space<vmem>>
      %scatter3A_962 = tpu.memref_squeeze %scatter3A_961 : memref<1x8x8x129xf32, #tpu.memory_space<vmem>> -> memref<8x8x129xf32, #tpu.memory_space<vmem>>
      tpu.vector_store_idx %scatter3A_962[%shift_right_arithmetic3A_19, %and3A_30, %scan3A_842], %get3A_853 : memref<8x8x129xf32, #tpu.memory_space<vmem>>[vector<16xi32>, vector<16xi32>, vector<16xi32>], vector<16xf32>,
      %scatter3A_963 = arith.constant 0 : i32
      %scatter3A_964 = arith.constant 0 : i32
      %scatter3A_965 = arith.constant 0 : i32
      %scatter3A_966 = tpu.memref_slice %arg7[%scan3A_531, %scatter3A_963, %scatter3A_964, %scatter3A_965] : memref<4x8x8x129xf32, #tpu.memory_space<vmem>> -> memref<1x8x8x129xf32, #tpu.memory_space<vmem>>
      %scatter3A_967 = tpu.memref_squeeze %scatter3A_966 : memref<1x8x8x129xf32, #tpu.memory_space<vmem>> -> memref<8x8x129xf32, #tpu.memory_space<vmem>>
      tpu.vector_store_idx %scatter3A_967[%shift_right_arithmetic3A_22, %and3A_33, %scan3A_842], %get3A_860 : memref<8x8x129xf32, #tpu.memory_space<vmem>>[vector<16xi32>, vector<16xi32>, vector<16xi32>], vector<16xf32>,
      %scatter3A_968 = arith.constant 0 : i32
      %scatter3A_969 = arith.constant 0 : i32
      %scatter3A_970 = arith.constant 0 : i32
      %scatter3A_971 = tpu.memref_slice %arg7[%scan3A_531, %scatter3A_968, %scatter3A_969, %scatter3A_970] : memref<4x8x8x129xf32, #tpu.memory_space<vmem>> -> memref<1x8x8x129xf32, #tpu.memory_space<vmem>>
      %scatter3A_972 = tpu.memref_squeeze %scatter3A_971 : memref<1x8x8x129xf32, #tpu.memory_space<vmem>> -> memref<8x8x129xf32, #tpu.memory_space<vmem>>
      tpu.vector_store_idx %scatter3A_972[%shift_right_arithmetic3A_25, %and3A_36, %scan3A_842], %get3A_867 : memref<8x8x129xf32, #tpu.memory_space<vmem>>[vector<16xi32>, vector<16xi32>, vector<16xi32>], vector<16xf32>,
      %scatter3A_973 = arith.constant 0 : i32
      %scatter3A_974 = arith.constant 0 : i32
      %scatter3A_975 = arith.constant 0 : i32
      %scatter3A_976 = tpu.memref_slice %arg7[%scan3A_531, %scatter3A_973, %scatter3A_974, %scatter3A_975] : memref<4x8x8x129xf32, #tpu.memory_space<vmem>> -> memref<1x8x8x129xf32, #tpu.memory_space<vmem>>
      %scatter3A_977 = tpu.memref_squeeze %scatter3A_976 : memref<1x8x8x129xf32, #tpu.memory_space<vmem>> -> memref<8x8x129xf32, #tpu.memory_space<vmem>>
      tpu.vector_store_idx %scatter3A_977[%shift_right_arithmetic3A_28, %and3A_39, %scan3A_842], %get3A_874 : memref<8x8x129xf32, #tpu.memory_space<vmem>>[vector<16xi32>, vector<16xi32>, vector<16xi32>], vector<16xf32>,
      %scatter3A_978 = arith.constant 0 : i32
      %scatter3A_979 = arith.constant 0 : i32
      %scatter3A_980 = arith.constant 0 : i32
      %scatter3A_981 = tpu.memref_slice %arg7[%scan3A_531, %scatter3A_978, %scatter3A_979, %scatter3A_980] : memref<4x8x8x129xf32, #tpu.memory_space<vmem>> -> memref<1x8x8x129xf32, #tpu.memory_space<vmem>>
      %scatter3A_982 = tpu.memref_squeeze %scatter3A_981 : memref<1x8x8x129xf32, #tpu.memory_space<vmem>> -> memref<8x8x129xf32, #tpu.memory_space<vmem>>
      tpu.vector_store_idx %scatter3A_982[%shift_right_arithmetic3A_19, %and3A_30, %scan3A_843], %get3A_881 : memref<8x8x129xf32, #tpu.memory_space<vmem>>[vector<16xi32>, vector<16xi32>, vector<16xi32>], vector<16xf32>,
      %scatter3A_983 = arith.constant 0 : i32
      %scatter3A_984 = arith.constant 0 : i32
      %scatter3A_985 = arith.constant 0 : i32
      %scatter3A_986 = tpu.memref_slice %arg7[%scan3A_531, %scatter3A_983, %scatter3A_984, %scatter3A_985] : memref<4x8x8x129xf32, #tpu.memory_space<vmem>> -> memref<1x8x8x129xf32, #tpu.memory_space<vmem>>
      %scatter3A_987 = tpu.memref_squeeze %scatter3A_986 : memref<1x8x8x129xf32, #tpu.memory_space<vmem>> -> memref<8x8x129xf32, #tpu.memory_space<vmem>>
      tpu.vector_store_idx %scatter3A_987[%shift_right_arithmetic3A_22, %and3A_33, %scan3A_843], %get3A_888 : memref<8x8x129xf32, #tpu.memory_space<vmem>>[vector<16xi32>, vector<16xi32>, vector<16xi32>], vector<16xf32>,
      %scatter3A_988 = arith.constant 0 : i32
      %scatter3A_989 = arith.constant 0 : i32
      %scatter3A_990 = arith.constant 0 : i32
      %scatter3A_991 = tpu.memref_slice %arg7[%scan3A_531, %scatter3A_988, %scatter3A_989, %scatter3A_990] : memref<4x8x8x129xf32, #tpu.memory_space<vmem>> -> memref<1x8x8x129xf32, #tpu.memory_space<vmem>>
      %scatter3A_992 = tpu.memref_squeeze %scatter3A_991 : memref<1x8x8x129xf32, #tpu.memory_space<vmem>> -> memref<8x8x129xf32, #tpu.memory_space<vmem>>
      tpu.vector_store_idx %scatter3A_992[%shift_right_arithmetic3A_25, %and3A_36, %scan3A_843], %get3A_895 : memref<8x8x129xf32, #tpu.memory_space<vmem>>[vector<16xi32>, vector<16xi32>, vector<16xi32>], vector<16xf32>,
      %scatter3A_993 = arith.constant 0 : i32
      %scatter3A_994 = arith.constant 0 : i32
      %scatter3A_995 = arith.constant 0 : i32
      %scatter3A_996 = tpu.memref_slice %arg7[%scan3A_531, %scatter3A_993, %scatter3A_994, %scatter3A_995] : memref<4x8x8x129xf32, #tpu.memory_space<vmem>> -> memref<1x8x8x129xf32, #tpu.memory_space<vmem>>
      %scatter3A_997 = tpu.memref_squeeze %scatter3A_996 : memref<1x8x8x129xf32, #tpu.memory_space<vmem>> -> memref<8x8x129xf32, #tpu.memory_space<vmem>>
      tpu.vector_store_idx %scatter3A_997[%shift_right_arithmetic3A_28, %and3A_39, %scan3A_843], %get3A_902 : memref<8x8x129xf32, #tpu.memory_space<vmem>>[vector<16xi32>, vector<16xi32>, vector<16xi32>], vector<16xf32>,
      %scatter3A_998 = arith.constant 0 : i32
      %scatter3A_999 = arith.constant 0 : i32
      %scatter3A_1000 = arith.constant 0 : i32
      %scatter3A_1001 = tpu.memref_slice %arg7[%scan3A_531, %scatter3A_998, %scatter3A_999, %scatter3A_1000] : memref<4x8x8x129xf32, #tpu.memory_space<vmem>> -> memref<1x8x8x129xf32, #tpu.memory_space<vmem>>
      %scatter3A_1002 = tpu.memref_squeeze %scatter3A_1001 : memref<1x8x8x129xf32, #tpu.memory_space<vmem>> -> memref<8x8x129xf32, #tpu.memory_space<vmem>>
      tpu.vector_store_idx %scatter3A_1002[%shift_right_arithmetic3A_19, %and3A_30, %scan3A_844], %get3A_909 : memref<8x8x129xf32, #tpu.memory_space<vmem>>[vector<16xi32>, vector<16xi32>, vector<16xi32>], vector<16xf32>,
      %scatter3A_1003 = arith.constant 0 : i32
      %scatter3A_1004 = arith.constant 0 : i32
      %scatter3A_1005 = arith.constant 0 : i32
      %scatter3A_1006 = tpu.memref_slice %arg7[%scan3A_531, %scatter3A_1003, %scatter3A_1004, %scatter3A_1005] : memref<4x8x8x129xf32, #tpu.memory_space<vmem>> -> memref<1x8x8x129xf32, #tpu.memory_space<vmem>>
      %scatter3A_1007 = tpu.memref_squeeze %scatter3A_1006 : memref<1x8x8x129xf32, #tpu.memory_space<vmem>> -> memref<8x8x129xf32, #tpu.memory_space<vmem>>
      tpu.vector_store_idx %scatter3A_1007[%shift_right_arithmetic3A_22, %and3A_33, %scan3A_844], %get3A_916 : memref<8x8x129xf32, #tpu.memory_space<vmem>>[vector<16xi32>, vector<16xi32>, vector<16xi32>], vector<16xf32>,
      %scatter3A_1008 = arith.constant 0 : i32
      %scatter3A_1009 = arith.constant 0 : i32
      %scatter3A_1010 = arith.constant 0 : i32
      %scatter3A_1011 = tpu.memref_slice %arg7[%scan3A_531, %scatter3A_1008, %scatter3A_1009, %scatter3A_1010] : memref<4x8x8x129xf32, #tpu.memory_space<vmem>> -> memref<1x8x8x129xf32, #tpu.memory_space<vmem>>
      %scatter3A_1012 = tpu.memref_squeeze %scatter3A_1011 : memref<1x8x8x129xf32, #tpu.memory_space<vmem>> -> memref<8x8x129xf32, #tpu.memory_space<vmem>>
      tpu.vector_store_idx %scatter3A_1012[%shift_right_arithmetic3A_25, %and3A_36, %scan3A_844], %get3A_923 : memref<8x8x129xf32, #tpu.memory_space<vmem>>[vector<16xi32>, vector<16xi32>, vector<16xi32>], vector<16xf32>,
      %scatter3A_1013 = arith.constant 0 : i32
      %scatter3A_1014 = arith.constant 0 : i32
      %scatter3A_1015 = arith.constant 0 : i32
      %scatter3A_1016 = tpu.memref_slice %arg7[%scan3A_531, %scatter3A_1013, %scatter3A_1014, %scatter3A_1015] : memref<4x8x8x129xf32, #tpu.memory_space<vmem>> -> memref<1x8x8x129xf32, #tpu.memory_space<vmem>>
      %scatter3A_1017 = tpu.memref_squeeze %scatter3A_1016 : memref<1x8x8x129xf32, #tpu.memory_space<vmem>> -> memref<8x8x129xf32, #tpu.memory_space<vmem>>
      tpu.vector_store_idx %scatter3A_1017[%shift_right_arithmetic3A_28, %and3A_39, %scan3A_844], %get3A_930 : memref<8x8x129xf32, #tpu.memory_space<vmem>>[vector<16xi32>, vector<16xi32>, vector<16xi32>], vector<16xf32>,
      %scatter3A_1018 = arith.constant 0 : i32
      %scatter3A_1019 = arith.constant 0 : i32
      %scatter3A_1020 = arith.constant 0 : i32
      %scatter3A_1021 = tpu.memref_slice %arg7[%scan3A_531, %scatter3A_1018, %scatter3A_1019, %scatter3A_1020] : memref<4x8x8x129xf32, #tpu.memory_space<vmem>> -> memref<1x8x8x129xf32, #tpu.memory_space<vmem>>
      %scatter3A_1022 = tpu.memref_squeeze %scatter3A_1021 : memref<1x8x8x129xf32, #tpu.memory_space<vmem>> -> memref<8x8x129xf32, #tpu.memory_space<vmem>>
      tpu.vector_store_idx %scatter3A_1022[%shift_right_arithmetic3A_19, %and3A_30, %scan3A_845], %get3A_937 : memref<8x8x129xf32, #tpu.memory_space<vmem>>[vector<16xi32>, vector<16xi32>, vector<16xi32>], vector<16xf32>,
      %scatter3A_1023 = arith.constant 0 : i32
      %scatter3A_1024 = arith.constant 0 : i32
      %scatter3A_1025 = arith.constant 0 : i32
      %scatter3A_1026 = tpu.memref_slice %arg7[%scan3A_531, %scatter3A_1023, %scatter3A_1024, %scatter3A_1025] : memref<4x8x8x129xf32, #tpu.memory_space<vmem>> -> memref<1x8x8x129xf32, #tpu.memory_space<vmem>>
      %scatter3A_1027 = tpu.memref_squeeze %scatter3A_1026 : memref<1x8x8x129xf32, #tpu.memory_space<vmem>> -> memref<8x8x129xf32, #tpu.memory_space<vmem>>
      tpu.vector_store_idx %scatter3A_1027[%shift_right_arithmetic3A_22, %and3A_33, %scan3A_845], %get3A_944 : memref<8x8x129xf32, #tpu.memory_space<vmem>>[vector<16xi32>, vector<16xi32>, vector<16xi32>], vector<16xf32>,
      %scatter3A_1028 = arith.constant 0 : i32
      %scatter3A_1029 = arith.constant 0 : i32
      %scatter3A_1030 = arith.constant 0 : i32
      %scatter3A_1031 = tpu.memref_slice %arg7[%scan3A_531, %scatter3A_1028, %scatter3A_1029, %scatter3A_1030] : memref<4x8x8x129xf32, #tpu.memory_space<vmem>> -> memref<1x8x8x129xf32, #tpu.memory_space<vmem>>
      %scatter3A_1032 = tpu.memref_squeeze %scatter3A_1031 : memref<1x8x8x129xf32, #tpu.memory_space<vmem>> -> memref<8x8x129xf32, #tpu.memory_space<vmem>>
      tpu.vector_store_idx %scatter3A_1032[%shift_right_arithmetic3A_25, %and3A_36, %scan3A_845], %get3A_951 : memref<8x8x129xf32, #tpu.memory_space<vmem>>[vector<16xi32>, vector<16xi32>, vector<16xi32>], vector<16xf32>,
      %scatter3A_1033 = arith.constant 0 : i32
      %scatter3A_1034 = arith.constant 0 : i32
      %scatter3A_1035 = arith.constant 0 : i32
      %scatter3A_1036 = tpu.memref_slice %arg7[%scan3A_531, %scatter3A_1033, %scatter3A_1034, %scatter3A_1035] : memref<4x8x8x129xf32, #tpu.memory_space<vmem>> -> memref<1x8x8x129xf32, #tpu.memory_space<vmem>>
      %scatter3A_1037 = tpu.memref_squeeze %scatter3A_1036 : memref<1x8x8x129xf32, #tpu.memory_space<vmem>> -> memref<8x8x129xf32, #tpu.memory_space<vmem>>
      tpu.vector_store_idx %scatter3A_1037[%shift_right_arithmetic3A_28, %and3A_39, %scan3A_845], %get3A_958 : memref<8x8x129xf32, #tpu.memory_space<vmem>>[vector<16xi32>, vector<16xi32>, vector<16xi32>], vector<16xf32>,
      %add3A_1038 = arith.constant 4 : i32
      %add3A_1039 = vector.broadcast %add3A_1038 : i32 to vector<16xi32>
      %add3A_1040 = arith.addi %scan3A_842, %add3A_1039 : vector<16xi32>
      %add3A_1041 = arith.constant 4 : i32
      %add3A_1042 = vector.broadcast %add3A_1041 : i32 to vector<16xi32>
      %add3A_1043 = arith.addi %scan3A_843, %add3A_1042 : vector<16xi32>
      %add3A_1044 = arith.constant 4 : i32
      %add3A_1045 = vector.broadcast %add3A_1044 : i32 to vector<16xi32>
      %add3A_1046 = arith.addi %scan3A_844, %add3A_1045 : vector<16xi32>
      %add3A_1047 = arith.constant 4 : i32
      %add3A_1048 = vector.broadcast %add3A_1047 : i32 to vector<16xi32>
      %add3A_1049 = arith.addi %scan3A_845, %add3A_1048 : vector<16xi32>
      scf.yield %add3A_1040, %add3A_1043, %add3A_1046, %add3A_1049 : vector<16xi32>, vector<16xi32>, vector<16xi32>, vector<16xi32>
    }
    %scan3A_537 = arith.constant 32 : i32
    %shift_right_arithmetic3A_538 = arith.constant 5 : i32
    %shift_right_arithmetic3A_539 = arith.shrsi %add3A_479, %shift_right_arithmetic3A_538 : i32
    %and3A_540 = arith.constant 31 : i32
    %and3A_541 = arith.andi %add3A_479, %and3A_540 : i32
    %dma_start3A_542 = arith.constant 1 : i32
    %dma_start3A_543 = arith.constant 0 : i32
    %dma_start3A_544 = arith.constant 0 : i32
    %dma_start3A_545 = arith.constant 0 : i32
    %dma_start3A_546 = tpu.memref_slice %arg7[%dma_start3A_542, %dma_start3A_543, %dma_start3A_544, %dma_start3A_545] : memref<4x8x8x129xf32, #tpu.memory_space<vmem>> -> memref<1x8x8x128xf32, #tpu.memory_space<vmem>>
    %dma_start3A_547 = tpu.memref_squeeze %dma_start3A_546 : memref<1x8x8x128xf32, #tpu.memory_space<vmem>> -> memref<8x8x128xf32, #tpu.memory_space<vmem>>
    %dma_start3A_548 = arith.constant 0 : i32
    %dma_start3A_549 = arith.constant 0 : i32
    %dma_start3A_550 = arith.constant 0 : i32
    %dma_start3A_551 = tpu.memref_slice %arg4[%shift_right_arithmetic3A_539, %dma_start3A_548, %and3A_541, %dma_start3A_549, %dma_start3A_550] : memref<200x8x32x8x128xf32, #tpu.memory_space<hbm>> -> memref<1x8x1x8x128xf32, #tpu.memory_space<hbm>>
    %dma_start3A_552 = tpu.memref_squeeze %dma_start3A_551 : memref<1x8x1x8x128xf32, #tpu.memory_space<hbm>> -> memref<8x8x128xf32, #tpu.memory_space<hbm>>
    %dma_start3A_553 = arith.constant 0 : i32
    %dma_start3A_554 = arith.constant 0 : i32
    %dma_start3A_555 = arith.constant 0 : i32
    %dma_start3A_556 = tpu.memref_slice %arg4[%shift_right_arithmetic3A_539, %dma_start3A_553, %and3A_541, %dma_start3A_554, %dma_start3A_555] : memref<200x8x32x8x128xf32, #tpu.memory_space<hbm>> -> memref<1x8x1x8x128xf32, #tpu.memory_space<hbm>>
    %dma_start3A_557 = tpu.memref_squeeze %dma_start3A_556 : memref<1x8x1x8x128xf32, #tpu.memory_space<hbm>> -> memref<8x8x128xf32, #tpu.memory_space<hbm>>
    %dma_start3A_558 = arith.constant 0 : i32
    %dma_start3A_559 = arith.constant 0 : i32
    %dma_start3A_560 = arith.constant 0 : i32
    %dma_start3A_561 = tpu.memref_slice %arg7[%dma_start3A_542, %dma_start3A_558, %dma_start3A_559, %dma_start3A_560] : memref<4x8x8x129xf32, #tpu.memory_space<vmem>> -> memref<1x8x8x128xf32, #tpu.memory_space<vmem>>
    %dma_start3A_562 = tpu.memref_squeeze %dma_start3A_561 : memref<1x8x8x128xf32, #tpu.memory_space<vmem>> -> memref<8x8x128xf32, #tpu.memory_space<vmem>>
    tpu.enqueue_dma source(%dma_start3A_562 : memref<8x8x128xf32, #tpu.memory_space<vmem>>) target(%dma_start3A_557 : memref<8x8x128xf32, #tpu.memory_space<hbm>>) target_semaphore(%arg13 : memref<!tpu.dma_semaphore, #tpu.memory_space<semaphore_mem>>)
    %add3A_563 = arith.constant 2 : i32
    %add3A_564 = arith.addi %sub3A_392, %add3A_563 : i32
    %sub3A_565 = arith.subi %add3A_564, %mul3A_2 : i32
    %mul3A_566 = arith.constant 128 : i32
    %mul3A_567 = arith.muli %sub3A_565, %mul3A_566 : i32
    %dma_wait3A_568 = arith.constant 2 : i32
    %dma_wait3A_569 = arith.constant 0 : i32
    %dma_wait3A_570 = arith.constant 0 : i32
    %dma_wait3A_571 = tpu.memref_slice %arg6[%dma_wait3A_568, %dma_wait3A_569, %dma_wait3A_570] : memref<4x128x64xf32, #tpu.memory_space<vmem>> -> memref<1x128x64xf32, #tpu.memory_space<vmem>>
    %dma_wait3A_572 = tpu.memref_squeeze %dma_wait3A_571 : memref<1x128x64xf32, #tpu.memory_space<vmem>> -> memref<128x64xf32, #tpu.memory_space<vmem>>
    %dma_wait3A_573 = tpu.memref_slice %arg5[%mul3A_567] : memref<25600xi32, #tpu.memory_space<vmem>> -> memref<128xi32, #tpu.memory_space<vmem>>
    %dma_wait3A_574 = arith.constant 0 : i32
    %dma_wait3A_575 = arith.constant 0 : i32
    %dma_wait3A_576 = tpu.memref_slice %arg3[%dma_wait3A_574, %dma_wait3A_575] : memref<100000x64xf32, #tpu.memory_space<hbm>> -> memref<100000x64xf32, #tpu.memory_space<hbm>>
    tpu.wait_indirect_dma semaphore(%arg10 : memref<!tpu.dma_semaphore, #tpu.memory_space<semaphore_mem>>) src(%dma_wait3A_576 : memref<100000x64xf32, #tpu.memory_space<hbm>>) dst(%dma_wait3A_572 : memref<128x64xf32, #tpu.memory_space<vmem>>)
    %sub3A_577 = arith.constant 4 : i32
    %sub3A_578 = arith.subi %add3A_564, %sub3A_577 : i32
    %shift_right_arithmetic3A_579 = arith.constant 5 : i32
    %shift_right_arithmetic3A_580 = arith.shrsi %sub3A_578, %shift_right_arithmetic3A_579 : i32
    %and3A_581 = arith.constant 31 : i32
    %and3A_582 = arith.andi %sub3A_578, %and3A_581 : i32
    %dma_wait3A_583 = arith.constant 2 : i32
    %dma_wait3A_584 = arith.constant 0 : i32
    %dma_wait3A_585 = arith.constant 0 : i32
    %dma_wait3A_586 = arith.constant 0 : i32
    %dma_wait3A_587 = tpu.memref_slice %arg7[%dma_wait3A_583, %dma_wait3A_584, %dma_wait3A_585, %dma_wait3A_586] : memref<4x8x8x129xf32, #tpu.memory_space<vmem>> -> memref<1x8x8x128xf32, #tpu.memory_space<vmem>>
    %dma_wait3A_588 = tpu.memref_squeeze %dma_wait3A_587 : memref<1x8x8x128xf32, #tpu.memory_space<vmem>> -> memref<8x8x128xf32, #tpu.memory_space<vmem>>
    %dma_wait3A_589 = arith.constant 0 : i32
    %dma_wait3A_590 = arith.constant 0 : i32
    %dma_wait3A_591 = arith.constant 0 : i32
    %dma_wait3A_592 = tpu.memref_slice %arg4[%shift_right_arithmetic3A_580, %dma_wait3A_589, %and3A_582, %dma_wait3A_590, %dma_wait3A_591] : memref<200x8x32x8x128xf32, #tpu.memory_space<hbm>> -> memref<1x8x1x8x128xf32, #tpu.memory_space<hbm>>
    %dma_wait3A_593 = tpu.memref_squeeze %dma_wait3A_592 : memref<1x8x1x8x128xf32, #tpu.memory_space<hbm>> -> memref<8x8x128xf32, #tpu.memory_space<hbm>>
    %dma_wait3A_594 = arith.constant 0 : i32
    %dma_wait3A_595 = arith.constant 0 : i32
    %dma_wait3A_596 = arith.constant 0 : i32
    %dma_wait3A_597 = tpu.memref_slice %arg4[%shift_right_arithmetic3A_580, %dma_wait3A_594, %and3A_582, %dma_wait3A_595, %dma_wait3A_596] : memref<200x8x32x8x128xf32, #tpu.memory_space<hbm>> -> memref<1x8x1x8x128xf32, #tpu.memory_space<hbm>>
    %dma_wait3A_598 = tpu.memref_squeeze %dma_wait3A_597 : memref<1x8x1x8x128xf32, #tpu.memory_space<hbm>> -> memref<8x8x128xf32, #tpu.memory_space<hbm>>
    %dma_wait3A_599 = arith.constant 0 : i32
    %dma_wait3A_600 = arith.constant 0 : i32
    %dma_wait3A_601 = arith.constant 0 : i32
    %dma_wait3A_602 = tpu.memref_slice %arg7[%dma_wait3A_583, %dma_wait3A_599, %dma_wait3A_600, %dma_wait3A_601] : memref<4x8x8x129xf32, #tpu.memory_space<vmem>> -> memref<1x8x8x128xf32, #tpu.memory_space<vmem>>
    %dma_wait3A_603 = tpu.memref_squeeze %dma_wait3A_602 : memref<1x8x8x128xf32, #tpu.memory_space<vmem>> -> memref<8x8x128xf32, #tpu.memory_space<vmem>>
    tpu.wait_dma2 semaphore(%arg14 : memref<!tpu.dma_semaphore, #tpu.memory_space<semaphore_mem>>) src(%dma_wait3A_603 : memref<8x8x128xf32, #tpu.memory_space<vmem>>) dst(%dma_wait3A_598 : memref<8x8x128xf32, #tpu.memory_space<hbm>>)
    %add3A_604 = arith.constant 0 : i32
    %add3A_605 = vector.broadcast %add3A_604 : i32 to vector<16xi32>
    %add3A_606 = arith.addi %broadcast_in_dim3A_40, %add3A_605 : vector<16xi32>
    %add3A_607 = arith.constant 1 : i32
    %add3A_608 = vector.broadcast %add3A_607 : i32 to vector<16xi32>
    %add3A_609 = arith.addi %broadcast_in_dim3A_40, %add3A_608 : vector<16xi32>
    %add3A_610 = arith.constant 2 : i32
    %add3A_611 = vector.broadcast %add3A_610 : i32 to vector<16xi32>
    %add3A_612 = arith.addi %broadcast_in_dim3A_40, %add3A_611 : vector<16xi32>
    %add3A_613 = arith.constant 3 : i32
    %add3A_614 = vector.broadcast %add3A_613 : i32 to vector<16xi32>
    %add3A_615 = arith.addi %broadcast_in_dim3A_40, %add3A_614 : vector<16xi32>
    %scan3A_616 = arith.constant 2 : i32
    %scan3A_617 = arith.constant 0 : i32
    %scan3A_618 = arith.constant 32 : i32
    %scan3A_619 = arith.addi %scan3A_617, %scan3A_618 : i32
    %scan3A_620 = arith.constant 1 : i32
    %scan3A_621:4 = scf.for %scan3A_841 = %scan3A_617 to %scan3A_619 step %scan3A_620 iter_args(%scan3A_842 = %add3A_606, %scan3A_843 = %add3A_609, %scan3A_844 = %add3A_612, %scan3A_845 = %add3A_615) -> (vector<16xi32>, vector<16xi32>, vector<16xi32>, vector<16xi32>)  : i32 {
      %mul3A_846 = arith.constant 4 : i32
      %mul3A_847 = arith.muli %scan3A_841, %mul3A_846 : i32
      %add3A_848 = arith.constant 0 : i32
      %add3A_849 = arith.addi %mul3A_847, %add3A_848 : i32
      %get3A = arith.constant 2 : i32
      %get3A_850 = arith.index_cast %get3A : i32 to index
      %get3A_851 = arith.index_cast %add3A_849 : i32 to index
      %get3A_852 = arith.constant 0 : index
      %get3A_853 = tpu.vector_load %arg6[%get3A_850, %get3A_851, %get3A_852] {strides = array<i32>} : memref<4x128x64xf32, #tpu.memory_space<vmem>>, vector<16xf32>,
      %add3A_854 = arith.constant 0 : i32
      %add3A_855 = arith.addi %mul3A_847, %add3A_854 : i32
      %get3A_856 = arith.constant 2 : i32
      %get3A_857 = arith.index_cast %get3A_856 : i32 to index
      %get3A_858 = arith.index_cast %add3A_855 : i32 to index
      %get3A_859 = arith.constant 16 : index
      %get3A_860 = tpu.vector_load %arg6[%get3A_857, %get3A_858, %get3A_859] {strides = array<i32>} : memref<4x128x64xf32, #tpu.memory_space<vmem>>, vector<16xf32>,
      %add3A_861 = arith.constant 0 : i32
      %add3A_862 = arith.addi %mul3A_847, %add3A_861 : i32
      %get3A_863 = arith.constant 2 : i32
      %get3A_864 = arith.index_cast %get3A_863 : i32 to index
      %get3A_865 = arith.index_cast %add3A_862 : i32 to index
      %get3A_866 = arith.constant 32 : index
      %get3A_867 = tpu.vector_load %arg6[%get3A_864, %get3A_865, %get3A_866] {strides = array<i32>} : memref<4x128x64xf32, #tpu.memory_space<vmem>>, vector<16xf32>,
      %add3A_868 = arith.constant 0 : i32
      %add3A_869 = arith.addi %mul3A_847, %add3A_868 : i32
      %get3A_870 = arith.constant 2 : i32
      %get3A_871 = arith.index_cast %get3A_870 : i32 to index
      %get3A_872 = arith.index_cast %add3A_869 : i32 to index
      %get3A_873 = arith.constant 48 : index
      %get3A_874 = tpu.vector_load %arg6[%get3A_871, %get3A_872, %get3A_873] {strides = array<i32>} : memref<4x128x64xf32, #tpu.memory_space<vmem>>, vector<16xf32>,
      %add3A_875 = arith.constant 1 : i32
      %add3A_876 = arith.addi %mul3A_847, %add3A_875 : i32
      %get3A_877 = arith.constant 2 : i32
      %get3A_878 = arith.index_cast %get3A_877 : i32 to index
      %get3A_879 = arith.index_cast %add3A_876 : i32 to index
      %get3A_880 = arith.constant 0 : index
      %get3A_881 = tpu.vector_load %arg6[%get3A_878, %get3A_879, %get3A_880] {strides = array<i32>} : memref<4x128x64xf32, #tpu.memory_space<vmem>>, vector<16xf32>,
      %add3A_882 = arith.constant 1 : i32
      %add3A_883 = arith.addi %mul3A_847, %add3A_882 : i32
      %get3A_884 = arith.constant 2 : i32
      %get3A_885 = arith.index_cast %get3A_884 : i32 to index
      %get3A_886 = arith.index_cast %add3A_883 : i32 to index
      %get3A_887 = arith.constant 16 : index
      %get3A_888 = tpu.vector_load %arg6[%get3A_885, %get3A_886, %get3A_887] {strides = array<i32>} : memref<4x128x64xf32, #tpu.memory_space<vmem>>, vector<16xf32>,
      %add3A_889 = arith.constant 1 : i32
      %add3A_890 = arith.addi %mul3A_847, %add3A_889 : i32
      %get3A_891 = arith.constant 2 : i32
      %get3A_892 = arith.index_cast %get3A_891 : i32 to index
      %get3A_893 = arith.index_cast %add3A_890 : i32 to index
      %get3A_894 = arith.constant 32 : index
      %get3A_895 = tpu.vector_load %arg6[%get3A_892, %get3A_893, %get3A_894] {strides = array<i32>} : memref<4x128x64xf32, #tpu.memory_space<vmem>>, vector<16xf32>,
      %add3A_896 = arith.constant 1 : i32
      %add3A_897 = arith.addi %mul3A_847, %add3A_896 : i32
      %get3A_898 = arith.constant 2 : i32
      %get3A_899 = arith.index_cast %get3A_898 : i32 to index
      %get3A_900 = arith.index_cast %add3A_897 : i32 to index
      %get3A_901 = arith.constant 48 : index
      %get3A_902 = tpu.vector_load %arg6[%get3A_899, %get3A_900, %get3A_901] {strides = array<i32>} : memref<4x128x64xf32, #tpu.memory_space<vmem>>, vector<16xf32>,
      %add3A_903 = arith.constant 2 : i32
      %add3A_904 = arith.addi %mul3A_847, %add3A_903 : i32
      %get3A_905 = arith.constant 2 : i32
      %get3A_906 = arith.index_cast %get3A_905 : i32 to index
      %get3A_907 = arith.index_cast %add3A_904 : i32 to index
      %get3A_908 = arith.constant 0 : index
      %get3A_909 = tpu.vector_load %arg6[%get3A_906, %get3A_907, %get3A_908] {strides = array<i32>} : memref<4x128x64xf32, #tpu.memory_space<vmem>>, vector<16xf32>,
      %add3A_910 = arith.constant 2 : i32
      %add3A_911 = arith.addi %mul3A_847, %add3A_910 : i32
      %get3A_912 = arith.constant 2 : i32
      %get3A_913 = arith.index_cast %get3A_912 : i32 to index
      %get3A_914 = arith.index_cast %add3A_911 : i32 to index
      %get3A_915 = arith.constant 16 : index
      %get3A_916 = tpu.vector_load %arg6[%get3A_913, %get3A_914, %get3A_915] {strides = array<i32>} : memref<4x128x64xf32, #tpu.memory_space<vmem>>, vector<16xf32>,
      %add3A_917 = arith.constant 2 : i32
      %add3A_918 = arith.addi %mul3A_847, %add3A_917 : i32
      %get3A_919 = arith.constant 2 : i32
      %get3A_920 = arith.index_cast %get3A_919 : i32 to index
      %get3A_921 = arith.index_cast %add3A_918 : i32 to index
      %get3A_922 = arith.constant 32 : index
      %get3A_923 = tpu.vector_load %arg6[%get3A_920, %get3A_921, %get3A_922] {strides = array<i32>} : memref<4x128x64xf32, #tpu.memory_space<vmem>>, vector<16xf32>,
      %add3A_924 = arith.constant 2 : i32
      %add3A_925 = arith.addi %mul3A_847, %add3A_924 : i32
      %get3A_926 = arith.constant 2 : i32
      %get3A_927 = arith.index_cast %get3A_926 : i32 to index
      %get3A_928 = arith.index_cast %add3A_925 : i32 to index
      %get3A_929 = arith.constant 48 : index
      %get3A_930 = tpu.vector_load %arg6[%get3A_927, %get3A_928, %get3A_929] {strides = array<i32>} : memref<4x128x64xf32, #tpu.memory_space<vmem>>, vector<16xf32>,
      %add3A_931 = arith.constant 3 : i32
      %add3A_932 = arith.addi %mul3A_847, %add3A_931 : i32
      %get3A_933 = arith.constant 2 : i32
      %get3A_934 = arith.index_cast %get3A_933 : i32 to index
      %get3A_935 = arith.index_cast %add3A_932 : i32 to index
      %get3A_936 = arith.constant 0 : index
      %get3A_937 = tpu.vector_load %arg6[%get3A_934, %get3A_935, %get3A_936] {strides = array<i32>} : memref<4x128x64xf32, #tpu.memory_space<vmem>>, vector<16xf32>,
      %add3A_938 = arith.constant 3 : i32
      %add3A_939 = arith.addi %mul3A_847, %add3A_938 : i32
      %get3A_940 = arith.constant 2 : i32
      %get3A_941 = arith.index_cast %get3A_940 : i32 to index
      %get3A_942 = arith.index_cast %add3A_939 : i32 to index
      %get3A_943 = arith.constant 16 : index
      %get3A_944 = tpu.vector_load %arg6[%get3A_941, %get3A_942, %get3A_943] {strides = array<i32>} : memref<4x128x64xf32, #tpu.memory_space<vmem>>, vector<16xf32>,
      %add3A_945 = arith.constant 3 : i32
      %add3A_946 = arith.addi %mul3A_847, %add3A_945 : i32
      %get3A_947 = arith.constant 2 : i32
      %get3A_948 = arith.index_cast %get3A_947 : i32 to index
      %get3A_949 = arith.index_cast %add3A_946 : i32 to index
      %get3A_950 = arith.constant 32 : index
      %get3A_951 = tpu.vector_load %arg6[%get3A_948, %get3A_949, %get3A_950] {strides = array<i32>} : memref<4x128x64xf32, #tpu.memory_space<vmem>>, vector<16xf32>,
      %add3A_952 = arith.constant 3 : i32
      %add3A_953 = arith.addi %mul3A_847, %add3A_952 : i32
      %get3A_954 = arith.constant 2 : i32
      %get3A_955 = arith.index_cast %get3A_954 : i32 to index
      %get3A_956 = arith.index_cast %add3A_953 : i32 to index
      %get3A_957 = arith.constant 48 : index
      %get3A_958 = tpu.vector_load %arg6[%get3A_955, %get3A_956, %get3A_957] {strides = array<i32>} : memref<4x128x64xf32, #tpu.memory_space<vmem>>, vector<16xf32>,
      %scatter3A = arith.constant 0 : i32
      %scatter3A_959 = arith.constant 0 : i32
      %scatter3A_960 = arith.constant 0 : i32
      %scatter3A_961 = tpu.memref_slice %arg7[%scan3A_616, %scatter3A, %scatter3A_959, %scatter3A_960] : memref<4x8x8x129xf32, #tpu.memory_space<vmem>> -> memref<1x8x8x129xf32, #tpu.memory_space<vmem>>
      %scatter3A_962 = tpu.memref_squeeze %scatter3A_961 : memref<1x8x8x129xf32, #tpu.memory_space<vmem>> -> memref<8x8x129xf32, #tpu.memory_space<vmem>>
      tpu.vector_store_idx %scatter3A_962[%shift_right_arithmetic3A_19, %and3A_30, %scan3A_842], %get3A_853 : memref<8x8x129xf32, #tpu.memory_space<vmem>>[vector<16xi32>, vector<16xi32>, vector<16xi32>], vector<16xf32>,
      %scatter3A_963 = arith.constant 0 : i32
      %scatter3A_964 = arith.constant 0 : i32
      %scatter3A_965 = arith.constant 0 : i32
      %scatter3A_966 = tpu.memref_slice %arg7[%scan3A_616, %scatter3A_963, %scatter3A_964, %scatter3A_965] : memref<4x8x8x129xf32, #tpu.memory_space<vmem>> -> memref<1x8x8x129xf32, #tpu.memory_space<vmem>>
      %scatter3A_967 = tpu.memref_squeeze %scatter3A_966 : memref<1x8x8x129xf32, #tpu.memory_space<vmem>> -> memref<8x8x129xf32, #tpu.memory_space<vmem>>
      tpu.vector_store_idx %scatter3A_967[%shift_right_arithmetic3A_22, %and3A_33, %scan3A_842], %get3A_860 : memref<8x8x129xf32, #tpu.memory_space<vmem>>[vector<16xi32>, vector<16xi32>, vector<16xi32>], vector<16xf32>,
      %scatter3A_968 = arith.constant 0 : i32
      %scatter3A_969 = arith.constant 0 : i32
      %scatter3A_970 = arith.constant 0 : i32
      %scatter3A_971 = tpu.memref_slice %arg7[%scan3A_616, %scatter3A_968, %scatter3A_969, %scatter3A_970] : memref<4x8x8x129xf32, #tpu.memory_space<vmem>> -> memref<1x8x8x129xf32, #tpu.memory_space<vmem>>
      %scatter3A_972 = tpu.memref_squeeze %scatter3A_971 : memref<1x8x8x129xf32, #tpu.memory_space<vmem>> -> memref<8x8x129xf32, #tpu.memory_space<vmem>>
      tpu.vector_store_idx %scatter3A_972[%shift_right_arithmetic3A_25, %and3A_36, %scan3A_842], %get3A_867 : memref<8x8x129xf32, #tpu.memory_space<vmem>>[vector<16xi32>, vector<16xi32>, vector<16xi32>], vector<16xf32>,
      %scatter3A_973 = arith.constant 0 : i32
      %scatter3A_974 = arith.constant 0 : i32
      %scatter3A_975 = arith.constant 0 : i32
      %scatter3A_976 = tpu.memref_slice %arg7[%scan3A_616, %scatter3A_973, %scatter3A_974, %scatter3A_975] : memref<4x8x8x129xf32, #tpu.memory_space<vmem>> -> memref<1x8x8x129xf32, #tpu.memory_space<vmem>>
      %scatter3A_977 = tpu.memref_squeeze %scatter3A_976 : memref<1x8x8x129xf32, #tpu.memory_space<vmem>> -> memref<8x8x129xf32, #tpu.memory_space<vmem>>
      tpu.vector_store_idx %scatter3A_977[%shift_right_arithmetic3A_28, %and3A_39, %scan3A_842], %get3A_874 : memref<8x8x129xf32, #tpu.memory_space<vmem>>[vector<16xi32>, vector<16xi32>, vector<16xi32>], vector<16xf32>,
      %scatter3A_978 = arith.constant 0 : i32
      %scatter3A_979 = arith.constant 0 : i32
      %scatter3A_980 = arith.constant 0 : i32
      %scatter3A_981 = tpu.memref_slice %arg7[%scan3A_616, %scatter3A_978, %scatter3A_979, %scatter3A_980] : memref<4x8x8x129xf32, #tpu.memory_space<vmem>> -> memref<1x8x8x129xf32, #tpu.memory_space<vmem>>
      %scatter3A_982 = tpu.memref_squeeze %scatter3A_981 : memref<1x8x8x129xf32, #tpu.memory_space<vmem>> -> memref<8x8x129xf32, #tpu.memory_space<vmem>>
      tpu.vector_store_idx %scatter3A_982[%shift_right_arithmetic3A_19, %and3A_30, %scan3A_843], %get3A_881 : memref<8x8x129xf32, #tpu.memory_space<vmem>>[vector<16xi32>, vector<16xi32>, vector<16xi32>], vector<16xf32>,
      %scatter3A_983 = arith.constant 0 : i32
      %scatter3A_984 = arith.constant 0 : i32
      %scatter3A_985 = arith.constant 0 : i32
      %scatter3A_986 = tpu.memref_slice %arg7[%scan3A_616, %scatter3A_983, %scatter3A_984, %scatter3A_985] : memref<4x8x8x129xf32, #tpu.memory_space<vmem>> -> memref<1x8x8x129xf32, #tpu.memory_space<vmem>>
      %scatter3A_987 = tpu.memref_squeeze %scatter3A_986 : memref<1x8x8x129xf32, #tpu.memory_space<vmem>> -> memref<8x8x129xf32, #tpu.memory_space<vmem>>
      tpu.vector_store_idx %scatter3A_987[%shift_right_arithmetic3A_22, %and3A_33, %scan3A_843], %get3A_888 : memref<8x8x129xf32, #tpu.memory_space<vmem>>[vector<16xi32>, vector<16xi32>, vector<16xi32>], vector<16xf32>,
      %scatter3A_988 = arith.constant 0 : i32
      %scatter3A_989 = arith.constant 0 : i32
      %scatter3A_990 = arith.constant 0 : i32
      %scatter3A_991 = tpu.memref_slice %arg7[%scan3A_616, %scatter3A_988, %scatter3A_989, %scatter3A_990] : memref<4x8x8x129xf32, #tpu.memory_space<vmem>> -> memref<1x8x8x129xf32, #tpu.memory_space<vmem>>
      %scatter3A_992 = tpu.memref_squeeze %scatter3A_991 : memref<1x8x8x129xf32, #tpu.memory_space<vmem>> -> memref<8x8x129xf32, #tpu.memory_space<vmem>>
      tpu.vector_store_idx %scatter3A_992[%shift_right_arithmetic3A_25, %and3A_36, %scan3A_843], %get3A_895 : memref<8x8x129xf32, #tpu.memory_space<vmem>>[vector<16xi32>, vector<16xi32>, vector<16xi32>], vector<16xf32>,
      %scatter3A_993 = arith.constant 0 : i32
      %scatter3A_994 = arith.constant 0 : i32
      %scatter3A_995 = arith.constant 0 : i32
      %scatter3A_996 = tpu.memref_slice %arg7[%scan3A_616, %scatter3A_993, %scatter3A_994, %scatter3A_995] : memref<4x8x8x129xf32, #tpu.memory_space<vmem>> -> memref<1x8x8x129xf32, #tpu.memory_space<vmem>>
      %scatter3A_997 = tpu.memref_squeeze %scatter3A_996 : memref<1x8x8x129xf32, #tpu.memory_space<vmem>> -> memref<8x8x129xf32, #tpu.memory_space<vmem>>
      tpu.vector_store_idx %scatter3A_997[%shift_right_arithmetic3A_28, %and3A_39, %scan3A_843], %get3A_902 : memref<8x8x129xf32, #tpu.memory_space<vmem>>[vector<16xi32>, vector<16xi32>, vector<16xi32>], vector<16xf32>,
      %scatter3A_998 = arith.constant 0 : i32
      %scatter3A_999 = arith.constant 0 : i32
      %scatter3A_1000 = arith.constant 0 : i32
      %scatter3A_1001 = tpu.memref_slice %arg7[%scan3A_616, %scatter3A_998, %scatter3A_999, %scatter3A_1000] : memref<4x8x8x129xf32, #tpu.memory_space<vmem>> -> memref<1x8x8x129xf32, #tpu.memory_space<vmem>>
      %scatter3A_1002 = tpu.memref_squeeze %scatter3A_1001 : memref<1x8x8x129xf32, #tpu.memory_space<vmem>> -> memref<8x8x129xf32, #tpu.memory_space<vmem>>
      tpu.vector_store_idx %scatter3A_1002[%shift_right_arithmetic3A_19, %and3A_30, %scan3A_844], %get3A_909 : memref<8x8x129xf32, #tpu.memory_space<vmem>>[vector<16xi32>, vector<16xi32>, vector<16xi32>], vector<16xf32>,
      %scatter3A_1003 = arith.constant 0 : i32
      %scatter3A_1004 = arith.constant 0 : i32
      %scatter3A_1005 = arith.constant 0 : i32
      %scatter3A_1006 = tpu.memref_slice %arg7[%scan3A_616, %scatter3A_1003, %scatter3A_1004, %scatter3A_1005] : memref<4x8x8x129xf32, #tpu.memory_space<vmem>> -> memref<1x8x8x129xf32, #tpu.memory_space<vmem>>
      %scatter3A_1007 = tpu.memref_squeeze %scatter3A_1006 : memref<1x8x8x129xf32, #tpu.memory_space<vmem>> -> memref<8x8x129xf32, #tpu.memory_space<vmem>>
      tpu.vector_store_idx %scatter3A_1007[%shift_right_arithmetic3A_22, %and3A_33, %scan3A_844], %get3A_916 : memref<8x8x129xf32, #tpu.memory_space<vmem>>[vector<16xi32>, vector<16xi32>, vector<16xi32>], vector<16xf32>,
      %scatter3A_1008 = arith.constant 0 : i32
      %scatter3A_1009 = arith.constant 0 : i32
      %scatter3A_1010 = arith.constant 0 : i32
      %scatter3A_1011 = tpu.memref_slice %arg7[%scan3A_616, %scatter3A_1008, %scatter3A_1009, %scatter3A_1010] : memref<4x8x8x129xf32, #tpu.memory_space<vmem>> -> memref<1x8x8x129xf32, #tpu.memory_space<vmem>>
      %scatter3A_1012 = tpu.memref_squeeze %scatter3A_1011 : memref<1x8x8x129xf32, #tpu.memory_space<vmem>> -> memref<8x8x129xf32, #tpu.memory_space<vmem>>
      tpu.vector_store_idx %scatter3A_1012[%shift_right_arithmetic3A_25, %and3A_36, %scan3A_844], %get3A_923 : memref<8x8x129xf32, #tpu.memory_space<vmem>>[vector<16xi32>, vector<16xi32>, vector<16xi32>], vector<16xf32>,
      %scatter3A_1013 = arith.constant 0 : i32
      %scatter3A_1014 = arith.constant 0 : i32
      %scatter3A_1015 = arith.constant 0 : i32
      %scatter3A_1016 = tpu.memref_slice %arg7[%scan3A_616, %scatter3A_1013, %scatter3A_1014, %scatter3A_1015] : memref<4x8x8x129xf32, #tpu.memory_space<vmem>> -> memref<1x8x8x129xf32, #tpu.memory_space<vmem>>
      %scatter3A_1017 = tpu.memref_squeeze %scatter3A_1016 : memref<1x8x8x129xf32, #tpu.memory_space<vmem>> -> memref<8x8x129xf32, #tpu.memory_space<vmem>>
      tpu.vector_store_idx %scatter3A_1017[%shift_right_arithmetic3A_28, %and3A_39, %scan3A_844], %get3A_930 : memref<8x8x129xf32, #tpu.memory_space<vmem>>[vector<16xi32>, vector<16xi32>, vector<16xi32>], vector<16xf32>,
      %scatter3A_1018 = arith.constant 0 : i32
      %scatter3A_1019 = arith.constant 0 : i32
      %scatter3A_1020 = arith.constant 0 : i32
      %scatter3A_1021 = tpu.memref_slice %arg7[%scan3A_616, %scatter3A_1018, %scatter3A_1019, %scatter3A_1020] : memref<4x8x8x129xf32, #tpu.memory_space<vmem>> -> memref<1x8x8x129xf32, #tpu.memory_space<vmem>>
      %scatter3A_1022 = tpu.memref_squeeze %scatter3A_1021 : memref<1x8x8x129xf32, #tpu.memory_space<vmem>> -> memref<8x8x129xf32, #tpu.memory_space<vmem>>
      tpu.vector_store_idx %scatter3A_1022[%shift_right_arithmetic3A_19, %and3A_30, %scan3A_845], %get3A_937 : memref<8x8x129xf32, #tpu.memory_space<vmem>>[vector<16xi32>, vector<16xi32>, vector<16xi32>], vector<16xf32>,
      %scatter3A_1023 = arith.constant 0 : i32
      %scatter3A_1024 = arith.constant 0 : i32
      %scatter3A_1025 = arith.constant 0 : i32
      %scatter3A_1026 = tpu.memref_slice %arg7[%scan3A_616, %scatter3A_1023, %scatter3A_1024, %scatter3A_1025] : memref<4x8x8x129xf32, #tpu.memory_space<vmem>> -> memref<1x8x8x129xf32, #tpu.memory_space<vmem>>
      %scatter3A_1027 = tpu.memref_squeeze %scatter3A_1026 : memref<1x8x8x129xf32, #tpu.memory_space<vmem>> -> memref<8x8x129xf32, #tpu.memory_space<vmem>>
      tpu.vector_store_idx %scatter3A_1027[%shift_right_arithmetic3A_22, %and3A_33, %scan3A_845], %get3A_944 : memref<8x8x129xf32, #tpu.memory_space<vmem>>[vector<16xi32>, vector<16xi32>, vector<16xi32>], vector<16xf32>,
      %scatter3A_1028 = arith.constant 0 : i32
      %scatter3A_1029 = arith.constant 0 : i32
      %scatter3A_1030 = arith.constant 0 : i32
      %scatter3A_1031 = tpu.memref_slice %arg7[%scan3A_616, %scatter3A_1028, %scatter3A_1029, %scatter3A_1030] : memref<4x8x8x129xf32, #tpu.memory_space<vmem>> -> memref<1x8x8x129xf32, #tpu.memory_space<vmem>>
      %scatter3A_1032 = tpu.memref_squeeze %scatter3A_1031 : memref<1x8x8x129xf32, #tpu.memory_space<vmem>> -> memref<8x8x129xf32, #tpu.memory_space<vmem>>
      tpu.vector_store_idx %scatter3A_1032[%shift_right_arithmetic3A_25, %and3A_36, %scan3A_845], %get3A_951 : memref<8x8x129xf32, #tpu.memory_space<vmem>>[vector<16xi32>, vector<16xi32>, vector<16xi32>], vector<16xf32>,
      %scatter3A_1033 = arith.constant 0 : i32
      %scatter3A_1034 = arith.constant 0 : i32
      %scatter3A_1035 = arith.constant 0 : i32
      %scatter3A_1036 = tpu.memref_slice %arg7[%scan3A_616, %scatter3A_1033, %scatter3A_1034, %scatter3A_1035] : memref<4x8x8x129xf32, #tpu.memory_space<vmem>> -> memref<1x8x8x129xf32, #tpu.memory_space<vmem>>
      %scatter3A_1037 = tpu.memref_squeeze %scatter3A_1036 : memref<1x8x8x129xf32, #tpu.memory_space<vmem>> -> memref<8x8x129xf32, #tpu.memory_space<vmem>>
      tpu.vector_store_idx %scatter3A_1037[%shift_right_arithmetic3A_28, %and3A_39, %scan3A_845], %get3A_958 : memref<8x8x129xf32, #tpu.memory_space<vmem>>[vector<16xi32>, vector<16xi32>, vector<16xi32>], vector<16xf32>,
      %add3A_1038 = arith.constant 4 : i32
      %add3A_1039 = vector.broadcast %add3A_1038 : i32 to vector<16xi32>
      %add3A_1040 = arith.addi %scan3A_842, %add3A_1039 : vector<16xi32>
      %add3A_1041 = arith.constant 4 : i32
      %add3A_1042 = vector.broadcast %add3A_1041 : i32 to vector<16xi32>
      %add3A_1043 = arith.addi %scan3A_843, %add3A_1042 : vector<16xi32>
      %add3A_1044 = arith.constant 4 : i32
      %add3A_1045 = vector.broadcast %add3A_1044 : i32 to vector<16xi32>
      %add3A_1046 = arith.addi %scan3A_844, %add3A_1045 : vector<16xi32>
      %add3A_1047 = arith.constant 4 : i32
      %add3A_1048 = vector.broadcast %add3A_1047 : i32 to vector<16xi32>
      %add3A_1049 = arith.addi %scan3A_845, %add3A_1048 : vector<16xi32>
      scf.yield %add3A_1040, %add3A_1043, %add3A_1046, %add3A_1049 : vector<16xi32>, vector<16xi32>, vector<16xi32>, vector<16xi32>
    }
    %scan3A_622 = arith.constant 32 : i32
    %shift_right_arithmetic3A_623 = arith.constant 5 : i32
    %shift_right_arithmetic3A_624 = arith.shrsi %add3A_564, %shift_right_arithmetic3A_623 : i32
    %and3A_625 = arith.constant 31 : i32
    %and3A_626 = arith.andi %add3A_564, %and3A_625 : i32
    %dma_start3A_627 = arith.constant 2 : i32
    %dma_start3A_628 = arith.constant 0 : i32
    %dma_start3A_629 = arith.constant 0 : i32
    %dma_start3A_630 = arith.constant 0 : i32
    %dma_start3A_631 = tpu.memref_slice %arg7[%dma_start3A_627, %dma_start3A_628, %dma_start3A_629, %dma_start3A_630] : memref<4x8x8x129xf32, #tpu.memory_space<vmem>> -> memref<1x8x8x128xf32, #tpu.memory_space<vmem>>
    %dma_start3A_632 = tpu.memref_squeeze %dma_start3A_631 : memref<1x8x8x128xf32, #tpu.memory_space<vmem>> -> memref<8x8x128xf32, #tpu.memory_space<vmem>>
    %dma_start3A_633 = arith.constant 0 : i32
    %dma_start3A_634 = arith.constant 0 : i32
    %dma_start3A_635 = arith.constant 0 : i32
    %dma_start3A_636 = tpu.memref_slice %arg4[%shift_right_arithmetic3A_624, %dma_start3A_633, %and3A_626, %dma_start3A_634, %dma_start3A_635] : memref<200x8x32x8x128xf32, #tpu.memory_space<hbm>> -> memref<1x8x1x8x128xf32, #tpu.memory_space<hbm>>
    %dma_start3A_637 = tpu.memref_squeeze %dma_start3A_636 : memref<1x8x1x8x128xf32, #tpu.memory_space<hbm>> -> memref<8x8x128xf32, #tpu.memory_space<hbm>>
    %dma_start3A_638 = arith.constant 0 : i32
    %dma_start3A_639 = arith.constant 0 : i32
    %dma_start3A_640 = arith.constant 0 : i32
    %dma_start3A_641 = tpu.memref_slice %arg4[%shift_right_arithmetic3A_624, %dma_start3A_638, %and3A_626, %dma_start3A_639, %dma_start3A_640] : memref<200x8x32x8x128xf32, #tpu.memory_space<hbm>> -> memref<1x8x1x8x128xf32, #tpu.memory_space<hbm>>
    %dma_start3A_642 = tpu.memref_squeeze %dma_start3A_641 : memref<1x8x1x8x128xf32, #tpu.memory_space<hbm>> -> memref<8x8x128xf32, #tpu.memory_space<hbm>>
    %dma_start3A_643 = arith.constant 0 : i32
    %dma_start3A_644 = arith.constant 0 : i32
    %dma_start3A_645 = arith.constant 0 : i32
    %dma_start3A_646 = tpu.memref_slice %arg7[%dma_start3A_627, %dma_start3A_643, %dma_start3A_644, %dma_start3A_645] : memref<4x8x8x129xf32, #tpu.memory_space<vmem>> -> memref<1x8x8x128xf32, #tpu.memory_space<vmem>>
    %dma_start3A_647 = tpu.memref_squeeze %dma_start3A_646 : memref<1x8x8x128xf32, #tpu.memory_space<vmem>> -> memref<8x8x128xf32, #tpu.memory_space<vmem>>
    tpu.enqueue_dma source(%dma_start3A_647 : memref<8x8x128xf32, #tpu.memory_space<vmem>>) target(%dma_start3A_642 : memref<8x8x128xf32, #tpu.memory_space<hbm>>) target_semaphore(%arg14 : memref<!tpu.dma_semaphore, #tpu.memory_space<semaphore_mem>>)
    %add3A_648 = arith.constant 3 : i32
    %add3A_649 = arith.addi %sub3A_392, %add3A_648 : i32
    %sub3A_650 = arith.subi %add3A_649, %mul3A_2 : i32
    %mul3A_651 = arith.constant 128 : i32
    %mul3A_652 = arith.muli %sub3A_650, %mul3A_651 : i32
    %dma_wait3A_653 = arith.constant 3 : i32
    %dma_wait3A_654 = arith.constant 0 : i32
    %dma_wait3A_655 = arith.constant 0 : i32
    %dma_wait3A_656 = tpu.memref_slice %arg6[%dma_wait3A_653, %dma_wait3A_654, %dma_wait3A_655] : memref<4x128x64xf32, #tpu.memory_space<vmem>> -> memref<1x128x64xf32, #tpu.memory_space<vmem>>
    %dma_wait3A_657 = tpu.memref_squeeze %dma_wait3A_656 : memref<1x128x64xf32, #tpu.memory_space<vmem>> -> memref<128x64xf32, #tpu.memory_space<vmem>>
    %dma_wait3A_658 = tpu.memref_slice %arg5[%mul3A_652] : memref<25600xi32, #tpu.memory_space<vmem>> -> memref<128xi32, #tpu.memory_space<vmem>>
    %dma_wait3A_659 = arith.constant 0 : i32
    %dma_wait3A_660 = arith.constant 0 : i32
    %dma_wait3A_661 = tpu.memref_slice %arg3[%dma_wait3A_659, %dma_wait3A_660] : memref<100000x64xf32, #tpu.memory_space<hbm>> -> memref<100000x64xf32, #tpu.memory_space<hbm>>
    tpu.wait_indirect_dma semaphore(%arg11 : memref<!tpu.dma_semaphore, #tpu.memory_space<semaphore_mem>>) src(%dma_wait3A_661 : memref<100000x64xf32, #tpu.memory_space<hbm>>) dst(%dma_wait3A_657 : memref<128x64xf32, #tpu.memory_space<vmem>>)
    %sub3A_662 = arith.constant 4 : i32
    %sub3A_663 = arith.subi %add3A_649, %sub3A_662 : i32
    %shift_right_arithmetic3A_664 = arith.constant 5 : i32
    %shift_right_arithmetic3A_665 = arith.shrsi %sub3A_663, %shift_right_arithmetic3A_664 : i32
    %and3A_666 = arith.constant 31 : i32
    %and3A_667 = arith.andi %sub3A_663, %and3A_666 : i32
    %dma_wait3A_668 = arith.constant 3 : i32
    %dma_wait3A_669 = arith.constant 0 : i32
    %dma_wait3A_670 = arith.constant 0 : i32
    %dma_wait3A_671 = arith.constant 0 : i32
    %dma_wait3A_672 = tpu.memref_slice %arg7[%dma_wait3A_668, %dma_wait3A_669, %dma_wait3A_670, %dma_wait3A_671] : memref<4x8x8x129xf32, #tpu.memory_space<vmem>> -> memref<1x8x8x128xf32, #tpu.memory_space<vmem>>
    %dma_wait3A_673 = tpu.memref_squeeze %dma_wait3A_672 : memref<1x8x8x128xf32, #tpu.memory_space<vmem>> -> memref<8x8x128xf32, #tpu.memory_space<vmem>>
    %dma_wait3A_674 = arith.constant 0 : i32
    %dma_wait3A_675 = arith.constant 0 : i32
    %dma_wait3A_676 = arith.constant 0 : i32
    %dma_wait3A_677 = tpu.memref_slice %arg4[%shift_right_arithmetic3A_665, %dma_wait3A_674, %and3A_667, %dma_wait3A_675, %dma_wait3A_676] : memref<200x8x32x8x128xf32, #tpu.memory_space<hbm>> -> memref<1x8x1x8x128xf32, #tpu.memory_space<hbm>>
    %dma_wait3A_678 = tpu.memref_squeeze %dma_wait3A_677 : memref<1x8x1x8x128xf32, #tpu.memory_space<hbm>> -> memref<8x8x128xf32, #tpu.memory_space<hbm>>
    %dma_wait3A_679 = arith.constant 0 : i32
    %dma_wait3A_680 = arith.constant 0 : i32
    %dma_wait3A_681 = arith.constant 0 : i32
    %dma_wait3A_682 = tpu.memref_slice %arg4[%shift_right_arithmetic3A_665, %dma_wait3A_679, %and3A_667, %dma_wait3A_680, %dma_wait3A_681] : memref<200x8x32x8x128xf32, #tpu.memory_space<hbm>> -> memref<1x8x1x8x128xf32, #tpu.memory_space<hbm>>
    %dma_wait3A_683 = tpu.memref_squeeze %dma_wait3A_682 : memref<1x8x1x8x128xf32, #tpu.memory_space<hbm>> -> memref<8x8x128xf32, #tpu.memory_space<hbm>>
    %dma_wait3A_684 = arith.constant 0 : i32
    %dma_wait3A_685 = arith.constant 0 : i32
    %dma_wait3A_686 = arith.constant 0 : i32
    %dma_wait3A_687 = tpu.memref_slice %arg7[%dma_wait3A_668, %dma_wait3A_684, %dma_wait3A_685, %dma_wait3A_686] : memref<4x8x8x129xf32, #tpu.memory_space<vmem>> -> memref<1x8x8x128xf32, #tpu.memory_space<vmem>>
    %dma_wait3A_688 = tpu.memref_squeeze %dma_wait3A_687 : memref<1x8x8x128xf32, #tpu.memory_space<vmem>> -> memref<8x8x128xf32, #tpu.memory_space<vmem>>
    tpu.wait_dma2 semaphore(%arg15 : memref<!tpu.dma_semaphore, #tpu.memory_space<semaphore_mem>>) src(%dma_wait3A_688 : memref<8x8x128xf32, #tpu.memory_space<vmem>>) dst(%dma_wait3A_683 : memref<8x8x128xf32, #tpu.memory_space<hbm>>)
    %add3A_689 = arith.constant 0 : i32
    %add3A_690 = vector.broadcast %add3A_689 : i32 to vector<16xi32>
    %add3A_691 = arith.addi %broadcast_in_dim3A_40, %add3A_690 : vector<16xi32>
    %add3A_692 = arith.constant 1 : i32
    %add3A_693 = vector.broadcast %add3A_692 : i32 to vector<16xi32>
    %add3A_694 = arith.addi %broadcast_in_dim3A_40, %add3A_693 : vector<16xi32>
    %add3A_695 = arith.constant 2 : i32
    %add3A_696 = vector.broadcast %add3A_695 : i32 to vector<16xi32>
    %add3A_697 = arith.addi %broadcast_in_dim3A_40, %add3A_696 : vector<16xi32>
    %add3A_698 = arith.constant 3 : i32
    %add3A_699 = vector.broadcast %add3A_698 : i32 to vector<16xi32>
    %add3A_700 = arith.addi %broadcast_in_dim3A_40, %add3A_699 : vector<16xi32>
    %scan3A_701 = arith.constant 3 : i32
    %scan3A_702 = arith.constant 0 : i32
    %scan3A_703 = arith.constant 32 : i32
    %scan3A_704 = arith.addi %scan3A_702, %scan3A_703 : i32
    %scan3A_705 = arith.constant 1 : i32
    %scan3A_706:4 = scf.for %scan3A_841 = %scan3A_702 to %scan3A_704 step %scan3A_705 iter_args(%scan3A_842 = %add3A_691, %scan3A_843 = %add3A_694, %scan3A_844 = %add3A_697, %scan3A_845 = %add3A_700) -> (vector<16xi32>, vector<16xi32>, vector<16xi32>, vector<16xi32>)  : i32 {
      %mul3A_846 = arith.constant 4 : i32
      %mul3A_847 = arith.muli %scan3A_841, %mul3A_846 : i32
      %add3A_848 = arith.constant 0 : i32
      %add3A_849 = arith.addi %mul3A_847, %add3A_848 : i32
      %get3A = arith.constant 3 : i32
      %get3A_850 = arith.index_cast %get3A : i32 to index
      %get3A_851 = arith.index_cast %add3A_849 : i32 to index
      %get3A_852 = arith.constant 0 : index
      %get3A_853 = tpu.vector_load %arg6[%get3A_850, %get3A_851, %get3A_852] {strides = array<i32>} : memref<4x128x64xf32, #tpu.memory_space<vmem>>, vector<16xf32>,
      %add3A_854 = arith.constant 0 : i32
      %add3A_855 = arith.addi %mul3A_847, %add3A_854 : i32
      %get3A_856 = arith.constant 3 : i32
      %get3A_857 = arith.index_cast %get3A_856 : i32 to index
      %get3A_858 = arith.index_cast %add3A_855 : i32 to index
      %get3A_859 = arith.constant 16 : index
      %get3A_860 = tpu.vector_load %arg6[%get3A_857, %get3A_858, %get3A_859] {strides = array<i32>} : memref<4x128x64xf32, #tpu.memory_space<vmem>>, vector<16xf32>,
      %add3A_861 = arith.constant 0 : i32
      %add3A_862 = arith.addi %mul3A_847, %add3A_861 : i32
      %get3A_863 = arith.constant 3 : i32
      %get3A_864 = arith.index_cast %get3A_863 : i32 to index
      %get3A_865 = arith.index_cast %add3A_862 : i32 to index
      %get3A_866 = arith.constant 32 : index
      %get3A_867 = tpu.vector_load %arg6[%get3A_864, %get3A_865, %get3A_866] {strides = array<i32>} : memref<4x128x64xf32, #tpu.memory_space<vmem>>, vector<16xf32>,
      %add3A_868 = arith.constant 0 : i32
      %add3A_869 = arith.addi %mul3A_847, %add3A_868 : i32
      %get3A_870 = arith.constant 3 : i32
      %get3A_871 = arith.index_cast %get3A_870 : i32 to index
      %get3A_872 = arith.index_cast %add3A_869 : i32 to index
      %get3A_873 = arith.constant 48 : index
      %get3A_874 = tpu.vector_load %arg6[%get3A_871, %get3A_872, %get3A_873] {strides = array<i32>} : memref<4x128x64xf32, #tpu.memory_space<vmem>>, vector<16xf32>,
      %add3A_875 = arith.constant 1 : i32
      %add3A_876 = arith.addi %mul3A_847, %add3A_875 : i32
      %get3A_877 = arith.constant 3 : i32
      %get3A_878 = arith.index_cast %get3A_877 : i32 to index
      %get3A_879 = arith.index_cast %add3A_876 : i32 to index
      %get3A_880 = arith.constant 0 : index
      %get3A_881 = tpu.vector_load %arg6[%get3A_878, %get3A_879, %get3A_880] {strides = array<i32>} : memref<4x128x64xf32, #tpu.memory_space<vmem>>, vector<16xf32>,
      %add3A_882 = arith.constant 1 : i32
      %add3A_883 = arith.addi %mul3A_847, %add3A_882 : i32
      %get3A_884 = arith.constant 3 : i32
      %get3A_885 = arith.index_cast %get3A_884 : i32 to index
      %get3A_886 = arith.index_cast %add3A_883 : i32 to index
      %get3A_887 = arith.constant 16 : index
      %get3A_888 = tpu.vector_load %arg6[%get3A_885, %get3A_886, %get3A_887] {strides = array<i32>} : memref<4x128x64xf32, #tpu.memory_space<vmem>>, vector<16xf32>,
      %add3A_889 = arith.constant 1 : i32
      %add3A_890 = arith.addi %mul3A_847, %add3A_889 : i32
      %get3A_891 = arith.constant 3 : i32
      %get3A_892 = arith.index_cast %get3A_891 : i32 to index
      %get3A_893 = arith.index_cast %add3A_890 : i32 to index
      %get3A_894 = arith.constant 32 : index
      %get3A_895 = tpu.vector_load %arg6[%get3A_892, %get3A_893, %get3A_894] {strides = array<i32>} : memref<4x128x64xf32, #tpu.memory_space<vmem>>, vector<16xf32>,
      %add3A_896 = arith.constant 1 : i32
      %add3A_897 = arith.addi %mul3A_847, %add3A_896 : i32
      %get3A_898 = arith.constant 3 : i32
      %get3A_899 = arith.index_cast %get3A_898 : i32 to index
      %get3A_900 = arith.index_cast %add3A_897 : i32 to index
      %get3A_901 = arith.constant 48 : index
      %get3A_902 = tpu.vector_load %arg6[%get3A_899, %get3A_900, %get3A_901] {strides = array<i32>} : memref<4x128x64xf32, #tpu.memory_space<vmem>>, vector<16xf32>,
      %add3A_903 = arith.constant 2 : i32
      %add3A_904 = arith.addi %mul3A_847, %add3A_903 : i32
      %get3A_905 = arith.constant 3 : i32
      %get3A_906 = arith.index_cast %get3A_905 : i32 to index
      %get3A_907 = arith.index_cast %add3A_904 : i32 to index
      %get3A_908 = arith.constant 0 : index
      %get3A_909 = tpu.vector_load %arg6[%get3A_906, %get3A_907, %get3A_908] {strides = array<i32>} : memref<4x128x64xf32, #tpu.memory_space<vmem>>, vector<16xf32>,
      %add3A_910 = arith.constant 2 : i32
      %add3A_911 = arith.addi %mul3A_847, %add3A_910 : i32
      %get3A_912 = arith.constant 3 : i32
      %get3A_913 = arith.index_cast %get3A_912 : i32 to index
      %get3A_914 = arith.index_cast %add3A_911 : i32 to index
      %get3A_915 = arith.constant 16 : index
      %get3A_916 = tpu.vector_load %arg6[%get3A_913, %get3A_914, %get3A_915] {strides = array<i32>} : memref<4x128x64xf32, #tpu.memory_space<vmem>>, vector<16xf32>,
      %add3A_917 = arith.constant 2 : i32
      %add3A_918 = arith.addi %mul3A_847, %add3A_917 : i32
      %get3A_919 = arith.constant 3 : i32
      %get3A_920 = arith.index_cast %get3A_919 : i32 to index
      %get3A_921 = arith.index_cast %add3A_918 : i32 to index
      %get3A_922 = arith.constant 32 : index
      %get3A_923 = tpu.vector_load %arg6[%get3A_920, %get3A_921, %get3A_922] {strides = array<i32>} : memref<4x128x64xf32, #tpu.memory_space<vmem>>, vector<16xf32>,
      %add3A_924 = arith.constant 2 : i32
      %add3A_925 = arith.addi %mul3A_847, %add3A_924 : i32
      %get3A_926 = arith.constant 3 : i32
      %get3A_927 = arith.index_cast %get3A_926 : i32 to index
      %get3A_928 = arith.index_cast %add3A_925 : i32 to index
      %get3A_929 = arith.constant 48 : index
      %get3A_930 = tpu.vector_load %arg6[%get3A_927, %get3A_928, %get3A_929] {strides = array<i32>} : memref<4x128x64xf32, #tpu.memory_space<vmem>>, vector<16xf32>,
      %add3A_931 = arith.constant 3 : i32
      %add3A_932 = arith.addi %mul3A_847, %add3A_931 : i32
      %get3A_933 = arith.constant 3 : i32
      %get3A_934 = arith.index_cast %get3A_933 : i32 to index
      %get3A_935 = arith.index_cast %add3A_932 : i32 to index
      %get3A_936 = arith.constant 0 : index
      %get3A_937 = tpu.vector_load %arg6[%get3A_934, %get3A_935, %get3A_936] {strides = array<i32>} : memref<4x128x64xf32, #tpu.memory_space<vmem>>, vector<16xf32>,
      %add3A_938 = arith.constant 3 : i32
      %add3A_939 = arith.addi %mul3A_847, %add3A_938 : i32
      %get3A_940 = arith.constant 3 : i32
      %get3A_941 = arith.index_cast %get3A_940 : i32 to index
      %get3A_942 = arith.index_cast %add3A_939 : i32 to index
      %get3A_943 = arith.constant 16 : index
      %get3A_944 = tpu.vector_load %arg6[%get3A_941, %get3A_942, %get3A_943] {strides = array<i32>} : memref<4x128x64xf32, #tpu.memory_space<vmem>>, vector<16xf32>,
      %add3A_945 = arith.constant 3 : i32
      %add3A_946 = arith.addi %mul3A_847, %add3A_945 : i32
      %get3A_947 = arith.constant 3 : i32
      %get3A_948 = arith.index_cast %get3A_947 : i32 to index
      %get3A_949 = arith.index_cast %add3A_946 : i32 to index
      %get3A_950 = arith.constant 32 : index
      %get3A_951 = tpu.vector_load %arg6[%get3A_948, %get3A_949, %get3A_950] {strides = array<i32>} : memref<4x128x64xf32, #tpu.memory_space<vmem>>, vector<16xf32>,
      %add3A_952 = arith.constant 3 : i32
      %add3A_953 = arith.addi %mul3A_847, %add3A_952 : i32
      %get3A_954 = arith.constant 3 : i32
      %get3A_955 = arith.index_cast %get3A_954 : i32 to index
      %get3A_956 = arith.index_cast %add3A_953 : i32 to index
      %get3A_957 = arith.constant 48 : index
      %get3A_958 = tpu.vector_load %arg6[%get3A_955, %get3A_956, %get3A_957] {strides = array<i32>} : memref<4x128x64xf32, #tpu.memory_space<vmem>>, vector<16xf32>,
      %scatter3A = arith.constant 0 : i32
      %scatter3A_959 = arith.constant 0 : i32
      %scatter3A_960 = arith.constant 0 : i32
      %scatter3A_961 = tpu.memref_slice %arg7[%scan3A_701, %scatter3A, %scatter3A_959, %scatter3A_960] : memref<4x8x8x129xf32, #tpu.memory_space<vmem>> -> memref<1x8x8x129xf32, #tpu.memory_space<vmem>>
      %scatter3A_962 = tpu.memref_squeeze %scatter3A_961 : memref<1x8x8x129xf32, #tpu.memory_space<vmem>> -> memref<8x8x129xf32, #tpu.memory_space<vmem>>
      tpu.vector_store_idx %scatter3A_962[%shift_right_arithmetic3A_19, %and3A_30, %scan3A_842], %get3A_853 : memref<8x8x129xf32, #tpu.memory_space<vmem>>[vector<16xi32>, vector<16xi32>, vector<16xi32>], vector<16xf32>,
      %scatter3A_963 = arith.constant 0 : i32
      %scatter3A_964 = arith.constant 0 : i32
      %scatter3A_965 = arith.constant 0 : i32
      %scatter3A_966 = tpu.memref_slice %arg7[%scan3A_701, %scatter3A_963, %scatter3A_964, %scatter3A_965] : memref<4x8x8x129xf32, #tpu.memory_space<vmem>> -> memref<1x8x8x129xf32, #tpu.memory_space<vmem>>
      %scatter3A_967 = tpu.memref_squeeze %scatter3A_966 : memref<1x8x8x129xf32, #tpu.memory_space<vmem>> -> memref<8x8x129xf32, #tpu.memory_space<vmem>>
      tpu.vector_store_idx %scatter3A_967[%shift_right_arithmetic3A_22, %and3A_33, %scan3A_842], %get3A_860 : memref<8x8x129xf32, #tpu.memory_space<vmem>>[vector<16xi32>, vector<16xi32>, vector<16xi32>], vector<16xf32>,
      %scatter3A_968 = arith.constant 0 : i32
      %scatter3A_969 = arith.constant 0 : i32
      %scatter3A_970 = arith.constant 0 : i32
      %scatter3A_971 = tpu.memref_slice %arg7[%scan3A_701, %scatter3A_968, %scatter3A_969, %scatter3A_970] : memref<4x8x8x129xf32, #tpu.memory_space<vmem>> -> memref<1x8x8x129xf32, #tpu.memory_space<vmem>>
      %scatter3A_972 = tpu.memref_squeeze %scatter3A_971 : memref<1x8x8x129xf32, #tpu.memory_space<vmem>> -> memref<8x8x129xf32, #tpu.memory_space<vmem>>
      tpu.vector_store_idx %scatter3A_972[%shift_right_arithmetic3A_25, %and3A_36, %scan3A_842], %get3A_867 : memref<8x8x129xf32, #tpu.memory_space<vmem>>[vector<16xi32>, vector<16xi32>, vector<16xi32>], vector<16xf32>,
      %scatter3A_973 = arith.constant 0 : i32
      %scatter3A_974 = arith.constant 0 : i32
      %scatter3A_975 = arith.constant 0 : i32
      %scatter3A_976 = tpu.memref_slice %arg7[%scan3A_701, %scatter3A_973, %scatter3A_974, %scatter3A_975] : memref<4x8x8x129xf32, #tpu.memory_space<vmem>> -> memref<1x8x8x129xf32, #tpu.memory_space<vmem>>
      %scatter3A_977 = tpu.memref_squeeze %scatter3A_976 : memref<1x8x8x129xf32, #tpu.memory_space<vmem>> -> memref<8x8x129xf32, #tpu.memory_space<vmem>>
      tpu.vector_store_idx %scatter3A_977[%shift_right_arithmetic3A_28, %and3A_39, %scan3A_842], %get3A_874 : memref<8x8x129xf32, #tpu.memory_space<vmem>>[vector<16xi32>, vector<16xi32>, vector<16xi32>], vector<16xf32>,
      %scatter3A_978 = arith.constant 0 : i32
      %scatter3A_979 = arith.constant 0 : i32
      %scatter3A_980 = arith.constant 0 : i32
      %scatter3A_981 = tpu.memref_slice %arg7[%scan3A_701, %scatter3A_978, %scatter3A_979, %scatter3A_980] : memref<4x8x8x129xf32, #tpu.memory_space<vmem>> -> memref<1x8x8x129xf32, #tpu.memory_space<vmem>>
      %scatter3A_982 = tpu.memref_squeeze %scatter3A_981 : memref<1x8x8x129xf32, #tpu.memory_space<vmem>> -> memref<8x8x129xf32, #tpu.memory_space<vmem>>
      tpu.vector_store_idx %scatter3A_982[%shift_right_arithmetic3A_19, %and3A_30, %scan3A_843], %get3A_881 : memref<8x8x129xf32, #tpu.memory_space<vmem>>[vector<16xi32>, vector<16xi32>, vector<16xi32>], vector<16xf32>,
      %scatter3A_983 = arith.constant 0 : i32
      %scatter3A_984 = arith.constant 0 : i32
      %scatter3A_985 = arith.constant 0 : i32
      %scatter3A_986 = tpu.memref_slice %arg7[%scan3A_701, %scatter3A_983, %scatter3A_984, %scatter3A_985] : memref<4x8x8x129xf32, #tpu.memory_space<vmem>> -> memref<1x8x8x129xf32, #tpu.memory_space<vmem>>
      %scatter3A_987 = tpu.memref_squeeze %scatter3A_986 : memref<1x8x8x129xf32, #tpu.memory_space<vmem>> -> memref<8x8x129xf32, #tpu.memory_space<vmem>>
      tpu.vector_store_idx %scatter3A_987[%shift_right_arithmetic3A_22, %and3A_33, %scan3A_843], %get3A_888 : memref<8x8x129xf32, #tpu.memory_space<vmem>>[vector<16xi32>, vector<16xi32>, vector<16xi32>], vector<16xf32>,
      %scatter3A_988 = arith.constant 0 : i32
      %scatter3A_989 = arith.constant 0 : i32
      %scatter3A_990 = arith.constant 0 : i32
      %scatter3A_991 = tpu.memref_slice %arg7[%scan3A_701, %scatter3A_988, %scatter3A_989, %scatter3A_990] : memref<4x8x8x129xf32, #tpu.memory_space<vmem>> -> memref<1x8x8x129xf32, #tpu.memory_space<vmem>>
      %scatter3A_992 = tpu.memref_squeeze %scatter3A_991 : memref<1x8x8x129xf32, #tpu.memory_space<vmem>> -> memref<8x8x129xf32, #tpu.memory_space<vmem>>
      tpu.vector_store_idx %scatter3A_992[%shift_right_arithmetic3A_25, %and3A_36, %scan3A_843], %get3A_895 : memref<8x8x129xf32, #tpu.memory_space<vmem>>[vector<16xi32>, vector<16xi32>, vector<16xi32>], vector<16xf32>,
      %scatter3A_993 = arith.constant 0 : i32
      %scatter3A_994 = arith.constant 0 : i32
      %scatter3A_995 = arith.constant 0 : i32
      %scatter3A_996 = tpu.memref_slice %arg7[%scan3A_701, %scatter3A_993, %scatter3A_994, %scatter3A_995] : memref<4x8x8x129xf32, #tpu.memory_space<vmem>> -> memref<1x8x8x129xf32, #tpu.memory_space<vmem>>
      %scatter3A_997 = tpu.memref_squeeze %scatter3A_996 : memref<1x8x8x129xf32, #tpu.memory_space<vmem>> -> memref<8x8x129xf32, #tpu.memory_space<vmem>>
      tpu.vector_store_idx %scatter3A_997[%shift_right_arithmetic3A_28, %and3A_39, %scan3A_843], %get3A_902 : memref<8x8x129xf32, #tpu.memory_space<vmem>>[vector<16xi32>, vector<16xi32>, vector<16xi32>], vector<16xf32>,
      %scatter3A_998 = arith.constant 0 : i32
      %scatter3A_999 = arith.constant 0 : i32
      %scatter3A_1000 = arith.constant 0 : i32
      %scatter3A_1001 = tpu.memref_slice %arg7[%scan3A_701, %scatter3A_998, %scatter3A_999, %scatter3A_1000] : memref<4x8x8x129xf32, #tpu.memory_space<vmem>> -> memref<1x8x8x129xf32, #tpu.memory_space<vmem>>
      %scatter3A_1002 = tpu.memref_squeeze %scatter3A_1001 : memref<1x8x8x129xf32, #tpu.memory_space<vmem>> -> memref<8x8x129xf32, #tpu.memory_space<vmem>>
      tpu.vector_store_idx %scatter3A_1002[%shift_right_arithmetic3A_19, %and3A_30, %scan3A_844], %get3A_909 : memref<8x8x129xf32, #tpu.memory_space<vmem>>[vector<16xi32>, vector<16xi32>, vector<16xi32>], vector<16xf32>,
      %scatter3A_1003 = arith.constant 0 : i32
      %scatter3A_1004 = arith.constant 0 : i32
      %scatter3A_1005 = arith.constant 0 : i32
      %scatter3A_1006 = tpu.memref_slice %arg7[%scan3A_701, %scatter3A_1003, %scatter3A_1004, %scatter3A_1005] : memref<4x8x8x129xf32, #tpu.memory_space<vmem>> -> memref<1x8x8x129xf32, #tpu.memory_space<vmem>>
      %scatter3A_1007 = tpu.memref_squeeze %scatter3A_1006 : memref<1x8x8x129xf32, #tpu.memory_space<vmem>> -> memref<8x8x129xf32, #tpu.memory_space<vmem>>
      tpu.vector_store_idx %scatter3A_1007[%shift_right_arithmetic3A_22, %and3A_33, %scan3A_844], %get3A_916 : memref<8x8x129xf32, #tpu.memory_space<vmem>>[vector<16xi32>, vector<16xi32>, vector<16xi32>], vector<16xf32>,
      %scatter3A_1008 = arith.constant 0 : i32
      %scatter3A_1009 = arith.constant 0 : i32
      %scatter3A_1010 = arith.constant 0 : i32
      %scatter3A_1011 = tpu.memref_slice %arg7[%scan3A_701, %scatter3A_1008, %scatter3A_1009, %scatter3A_1010] : memref<4x8x8x129xf32, #tpu.memory_space<vmem>> -> memref<1x8x8x129xf32, #tpu.memory_space<vmem>>
      %scatter3A_1012 = tpu.memref_squeeze %scatter3A_1011 : memref<1x8x8x129xf32, #tpu.memory_space<vmem>> -> memref<8x8x129xf32, #tpu.memory_space<vmem>>
      tpu.vector_store_idx %scatter3A_1012[%shift_right_arithmetic3A_25, %and3A_36, %scan3A_844], %get3A_923 : memref<8x8x129xf32, #tpu.memory_space<vmem>>[vector<16xi32>, vector<16xi32>, vector<16xi32>], vector<16xf32>,
      %scatter3A_1013 = arith.constant 0 : i32
      %scatter3A_1014 = arith.constant 0 : i32
      %scatter3A_1015 = arith.constant 0 : i32
      %scatter3A_1016 = tpu.memref_slice %arg7[%scan3A_701, %scatter3A_1013, %scatter3A_1014, %scatter3A_1015] : memref<4x8x8x129xf32, #tpu.memory_space<vmem>> -> memref<1x8x8x129xf32, #tpu.memory_space<vmem>>
      %scatter3A_1017 = tpu.memref_squeeze %scatter3A_1016 : memref<1x8x8x129xf32, #tpu.memory_space<vmem>> -> memref<8x8x129xf32, #tpu.memory_space<vmem>>
      tpu.vector_store_idx %scatter3A_1017[%shift_right_arithmetic3A_28, %and3A_39, %scan3A_844], %get3A_930 : memref<8x8x129xf32, #tpu.memory_space<vmem>>[vector<16xi32>, vector<16xi32>, vector<16xi32>], vector<16xf32>,
      %scatter3A_1018 = arith.constant 0 : i32
      %scatter3A_1019 = arith.constant 0 : i32
      %scatter3A_1020 = arith.constant 0 : i32
      %scatter3A_1021 = tpu.memref_slice %arg7[%scan3A_701, %scatter3A_1018, %scatter3A_1019, %scatter3A_1020] : memref<4x8x8x129xf32, #tpu.memory_space<vmem>> -> memref<1x8x8x129xf32, #tpu.memory_space<vmem>>
      %scatter3A_1022 = tpu.memref_squeeze %scatter3A_1021 : memref<1x8x8x129xf32, #tpu.memory_space<vmem>> -> memref<8x8x129xf32, #tpu.memory_space<vmem>>
      tpu.vector_store_idx %scatter3A_1022[%shift_right_arithmetic3A_19, %and3A_30, %scan3A_845], %get3A_937 : memref<8x8x129xf32, #tpu.memory_space<vmem>>[vector<16xi32>, vector<16xi32>, vector<16xi32>], vector<16xf32>,
      %scatter3A_1023 = arith.constant 0 : i32
      %scatter3A_1024 = arith.constant 0 : i32
      %scatter3A_1025 = arith.constant 0 : i32
      %scatter3A_1026 = tpu.memref_slice %arg7[%scan3A_701, %scatter3A_1023, %scatter3A_1024, %scatter3A_1025] : memref<4x8x8x129xf32, #tpu.memory_space<vmem>> -> memref<1x8x8x129xf32, #tpu.memory_space<vmem>>
      %scatter3A_1027 = tpu.memref_squeeze %scatter3A_1026 : memref<1x8x8x129xf32, #tpu.memory_space<vmem>> -> memref<8x8x129xf32, #tpu.memory_space<vmem>>
      tpu.vector_store_idx %scatter3A_1027[%shift_right_arithmetic3A_22, %and3A_33, %scan3A_845], %get3A_944 : memref<8x8x129xf32, #tpu.memory_space<vmem>>[vector<16xi32>, vector<16xi32>, vector<16xi32>], vector<16xf32>,
      %scatter3A_1028 = arith.constant 0 : i32
      %scatter3A_1029 = arith.constant 0 : i32
      %scatter3A_1030 = arith.constant 0 : i32
      %scatter3A_1031 = tpu.memref_slice %arg7[%scan3A_701, %scatter3A_1028, %scatter3A_1029, %scatter3A_1030] : memref<4x8x8x129xf32, #tpu.memory_space<vmem>> -> memref<1x8x8x129xf32, #tpu.memory_space<vmem>>
      %scatter3A_1032 = tpu.memref_squeeze %scatter3A_1031 : memref<1x8x8x129xf32, #tpu.memory_space<vmem>> -> memref<8x8x129xf32, #tpu.memory_space<vmem>>
      tpu.vector_store_idx %scatter3A_1032[%shift_right_arithmetic3A_25, %and3A_36, %scan3A_845], %get3A_951 : memref<8x8x129xf32, #tpu.memory_space<vmem>>[vector<16xi32>, vector<16xi32>, vector<16xi32>], vector<16xf32>,
      %scatter3A_1033 = arith.constant 0 : i32
      %scatter3A_1034 = arith.constant 0 : i32
      %scatter3A_1035 = arith.constant 0 : i32
      %scatter3A_1036 = tpu.memref_slice %arg7[%scan3A_701, %scatter3A_1033, %scatter3A_1034, %scatter3A_1035] : memref<4x8x8x129xf32, #tpu.memory_space<vmem>> -> memref<1x8x8x129xf32, #tpu.memory_space<vmem>>
      %scatter3A_1037 = tpu.memref_squeeze %scatter3A_1036 : memref<1x8x8x129xf32, #tpu.memory_space<vmem>> -> memref<8x8x129xf32, #tpu.memory_space<vmem>>
      tpu.vector_store_idx %scatter3A_1037[%shift_right_arithmetic3A_28, %and3A_39, %scan3A_845], %get3A_958 : memref<8x8x129xf32, #tpu.memory_space<vmem>>[vector<16xi32>, vector<16xi32>, vector<16xi32>], vector<16xf32>,
      %add3A_1038 = arith.constant 4 : i32
      %add3A_1039 = vector.broadcast %add3A_1038 : i32 to vector<16xi32>
      %add3A_1040 = arith.addi %scan3A_842, %add3A_1039 : vector<16xi32>
      %add3A_1041 = arith.constant 4 : i32
      %add3A_1042 = vector.broadcast %add3A_1041 : i32 to vector<16xi32>
      %add3A_1043 = arith.addi %scan3A_843, %add3A_1042 : vector<16xi32>
      %add3A_1044 = arith.constant 4 : i32
      %add3A_1045 = vector.broadcast %add3A_1044 : i32 to vector<16xi32>
      %add3A_1046 = arith.addi %scan3A_844, %add3A_1045 : vector<16xi32>
      %add3A_1047 = arith.constant 4 : i32
      %add3A_1048 = vector.broadcast %add3A_1047 : i32 to vector<16xi32>
      %add3A_1049 = arith.addi %scan3A_845, %add3A_1048 : vector<16xi32>
      scf.yield %add3A_1040, %add3A_1043, %add3A_1046, %add3A_1049 : vector<16xi32>, vector<16xi32>, vector<16xi32>, vector<16xi32>
    }
    %scan3A_707 = arith.constant 32 : i32
    %shift_right_arithmetic3A_708 = arith.constant 5 : i32
    %shift_right_arithmetic3A_709 = arith.shrsi %add3A_649, %shift_right_arithmetic3A_708 : i32
    %and3A_710 = arith.constant 31 : i32
    %and3A_711 = arith.andi %add3A_649, %and3A_710 : i32
    %dma_start3A_712 = arith.constant 3 : i32
    %dma_start3A_713 = arith.constant 0 : i32
    %dma_start3A_714 = arith.constant 0 : i32
    %dma_start3A_715 = arith.constant 0 : i32
    %dma_start3A_716 = tpu.memref_slice %arg7[%dma_start3A_712, %dma_start3A_713, %dma_start3A_714, %dma_start3A_715] : memref<4x8x8x129xf32, #tpu.memory_space<vmem>> -> memref<1x8x8x128xf32, #tpu.memory_space<vmem>>
    %dma_start3A_717 = tpu.memref_squeeze %dma_start3A_716 : memref<1x8x8x128xf32, #tpu.memory_space<vmem>> -> memref<8x8x128xf32, #tpu.memory_space<vmem>>
    %dma_start3A_718 = arith.constant 0 : i32
    %dma_start3A_719 = arith.constant 0 : i32
    %dma_start3A_720 = arith.constant 0 : i32
    %dma_start3A_721 = tpu.memref_slice %arg4[%shift_right_arithmetic3A_709, %dma_start3A_718, %and3A_711, %dma_start3A_719, %dma_start3A_720] : memref<200x8x32x8x128xf32, #tpu.memory_space<hbm>> -> memref<1x8x1x8x128xf32, #tpu.memory_space<hbm>>
    %dma_start3A_722 = tpu.memref_squeeze %dma_start3A_721 : memref<1x8x1x8x128xf32, #tpu.memory_space<hbm>> -> memref<8x8x128xf32, #tpu.memory_space<hbm>>
    %dma_start3A_723 = arith.constant 0 : i32
    %dma_start3A_724 = arith.constant 0 : i32
    %dma_start3A_725 = arith.constant 0 : i32
    %dma_start3A_726 = tpu.memref_slice %arg4[%shift_right_arithmetic3A_709, %dma_start3A_723, %and3A_711, %dma_start3A_724, %dma_start3A_725] : memref<200x8x32x8x128xf32, #tpu.memory_space<hbm>> -> memref<1x8x1x8x128xf32, #tpu.memory_space<hbm>>
    %dma_start3A_727 = tpu.memref_squeeze %dma_start3A_726 : memref<1x8x1x8x128xf32, #tpu.memory_space<hbm>> -> memref<8x8x128xf32, #tpu.memory_space<hbm>>
    %dma_start3A_728 = arith.constant 0 : i32
    %dma_start3A_729 = arith.constant 0 : i32
    %dma_start3A_730 = arith.constant 0 : i32
    %dma_start3A_731 = tpu.memref_slice %arg7[%dma_start3A_712, %dma_start3A_728, %dma_start3A_729, %dma_start3A_730] : memref<4x8x8x129xf32, #tpu.memory_space<vmem>> -> memref<1x8x8x128xf32, #tpu.memory_space<vmem>>
    %dma_start3A_732 = tpu.memref_squeeze %dma_start3A_731 : memref<1x8x8x128xf32, #tpu.memory_space<vmem>> -> memref<8x8x128xf32, #tpu.memory_space<vmem>>
    tpu.enqueue_dma source(%dma_start3A_732 : memref<8x8x128xf32, #tpu.memory_space<vmem>>) target(%dma_start3A_727 : memref<8x8x128xf32, #tpu.memory_space<hbm>>) target_semaphore(%arg15 : memref<!tpu.dma_semaphore, #tpu.memory_space<semaphore_mem>>)
    %add3A_733 = arith.constant 0 : i32
    %add3A_734 = arith.addi %sub3A_392, %add3A_733 : i32
    %shift_right_arithmetic3A_735 = arith.constant 5 : i32
    %shift_right_arithmetic3A_736 = arith.shrsi %add3A_734, %shift_right_arithmetic3A_735 : i32
    %and3A_737 = arith.constant 31 : i32
    %and3A_738 = arith.andi %add3A_734, %and3A_737 : i32
    %dma_wait3A_739 = arith.constant 0 : i32
    %dma_wait3A_740 = arith.constant 0 : i32
    %dma_wait3A_741 = arith.constant 0 : i32
    %dma_wait3A_742 = arith.constant 0 : i32
    %dma_wait3A_743 = tpu.memref_slice %arg7[%dma_wait3A_739, %dma_wait3A_740, %dma_wait3A_741, %dma_wait3A_742] : memref<4x8x8x129xf32, #tpu.memory_space<vmem>> -> memref<1x8x8x128xf32, #tpu.memory_space<vmem>>
    %dma_wait3A_744 = tpu.memref_squeeze %dma_wait3A_743 : memref<1x8x8x128xf32, #tpu.memory_space<vmem>> -> memref<8x8x128xf32, #tpu.memory_space<vmem>>
    %dma_wait3A_745 = arith.constant 0 : i32
    %dma_wait3A_746 = arith.constant 0 : i32
    %dma_wait3A_747 = arith.constant 0 : i32
    %dma_wait3A_748 = tpu.memref_slice %arg4[%shift_right_arithmetic3A_736, %dma_wait3A_745, %and3A_738, %dma_wait3A_746, %dma_wait3A_747] : memref<200x8x32x8x128xf32, #tpu.memory_space<hbm>> -> memref<1x8x1x8x128xf32, #tpu.memory_space<hbm>>
    %dma_wait3A_749 = tpu.memref_squeeze %dma_wait3A_748 : memref<1x8x1x8x128xf32, #tpu.memory_space<hbm>> -> memref<8x8x128xf32, #tpu.memory_space<hbm>>
    %dma_wait3A_750 = arith.constant 0 : i32
    %dma_wait3A_751 = arith.constant 0 : i32
    %dma_wait3A_752 = arith.constant 0 : i32
    %dma_wait3A_753 = tpu.memref_slice %arg4[%shift_right_arithmetic3A_736, %dma_wait3A_750, %and3A_738, %dma_wait3A_751, %dma_wait3A_752] : memref<200x8x32x8x128xf32, #tpu.memory_space<hbm>> -> memref<1x8x1x8x128xf32, #tpu.memory_space<hbm>>
    %dma_wait3A_754 = tpu.memref_squeeze %dma_wait3A_753 : memref<1x8x1x8x128xf32, #tpu.memory_space<hbm>> -> memref<8x8x128xf32, #tpu.memory_space<hbm>>
    %dma_wait3A_755 = arith.constant 0 : i32
    %dma_wait3A_756 = arith.constant 0 : i32
    %dma_wait3A_757 = arith.constant 0 : i32
    %dma_wait3A_758 = tpu.memref_slice %arg7[%dma_wait3A_739, %dma_wait3A_755, %dma_wait3A_756, %dma_wait3A_757] : memref<4x8x8x129xf32, #tpu.memory_space<vmem>> -> memref<1x8x8x128xf32, #tpu.memory_space<vmem>>
    %dma_wait3A_759 = tpu.memref_squeeze %dma_wait3A_758 : memref<1x8x8x128xf32, #tpu.memory_space<vmem>> -> memref<8x8x128xf32, #tpu.memory_space<vmem>>
    tpu.wait_dma2 semaphore(%arg12 : memref<!tpu.dma_semaphore, #tpu.memory_space<semaphore_mem>>) src(%dma_wait3A_759 : memref<8x8x128xf32, #tpu.memory_space<vmem>>) dst(%dma_wait3A_754 : memref<8x8x128xf32, #tpu.memory_space<hbm>>)
    %add3A_760 = arith.constant 1 : i32
    %add3A_761 = arith.addi %sub3A_392, %add3A_760 : i32
    %shift_right_arithmetic3A_762 = arith.constant 5 : i32
    %shift_right_arithmetic3A_763 = arith.shrsi %add3A_761, %shift_right_arithmetic3A_762 : i32
    %and3A_764 = arith.constant 31 : i32
    %and3A_765 = arith.andi %add3A_761, %and3A_764 : i32
    %dma_wait3A_766 = arith.constant 1 : i32
    %dma_wait3A_767 = arith.constant 0 : i32
    %dma_wait3A_768 = arith.constant 0 : i32
    %dma_wait3A_769 = arith.constant 0 : i32
    %dma_wait3A_770 = tpu.memref_slice %arg7[%dma_wait3A_766, %dma_wait3A_767, %dma_wait3A_768, %dma_wait3A_769] : memref<4x8x8x129xf32, #tpu.memory_space<vmem>> -> memref<1x8x8x128xf32, #tpu.memory_space<vmem>>
    %dma_wait3A_771 = tpu.memref_squeeze %dma_wait3A_770 : memref<1x8x8x128xf32, #tpu.memory_space<vmem>> -> memref<8x8x128xf32, #tpu.memory_space<vmem>>
    %dma_wait3A_772 = arith.constant 0 : i32
    %dma_wait3A_773 = arith.constant 0 : i32
    %dma_wait3A_774 = arith.constant 0 : i32
    %dma_wait3A_775 = tpu.memref_slice %arg4[%shift_right_arithmetic3A_763, %dma_wait3A_772, %and3A_765, %dma_wait3A_773, %dma_wait3A_774] : memref<200x8x32x8x128xf32, #tpu.memory_space<hbm>> -> memref<1x8x1x8x128xf32, #tpu.memory_space<hbm>>
    %dma_wait3A_776 = tpu.memref_squeeze %dma_wait3A_775 : memref<1x8x1x8x128xf32, #tpu.memory_space<hbm>> -> memref<8x8x128xf32, #tpu.memory_space<hbm>>
    %dma_wait3A_777 = arith.constant 0 : i32
    %dma_wait3A_778 = arith.constant 0 : i32
    %dma_wait3A_779 = arith.constant 0 : i32
    %dma_wait3A_780 = tpu.memref_slice %arg4[%shift_right_arithmetic3A_763, %dma_wait3A_777, %and3A_765, %dma_wait3A_778, %dma_wait3A_779] : memref<200x8x32x8x128xf32, #tpu.memory_space<hbm>> -> memref<1x8x1x8x128xf32, #tpu.memory_space<hbm>>
    %dma_wait3A_781 = tpu.memref_squeeze %dma_wait3A_780 : memref<1x8x1x8x128xf32, #tpu.memory_space<hbm>> -> memref<8x8x128xf32, #tpu.memory_space<hbm>>
    %dma_wait3A_782 = arith.constant 0 : i32
    %dma_wait3A_783 = arith.constant 0 : i32
    %dma_wait3A_784 = arith.constant 0 : i32
    %dma_wait3A_785 = tpu.memref_slice %arg7[%dma_wait3A_766, %dma_wait3A_782, %dma_wait3A_783, %dma_wait3A_784] : memref<4x8x8x129xf32, #tpu.memory_space<vmem>> -> memref<1x8x8x128xf32, #tpu.memory_space<vmem>>
    %dma_wait3A_786 = tpu.memref_squeeze %dma_wait3A_785 : memref<1x8x8x128xf32, #tpu.memory_space<vmem>> -> memref<8x8x128xf32, #tpu.memory_space<vmem>>
    tpu.wait_dma2 semaphore(%arg13 : memref<!tpu.dma_semaphore, #tpu.memory_space<semaphore_mem>>) src(%dma_wait3A_786 : memref<8x8x128xf32, #tpu.memory_space<vmem>>) dst(%dma_wait3A_781 : memref<8x8x128xf32, #tpu.memory_space<hbm>>)
    %add3A_787 = arith.constant 2 : i32
    %add3A_788 = arith.addi %sub3A_392, %add3A_787 : i32
    %shift_right_arithmetic3A_789 = arith.constant 5 : i32
    %shift_right_arithmetic3A_790 = arith.shrsi %add3A_788, %shift_right_arithmetic3A_789 : i32
    %and3A_791 = arith.constant 31 : i32
    %and3A_792 = arith.andi %add3A_788, %and3A_791 : i32
    %dma_wait3A_793 = arith.constant 2 : i32
    %dma_wait3A_794 = arith.constant 0 : i32
    %dma_wait3A_795 = arith.constant 0 : i32
    %dma_wait3A_796 = arith.constant 0 : i32
    %dma_wait3A_797 = tpu.memref_slice %arg7[%dma_wait3A_793, %dma_wait3A_794, %dma_wait3A_795, %dma_wait3A_796] : memref<4x8x8x129xf32, #tpu.memory_space<vmem>> -> memref<1x8x8x128xf32, #tpu.memory_space<vmem>>
    %dma_wait3A_798 = tpu.memref_squeeze %dma_wait3A_797 : memref<1x8x8x128xf32, #tpu.memory_space<vmem>> -> memref<8x8x128xf32, #tpu.memory_space<vmem>>
    %dma_wait3A_799 = arith.constant 0 : i32
    %dma_wait3A_800 = arith.constant 0 : i32
    %dma_wait3A_801 = arith.constant 0 : i32
    %dma_wait3A_802 = tpu.memref_slice %arg4[%shift_right_arithmetic3A_790, %dma_wait3A_799, %and3A_792, %dma_wait3A_800, %dma_wait3A_801] : memref<200x8x32x8x128xf32, #tpu.memory_space<hbm>> -> memref<1x8x1x8x128xf32, #tpu.memory_space<hbm>>
    %dma_wait3A_803 = tpu.memref_squeeze %dma_wait3A_802 : memref<1x8x1x8x128xf32, #tpu.memory_space<hbm>> -> memref<8x8x128xf32, #tpu.memory_space<hbm>>
    %dma_wait3A_804 = arith.constant 0 : i32
    %dma_wait3A_805 = arith.constant 0 : i32
    %dma_wait3A_806 = arith.constant 0 : i32
    %dma_wait3A_807 = tpu.memref_slice %arg4[%shift_right_arithmetic3A_790, %dma_wait3A_804, %and3A_792, %dma_wait3A_805, %dma_wait3A_806] : memref<200x8x32x8x128xf32, #tpu.memory_space<hbm>> -> memref<1x8x1x8x128xf32, #tpu.memory_space<hbm>>
    %dma_wait3A_808 = tpu.memref_squeeze %dma_wait3A_807 : memref<1x8x1x8x128xf32, #tpu.memory_space<hbm>> -> memref<8x8x128xf32, #tpu.memory_space<hbm>>
    %dma_wait3A_809 = arith.constant 0 : i32
    %dma_wait3A_810 = arith.constant 0 : i32
    %dma_wait3A_811 = arith.constant 0 : i32
    %dma_wait3A_812 = tpu.memref_slice %arg7[%dma_wait3A_793, %dma_wait3A_809, %dma_wait3A_810, %dma_wait3A_811] : memref<4x8x8x129xf32, #tpu.memory_space<vmem>> -> memref<1x8x8x128xf32, #tpu.memory_space<vmem>>
    %dma_wait3A_813 = tpu.memref_squeeze %dma_wait3A_812 : memref<1x8x8x128xf32, #tpu.memory_space<vmem>> -> memref<8x8x128xf32, #tpu.memory_space<vmem>>
    tpu.wait_dma2 semaphore(%arg14 : memref<!tpu.dma_semaphore, #tpu.memory_space<semaphore_mem>>) src(%dma_wait3A_813 : memref<8x8x128xf32, #tpu.memory_space<vmem>>) dst(%dma_wait3A_808 : memref<8x8x128xf32, #tpu.memory_space<hbm>>)
    %add3A_814 = arith.constant 3 : i32
    %add3A_815 = arith.addi %sub3A_392, %add3A_814 : i32
    %shift_right_arithmetic3A_816 = arith.constant 5 : i32
    %shift_right_arithmetic3A_817 = arith.shrsi %add3A_815, %shift_right_arithmetic3A_816 : i32
    %and3A_818 = arith.constant 31 : i32
    %and3A_819 = arith.andi %add3A_815, %and3A_818 : i32
    %dma_wait3A_820 = arith.constant 3 : i32
    %dma_wait3A_821 = arith.constant 0 : i32
    %dma_wait3A_822 = arith.constant 0 : i32
    %dma_wait3A_823 = arith.constant 0 : i32
    %dma_wait3A_824 = tpu.memref_slice %arg7[%dma_wait3A_820, %dma_wait3A_821, %dma_wait3A_822, %dma_wait3A_823] : memref<4x8x8x129xf32, #tpu.memory_space<vmem>> -> memref<1x8x8x128xf32, #tpu.memory_space<vmem>>
    %dma_wait3A_825 = tpu.memref_squeeze %dma_wait3A_824 : memref<1x8x8x128xf32, #tpu.memory_space<vmem>> -> memref<8x8x128xf32, #tpu.memory_space<vmem>>
    %dma_wait3A_826 = arith.constant 0 : i32
    %dma_wait3A_827 = arith.constant 0 : i32
    %dma_wait3A_828 = arith.constant 0 : i32
    %dma_wait3A_829 = tpu.memref_slice %arg4[%shift_right_arithmetic3A_817, %dma_wait3A_826, %and3A_819, %dma_wait3A_827, %dma_wait3A_828] : memref<200x8x32x8x128xf32, #tpu.memory_space<hbm>> -> memref<1x8x1x8x128xf32, #tpu.memory_space<hbm>>
    %dma_wait3A_830 = tpu.memref_squeeze %dma_wait3A_829 : memref<1x8x1x8x128xf32, #tpu.memory_space<hbm>> -> memref<8x8x128xf32, #tpu.memory_space<hbm>>
    %dma_wait3A_831 = arith.constant 0 : i32
    %dma_wait3A_832 = arith.constant 0 : i32
    %dma_wait3A_833 = arith.constant 0 : i32
    %dma_wait3A_834 = tpu.memref_slice %arg4[%shift_right_arithmetic3A_817, %dma_wait3A_831, %and3A_819, %dma_wait3A_832, %dma_wait3A_833] : memref<200x8x32x8x128xf32, #tpu.memory_space<hbm>> -> memref<1x8x1x8x128xf32, #tpu.memory_space<hbm>>
    %dma_wait3A_835 = tpu.memref_squeeze %dma_wait3A_834 : memref<1x8x1x8x128xf32, #tpu.memory_space<hbm>> -> memref<8x8x128xf32, #tpu.memory_space<hbm>>
    %dma_wait3A_836 = arith.constant 0 : i32
    %dma_wait3A_837 = arith.constant 0 : i32
    %dma_wait3A_838 = arith.constant 0 : i32
    %dma_wait3A_839 = tpu.memref_slice %arg7[%dma_wait3A_820, %dma_wait3A_836, %dma_wait3A_837, %dma_wait3A_838] : memref<4x8x8x129xf32, #tpu.memory_space<vmem>> -> memref<1x8x8x128xf32, #tpu.memory_space<vmem>>
    %dma_wait3A_840 = tpu.memref_squeeze %dma_wait3A_839 : memref<1x8x8x128xf32, #tpu.memory_space<vmem>> -> memref<8x8x128xf32, #tpu.memory_space<vmem>>
    tpu.wait_dma2 semaphore(%arg15 : memref<!tpu.dma_semaphore, #tpu.memory_space<semaphore_mem>>) src(%dma_wait3A_840 : memref<8x8x128xf32, #tpu.memory_space<vmem>>) dst(%dma_wait3A_835 : memref<8x8x128xf32, #tpu.memory_space<hbm>>)
    return
  }
}

</mosaic_0001>

<sc_bundles>
// kernel: kernel.3.cloned.1.call-start
scs
__scs_entry_jumppad:
0x0: {  	(pc) =	sbr.rel $0x88, $3  }
0x1: {  	(tag) =	ssettag $0x0;
	lr =	simm.s32 $0x1  }
0x2: {  	[smem:$0x3F9F] =	sst lr;
	_ =	strace $0xD0000000  }
0x3: {  	_ = 	snop  }
0x4: {  	_ = 	snop  }
0x5: {  	_ = 	snop  }
0x6: {  	_ = 	snop  }
0x7: {  	_ = 	snop  }
__scs_overlays_trampoline_lowered:
0x8: {  	[smem:$0x3FAE] =	sst s0  }
0x9: {  	[smem:$0x3FAF] =	sst s1  }
0xa: {  	[smem:$0x3FB0] =	sst s2  }
0xb: {  	[smem:$0x3FB1] =	sst s3  }
0xc: {  	[smem:$0x3FB2] =	sst s4  }
0xd: {  	[smem:$0x3FB3] =	sst s5  }
0xe: {  	[smem:$0x3FB4] =	sst s6  }
0xf: {  	[smem:$0x3FB5] =	sst s7  }
0x10: {  	[smem:$0x3FB6] =	sst s8  }
0x11: {  	[smem:$0x3FB7] =	sst s9;
	s0 =	simm.s32 @!p0 $0x0  }
0x12: {  	s1 =	sld [smem:$0x3F9D];
	s0 =	simm.s32 @p0 $0x1  }
0x13: {  	[smem:$0x3FB8] =	sst s0;
	s0 =	simm.s32 @!p1 $0x0  }
0x14: {  	s2 =	sld [smem:$0x3F9C];
	s0 =	simm.s32 @p1 $0x1  }
0x15: {  	[smem:$0x3FB9] =	sst s0;
	s0 =	simm.s32 @!p2 $0x0  }
0x16: {  	s3 =	sld [smem:$0x3FDB];
	s0 =	simm.s32 @p2 $0x1  }
0x17: {  	s4 =	simm.s32 $0x1BF5;
	[smem:$0x3FBB] =	sst s0  }
0x18: {  	s0 =	sld [smem:$0x3F9E];
	_ =	swait.ge [sflag:s4], $0x0  }
0x19: {  	s7 =	sld [smem:$0x3F9F]  }
0x1a: {  	s8 =	sadd.s32 $0xFFFFE003, lr  }
0x1b: {  	s9 =	sadd.s32 $0xFFFFFEF7, lr;
	s5 =	simm.s32 $0xFFFFFFFF;
	p2 =	slt.u32 s8, $0xFFFFF086  }
0x1c: {  	p1 =	slt.u32 s9, $0xF7A;
	s5 =	simm.s32 @!p2 $0x0  }
0x1d: {  	s5 =	simm.s32 @p1 $0x1;
	p0 =	seq.s32 s7, s2  }
0x1e: {  	s7 =	smul.u32 @!p0 $0xF7A, s2;
	p2 =	seq.s32 @!p0 s5, $0x0  }
0x1f: {  	s9 =	smul.u32 $0xF7A, s1;
	s8 =	simm.s32 @!p0 $0x1BF5;
	p2 =	por !p2, p0  }
0x20: {  	[sflag:s8] =	ssyncset.s32 @!p0 $0xFFFFF086;
	s6 =	sadd.s32 @!p0 s3, s7;
	s7 =	simm.s32 @!p0 $0x108  }
0x21: {  	s3 =	sadd.s32 s3, s9;
	s6 =	sadd.s32 @!p0 $0x88, s6;
	s7 =	simm.s32 @p2 $0x1082  }
0x22: {  	[simem:s7], [sflag:s8] =	dma.local @!p0 [hbm:s6], $0xF7A  }
0x23: {  	s9 =	sor.u32 $0xD0000000, s2;
	s6 =	simm.s32 $0x108;
	_ =	swait.ge @!p0 [sflag:s8], $0x0  }
0x24: {  	s3 =	sadd.s32 $0x88, s3;
	s6 =	simm.s32 @!p1 $0x1082;
	[sflag:s4] =	ssyncset.s32 $0xFFFFF086  }
0x25: {  	[simem:s6], [sflag:s4] =	dma.local [hbm:s3], $0xF7A  }
0x26: {  	[smem:$0x3F9F] =	sst s1;
	(tag) =	ssettag s2;
	_ =	strace s9  }
0x27: {  	s1 =	sld [smem:$0x3FAF]  }
0x28: {  	s2 =	sld [smem:$0x3FB0]  }
0x29: {  	s4 =	sld [smem:$0x3FB2]  }
0x2a: {  	p0 =	seq.s32 s5, $0x0;
	s5 =	sld [smem:$0x3FB3]  }
0x2b: {  	s6 =	sld [smem:$0x3FB4]  }
0x2c: {  	s7 =	sld [smem:$0x3FB5]  }
0x2d: {  	s3 =	simm.s32 $0x108;
	s8 =	sld [smem:$0x3FB6]  }
0x2e: {  	s3 =	simm.s32 @!p0 $0x1082;
	s9 =	sld [smem:$0x3FB7]  }
0x2f: {  	lr =	sadd.s32 s0, s3;
	s0 =	sld [smem:$0x3FAE]  }
0x30: {  	s3 =	sld [smem:$0x3FB1]  }
0x31: {  	[smem:$0x3FBA] =	sst s10  }
0x32: {  	s10 =	sld [smem:$0x3FB8];
	_ =	sdelay $0x3  }
0x33: {  	p0 =	seq.s32 s10, $0x1;
	s10 =	sld [smem:$0x3FBA];
	_ =	sdelay $0x3  }
0x34: {  	[smem:$0x3FBA] =	sst s10  }
0x35: {  	s10 =	sld [smem:$0x3FB9];
	_ =	sdelay $0x3  }
0x36: {  	p1 =	seq.s32 s10, $0x1;
	s10 =	sld [smem:$0x3FBA];
	_ =	sdelay $0x3  }
0x37: {  	[smem:$0x3FBA] =	sst s10  }
0x38: {  	s10 =	sld [smem:$0x3FBB]  }
0x39: {  	_ = 	snop;
	(pc) =	sbr.ind lr, $3  }
0x3a: {  	_ = 	snop  }
0x3b: {  	_ = 	snop  }
0x3c: {  	p2 =	seq.s32 s10, $0x1;
	s10 =	sld [smem:$0x3FBA]  }
0x3d: {  	_ =	shalt  }
0x3e: {  	_ =	shalt  }
0x3f: {  	_ =	shalt  }
0x40: {  	_ =	shalt  }
0x41: {  	_ =	shalt  }
0x42: {  	_ =	shalt  }
0x43: {  	_ =	shalt  }
0x44: {  	_ =	shalt  }
0x45: {  	_ =	shalt  }
0x46: {  	_ =	shalt  }
0x47: {  	_ =	shalt  }
0x48: {  	_ =	shalt  }
0x49: {  	_ =	shalt  }
0x4a: {  	_ =	shalt  }
0x4b: {  	_ =	shalt  }
0x4c: {  	_ =	shalt  }
0x4d: {  	_ =	shalt  }
0x4e: {  	_ =	shalt  }
0x4f: {  	_ =	shalt  }
0x50: {  	_ =	shalt  }
0x51: {  	_ =	shalt  }
0x52: {  	_ =	shalt  }
0x53: {  	_ =	shalt  }
0x54: {  	_ =	shalt  }
0x55: {  	_ =	shalt  }
0x56: {  	_ =	shalt  }
0x57: {  	_ =	shalt  }
0x58: {  	_ =	shalt  }
0x59: {  	_ =	shalt  }
0x5a: {  	_ =	shalt  }
0x5b: {  	_ =	shalt  }
0x5c: {  	_ =	shalt  }
0x5d: {  	_ =	shalt  }
0x5e: {  	_ =	shalt  }
0x5f: {  	_ =	shalt  }
0x60: {  	_ =	shalt  }
0x61: {  	_ =	shalt  }
0x62: {  	_ =	shalt  }
0x63: {  	_ =	shalt  }
0x64: {  	_ =	shalt  }
0x65: {  	_ =	shalt  }
0x66: {  	_ =	shalt  }
0x67: {  	_ =	shalt  }
0x68: {  	_ =	shalt  }
0x69: {  	_ =	shalt  }
0x6a: {  	_ =	shalt  }
0x6b: {  	_ =	shalt  }
0x6c: {  	_ =	shalt  }
0x6d: {  	_ =	shalt  }
0x6e: {  	_ =	shalt  }
0x6f: {  	_ =	shalt  }
0x70: {  	_ =	shalt  }
0x71: {  	_ =	shalt  }
0x72: {  	_ =	shalt  }
0x73: {  	_ =	shalt  }
0x74: {  	_ =	shalt  }
0x75: {  	_ =	shalt  }
0x76: {  	_ =	shalt  }
0x77: {  	_ =	shalt  }
0x78: {  	_ =	shalt  }
0x79: {  	_ =	shalt  }
0x7a: {  	_ =	shalt  }
0x7b: {  	_ =	shalt  }
0x7c: {  	_ =	shalt  }
0x7d: {  	_ =	shalt  }
0x7e: {  	_ =	shalt  }
0x7f: {  	_ =	shalt  }
0x80: {  	_ =	shalt  }
0x81: {  	_ =	shalt  }
0x82: {  	_ =	shalt  }
0x83: {  	_ =	shalt  }
0x84: {  	_ =	shalt  }
0x85: {  	_ =	shalt  }
0x86: {  	_ =	shalt  }
0x87: {  	_ =	shalt  }
.Lfunc_end0:
.L_simem_size_0:
called_computation_lowered:
.L_overlay_start_0:
0x88: {  	s2 =	sld [smem:$0x3FD9]  }
0x89: {  	s3 =	sld [smem:$0x3FFE];
	_ =	sdelay $0x1  }
0x8a: {  	s1 =	srdreg.scid  }
0x8b: {  	s0 =	sand.u32 $0x1, s1  }
0x8c: {  	s17 =	sshll.u32 s0, $0xA;
	s2 =	sadd.s32 s3, s2  }
0x8d: {  	s2 =	sadd.s32 s2, s17  }
0x8e: {  	[smem:$0x3FC6] =	sst s2  }
0x8f: {  	_ = 	snop  }
0x90: {  	s2 =	sld [smem:$0x3FD0];
	(tm) =	ssettm $0x1  }
0x91: {  	s18 =	sld [smem:$0x3FFB];
	_ =	sdelay $0x3  }
0x92: {  	_ =	strace s18  }
0x93: {  	s3 =	sld [smem:$0x3FFC];
	_ =	sdelay $0x3  }
0x94: {  	_ =	strace s3  }
0x95: {  	s3 =	sld [smem:$0x3FFD];
	_ =	sdelay $0x3  }
0x96: {  	_ =	strace s3  }
0x97: {  	_ =	strace $0x8FFFFFFF  }
0x98: {  	s19 =	sld [smem:$0x3FDB];
	_ =	sdelay $0x1  }
0x99: {  	s4 =	simm.s32 $_scs_section_size  }
0x9a: {  	s5 =	simm.s32 $_size__tile_overlayer_lowered;
	s6 =	simm.s32 $_tile_overlayer_lowered  }
0x9b: {  	s22 =	simm.s32 $0x1BFF;
	s21 =	sshll.u32 s6, $0x1;
	s3 =	sadd.s32 s4, s19  }
0x9c: {  	s7 =	simm.s32 $0x0;
	s20 =	sshll.u32 s5, $0x1;
	s5 =	sadd.s32 s21, s3  }
0x9d: {  	[timem:s7], [sflag:s22] =	dma.local [hbm:s5], s20  }
0x9e: {  	_ =	swait.ge [sflag:s22], s20  }
0x9f: {  	s4 =	ssub.s32 $0x0, s20;
	[sflag:s22] =	ssyncset.done $0x0  }
0xa0: {  	[sflag:s22] =	ssyncadd.s32 s4;
	_ =	sdelay $0x1  }
0xa1: {  	s23 =	simm.s32 $0x1B8B  }
0xa2: {  	_ =	swait.ge [sflag:s23], $0x1  }
0xa3: {  	[sflag:s23] =	ssyncset.done $0x0  }
0xa4: {  	s25 =	simm.s32 $0x1B8E;
	s24 =	sld [smem:$0x3FFE];
	[sflag:s23] =	ssyncadd.s32 $0xFFFFFFFF  }
0xa5: {  	s26 =	simm.s32 $execute0_lowered;
	[smem:$0x3FD2] =	sst s25  }
0xa6: {  	s5 =	sshll.u32 s26, $0x1;
	_ =	strace $0x80000046;
	[dreg:$0x1] =	wrdreg $0xFFFFFFFF  }
0xa7: {  	s28 =	simm.s32 $_size_execute0_lowered;
	s3 =	sadd.s32 s3, s5;
	[dreg:$0x0] =	wrdreg $0x0  }
0xa8: {  	s5 =	sshll.u32 s28, $0x1;
	[dreg:$0x2] =	wrdreg s3  }
0xa9: {  	[dreg:$0x3] =	wrdreg s5  }
0xaa: {  	[dreg:$0x4] =	wrdreg $0xC0  }
0xab: {  	_ =	task [dreg:s7], $0x5FFFF  }
0xac: {  	[dreg:$0x1] =	wrdreg $0xFFFFFFFF  }
0xad: {  	[dreg:$0x0] =	wrdreg $0x60  }
0xae: {  	[dreg:$0x2] =	wrdreg s24  }
0xaf: {  	[dreg:$0x3] =	wrdreg s2  }
0xb0: {  	[dreg:$0x4] =	wrdreg $0x9  }
0xb1: {  	_ =	task.clear_ibuf [dreg:s7], $0x5FFFF;
	_ =	strace $0x90000046  }
0xb2: {  	s29 =	simm.s32 $0x9;
	_ =	strace $0x80000048  }
0xb3: {  	_ =	swait.ge [sflag:s29], $0x1  }
0xb4: {  	[sflag:s29] =	ssyncadd.s32 $0xFFFFFFFF  }
0xb5: {  	_ =	strace $0x90000048  }
0xb6: {  	_ =	sfence  }
0xb7: {  	s30 =	sld [smem:$0x0];
	_ =	sdelay $0x2  }
0xb8: {  	s31 =	sshll.u32 s1, $0xD;
	s1 =	sshrl.u32 s1, $0x2  }
0xb9: {  	s3 =	sand.u32 $0x4000, s31;
	s1 =	sadd.s32 s1, s30  }
0xba: {  	s0 =	sor.u32 s3, s0;
	s1 =	sshll.u32 s1, $0x11  }
0xbb: {  	s0 =	sor.u32 s1, s0  }
0xbc: {  	s0 =	sadd.s32 $0x8F2B, s0  }
0xbd: {  	[sflag:s0] =	ssyncadd.remote.s32 $0x1  }
0xbe: {  	_ =	sfence.sel $0xFFFF  }
0xbf: {  	[dreg:$0x0] =	wrdreg $0xFFFFFFFF;
	(pc) =	sbr.abs _section_cstart, $3  }
0xc0: {  	[dreg:$0x1] =	wrdreg $0xFFFFFFFF  }
0xc1: {  	_ =	task.clear_ibuf [dreg:s7], $0x2FFFF;
	_ =	strace $0x9FFFFFFF  }
0xc2: {  	(tm) =	ssettm $0x7FFFFFFF  }
0xc3: {  	_ =	shalt  }
tec
execute0_lowered:
.L_overlay_start_1:
0x0: {  	(tag) =	ssettag $0x1  }
0x1: {  	s0 =	srdreg.scid;
	s4 =	rddreg [dreg:$0x0]  }
0x2: {  	s1 =	stileid.u32;
	s2 =	rddreg [dreg:$0x1];
	s3 =	simm.s32 $0x0  }
0x3: {  	s28 =	simm.s32 $0x2;
	s0 =	sand.u32 $0x1, s0;
	s1 =	sshll.u32 s1, $0x1  }
0x4: {  	s29 =	simm.s32 $0x10600;
	s31 =	simm.s32 $0x3;
	s1 =	sor.u32 s0, s1  }
0x5: {  	s30 =	simm.s32 $0x5;
	s0 =	ssub.s32 $0x2, s0;
	s5 =	smul.u32 $0xC80, s1  }
0x6: {  	[smem:$0x7FF] =	sst s3;
	s6 =	smul.u32 $0x190000, s1;
	s12 =	sshrl.u32 s0, $0x1  }
0x7: {  	_ =	strace $0x80000047;
	s7 =	sshll.u32 s1, $0xD;
	s0 =	ssub.s32 s0, s12  }
0x8: {  	s8 =	sadd.s32 s5, s4;
	s11 =	sor.u32 s7, s6;
	s4 =	sadd.s32 $0x19400, s4  }
0x9: {  	s5 =	smul.u32 $0xC8, s1;
	s0 =	smax.u32 s0, $0x1;
	s6 =	sand.u32 $0x3FC6000, s11  }
0xa: {  	s14 =	sadd.s32 $0x400, s8;
	[dreg:$0xb] =	wrdreg s0;
	s0 =	simm.s32 $0x6  }
0xb: {  	s13 =	sshrl.u32 s6, $0x3;
	[dreg:$0x3] =	wrdreg s14;
	s16 =	sadd.s32 $0xC4, s5  }
0xc: {  	s19 =	sadd.s32 $0xC5, s5;
	s21 =	sadd.s32 $0xC6, s5;
	s23 =	sadd.s32 $0xC7, s5  }
0xd: {  	s7 =	sadd.s32 s2, s13;
	s18 =	sshll.u32 s16, $0xA;
	s9 =	sshll.u32 s19, $0x7  }
0xe: {  	s8 =	sshll.u32 s19, $0xA;
	s22 =	sshll.u32 s21, $0xA;
	s24 =	sshll.u32 s23, $0x7  }
0xf: {  	s19 =	simm.s32 $0x8400;
	s1 =	sadd.s32 $0x80, s7;
	s15 =	sadd.s32 $0x100, s7  }
0x10: {  	s17 =	sadd.s32 $0x180, s7;
	s6 =	sand.u32 $0xFF8000, s18;
	[dreg:$0x4] =	wrdreg s1  }
0x11: {  	s9 =	sand.u32 $0xE80, s9;
	s8 =	sand.u32 $0xFF8000, s8;
	[dreg:$0x5] =	wrdreg s15  }
0x12: {  	s18 =	simm.s32 $0x6400;
	[dreg:$0x6] =	wrdreg s17;
	s1 =	sshll.u32 s16, $0x7  }
0x13: {  	s9 =	sadd.s32 s2, s9;
	s17 =	simm.s32 $0x80;
	s1 =	sand.u32 $0xE00, s1  }
0x14: {  	s20 =	sadd.s32 s8, s9;
	s8 =	sshll.u32 s23, $0xA;
	s9 =	sand.u32 $0xF80, s24  }
0x15: {  	s23 =	simm.s32 $0xC400;
	s24 =	simm.s32 $0x1;
	s1 =	sadd.s32 s2, s1  }
0x16: {  	[dreg:$0x8] =	wrdreg s20;
	s25 =	sand.u32 $0xFF8000, s8;
	s1 =	sadd.s32 s6, s1  }
0x17: {  	s26 =	sadd.s32 s2, s9;
	[dreg:$0x7] =	wrdreg s1;
	s1 =	sshll.u32 s21, $0x7  }
0x18: {  	s20 =	simm.s32 $0x4;
	s9 =	simm.s32 $0x0;
	s1 =	sand.u32 $0xF00, s1  }
0x19: {  	v0 =	vlaneseq.u32;
	s6 =	sand.u32 $0xFF8000, s22;
	s22 =	simm.s32 $0x14A00;
	s1 =	sadd.s32 s2, s1  }
0x1a: {  	v0 =	vmul.u32 $0x88, v0;
	s21 =	simm.s32 $0xA400;
	s1 =	sadd.s32 s6, s1;
	s6 =	simm.s32 $0x8  }
0x1b: {  	[dreg:$0x9] =	wrdreg s1;
	s1 =	sadd.s32 s25, s26;
	s25 =	simm.s32 $0xE400  }
0x1c: {  	v1 =	vadd.s32 $0x880, v0;
	v2 =	vadd.s32 $0x1100, v0;
	v3 =	vadd.s32 $0x1980, v0;
	s26 =	simm.s32 $0x7;
	[dreg:$0xa] =	wrdreg s1;
	s1 =	simm.s32 $0x12800  }
.LBB2_1:
0x1d: {  	[dreg:$0xc] =	wrdreg s9  }
0x1e: {  	s8 =	rddreg [dreg:$0x3];
	s13 =	simm.s32 $0x9  }
0x1f: {  	[tilespmem:s3], [sflag:$0x9] =	stream.linear.gather [hbm4b:s8+s3], $0x6400, $0x38;
	[tilespmem:$0x16C00] =	vst v63  }
0x20: {  	_ =	swait.ge [sflag:s13], $0x6400  }
0x21: {  	[sflag:s13] =	ssyncset.done $0x0  }
0x22: {  	[sflag:s13] =	ssyncadd.s32 $0xFFFF9C00  }
0x23: {  	[tilespmem:s18], [sflag:$0x1] =	stream.indirect.gather [hbm4b:s4+s17], $0x40, s3, s17, $0xb8;
	[tilespmem:$0x16C00] =	vst v63  }
0x24: {  	_ = 	snop  }
0x25: {  	[tilespmem:s19], [sflag:$0x2] =	stream.indirect.gather [hbm4b:s4+s17], $0x40, s17, s17, $0xb8;
	[tilespmem:$0x16C00] =	vst v63  }
0x26: {  	s14 =	simm.s32 $0x100  }
0x27: {  	[tilespmem:s21], [sflag:$0x3] =	stream.indirect.gather [hbm4b:s4+s17], $0x40, s14, s17, $0xb8;
	[tilespmem:$0x16C00] =	vst v63  }
0x28: {  	s15 =	simm.s32 $0x180  }
0x29: {  	[tilespmem:s23], [sflag:$0x4] =	stream.indirect.gather [hbm4b:s4+s17], $0x40, s15, s17, $0xb8;
	[tilespmem:$0x16C00] =	vst v63  }
0x2a: {  	_ =	swait.ge [sflag:s24], $0x2000  }
0x2b: {  	[sflag:s24] =	ssyncset.done $0x0  }
0x2c: {  	s16 =	simm.s32 $0x0;
	[sflag:s24] =	ssyncadd.s32 $0xFFFFE000  }
0x2d: {  	v14 =	vld [tilespmem:s16+$0x6440]  }
0x2e: {  	v12 =	vld [tilespmem:s16+$0x6470]  }
0x2f: {  	v4 =	vld [tilespmem:s16+$0x64F0]  }
0x30: {  	v5 =	vld [tilespmem:s16+$0x64E0]  }
0x31: {  	v6 =	vld [tilespmem:s16+$0x64D0]  }
0x32: {  	v8 =	vld [tilespmem:s16+$0x64C0]  }
0x33: {  	v10 =	vld [tilespmem:s16+$0x64B0]  }
0x34: {  	v16 =	vld [tilespmem:s16+$0x6460]  }
0x35: {  	v7 =	vimm.s32 $0x0;
	v15 =	vld [tilespmem:s16+$0x6430]  }
0x36: {  	v9 =	vand.u32 $0xFFFFFFFC, v7;
	v21 =	vld [tilespmem:s16+$0x6420]  }
0x37: {  	v22 =	vadd.s32 v0, v9;
	v23 =	vld [tilespmem:s16+$0x6400]  }
0x38: {  	v25 =	vadd.s32 v1, v9;
	v24 =	vld [tilespmem:s16+$0x6410]  }
0x39: {  	v27 =	vadd.s32 v2, v9;
	v20 =	vld [tilespmem:s16+$0x6450]  }
0x3a: {  	v11 =	vimm.s32 $0x1;
	v29 =	vadd.s32 v3, v9;
	v17 =	vld [tilespmem:s16+$0x64A0]  }
0x3b: {  	v26 =	vadd.s32 v0, v11;
	v18 =	vld [tilespmem:s16+$0x6490]  }
0x3c: {  	v13 =	vimm.s32 $0x2;
	v19 =	vld [tilespmem:s16+$0x6480];
	[tilespmem:v22+s25+$0x0] =	vst.idx.msk $0xffff, v23;
	v23 =	vadd.s32 v1, v11  }
0x3d: {  	v28 =	vand.u32 $0xFFFFFFFE, v13;
	v22 =	vadd.s32 v2, v11;
	[tilespmem:v25+s25+$0x0] =	vst.idx.msk $0xffff, v24  }
0x3e: {  	v9 =	vimm.s32 $0x3;
	v24 =	vadd.s32 v3, v11;
	v25 =	vadd.s32 v0, v28;
	[tilespmem:v27+s25+$0x0] =	vst.idx.msk $0xffff, v21  }
0x3f: {  	s8 =	simm.s32 $0x400;
	v21 =	vadd.s32 v2, v28;
	v27 =	vadd.s32 v1, v28;
	[tilespmem:v29+s25+$0x0] =	vst.idx.msk $0xffff, v15;
	v15 =	vadd.s32 $0x4, v9  }
.LBB2_2:
0x40: {  	p0 =	sne.s32 s8, $0x7C00;
	[tilespmem:v26+s25+$0x0] =	vst.idx.msk $0xffff, v14;
	v7 =	vadd.s32 $0x4, v7;
	v11 =	vadd.s32 $0x4, v11;
	v13 =	vadd.s32 $0x4, v13;
	s9 =	smov.u32 s8;
	s8 =	sadd.s32 $0x400, s8  }
0x41: {  	v14 =	vadd.s32 v3, v28;
	[tilespmem:v23+s25+$0x0] =	vst.idx.msk $0xffff, v20  }
0x42: {  	[tilespmem:v22+s25+$0x0] =	vst.idx.msk $0xffff, v16;
	v16 =	vadd.s32 v0, v9  }
0x43: {  	[tilespmem:v24+s25+$0x0] =	vst.idx.msk $0xffff, v12;
	v12 =	vadd.s32 v1, v9  }
0x44: {  	[tilespmem:v25+s25+$0x0] =	vst.idx.msk $0xffff, v19;
	v19 =	vadd.s32 v2, v9  }
0x45: {  	[tilespmem:v27+s25+$0x0] =	vst.idx.msk $0xffff, v18;
	v18 =	vadd.s32 v3, v9;
	v9 =	vmov v15  }
0x46: {  	[tilespmem:v21+s25+$0x0] =	vst.idx.msk $0xffff, v17  }
0x47: {  	[tilespmem:v14+s25+$0x0] =	vst.idx.msk $0xffff, v10  }
0x48: {  	[tilespmem:v16+s25+$0x0] =	vst.idx.msk $0xffff, v8  }
0x49: {  	[tilespmem:v12+s25+$0x0] =	vst.idx.msk $0xffff, v6  }
0x4a: {  	[tilespmem:v19+s25+$0x0] =	vst.idx.msk $0xffff, v5  }
0x4b: {  	s9 =	sshra.s32 s9, $0x2;
	v6 =	vand.u32 $0xFFFFFFFC, v7;
	[tilespmem:v18+s25+$0x0] =	vst.idx.msk $0xffff, v4  }
0x4c: {  	v21 =	vadd.s32 v0, v6;
	v14 =	vld [tilespmem:s9+$0x6440]  }
0x4d: {  	v24 =	vadd.s32 v1, v6;
	v12 =	vld [tilespmem:s9+$0x6470]  }
0x4e: {  	v25 =	vadd.s32 v2, v6;
	v4 =	vld [tilespmem:s9+$0x64F0]  }
0x4f: {  	v27 =	vadd.s32 v3, v6;
	v5 =	vld [tilespmem:s9+$0x64E0]  }
0x50: {  	v6 =	vld [tilespmem:s9+$0x64D0]  }
0x51: {  	v8 =	vld [tilespmem:s9+$0x64C0]  }
0x52: {  	v10 =	vld [tilespmem:s9+$0x64B0]  }
0x53: {  	v16 =	vld [tilespmem:s9+$0x6460]  }
0x54: {  	v29 =	vld [tilespmem:s9+$0x6430]  }
0x55: {  	v30 =	vld [tilespmem:s9+$0x6420]  }
0x56: {  	v28 =	vld [tilespmem:s9+$0x6410]  }
0x57: {  	v22 =	vld [tilespmem:s9+$0x6400]  }
0x58: {  	v20 =	vld [tilespmem:s9+$0x6450]  }
0x59: {  	v17 =	vld [tilespmem:s9+$0x64A0]  }
0x5a: {  	v26 =	vadd.s32 v0, v11;
	v18 =	vld [tilespmem:s9+$0x6490]  }
.Ltmp0:
0x5b: {  	v23 =	vadd.s32 v1, v11;
	v19 =	vld [tilespmem:s9+$0x6480];
	(pc) =	sbr.rel @p0 .LBB2_2-.Ltmp0, $4  }
0x5c: {  	[tilespmem:v21+s25+$0x0] =	vst.idx.msk $0xffff, v22;
	v22 =	vadd.s32 v2, v11  }
0x5d: {  	[tilespmem:v24+s25+$0x0] =	vst.idx.msk $0xffff, v28;
	v24 =	vadd.s32 v3, v11;
	v28 =	vand.u32 $0xFFFFFFFE, v13  }
0x5e: {  	[tilespmem:v25+s25+$0x0] =	vst.idx.msk $0xffff, v30;
	v25 =	vadd.s32 v0, v28;
	v21 =	vadd.s32 v2, v28  }
0x5f: {  	v15 =	vadd.s32 $0x4, v15;
	[tilespmem:v27+s25+$0x0] =	vst.idx.msk $0xffff, v29;
	v27 =	vadd.s32 v1, v28  }
0x60: {  	_ =	sdelay $0x3  }
0x61: {  	[tilespmem:v26+s25+$0x0] =	vst.idx.msk $0xffff, v14  }
0x62: {  	[tilespmem:v23+s25+$0x0] =	vst.idx.msk $0xffff, v20  }
0x63: {  	v7 =	vadd.s32 v3, v28;
	[tilespmem:v22+s25+$0x0] =	vst.idx.msk $0xffff, v16  }
0x64: {  	v11 =	vadd.s32 v0, v9;
	[tilespmem:v24+s25+$0x0] =	vst.idx.msk $0xffff, v12  }
0x65: {  	v62 =	vadd.s32 v1, v9;
	[tilespmem:v25+s25+$0x0] =	vst.idx.msk $0xffff, v19  }
0x66: {  	v13 =	vadd.s32 v2, v9;
	[tilespmem:v27+s25+$0x0] =	vst.idx.msk $0xffff, v18  }
0x67: {  	v63 =	vadd.s32 v3, v9;
	[tilespmem:v21+s25+$0x0] =	vst.idx.msk $0xffff, v17  }
0x68: {  	[tilespmem:v7+s25+$0x0] =	vst.idx.msk $0xffff, v10  }
0x69: {  	[tilespmem:v11+s25+$0x0] =	vst.idx.msk $0xffff, v8  }
0x6a: {  	[tilespmem:v62+s25+$0x0] =	vst.idx.msk $0xffff, v6  }
0x6b: {  	[tilespmem:v13+s25+$0x0] =	vst.idx.msk $0xffff, v5  }
0x6c: {  	s8 =	simm.s32 $0xE400;
	[tilespmem:v63+s25+$0x0] =	vst.idx.msk $0xffff, v4  }
0x6d: {  	[hbm4b:s7+s3] =	stream.linear.scatter [tilespmem:s8], [sflag:$0x5], $0x80, $0x38;
	[tilespmem:$0x16C00] =	vst v63  }
0x6e: {  	s14 =	simm.s32 $0xE488;
	s9 =	sadd.s32 $0x10, s7  }
0x6f: {  	[hbm4b:s9+s3] =	stream.linear.scatter [tilespmem:s14], [sflag:$0x5], $0x80, $0x38;
	[tilespmem:$0x16C00] =	vst v63  }
0x70: {  	s15 =	simm.s32 $0xE510;
	s16 =	sadd.s32 $0x20, s7;
	s10 =	sadd.s32 $0x30, s7  }
0x71: {  	[hbm4b:s16+s3] =	stream.linear.scatter [tilespmem:s15], [sflag:$0x5], $0x80, $0x38;
	[tilespmem:$0x16C00] =	vst v63  }
0x72: {  	s11 =	simm.s32 $0xE620;
	s12 =	sadd.s32 $0x40, s7;
	s9 =	simm.s32 $0xE598  }
0x73: {  	[hbm4b:s10+s3] =	stream.linear.scatter [tilespmem:s9], [sflag:$0x5], $0x80, $0x38;
	[tilespmem:$0x16C00] =	vst v63  }
0x74: {  	s13 =	simm.s32 $0xE6A8;
	s8 =	simm.s32 $0x440;
	s14 =	sadd.s32 $0x50, s7  }
0x75: {  	[hbm4b:s12+s3] =	stream.linear.scatter [tilespmem:s11], [sflag:$0x5], $0x80, $0x38;
	[tilespmem:$0x16C00] =	vst v63  }
0x76: {  	s15 =	simm.s32 $0xE730;
	s16 =	sadd.s32 $0x60, s7;
	s10 =	simm.s32 $0x2200  }
0x77: {  	[hbm4b:s14+s3] =	stream.linear.scatter [tilespmem:s13], [sflag:$0x5], $0x80, $0x38;
	[tilespmem:$0x16C00] =	vst v63  }
0x78: {  	s9 =	sadd.s32 $0x1000, s7;
	s11 =	simm.s32 $0xE7B8;
	s12 =	sadd.s32 $0x70, s7  }
0x79: {  	[hbm4b:s16+s3] =	stream.linear.scatter [tilespmem:s15], [sflag:$0x5], $0x80, $0x38;
	[tilespmem:$0x16C00] =	vst v63  }
.LBB2_4:
0x7a: {  	[hbm4b:s12+s3] =	stream.linear.scatter [tilespmem:s11], [sflag:$0x5], $0x80, $0x38;
	[tilespmem:$0x16C00] =	vst v63  }
0x7b: {  	s11 =	smov.u32 s8;
	s8 =	smov.u32 s10  }
0x7c: {  	s13 =	sadd.s32 $0x1100, s10;
	s8 =	sshra.s32 s8, $0x2;
	s12 =	sadd.s32 $0xE400, s11  }
0x7d: {  	[hbm4b:s9+s3] =	stream.linear.scatter [tilespmem:s12], [sflag:$0x5], $0x80, $0x38;
	[tilespmem:$0x16C00] =	vst v63  }
0x7e: {  	p0 =	sne.s32 s10, $0x7700;
	s10 =	sadd.s32 $0xE488, s11;
	s12 =	sadd.s32 $0x10, s9  }
0x7f: {  	[hbm4b:s12+s3] =	stream.linear.scatter [tilespmem:s10], [sflag:$0x5], $0x80, $0x38;
	[tilespmem:$0x16C00] =	vst v63  }
0x80: {  	s10 =	sadd.s32 $0xE510, s11;
	s12 =	sadd.s32 $0x20, s9  }
0x81: {  	[hbm4b:s12+s3] =	stream.linear.scatter [tilespmem:s10], [sflag:$0x5], $0x80, $0x38;
	[tilespmem:$0x16C00] =	vst v63  }
0x82: {  	s10 =	sadd.s32 $0xE598, s11;
	s12 =	sadd.s32 $0x30, s9  }
0x83: {  	[hbm4b:s12+s3] =	stream.linear.scatter [tilespmem:s10], [sflag:$0x5], $0x80, $0x38;
	[tilespmem:$0x16C00] =	vst v63  }
0x84: {  	s10 =	sadd.s32 $0xE620, s11;
	s12 =	sadd.s32 $0x40, s9  }
0x85: {  	[hbm4b:s12+s3] =	stream.linear.scatter [tilespmem:s10], [sflag:$0x5], $0x80, $0x38;
	[tilespmem:$0x16C00] =	vst v63  }
.Ltmp1:
0x86: {  	s10 =	sadd.s32 $0xE6A8, s11;
	s12 =	sadd.s32 $0x50, s9;
	(pc) =	sbr.rel @p0 .LBB2_4-.Ltmp1, $4  }
0x87: {  	[hbm4b:s12+s3] =	stream.linear.scatter [tilespmem:s10], [sflag:$0x5], $0x80, $0x38;
	[tilespmem:$0x16C00] =	vst v63  }
0x88: {  	s10 =	sadd.s32 $0xE730, s11;
	s12 =	sadd.s32 $0x60, s9;
	s11 =	sadd.s32 $0xE7B8, s11  }
0x89: {  	[hbm4b:s12+s3] =	stream.linear.scatter [tilespmem:s10], [sflag:$0x5], $0x80, $0x38;
	[tilespmem:$0x16C00] =	vst v63  }
0x8a: {  	s12 =	sadd.s32 $0x70, s9;
	s9 =	sadd.s32 $0x1000, s9;
	s10 =	smov.u32 s13  }
0x8b: {  	[hbm4b:s12+s3] =	stream.linear.scatter [tilespmem:s11], [sflag:$0x5], $0x80, $0x38;
	[tilespmem:$0x16C00] =	vst v63  }
0x8c: {  	s10 =	sadd.s32 $0xE400, s8  }
0x8d: {  	[hbm4b:s9+s3] =	stream.linear.scatter [tilespmem:s10], [sflag:$0x5], $0x80, $0x38;
	[tilespmem:$0x16C00] =	vst v63  }
0x8e: {  	s13 =	sadd.s32 $0xE488, s8;
	s14 =	sadd.s32 $0x10, s9  }
0x8f: {  	[hbm4b:s14+s3] =	stream.linear.scatter [tilespmem:s13], [sflag:$0x5], $0x80, $0x38;
	[tilespmem:$0x16C00] =	vst v63  }
0x90: {  	s15 =	sadd.s32 $0xE510, s8;
	s16 =	sadd.s32 $0x20, s9  }
0x91: {  	[hbm4b:s16+s3] =	stream.linear.scatter [tilespmem:s15], [sflag:$0x5], $0x80, $0x38;
	[tilespmem:$0x16C00] =	vst v63  }
0x92: {  	s11 =	sadd.s32 $0xE598, s8;
	s12 =	sadd.s32 $0x30, s9  }
0x93: {  	[hbm4b:s12+s3] =	stream.linear.scatter [tilespmem:s11], [sflag:$0x5], $0x80, $0x38;
	[tilespmem:$0x16C00] =	vst v63  }
0x94: {  	s13 =	sadd.s32 $0xE620, s8;
	s14 =	sadd.s32 $0x40, s9  }
0x95: {  	[hbm4b:s14+s3] =	stream.linear.scatter [tilespmem:s13], [sflag:$0x5], $0x80, $0x38;
	[tilespmem:$0x16C00] =	vst v63  }
0x96: {  	s15 =	sadd.s32 $0xE6A8, s8;
	s16 =	sadd.s32 $0x50, s9  }
0x97: {  	[hbm4b:s16+s3] =	stream.linear.scatter [tilespmem:s15], [sflag:$0x5], $0x80, $0x38;
	[tilespmem:$0x16C00] =	vst v63  }
0x98: {  	s11 =	sadd.s32 $0xE730, s8;
	s12 =	sadd.s32 $0x60, s9  }
0x99: {  	[hbm4b:s12+s3] =	stream.linear.scatter [tilespmem:s11], [sflag:$0x5], $0x80, $0x38;
	[tilespmem:$0x16C00] =	vst v63  }
0x9a: {  	s13 =	sadd.s32 $0xE7B8, s8;
	s14 =	sadd.s32 $0x70, s9  }
0x9b: {  	[hbm4b:s14+s3] =	stream.linear.scatter [tilespmem:s13], [sflag:$0x5], $0x80, $0x38;
	[tilespmem:$0x16C00] =	vst v63  }
0x9c: {  	s15 =	simm.s32 $0x200  }
0x9d: {  	[tilespmem:s18], [sflag:$0x1] =	stream.indirect.gather [hbm4b:s4+s17], $0x40, s15, s17, $0xb8;
	[tilespmem:$0x16C00] =	vst v63  }
0x9e: {  	_ =	swait.ge [sflag:s28], $0x2000  }
0x9f: {  	[sflag:s28] =	ssyncset.done $0x0  }
0xa0: {  	s16 =	simm.s32 $0x0;
	[sflag:s28] =	ssyncadd.s32 $0xFFFFE000  }
0xa1: {  	v14 =	vld [tilespmem:s16+$0x8440]  }
0xa2: {  	v12 =	vld [tilespmem:s16+$0x8470]  }
0xa3: {  	v4 =	vld [tilespmem:s16+$0x84F0]  }
0xa4: {  	v5 =	vld [tilespmem:s16+$0x84E0]  }
0xa5: {  	v6 =	vld [tilespmem:s16+$0x84D0]  }
0xa6: {  	v8 =	vld [tilespmem:s16+$0x84C0]  }
0xa7: {  	v10 =	vld [tilespmem:s16+$0x84B0]  }
0xa8: {  	v16 =	vld [tilespmem:s16+$0x8460]  }
0xa9: {  	v7 =	vimm.s32 $0x0;
	v15 =	vld [tilespmem:s16+$0x8430]  }
0xaa: {  	v9 =	vand.u32 $0xFFFFFFFC, v7;
	v21 =	vld [tilespmem:s16+$0x8420]  }
0xab: {  	v22 =	vadd.s32 v0, v9;
	v23 =	vld [tilespmem:s16+$0x8400]  }
0xac: {  	v25 =	vadd.s32 v1, v9;
	v24 =	vld [tilespmem:s16+$0x8410]  }
0xad: {  	v27 =	vadd.s32 v2, v9;
	v20 =	vld [tilespmem:s16+$0x8450]  }
0xae: {  	v11 =	vimm.s32 $0x1;
	v29 =	vadd.s32 v3, v9;
	v17 =	vld [tilespmem:s16+$0x84A0]  }
0xaf: {  	v26 =	vadd.s32 v0, v11;
	v18 =	vld [tilespmem:s16+$0x8490]  }
0xb0: {  	v13 =	vimm.s32 $0x2;
	v19 =	vld [tilespmem:s16+$0x8480];
	[tilespmem:v22+s29+$0x0] =	vst.idx.msk $0xffff, v23;
	v23 =	vadd.s32 v1, v11  }
0xb1: {  	v28 =	vand.u32 $0xFFFFFFFE, v13;
	v22 =	vadd.s32 v2, v11;
	[tilespmem:v25+s29+$0x0] =	vst.idx.msk $0xffff, v24  }
0xb2: {  	v9 =	vimm.s32 $0x3;
	v24 =	vadd.s32 v3, v11;
	v25 =	vadd.s32 v0, v28;
	[tilespmem:v27+s29+$0x0] =	vst.idx.msk $0xffff, v21  }
0xb3: {  	s8 =	simm.s32 $0x400;
	v21 =	vadd.s32 v2, v28;
	v27 =	vadd.s32 v1, v28;
	[tilespmem:v29+s29+$0x0] =	vst.idx.msk $0xffff, v15;
	v15 =	vadd.s32 $0x4, v9  }
.LBB2_6:
0xb4: {  	p0 =	sne.s32 s8, $0x7C00;
	[tilespmem:v26+s29+$0x0] =	vst.idx.msk $0xffff, v14;
	v7 =	vadd.s32 $0x4, v7;
	v11 =	vadd.s32 $0x4, v11;
	v13 =	vadd.s32 $0x4, v13;
	s9 =	smov.u32 s8;
	s8 =	sadd.s32 $0x400, s8  }
0xb5: {  	v14 =	vadd.s32 v3, v28;
	[tilespmem:v23+s29+$0x0] =	vst.idx.msk $0xffff, v20  }
0xb6: {  	[tilespmem:v22+s29+$0x0] =	vst.idx.msk $0xffff, v16;
	v16 =	vadd.s32 v0, v9  }
0xb7: {  	[tilespmem:v24+s29+$0x0] =	vst.idx.msk $0xffff, v12;
	v12 =	vadd.s32 v1, v9  }
0xb8: {  	[tilespmem:v25+s29+$0x0] =	vst.idx.msk $0xffff, v19;
	v19 =	vadd.s32 v2, v9  }
0xb9: {  	[tilespmem:v27+s29+$0x0] =	vst.idx.msk $0xffff, v18;
	v18 =	vadd.s32 v3, v9;
	v9 =	vmov v15  }
0xba: {  	[tilespmem:v21+s29+$0x0] =	vst.idx.msk $0xffff, v17  }
0xbb: {  	[tilespmem:v14+s29+$0x0] =	vst.idx.msk $0xffff, v10  }
0xbc: {  	[tilespmem:v16+s29+$0x0] =	vst.idx.msk $0xffff, v8  }
0xbd: {  	[tilespmem:v12+s29+$0x0] =	vst.idx.msk $0xffff, v6  }
0xbe: {  	[tilespmem:v19+s29+$0x0] =	vst.idx.msk $0xffff, v5  }
0xbf: {  	s9 =	sshra.s32 s9, $0x2;
	v6 =	vand.u32 $0xFFFFFFFC, v7;
	[tilespmem:v18+s29+$0x0] =	vst.idx.msk $0xffff, v4  }
0xc0: {  	v21 =	vadd.s32 v0, v6;
	v14 =	vld [tilespmem:s9+$0x8440]  }
0xc1: {  	v24 =	vadd.s32 v1, v6;
	v12 =	vld [tilespmem:s9+$0x8470]  }
0xc2: {  	v25 =	vadd.s32 v2, v6;
	v4 =	vld [tilespmem:s9+$0x84F0]  }
0xc3: {  	v27 =	vadd.s32 v3, v6;
	v5 =	vld [tilespmem:s9+$0x84E0]  }
0xc4: {  	v6 =	vld [tilespmem:s9+$0x84D0]  }
0xc5: {  	v8 =	vld [tilespmem:s9+$0x84C0]  }
0xc6: {  	v10 =	vld [tilespmem:s9+$0x84B0]  }
0xc7: {  	v16 =	vld [tilespmem:s9+$0x8460]  }
0xc8: {  	v29 =	vld [tilespmem:s9+$0x8430]  }
0xc9: {  	v30 =	vld [tilespmem:s9+$0x8420]  }
0xca: {  	v28 =	vld [tilespmem:s9+$0x8410]  }
0xcb: {  	v22 =	vld [tilespmem:s9+$0x8400]  }
0xcc: {  	v20 =	vld [tilespmem:s9+$0x8450]  }
0xcd: {  	v17 =	vld [tilespmem:s9+$0x84A0]  }
0xce: {  	v26 =	vadd.s32 v0, v11;
	v18 =	vld [tilespmem:s9+$0x8490]  }
.Ltmp2:
0xcf: {  	v23 =	vadd.s32 v1, v11;
	v19 =	vld [tilespmem:s9+$0x8480];
	(pc) =	sbr.rel @p0 .LBB2_6-.Ltmp2, $4  }
0xd0: {  	[tilespmem:v21+s29+$0x0] =	vst.idx.msk $0xffff, v22;
	v22 =	vadd.s32 v2, v11  }
0xd1: {  	[tilespmem:v24+s29+$0x0] =	vst.idx.msk $0xffff, v28;
	v24 =	vadd.s32 v3, v11;
	v28 =	vand.u32 $0xFFFFFFFE, v13  }
0xd2: {  	[tilespmem:v25+s29+$0x0] =	vst.idx.msk $0xffff, v30;
	v25 =	vadd.s32 v0, v28;
	v21 =	vadd.s32 v2, v28  }
0xd3: {  	v15 =	vadd.s32 $0x4, v15;
	[tilespmem:v27+s29+$0x0] =	vst.idx.msk $0xffff, v29;
	v27 =	vadd.s32 v1, v28  }
0xd4: {  	_ =	sdelay $0x3  }
0xd5: {  	[tilespmem:v26+s29+$0x0] =	vst.idx.msk $0xffff, v14  }
0xd6: {  	[tilespmem:v23+s29+$0x0] =	vst.idx.msk $0xffff, v20  }
0xd7: {  	v7 =	vadd.s32 v3, v28;
	[tilespmem:v22+s29+$0x0] =	vst.idx.msk $0xffff, v16  }
0xd8: {  	v11 =	vadd.s32 v0, v9;
	[tilespmem:v24+s29+$0x0] =	vst.idx.msk $0xffff, v12  }
0xd9: {  	v62 =	vadd.s32 v1, v9;
	[tilespmem:v25+s29+$0x0] =	vst.idx.msk $0xffff, v19  }
0xda: {  	v13 =	vadd.s32 v2, v9;
	[tilespmem:v27+s29+$0x0] =	vst.idx.msk $0xffff, v18  }
0xdb: {  	v63 =	vadd.s32 v3, v9;
	[tilespmem:v21+s29+$0x0] =	vst.idx.msk $0xffff, v17  }
0xdc: {  	[tilespmem:v7+s29+$0x0] =	vst.idx.msk $0xffff, v10  }
0xdd: {  	[tilespmem:v11+s29+$0x0] =	vst.idx.msk $0xffff, v8  }
0xde: {  	[tilespmem:v62+s29+$0x0] =	vst.idx.msk $0xffff, v6  }
0xdf: {  	[tilespmem:v13+s29+$0x0] =	vst.idx.msk $0xffff, v5  }
0xe0: {  	s8 =	simm.s32 $0x10600;
	s13 =	rddreg [dreg:$0x4];
	[tilespmem:v63+s29+$0x0] =	vst.idx.msk $0xffff, v4  }
0xe1: {  	[hbm4b:s13+s3] =	stream.linear.scatter [tilespmem:s8], [sflag:$0x6], $0x80, $0x38;
	[tilespmem:$0x16C00] =	vst v63  }
0xe2: {  	s11 =	simm.s32 $0x10688;
	s9 =	sadd.s32 $0x10, s13  }
0xe3: {  	[hbm4b:s9+s3] =	stream.linear.scatter [tilespmem:s11], [sflag:$0x6], $0x80, $0x38;
	[tilespmem:$0x16C00] =	vst v63  }
0xe4: {  	s12 =	simm.s32 $0x10710;
	s15 =	simm.s32 $0x10798;
	s14 =	sadd.s32 $0x20, s13  }
0xe5: {  	[hbm4b:s14+s3] =	stream.linear.scatter [tilespmem:s12], [sflag:$0x6], $0x80, $0x38;
	[tilespmem:$0x16C00] =	vst v63  }
0xe6: {  	s10 =	simm.s32 $0x10820;
	s16 =	sadd.s32 $0x30, s13;
	s8 =	simm.s32 $0x440  }
0xe7: {  	[hbm4b:s16+s3] =	stream.linear.scatter [tilespmem:s15], [sflag:$0x6], $0x80, $0x38;
	[tilespmem:$0x16C00] =	vst v63  }
0xe8: {  	s11 =	sadd.s32 $0x40, s13;
	s9 =	sadd.s32 $0x1000, s13;
	s12 =	simm.s32 $0x108A8  }
0xe9: {  	[hbm4b:s11+s3] =	stream.linear.scatter [tilespmem:s10], [sflag:$0x6], $0x80, $0x38;
	[tilespmem:$0x16C00] =	vst v63  }
0xea: {  	s14 =	sadd.s32 $0x50, s13;
	s15 =	simm.s32 $0x10930;
	s16 =	sadd.s32 $0x60, s13  }
0xeb: {  	[hbm4b:s14+s3] =	stream.linear.scatter [tilespmem:s12], [sflag:$0x6], $0x80, $0x38;
	[tilespmem:$0x16C00] =	vst v63  }
0xec: {  	s10 =	simm.s32 $0x2200;
	s11 =	simm.s32 $0x109B8;
	s12 =	sadd.s32 $0x70, s13  }
0xed: {  	[hbm4b:s16+s3] =	stream.linear.scatter [tilespmem:s15], [sflag:$0x6], $0x80, $0x38;
	[tilespmem:$0x16C00] =	vst v63  }
.LBB2_8:
0xee: {  	[hbm4b:s12+s3] =	stream.linear.scatter [tilespmem:s11], [sflag:$0x6], $0x80, $0x38;
	[tilespmem:$0x16C00] =	vst v63  }
0xef: {  	s11 =	smov.u32 s8;
	s8 =	smov.u32 s10  }
0xf0: {  	s13 =	sadd.s32 $0x1100, s10;
	s8 =	sshra.s32 s8, $0x2;
	s12 =	sadd.s32 $0x10600, s11  }
0xf1: {  	[hbm4b:s9+s3] =	stream.linear.scatter [tilespmem:s12], [sflag:$0x6], $0x80, $0x38;
	[tilespmem:$0x16C00] =	vst v63  }
0xf2: {  	p0 =	sne.s32 s10, $0x7700;
	s10 =	sadd.s32 $0x10688, s11;
	s12 =	sadd.s32 $0x10, s9  }
0xf3: {  	[hbm4b:s12+s3] =	stream.linear.scatter [tilespmem:s10], [sflag:$0x6], $0x80, $0x38;
	[tilespmem:$0x16C00] =	vst v63  }
0xf4: {  	s10 =	sadd.s32 $0x10710, s11;
	s12 =	sadd.s32 $0x20, s9  }
0xf5: {  	[hbm4b:s12+s3] =	stream.linear.scatter [tilespmem:s10], [sflag:$0x6], $0x80, $0x38;
	[tilespmem:$0x16C00] =	vst v63  }
0xf6: {  	s10 =	sadd.s32 $0x10798, s11;
	s12 =	sadd.s32 $0x30, s9  }
0xf7: {  	[hbm4b:s12+s3] =	stream.linear.scatter [tilespmem:s10], [sflag:$0x6], $0x80, $0x38;
	[tilespmem:$0x16C00] =	vst v63  }
0xf8: {  	s10 =	sadd.s32 $0x10820, s11;
	s12 =	sadd.s32 $0x40, s9  }
0xf9: {  	[hbm4b:s12+s3] =	stream.linear.scatter [tilespmem:s10], [sflag:$0x6], $0x80, $0x38;
	[tilespmem:$0x16C00] =	vst v63  }
.Ltmp3:
0xfa: {  	s10 =	sadd.s32 $0x108A8, s11;
	s12 =	sadd.s32 $0x50, s9;
	(pc) =	sbr.rel @p0 .LBB2_8-.Ltmp3, $4  }
0xfb: {  	[hbm4b:s12+s3] =	stream.linear.scatter [tilespmem:s10], [sflag:$0x6], $0x80, $0x38;
	[tilespmem:$0x16C00] =	vst v63  }
0xfc: {  	s10 =	sadd.s32 $0x10930, s11;
	s12 =	sadd.s32 $0x60, s9;
	s11 =	sadd.s32 $0x109B8, s11  }
0xfd: {  	[hbm4b:s12+s3] =	stream.linear.scatter [tilespmem:s10], [sflag:$0x6], $0x80, $0x38;
	[tilespmem:$0x16C00] =	vst v63  }
0xfe: {  	s12 =	sadd.s32 $0x70, s9;
	s9 =	sadd.s32 $0x1000, s9;
	s10 =	smov.u32 s13  }
0xff: {  	[hbm4b:s12+s3] =	stream.linear.scatter [tilespmem:s11], [sflag:$0x6], $0x80, $0x38;
	[tilespmem:$0x16C00] =	vst v63  }
0x100: {  	s10 =	sadd.s32 $0x10600, s8  }
0x101: {  	[hbm4b:s9+s3] =	stream.linear.scatter [tilespmem:s10], [sflag:$0x6], $0x80, $0x38;
	[tilespmem:$0x16C00] =	vst v63  }
0x102: {  	s13 =	sadd.s32 $0x10688, s8;
	s14 =	sadd.s32 $0x10, s9  }
0x103: {  	[hbm4b:s14+s3] =	stream.linear.scatter [tilespmem:s13], [sflag:$0x6], $0x80, $0x38;
	[tilespmem:$0x16C00] =	vst v63  }
0x104: {  	s15 =	sadd.s32 $0x10710, s8;
	s16 =	sadd.s32 $0x20, s9  }
0x105: {  	[hbm4b:s16+s3] =	stream.linear.scatter [tilespmem:s15], [sflag:$0x6], $0x80, $0x38;
	[tilespmem:$0x16C00] =	vst v63  }
0x106: {  	s11 =	sadd.s32 $0x10798, s8;
	s12 =	sadd.s32 $0x30, s9  }
0x107: {  	[hbm4b:s12+s3] =	stream.linear.scatter [tilespmem:s11], [sflag:$0x6], $0x80, $0x38;
	[tilespmem:$0x16C00] =	vst v63  }
0x108: {  	s13 =	sadd.s32 $0x10820, s8;
	s14 =	sadd.s32 $0x40, s9  }
0x109: {  	[hbm4b:s14+s3] =	stream.linear.scatter [tilespmem:s13], [sflag:$0x6], $0x80, $0x38;
	[tilespmem:$0x16C00] =	vst v63  }
0x10a: {  	s15 =	sadd.s32 $0x108A8, s8;
	s16 =	sadd.s32 $0x50, s9  }
0x10b: {  	[hbm4b:s16+s3] =	stream.linear.scatter [tilespmem:s15], [sflag:$0x6], $0x80, $0x38;
	[tilespmem:$0x16C00] =	vst v63  }
0x10c: {  	s11 =	sadd.s32 $0x10930, s8;
	s12 =	sadd.s32 $0x60, s9  }
0x10d: {  	[hbm4b:s12+s3] =	stream.linear.scatter [tilespmem:s11], [sflag:$0x6], $0x80, $0x38;
	[tilespmem:$0x16C00] =	vst v63  }
0x10e: {  	s13 =	sadd.s32 $0x109B8, s8;
	s14 =	sadd.s32 $0x70, s9  }
0x10f: {  	[hbm4b:s14+s3] =	stream.linear.scatter [tilespmem:s13], [sflag:$0x6], $0x80, $0x38;
	[tilespmem:$0x16C00] =	vst v63  }
0x110: {  	s15 =	simm.s32 $0x280  }
0x111: {  	[tilespmem:s19], [sflag:$0x2] =	stream.indirect.gather [hbm4b:s4+s17], $0x40, s15, s17, $0xb8;
	[tilespmem:$0x16C00] =	vst v63  }
0x112: {  	_ =	swait.ge [sflag:s31], $0x2000  }
0x113: {  	[sflag:s31] =	ssyncset.done $0x0  }
0x114: {  	s16 =	simm.s32 $0x0;
	[sflag:s31] =	ssyncadd.s32 $0xFFFFE000  }
0x115: {  	v14 =	vld [tilespmem:s16+$0xA440]  }
0x116: {  	v12 =	vld [tilespmem:s16+$0xA470]  }
0x117: {  	v4 =	vld [tilespmem:s16+$0xA4F0]  }
0x118: {  	v5 =	vld [tilespmem:s16+$0xA4E0]  }
0x119: {  	v6 =	vld [tilespmem:s16+$0xA4D0]  }
0x11a: {  	v8 =	vld [tilespmem:s16+$0xA4C0]  }
0x11b: {  	v10 =	vld [tilespmem:s16+$0xA4B0]  }
0x11c: {  	v16 =	vld [tilespmem:s16+$0xA460]  }
0x11d: {  	v7 =	vimm.s32 $0x0;
	v15 =	vld [tilespmem:s16+$0xA430]  }
0x11e: {  	v9 =	vand.u32 $0xFFFFFFFC, v7;
	v21 =	vld [tilespmem:s16+$0xA420]  }
0x11f: {  	v22 =	vadd.s32 v0, v9;
	v23 =	vld [tilespmem:s16+$0xA400]  }
0x120: {  	v25 =	vadd.s32 v1, v9;
	v24 =	vld [tilespmem:s16+$0xA410]  }
0x121: {  	v27 =	vadd.s32 v2, v9;
	v20 =	vld [tilespmem:s16+$0xA450]  }
0x122: {  	v11 =	vimm.s32 $0x1;
	v29 =	vadd.s32 v3, v9;
	v17 =	vld [tilespmem:s16+$0xA4A0]  }
0x123: {  	v26 =	vadd.s32 v0, v11;
	v18 =	vld [tilespmem:s16+$0xA490]  }
0x124: {  	v13 =	vimm.s32 $0x2;
	v19 =	vld [tilespmem:s16+$0xA480];
	[tilespmem:v22+s1+$0x0] =	vst.idx.msk $0xffff, v23;
	v23 =	vadd.s32 v1, v11  }
0x125: {  	v28 =	vand.u32 $0xFFFFFFFE, v13;
	v22 =	vadd.s32 v2, v11;
	[tilespmem:v25+s1+$0x0] =	vst.idx.msk $0xffff, v24  }
0x126: {  	v9 =	vimm.s32 $0x3;
	v24 =	vadd.s32 v3, v11;
	v25 =	vadd.s32 v0, v28;
	[tilespmem:v27+s1+$0x0] =	vst.idx.msk $0xffff, v21  }
0x127: {  	s8 =	simm.s32 $0x400;
	v21 =	vadd.s32 v2, v28;
	v27 =	vadd.s32 v1, v28;
	[tilespmem:v29+s1+$0x0] =	vst.idx.msk $0xffff, v15;
	v15 =	vadd.s32 $0x4, v9  }
.LBB2_10:
0x128: {  	p0 =	sne.s32 s8, $0x7C00;
	[tilespmem:v26+s1+$0x0] =	vst.idx.msk $0xffff, v14;
	v7 =	vadd.s32 $0x4, v7;
	v11 =	vadd.s32 $0x4, v11;
	v13 =	vadd.s32 $0x4, v13;
	s9 =	smov.u32 s8;
	s8 =	sadd.s32 $0x400, s8  }
0x129: {  	v14 =	vadd.s32 v3, v28;
	[tilespmem:v23+s1+$0x0] =	vst.idx.msk $0xffff, v20  }
0x12a: {  	[tilespmem:v22+s1+$0x0] =	vst.idx.msk $0xffff, v16;
	v16 =	vadd.s32 v0, v9  }
0x12b: {  	[tilespmem:v24+s1+$0x0] =	vst.idx.msk $0xffff, v12;
	v12 =	vadd.s32 v1, v9  }
0x12c: {  	[tilespmem:v25+s1+$0x0] =	vst.idx.msk $0xffff, v19;
	v19 =	vadd.s32 v2, v9  }
0x12d: {  	[tilespmem:v27+s1+$0x0] =	vst.idx.msk $0xffff, v18;
	v18 =	vadd.s32 v3, v9;
	v9 =	vmov v15  }
0x12e: {  	[tilespmem:v21+s1+$0x0] =	vst.idx.msk $0xffff, v17  }
0x12f: {  	[tilespmem:v14+s1+$0x0] =	vst.idx.msk $0xffff, v10  }
0x130: {  	[tilespmem:v16+s1+$0x0] =	vst.idx.msk $0xffff, v8  }
0x131: {  	[tilespmem:v12+s1+$0x0] =	vst.idx.msk $0xffff, v6  }
0x132: {  	[tilespmem:v19+s1+$0x0] =	vst.idx.msk $0xffff, v5  }
0x133: {  	s9 =	sshra.s32 s9, $0x2;
	v6 =	vand.u32 $0xFFFFFFFC, v7;
	[tilespmem:v18+s1+$0x0] =	vst.idx.msk $0xffff, v4  }
0x134: {  	v21 =	vadd.s32 v0, v6;
	v14 =	vld [tilespmem:s9+$0xA440]  }
0x135: {  	v24 =	vadd.s32 v1, v6;
	v12 =	vld [tilespmem:s9+$0xA470]  }
0x136: {  	v25 =	vadd.s32 v2, v6;
	v4 =	vld [tilespmem:s9+$0xA4F0]  }
0x137: {  	v27 =	vadd.s32 v3, v6;
	v5 =	vld [tilespmem:s9+$0xA4E0]  }
0x138: {  	v6 =	vld [tilespmem:s9+$0xA4D0]  }
0x139: {  	v8 =	vld [tilespmem:s9+$0xA4C0]  }
0x13a: {  	v10 =	vld [tilespmem:s9+$0xA4B0]  }
0x13b: {  	v16 =	vld [tilespmem:s9+$0xA460]  }
0x13c: {  	v29 =	vld [tilespmem:s9+$0xA430]  }
0x13d: {  	v30 =	vld [tilespmem:s9+$0xA420]  }
0x13e: {  	v28 =	vld [tilespmem:s9+$0xA410]  }
0x13f: {  	v22 =	vld [tilespmem:s9+$0xA400]  }
0x140: {  	v20 =	vld [tilespmem:s9+$0xA450]  }
0x141: {  	v17 =	vld [tilespmem:s9+$0xA4A0]  }
0x142: {  	v26 =	vadd.s32 v0, v11;
	v18 =	vld [tilespmem:s9+$0xA490]  }
.Ltmp4:
0x143: {  	v23 =	vadd.s32 v1, v11;
	v19 =	vld [tilespmem:s9+$0xA480];
	(pc) =	sbr.rel @p0 .LBB2_10-.Ltmp4, $4  }
0x144: {  	[tilespmem:v21+s1+$0x0] =	vst.idx.msk $0xffff, v22;
	v22 =	vadd.s32 v2, v11  }
0x145: {  	[tilespmem:v24+s1+$0x0] =	vst.idx.msk $0xffff, v28;
	v24 =	vadd.s32 v3, v11;
	v28 =	vand.u32 $0xFFFFFFFE, v13  }
0x146: {  	[tilespmem:v25+s1+$0x0] =	vst.idx.msk $0xffff, v30;
	v25 =	vadd.s32 v0, v28;
	v21 =	vadd.s32 v2, v28  }
0x147: {  	v15 =	vadd.s32 $0x4, v15;
	[tilespmem:v27+s1+$0x0] =	vst.idx.msk $0xffff, v29;
	v27 =	vadd.s32 v1, v28  }
0x148: {  	_ =	sdelay $0x3  }
0x149: {  	[tilespmem:v26+s1+$0x0] =	vst.idx.msk $0xffff, v14  }
0x14a: {  	[tilespmem:v23+s1+$0x0] =	vst.idx.msk $0xffff, v20  }
0x14b: {  	v7 =	vadd.s32 v3, v28;
	[tilespmem:v22+s1+$0x0] =	vst.idx.msk $0xffff, v16  }
0x14c: {  	v11 =	vadd.s32 v0, v9;
	[tilespmem:v24+s1+$0x0] =	vst.idx.msk $0xffff, v12  }
0x14d: {  	v62 =	vadd.s32 v1, v9;
	[tilespmem:v25+s1+$0x0] =	vst.idx.msk $0xffff, v19  }
0x14e: {  	v13 =	vadd.s32 v2, v9;
	[tilespmem:v27+s1+$0x0] =	vst.idx.msk $0xffff, v18  }
0x14f: {  	v63 =	vadd.s32 v3, v9;
	[tilespmem:v21+s1+$0x0] =	vst.idx.msk $0xffff, v17  }
0x150: {  	[tilespmem:v7+s1+$0x0] =	vst.idx.msk $0xffff, v10  }
0x151: {  	[tilespmem:v11+s1+$0x0] =	vst.idx.msk $0xffff, v8  }
0x152: {  	[tilespmem:v62+s1+$0x0] =	vst.idx.msk $0xffff, v6  }
0x153: {  	[tilespmem:v13+s1+$0x0] =	vst.idx.msk $0xffff, v5  }
0x154: {  	s8 =	simm.s32 $0x12800;
	s13 =	rddreg [dreg:$0x5];
	[tilespmem:v63+s1+$0x0] =	vst.idx.msk $0xffff, v4  }
0x155: {  	[hbm4b:s13+s3] =	stream.linear.scatter [tilespmem:s8], [sflag:$0x7], $0x80, $0x38;
	[tilespmem:$0x16C00] =	vst v63  }
0x156: {  	s11 =	simm.s32 $0x12888;
	s9 =	sadd.s32 $0x10, s13  }
0x157: {  	[hbm4b:s9+s3] =	stream.linear.scatter [tilespmem:s11], [sflag:$0x7], $0x80, $0x38;
	[tilespmem:$0x16C00] =	vst v63  }
0x158: {  	s12 =	simm.s32 $0x12910;
	s15 =	simm.s32 $0x12998;
	s14 =	sadd.s32 $0x20, s13  }
0x159: {  	[hbm4b:s14+s3] =	stream.linear.scatter [tilespmem:s12], [sflag:$0x7], $0x80, $0x38;
	[tilespmem:$0x16C00] =	vst v63  }
0x15a: {  	s10 =	simm.s32 $0x12A20;
	s16 =	sadd.s32 $0x30, s13;
	s8 =	simm.s32 $0x440  }
0x15b: {  	[hbm4b:s16+s3] =	stream.linear.scatter [tilespmem:s15], [sflag:$0x7], $0x80, $0x38;
	[tilespmem:$0x16C00] =	vst v63  }
0x15c: {  	s11 =	sadd.s32 $0x40, s13;
	s9 =	sadd.s32 $0x1000, s13;
	s12 =	simm.s32 $0x12AA8  }
0x15d: {  	[hbm4b:s11+s3] =	stream.linear.scatter [tilespmem:s10], [sflag:$0x7], $0x80, $0x38;
	[tilespmem:$0x16C00] =	vst v63  }
0x15e: {  	s14 =	sadd.s32 $0x50, s13;
	s15 =	simm.s32 $0x12B30;
	s16 =	sadd.s32 $0x60, s13  }
0x15f: {  	[hbm4b:s14+s3] =	stream.linear.scatter [tilespmem:s12], [sflag:$0x7], $0x80, $0x38;
	[tilespmem:$0x16C00] =	vst v63  }
0x160: {  	s10 =	simm.s32 $0x2200;
	s11 =	simm.s32 $0x12BB8;
	s12 =	sadd.s32 $0x70, s13  }
0x161: {  	[hbm4b:s16+s3] =	stream.linear.scatter [tilespmem:s15], [sflag:$0x7], $0x80, $0x38;
	[tilespmem:$0x16C00] =	vst v63  }
.LBB2_12:
0x162: {  	[hbm4b:s12+s3] =	stream.linear.scatter [tilespmem:s11], [sflag:$0x7], $0x80, $0x38;
	[tilespmem:$0x16C00] =	vst v63  }
0x163: {  	s11 =	smov.u32 s8;
	s8 =	smov.u32 s10  }
0x164: {  	s13 =	sadd.s32 $0x1100, s10;
	s8 =	sshra.s32 s8, $0x2;
	s12 =	sadd.s32 $0x12800, s11  }
0x165: {  	[hbm4b:s9+s3] =	stream.linear.scatter [tilespmem:s12], [sflag:$0x7], $0x80, $0x38;
	[tilespmem:$0x16C00] =	vst v63  }
0x166: {  	p0 =	sne.s32 s10, $0x7700;
	s10 =	sadd.s32 $0x12888, s11;
	s12 =	sadd.s32 $0x10, s9  }
0x167: {  	[hbm4b:s12+s3] =	stream.linear.scatter [tilespmem:s10], [sflag:$0x7], $0x80, $0x38;
	[tilespmem:$0x16C00] =	vst v63  }
0x168: {  	s10 =	sadd.s32 $0x12910, s11;
	s12 =	sadd.s32 $0x20, s9  }
0x169: {  	[hbm4b:s12+s3] =	stream.linear.scatter [tilespmem:s10], [sflag:$0x7], $0x80, $0x38;
	[tilespmem:$0x16C00] =	vst v63  }
0x16a: {  	s10 =	sadd.s32 $0x12998, s11;
	s12 =	sadd.s32 $0x30, s9  }
0x16b: {  	[hbm4b:s12+s3] =	stream.linear.scatter [tilespmem:s10], [sflag:$0x7], $0x80, $0x38;
	[tilespmem:$0x16C00] =	vst v63  }
0x16c: {  	s10 =	sadd.s32 $0x12A20, s11;
	s12 =	sadd.s32 $0x40, s9  }
0x16d: {  	[hbm4b:s12+s3] =	stream.linear.scatter [tilespmem:s10], [sflag:$0x7], $0x80, $0x38;
	[tilespmem:$0x16C00] =	vst v63  }
.Ltmp5:
0x16e: {  	s10 =	sadd.s32 $0x12AA8, s11;
	s12 =	sadd.s32 $0x50, s9;
	(pc) =	sbr.rel @p0 .LBB2_12-.Ltmp5, $4  }
0x16f: {  	[hbm4b:s12+s3] =	stream.linear.scatter [tilespmem:s10], [sflag:$0x7], $0x80, $0x38;
	[tilespmem:$0x16C00] =	vst v63  }
0x170: {  	s10 =	sadd.s32 $0x12B30, s11;
	s12 =	sadd.s32 $0x60, s9;
	s11 =	sadd.s32 $0x12BB8, s11  }
0x171: {  	[hbm4b:s12+s3] =	stream.linear.scatter [tilespmem:s10], [sflag:$0x7], $0x80, $0x38;
	[tilespmem:$0x16C00] =	vst v63  }
0x172: {  	s12 =	sadd.s32 $0x70, s9;
	s9 =	sadd.s32 $0x1000, s9;
	s10 =	smov.u32 s13  }
0x173: {  	[hbm4b:s12+s3] =	stream.linear.scatter [tilespmem:s11], [sflag:$0x7], $0x80, $0x38;
	[tilespmem:$0x16C00] =	vst v63  }
0x174: {  	s10 =	sadd.s32 $0x12800, s8  }
0x175: {  	[hbm4b:s9+s3] =	stream.linear.scatter [tilespmem:s10], [sflag:$0x7], $0x80, $0x38;
	[tilespmem:$0x16C00] =	vst v63  }
0x176: {  	s13 =	sadd.s32 $0x12888, s8;
	s14 =	sadd.s32 $0x10, s9  }
0x177: {  	[hbm4b:s14+s3] =	stream.linear.scatter [tilespmem:s13], [sflag:$0x7], $0x80, $0x38;
	[tilespmem:$0x16C00] =	vst v63  }
0x178: {  	s15 =	sadd.s32 $0x12910, s8;
	s16 =	sadd.s32 $0x20, s9  }
0x179: {  	[hbm4b:s16+s3] =	stream.linear.scatter [tilespmem:s15], [sflag:$0x7], $0x80, $0x38;
	[tilespmem:$0x16C00] =	vst v63  }
0x17a: {  	s11 =	sadd.s32 $0x12998, s8;
	s12 =	sadd.s32 $0x30, s9  }
0x17b: {  	[hbm4b:s12+s3] =	stream.linear.scatter [tilespmem:s11], [sflag:$0x7], $0x80, $0x38;
	[tilespmem:$0x16C00] =	vst v63  }
0x17c: {  	s13 =	sadd.s32 $0x12A20, s8;
	s14 =	sadd.s32 $0x40, s9  }
0x17d: {  	[hbm4b:s14+s3] =	stream.linear.scatter [tilespmem:s13], [sflag:$0x7], $0x80, $0x38;
	[tilespmem:$0x16C00] =	vst v63  }
0x17e: {  	s15 =	sadd.s32 $0x12AA8, s8;
	s16 =	sadd.s32 $0x50, s9  }
0x17f: {  	[hbm4b:s16+s3] =	stream.linear.scatter [tilespmem:s15], [sflag:$0x7], $0x80, $0x38;
	[tilespmem:$0x16C00] =	vst v63  }
0x180: {  	s11 =	sadd.s32 $0x12B30, s8;
	s12 =	sadd.s32 $0x60, s9  }
0x181: {  	[hbm4b:s12+s3] =	stream.linear.scatter [tilespmem:s11], [sflag:$0x7], $0x80, $0x38;
	[tilespmem:$0x16C00] =	vst v63  }
0x182: {  	s13 =	sadd.s32 $0x12BB8, s8;
	s14 =	sadd.s32 $0x70, s9  }
0x183: {  	[hbm4b:s14+s3] =	stream.linear.scatter [tilespmem:s13], [sflag:$0x7], $0x80, $0x38;
	[tilespmem:$0x16C00] =	vst v63  }
0x184: {  	s15 =	simm.s32 $0x300  }
0x185: {  	[tilespmem:s21], [sflag:$0x3] =	stream.indirect.gather [hbm4b:s4+s17], $0x40, s15, s17, $0xb8;
	[tilespmem:$0x16C00] =	vst v63  }
0x186: {  	_ =	swait.ge [sflag:s20], $0x2000  }
0x187: {  	[sflag:s20] =	ssyncset.done $0x0  }
0x188: {  	s16 =	simm.s32 $0x0;
	[sflag:s20] =	ssyncadd.s32 $0xFFFFE000  }
0x189: {  	v14 =	vld [tilespmem:s16+$0xC440]  }
0x18a: {  	v12 =	vld [tilespmem:s16+$0xC470]  }
0x18b: {  	v4 =	vld [tilespmem:s16+$0xC4F0]  }
0x18c: {  	v5 =	vld [tilespmem:s16+$0xC4E0]  }
0x18d: {  	v6 =	vld [tilespmem:s16+$0xC4D0]  }
0x18e: {  	v8 =	vld [tilespmem:s16+$0xC4C0]  }
0x18f: {  	v10 =	vld [tilespmem:s16+$0xC4B0]  }
0x190: {  	v16 =	vld [tilespmem:s16+$0xC460]  }
0x191: {  	v7 =	vimm.s32 $0x0;
	v15 =	vld [tilespmem:s16+$0xC430]  }
0x192: {  	v9 =	vand.u32 $0xFFFFFFFC, v7;
	v21 =	vld [tilespmem:s16+$0xC420]  }
0x193: {  	v22 =	vadd.s32 v0, v9;
	v23 =	vld [tilespmem:s16+$0xC400]  }
0x194: {  	v25 =	vadd.s32 v1, v9;
	v24 =	vld [tilespmem:s16+$0xC410]  }
0x195: {  	v27 =	vadd.s32 v2, v9;
	v20 =	vld [tilespmem:s16+$0xC450]  }
0x196: {  	v11 =	vimm.s32 $0x1;
	v29 =	vadd.s32 v3, v9;
	v17 =	vld [tilespmem:s16+$0xC4A0]  }
0x197: {  	v26 =	vadd.s32 v0, v11;
	v18 =	vld [tilespmem:s16+$0xC490]  }
0x198: {  	v13 =	vimm.s32 $0x2;
	v19 =	vld [tilespmem:s16+$0xC480];
	[tilespmem:v22+s22+$0x0] =	vst.idx.msk $0xffff, v23;
	v23 =	vadd.s32 v1, v11  }
0x199: {  	v28 =	vand.u32 $0xFFFFFFFE, v13;
	v22 =	vadd.s32 v2, v11;
	[tilespmem:v25+s22+$0x0] =	vst.idx.msk $0xffff, v24  }
0x19a: {  	v9 =	vimm.s32 $0x3;
	v24 =	vadd.s32 v3, v11;
	v25 =	vadd.s32 v0, v28;
	[tilespmem:v27+s22+$0x0] =	vst.idx.msk $0xffff, v21  }
0x19b: {  	s8 =	simm.s32 $0x400;
	v21 =	vadd.s32 v2, v28;
	v27 =	vadd.s32 v1, v28;
	[tilespmem:v29+s22+$0x0] =	vst.idx.msk $0xffff, v15;
	v15 =	vadd.s32 $0x4, v9  }
.LBB2_14:
0x19c: {  	p0 =	sne.s32 s8, $0x7C00;
	[tilespmem:v26+s22+$0x0] =	vst.idx.msk $0xffff, v14;
	v7 =	vadd.s32 $0x4, v7;
	v11 =	vadd.s32 $0x4, v11;
	v13 =	vadd.s32 $0x4, v13;
	s9 =	smov.u32 s8;
	s8 =	sadd.s32 $0x400, s8  }
0x19d: {  	v14 =	vadd.s32 v3, v28;
	[tilespmem:v23+s22+$0x0] =	vst.idx.msk $0xffff, v20  }
0x19e: {  	[tilespmem:v22+s22+$0x0] =	vst.idx.msk $0xffff, v16;
	v16 =	vadd.s32 v0, v9  }
0x19f: {  	[tilespmem:v24+s22+$0x0] =	vst.idx.msk $0xffff, v12;
	v12 =	vadd.s32 v1, v9  }
0x1a0: {  	[tilespmem:v25+s22+$0x0] =	vst.idx.msk $0xffff, v19;
	v19 =	vadd.s32 v2, v9  }
0x1a1: {  	[tilespmem:v27+s22+$0x0] =	vst.idx.msk $0xffff, v18;
	v18 =	vadd.s32 v3, v9;
	v9 =	vmov v15  }
0x1a2: {  	[tilespmem:v21+s22+$0x0] =	vst.idx.msk $0xffff, v17  }
0x1a3: {  	[tilespmem:v14+s22+$0x0] =	vst.idx.msk $0xffff, v10  }
0x1a4: {  	[tilespmem:v16+s22+$0x0] =	vst.idx.msk $0xffff, v8  }
0x1a5: {  	[tilespmem:v12+s22+$0x0] =	vst.idx.msk $0xffff, v6  }
0x1a6: {  	[tilespmem:v19+s22+$0x0] =	vst.idx.msk $0xffff, v5  }
0x1a7: {  	s9 =	sshra.s32 s9, $0x2;
	v6 =	vand.u32 $0xFFFFFFFC, v7;
	[tilespmem:v18+s22+$0x0] =	vst.idx.msk $0xffff, v4  }
0x1a8: {  	v21 =	vadd.s32 v0, v6;
	v14 =	vld [tilespmem:s9+$0xC440]  }
0x1a9: {  	v24 =	vadd.s32 v1, v6;
	v12 =	vld [tilespmem:s9+$0xC470]  }
0x1aa: {  	v25 =	vadd.s32 v2, v6;
	v4 =	vld [tilespmem:s9+$0xC4F0]  }
0x1ab: {  	v27 =	vadd.s32 v3, v6;
	v5 =	vld [tilespmem:s9+$0xC4E0]  }
0x1ac: {  	v6 =	vld [tilespmem:s9+$0xC4D0]  }
0x1ad: {  	v8 =	vld [tilespmem:s9+$0xC4C0]  }
0x1ae: {  	v10 =	vld [tilespmem:s9+$0xC4B0]  }
0x1af: {  	v16 =	vld [tilespmem:s9+$0xC460]  }
0x1b0: {  	v29 =	vld [tilespmem:s9+$0xC430]  }
0x1b1: {  	v30 =	vld [tilespmem:s9+$0xC420]  }
0x1b2: {  	v28 =	vld [tilespmem:s9+$0xC410]  }
0x1b3: {  	v22 =	vld [tilespmem:s9+$0xC400]  }
0x1b4: {  	v20 =	vld [tilespmem:s9+$0xC450]  }
0x1b5: {  	v17 =	vld [tilespmem:s9+$0xC4A0]  }
0x1b6: {  	v26 =	vadd.s32 v0, v11;
	v18 =	vld [tilespmem:s9+$0xC490]  }
.Ltmp6:
0x1b7: {  	v23 =	vadd.s32 v1, v11;
	v19 =	vld [tilespmem:s9+$0xC480];
	(pc) =	sbr.rel @p0 .LBB2_14-.Ltmp6, $4  }
0x1b8: {  	[tilespmem:v21+s22+$0x0] =	vst.idx.msk $0xffff, v22;
	v22 =	vadd.s32 v2, v11  }
0x1b9: {  	[tilespmem:v24+s22+$0x0] =	vst.idx.msk $0xffff, v28;
	v24 =	vadd.s32 v3, v11;
	v28 =	vand.u32 $0xFFFFFFFE, v13  }
0x1ba: {  	[tilespmem:v25+s22+$0x0] =	vst.idx.msk $0xffff, v30;
	v25 =	vadd.s32 v0, v28;
	v21 =	vadd.s32 v2, v28  }
0x1bb: {  	v15 =	vadd.s32 $0x4, v15;
	[tilespmem:v27+s22+$0x0] =	vst.idx.msk $0xffff, v29;
	v27 =	vadd.s32 v1, v28  }
0x1bc: {  	_ =	sdelay $0x3  }
0x1bd: {  	[tilespmem:v26+s22+$0x0] =	vst.idx.msk $0xffff, v14  }
0x1be: {  	[tilespmem:v23+s22+$0x0] =	vst.idx.msk $0xffff, v20  }
0x1bf: {  	v7 =	vadd.s32 v3, v28;
	[tilespmem:v22+s22+$0x0] =	vst.idx.msk $0xffff, v16  }
0x1c0: {  	v11 =	vadd.s32 v0, v9;
	[tilespmem:v24+s22+$0x0] =	vst.idx.msk $0xffff, v12  }
0x1c1: {  	v62 =	vadd.s32 v1, v9;
	[tilespmem:v25+s22+$0x0] =	vst.idx.msk $0xffff, v19  }
0x1c2: {  	v13 =	vadd.s32 v2, v9;
	[tilespmem:v27+s22+$0x0] =	vst.idx.msk $0xffff, v18  }
0x1c3: {  	v63 =	vadd.s32 v3, v9;
	[tilespmem:v21+s22+$0x0] =	vst.idx.msk $0xffff, v17  }
0x1c4: {  	[tilespmem:v7+s22+$0x0] =	vst.idx.msk $0xffff, v10  }
0x1c5: {  	[tilespmem:v11+s22+$0x0] =	vst.idx.msk $0xffff, v8  }
0x1c6: {  	[tilespmem:v62+s22+$0x0] =	vst.idx.msk $0xffff, v6  }
0x1c7: {  	[tilespmem:v13+s22+$0x0] =	vst.idx.msk $0xffff, v5  }
0x1c8: {  	s8 =	simm.s32 $0x14A00;
	s13 =	rddreg [dreg:$0x6];
	[tilespmem:v63+s22+$0x0] =	vst.idx.msk $0xffff, v4  }
0x1c9: {  	[hbm4b:s13+s3] =	stream.linear.scatter [tilespmem:s8], [sflag:$0x8], $0x80, $0x38;
	[tilespmem:$0x16C00] =	vst v63  }
0x1ca: {  	s11 =	simm.s32 $0x14A88;
	s9 =	sadd.s32 $0x10, s13  }
0x1cb: {  	[hbm4b:s9+s3] =	stream.linear.scatter [tilespmem:s11], [sflag:$0x8], $0x80, $0x38;
	[tilespmem:$0x16C00] =	vst v63  }
0x1cc: {  	s12 =	simm.s32 $0x14B10;
	s15 =	simm.s32 $0x14B98;
	s14 =	sadd.s32 $0x20, s13  }
0x1cd: {  	[hbm4b:s14+s3] =	stream.linear.scatter [tilespmem:s12], [sflag:$0x8], $0x80, $0x38;
	[tilespmem:$0x16C00] =	vst v63  }
0x1ce: {  	s10 =	simm.s32 $0x14C20;
	s16 =	sadd.s32 $0x30, s13;
	s8 =	simm.s32 $0x440  }
0x1cf: {  	[hbm4b:s16+s3] =	stream.linear.scatter [tilespmem:s15], [sflag:$0x8], $0x80, $0x38;
	[tilespmem:$0x16C00] =	vst v63  }
0x1d0: {  	s11 =	sadd.s32 $0x40, s13;
	s9 =	sadd.s32 $0x1000, s13;
	s12 =	simm.s32 $0x14CA8  }
0x1d1: {  	[hbm4b:s11+s3] =	stream.linear.scatter [tilespmem:s10], [sflag:$0x8], $0x80, $0x38;
	[tilespmem:$0x16C00] =	vst v63  }
0x1d2: {  	s14 =	sadd.s32 $0x50, s13;
	s15 =	simm.s32 $0x14D30;
	s16 =	sadd.s32 $0x60, s13  }
0x1d3: {  	[hbm4b:s14+s3] =	stream.linear.scatter [tilespmem:s12], [sflag:$0x8], $0x80, $0x38;
	[tilespmem:$0x16C00] =	vst v63  }
0x1d4: {  	s10 =	simm.s32 $0x2200;
	s11 =	simm.s32 $0x14DB8;
	s12 =	sadd.s32 $0x70, s13  }
0x1d5: {  	[hbm4b:s16+s3] =	stream.linear.scatter [tilespmem:s15], [sflag:$0x8], $0x80, $0x38;
	[tilespmem:$0x16C00] =	vst v63  }
.LBB2_16:
0x1d6: {  	[hbm4b:s12+s3] =	stream.linear.scatter [tilespmem:s11], [sflag:$0x8], $0x80, $0x38;
	[tilespmem:$0x16C00] =	vst v63  }
0x1d7: {  	s11 =	smov.u32 s8;
	s8 =	smov.u32 s10  }
0x1d8: {  	s13 =	sadd.s32 $0x1100, s10;
	s8 =	sshra.s32 s8, $0x2;
	s12 =	sadd.s32 $0x14A00, s11  }
0x1d9: {  	[hbm4b:s9+s3] =	stream.linear.scatter [tilespmem:s12], [sflag:$0x8], $0x80, $0x38;
	[tilespmem:$0x16C00] =	vst v63  }
0x1da: {  	p0 =	sne.s32 s10, $0x7700;
	s10 =	sadd.s32 $0x14A88, s11;
	s12 =	sadd.s32 $0x10, s9  }
0x1db: {  	[hbm4b:s12+s3] =	stream.linear.scatter [tilespmem:s10], [sflag:$0x8], $0x80, $0x38;
	[tilespmem:$0x16C00] =	vst v63  }
0x1dc: {  	s10 =	sadd.s32 $0x14B10, s11;
	s12 =	sadd.s32 $0x20, s9  }
0x1dd: {  	[hbm4b:s12+s3] =	stream.linear.scatter [tilespmem:s10], [sflag:$0x8], $0x80, $0x38;
	[tilespmem:$0x16C00] =	vst v63  }
0x1de: {  	s10 =	sadd.s32 $0x14B98, s11;
	s12 =	sadd.s32 $0x30, s9  }
0x1df: {  	[hbm4b:s12+s3] =	stream.linear.scatter [tilespmem:s10], [sflag:$0x8], $0x80, $0x38;
	[tilespmem:$0x16C00] =	vst v63  }
0x1e0: {  	s10 =	sadd.s32 $0x14C20, s11;
	s12 =	sadd.s32 $0x40, s9  }
0x1e1: {  	[hbm4b:s12+s3] =	stream.linear.scatter [tilespmem:s10], [sflag:$0x8], $0x80, $0x38;
	[tilespmem:$0x16C00] =	vst v63  }
.Ltmp7:
0x1e2: {  	s10 =	sadd.s32 $0x14CA8, s11;
	s12 =	sadd.s32 $0x50, s9;
	(pc) =	sbr.rel @p0 .LBB2_16-.Ltmp7, $4  }
0x1e3: {  	[hbm4b:s12+s3] =	stream.linear.scatter [tilespmem:s10], [sflag:$0x8], $0x80, $0x38;
	[tilespmem:$0x16C00] =	vst v63  }
0x1e4: {  	s10 =	sadd.s32 $0x14D30, s11;
	s12 =	sadd.s32 $0x60, s9;
	s11 =	sadd.s32 $0x14DB8, s11  }
0x1e5: {  	[hbm4b:s12+s3] =	stream.linear.scatter [tilespmem:s10], [sflag:$0x8], $0x80, $0x38;
	[tilespmem:$0x16C00] =	vst v63  }
0x1e6: {  	s12 =	sadd.s32 $0x70, s9;
	s9 =	sadd.s32 $0x1000, s9;
	s10 =	smov.u32 s13  }
0x1e7: {  	[hbm4b:s12+s3] =	stream.linear.scatter [tilespmem:s11], [sflag:$0x8], $0x80, $0x38;
	[tilespmem:$0x16C00] =	vst v63  }
0x1e8: {  	s10 =	sadd.s32 $0x14A00, s8  }
0x1e9: {  	[hbm4b:s9+s3] =	stream.linear.scatter [tilespmem:s10], [sflag:$0x8], $0x80, $0x38;
	[tilespmem:$0x16C00] =	vst v63  }
0x1ea: {  	s13 =	sadd.s32 $0x14A88, s8;
	s14 =	sadd.s32 $0x10, s9  }
0x1eb: {  	[hbm4b:s14+s3] =	stream.linear.scatter [tilespmem:s13], [sflag:$0x8], $0x80, $0x38;
	[tilespmem:$0x16C00] =	vst v63  }
0x1ec: {  	s15 =	sadd.s32 $0x14B10, s8;
	s16 =	sadd.s32 $0x20, s9  }
0x1ed: {  	[hbm4b:s16+s3] =	stream.linear.scatter [tilespmem:s15], [sflag:$0x8], $0x80, $0x38;
	[tilespmem:$0x16C00] =	vst v63  }
0x1ee: {  	s11 =	sadd.s32 $0x14B98, s8;
	s12 =	sadd.s32 $0x30, s9  }
0x1ef: {  	[hbm4b:s12+s3] =	stream.linear.scatter [tilespmem:s11], [sflag:$0x8], $0x80, $0x38;
	[tilespmem:$0x16C00] =	vst v63  }
0x1f0: {  	s13 =	sadd.s32 $0x14C20, s8;
	s14 =	sadd.s32 $0x40, s9  }
0x1f1: {  	[hbm4b:s14+s3] =	stream.linear.scatter [tilespmem:s13], [sflag:$0x8], $0x80, $0x38;
	[tilespmem:$0x16C00] =	vst v63  }
0x1f2: {  	s15 =	sadd.s32 $0x14CA8, s8;
	s16 =	sadd.s32 $0x50, s9  }
0x1f3: {  	[hbm4b:s16+s3] =	stream.linear.scatter [tilespmem:s15], [sflag:$0x8], $0x80, $0x38;
	[tilespmem:$0x16C00] =	vst v63  }
0x1f4: {  	s12 =	sadd.s32 $0x14D30, s8;
	s13 =	sadd.s32 $0x60, s9  }
0x1f5: {  	[hbm4b:s13+s3] =	stream.linear.scatter [tilespmem:s12], [sflag:$0x8], $0x80, $0x38;
	[tilespmem:$0x16C00] =	vst v63  }
0x1f6: {  	s14 =	sadd.s32 $0x14DB8, s8;
	s15 =	sadd.s32 $0x70, s9  }
0x1f7: {  	[hbm4b:s15+s3] =	stream.linear.scatter [tilespmem:s14], [sflag:$0x8], $0x80, $0x38;
	[tilespmem:$0x16C00] =	vst v63  }
0x1f8: {  	s16 =	simm.s32 $0x380  }
0x1f9: {  	[tilespmem:s23], [sflag:$0x4] =	stream.indirect.gather [hbm4b:s4+s17], $0x40, s16, s17, $0xb8;
	[tilespmem:$0x16C00] =	vst v63  }
0x1fa: {  	s16 =	simm.s32 $0x1  }
.LBB2_18:
0x1fb: {  	_ =	swait.ge [sflag:s24], $0x2000  }
0x1fc: {  	[sflag:s24] =	ssyncset.done $0x0  }
0x1fd: {  	[sflag:s24] =	ssyncadd.s32 $0xFFFFE000  }
0x1fe: {  	_ =	swait.ge [sflag:s30], $0x2000  }
0x1ff: {  	[sflag:s30] =	ssyncset.done $0x0  }
0x200: {  	s8 =	simm.s32 $0x0;
	[sflag:s30] =	ssyncadd.s32 $0xFFFFE000  }
0x201: {  	v14 =	vld [tilespmem:s8+$0x6440]  }
0x202: {  	v12 =	vld [tilespmem:s8+$0x6470]  }
0x203: {  	v4 =	vld [tilespmem:s8+$0x64F0]  }
0x204: {  	v5 =	vld [tilespmem:s8+$0x64E0]  }
0x205: {  	v6 =	vld [tilespmem:s8+$0x64D0]  }
0x206: {  	v8 =	vld [tilespmem:s8+$0x64C0]  }
0x207: {  	v10 =	vld [tilespmem:s8+$0x64B0]  }
0x208: {  	v16 =	vld [tilespmem:s8+$0x6460]  }
0x209: {  	v7 =	vimm.s32 $0x0;
	v15 =	vld [tilespmem:s8+$0x6430]  }
0x20a: {  	v9 =	vand.u32 $0xFFFFFFFC, v7;
	v21 =	vld [tilespmem:s8+$0x6420]  }
0x20b: {  	v22 =	vadd.s32 v0, v9;
	v23 =	vld [tilespmem:s8+$0x6400]  }
0x20c: {  	v25 =	vadd.s32 v1, v9;
	v24 =	vld [tilespmem:s8+$0x6410]  }
0x20d: {  	v27 =	vadd.s32 v2, v9;
	v20 =	vld [tilespmem:s8+$0x6450]  }
0x20e: {  	v11 =	vimm.s32 $0x1;
	v29 =	vadd.s32 v3, v9;
	v17 =	vld [tilespmem:s8+$0x64A0]  }
0x20f: {  	v26 =	vadd.s32 v0, v11;
	v18 =	vld [tilespmem:s8+$0x6490]  }
0x210: {  	v13 =	vimm.s32 $0x2;
	v19 =	vld [tilespmem:s8+$0x6480];
	[tilespmem:v22+s25+$0x0] =	vst.idx.msk $0xffff, v23;
	v23 =	vadd.s32 v1, v11  }
0x211: {  	v28 =	vand.u32 $0xFFFFFFFE, v13;
	v22 =	vadd.s32 v2, v11;
	[tilespmem:v25+s25+$0x0] =	vst.idx.msk $0xffff, v24  }
0x212: {  	v9 =	vimm.s32 $0x3;
	v24 =	vadd.s32 v3, v11;
	v25 =	vadd.s32 v0, v28;
	[tilespmem:v27+s25+$0x0] =	vst.idx.msk $0xffff, v21  }
0x213: {  	s8 =	simm.s32 $0x400;
	v21 =	vadd.s32 v2, v28;
	v27 =	vadd.s32 v1, v28;
	[tilespmem:v29+s25+$0x0] =	vst.idx.msk $0xffff, v15;
	v15 =	vadd.s32 $0x4, v9  }
.LBB2_19:
0x214: {  	p0 =	sne.s32 s8, $0x7C00;
	[tilespmem:v26+s25+$0x0] =	vst.idx.msk $0xffff, v14;
	v7 =	vadd.s32 $0x4, v7;
	v11 =	vadd.s32 $0x4, v11;
	v13 =	vadd.s32 $0x4, v13;
	s9 =	smov.u32 s8;
	s8 =	sadd.s32 $0x400, s8  }
0x215: {  	v14 =	vadd.s32 v3, v28;
	[tilespmem:v23+s25+$0x0] =	vst.idx.msk $0xffff, v20  }
0x216: {  	[tilespmem:v22+s25+$0x0] =	vst.idx.msk $0xffff, v16;
	v16 =	vadd.s32 v0, v9  }
0x217: {  	[tilespmem:v24+s25+$0x0] =	vst.idx.msk $0xffff, v12;
	v12 =	vadd.s32 v1, v9  }
0x218: {  	[tilespmem:v25+s25+$0x0] =	vst.idx.msk $0xffff, v19;
	v19 =	vadd.s32 v2, v9  }
0x219: {  	[tilespmem:v27+s25+$0x0] =	vst.idx.msk $0xffff, v18;
	v18 =	vadd.s32 v3, v9;
	v9 =	vmov v15  }
0x21a: {  	[tilespmem:v21+s25+$0x0] =	vst.idx.msk $0xffff, v17  }
0x21b: {  	[tilespmem:v14+s25+$0x0] =	vst.idx.msk $0xffff, v10  }
0x21c: {  	[tilespmem:v16+s25+$0x0] =	vst.idx.msk $0xffff, v8  }
0x21d: {  	[tilespmem:v12+s25+$0x0] =	vst.idx.msk $0xffff, v6  }
0x21e: {  	[tilespmem:v19+s25+$0x0] =	vst.idx.msk $0xffff, v5  }
0x21f: {  	s9 =	sshra.s32 s9, $0x2;
	v6 =	vand.u32 $0xFFFFFFFC, v7;
	[tilespmem:v18+s25+$0x0] =	vst.idx.msk $0xffff, v4  }
0x220: {  	v21 =	vadd.s32 v0, v6;
	v14 =	vld [tilespmem:s9+$0x6440]  }
0x221: {  	v24 =	vadd.s32 v1, v6;
	v12 =	vld [tilespmem:s9+$0x6470]  }
0x222: {  	v25 =	vadd.s32 v2, v6;
	v4 =	vld [tilespmem:s9+$0x64F0]  }
0x223: {  	v27 =	vadd.s32 v3, v6;
	v5 =	vld [tilespmem:s9+$0x64E0]  }
0x224: {  	v6 =	vld [tilespmem:s9+$0x64D0]  }
0x225: {  	v8 =	vld [tilespmem:s9+$0x64C0]  }
0x226: {  	v10 =	vld [tilespmem:s9+$0x64B0]  }
0x227: {  	v16 =	vld [tilespmem:s9+$0x6460]  }
0x228: {  	v29 =	vld [tilespmem:s9+$0x6430]  }
0x229: {  	v30 =	vld [tilespmem:s9+$0x6420]  }
0x22a: {  	v28 =	vld [tilespmem:s9+$0x6410]  }
0x22b: {  	v22 =	vld [tilespmem:s9+$0x6400]  }
0x22c: {  	v20 =	vld [tilespmem:s9+$0x6450]  }
0x22d: {  	v17 =	vld [tilespmem:s9+$0x64A0]  }
0x22e: {  	v26 =	vadd.s32 v0, v11;
	v18 =	vld [tilespmem:s9+$0x6490]  }
.Ltmp8:
0x22f: {  	v23 =	vadd.s32 v1, v11;
	v19 =	vld [tilespmem:s9+$0x6480];
	(pc) =	sbr.rel @p0 .LBB2_19-.Ltmp8, $4  }
0x230: {  	[tilespmem:v21+s25+$0x0] =	vst.idx.msk $0xffff, v22;
	v22 =	vadd.s32 v2, v11  }
0x231: {  	[tilespmem:v24+s25+$0x0] =	vst.idx.msk $0xffff, v28;
	v24 =	vadd.s32 v3, v11;
	v28 =	vand.u32 $0xFFFFFFFE, v13  }
0x232: {  	[tilespmem:v25+s25+$0x0] =	vst.idx.msk $0xffff, v30;
	v25 =	vadd.s32 v0, v28;
	v21 =	vadd.s32 v2, v28  }
0x233: {  	v15 =	vadd.s32 $0x4, v15;
	[tilespmem:v27+s25+$0x0] =	vst.idx.msk $0xffff, v29;
	v27 =	vadd.s32 v1, v28  }
0x234: {  	_ =	sdelay $0x3  }
0x235: {  	[tilespmem:v26+s25+$0x0] =	vst.idx.msk $0xffff, v14  }
0x236: {  	[tilespmem:v23+s25+$0x0] =	vst.idx.msk $0xffff, v20  }
0x237: {  	v7 =	vadd.s32 v3, v28;
	[tilespmem:v22+s25+$0x0] =	vst.idx.msk $0xffff, v16  }
0x238: {  	v11 =	vadd.s32 v0, v9;
	[tilespmem:v24+s25+$0x0] =	vst.idx.msk $0xffff, v12  }
0x239: {  	v62 =	vadd.s32 v1, v9;
	[tilespmem:v25+s25+$0x0] =	vst.idx.msk $0xffff, v19  }
0x23a: {  	v13 =	vadd.s32 v2, v9;
	[tilespmem:v27+s25+$0x0] =	vst.idx.msk $0xffff, v18  }
0x23b: {  	v63 =	vadd.s32 v3, v9;
	s8 =	sshll.u32 s16, $0x2;
	[tilespmem:v21+s25+$0x0] =	vst.idx.msk $0xffff, v17  }
0x23c: {  	s8 =	sadd.s32 s5, s8;
	[tilespmem:v7+s25+$0x0] =	vst.idx.msk $0xffff, v10  }
0x23d: {  	s9 =	sshll.u32 s8, $0x7;
	[tilespmem:v11+s25+$0x0] =	vst.idx.msk $0xffff, v8  }
0x23e: {  	s10 =	sshll.u32 s8, $0xA;
	s8 =	sand.u32 $0xE00, s9;
	[tilespmem:v62+s25+$0x0] =	vst.idx.msk $0xffff, v6  }
0x23f: {  	s9 =	sand.u32 $0xFFF8000, s10;
	s15 =	sadd.s32 s2, s8;
	[tilespmem:v13+s25+$0x0] =	vst.idx.msk $0xffff, v5  }
0x240: {  	s11 =	simm.s32 $0xE400;
	s15 =	sadd.s32 s9, s15;
	[tilespmem:v63+s25+$0x0] =	vst.idx.msk $0xffff, v4  }
0x241: {  	[hbm4b:s15+s3] =	stream.linear.scatter [tilespmem:s11], [sflag:$0x5], $0x80, $0x38;
	[tilespmem:$0x16C00] =	vst v63  }
0x242: {  	s12 =	simm.s32 $0xE488;
	s11 =	sadd.s32 $0x10, s15  }
0x243: {  	[hbm4b:s11+s3] =	stream.linear.scatter [tilespmem:s12], [sflag:$0x5], $0x80, $0x38;
	[tilespmem:$0x16C00] =	vst v63  }
0x244: {  	s13 =	simm.s32 $0xE510;
	s14 =	sadd.s32 $0x20, s15  }
0x245: {  	[hbm4b:s14+s3] =	stream.linear.scatter [tilespmem:s13], [sflag:$0x5], $0x80, $0x38;
	[tilespmem:$0x16C00] =	vst v63  }
0x246: {  	s11 =	simm.s32 $0xE598;
	s12 =	sadd.s32 $0x30, s15  }
0x247: {  	[hbm4b:s12+s3] =	stream.linear.scatter [tilespmem:s11], [sflag:$0x5], $0x80, $0x38;
	[tilespmem:$0x16C00] =	vst v63  }
0x248: {  	s13 =	simm.s32 $0xE620;
	s14 =	sadd.s32 $0x40, s15  }
0x249: {  	[hbm4b:s14+s3] =	stream.linear.scatter [tilespmem:s13], [sflag:$0x5], $0x80, $0x38;
	[tilespmem:$0x16C00] =	vst v63  }
0x24a: {  	s10 =	simm.s32 $0x440;
	s11 =	simm.s32 $0xE6A8;
	s12 =	sadd.s32 $0x50, s15  }
0x24b: {  	[hbm4b:s12+s3] =	stream.linear.scatter [tilespmem:s11], [sflag:$0x5], $0x80, $0x38;
	[tilespmem:$0x16C00] =	vst v63  }
0x24c: {  	s13 =	simm.s32 $0xE730;
	s14 =	sadd.s32 $0x60, s15;
	s11 =	simm.s32 $0x2200  }
0x24d: {  	[hbm4b:s14+s3] =	stream.linear.scatter [tilespmem:s13], [sflag:$0x5], $0x80, $0x38;
	[tilespmem:$0x16C00] =	vst v63  }
0x24e: {  	s12 =	simm.s32 $0xE7B8;
	s13 =	sadd.s32 $0x70, s15;
	s15 =	sadd.s32 $0x1000, s15  }
.LBB2_21:
0x24f: {  	[hbm4b:s13+s3] =	stream.linear.scatter [tilespmem:s12], [sflag:$0x5], $0x80, $0x38;
	[tilespmem:$0x16C00] =	vst v63  }
0x250: {  	s12 =	smov.u32 s10;
	s10 =	smov.u32 s11  }
0x251: {  	s14 =	sadd.s32 $0x1100, s11;
	s10 =	sshra.s32 s10, $0x2;
	s13 =	sadd.s32 $0xE400, s12  }
0x252: {  	[hbm4b:s15+s3] =	stream.linear.scatter [tilespmem:s13], [sflag:$0x5], $0x80, $0x38;
	[tilespmem:$0x16C00] =	vst v63  }
0x253: {  	p0 =	sne.s32 s11, $0x7700;
	s11 =	sadd.s32 $0xE488, s12;
	s13 =	sadd.s32 $0x10, s15  }
0x254: {  	[hbm4b:s13+s3] =	stream.linear.scatter [tilespmem:s11], [sflag:$0x5], $0x80, $0x38;
	[tilespmem:$0x16C00] =	vst v63  }
0x255: {  	s11 =	sadd.s32 $0xE510, s12;
	s13 =	sadd.s32 $0x20, s15  }
0x256: {  	[hbm4b:s13+s3] =	stream.linear.scatter [tilespmem:s11], [sflag:$0x5], $0x80, $0x38;
	[tilespmem:$0x16C00] =	vst v63  }
0x257: {  	s11 =	sadd.s32 $0xE598, s12;
	s13 =	sadd.s32 $0x30, s15  }
0x258: {  	[hbm4b:s13+s3] =	stream.linear.scatter [tilespmem:s11], [sflag:$0x5], $0x80, $0x38;
	[tilespmem:$0x16C00] =	vst v63  }
0x259: {  	s11 =	sadd.s32 $0xE620, s12;
	s13 =	sadd.s32 $0x40, s15  }
0x25a: {  	[hbm4b:s13+s3] =	stream.linear.scatter [tilespmem:s11], [sflag:$0x5], $0x80, $0x38;
	[tilespmem:$0x16C00] =	vst v63  }
.Ltmp9:
0x25b: {  	s11 =	sadd.s32 $0xE6A8, s12;
	s13 =	sadd.s32 $0x50, s15;
	(pc) =	sbr.rel @p0 .LBB2_21-.Ltmp9, $4  }
0x25c: {  	[hbm4b:s13+s3] =	stream.linear.scatter [tilespmem:s11], [sflag:$0x5], $0x80, $0x38;
	[tilespmem:$0x16C00] =	vst v63  }
0x25d: {  	s11 =	sadd.s32 $0xE730, s12;
	s13 =	sadd.s32 $0x60, s15;
	s12 =	sadd.s32 $0xE7B8, s12  }
0x25e: {  	[hbm4b:s13+s3] =	stream.linear.scatter [tilespmem:s11], [sflag:$0x5], $0x80, $0x38;
	[tilespmem:$0x16C00] =	vst v63  }
0x25f: {  	s13 =	sadd.s32 $0x70, s15;
	s15 =	sadd.s32 $0x1000, s15;
	s11 =	smov.u32 s14  }
0x260: {  	[hbm4b:s13+s3] =	stream.linear.scatter [tilespmem:s12], [sflag:$0x5], $0x80, $0x38;
	[tilespmem:$0x16C00] =	vst v63  }
0x261: {  	s11 =	sadd.s32 $0xE400, s10  }
0x262: {  	[hbm4b:s15+s3] =	stream.linear.scatter [tilespmem:s11], [sflag:$0x5], $0x80, $0x38;
	[tilespmem:$0x16C00] =	vst v63  }
0x263: {  	s13 =	sadd.s32 $0xE488, s10;
	s14 =	sadd.s32 $0x10, s15  }
0x264: {  	[hbm4b:s14+s3] =	stream.linear.scatter [tilespmem:s13], [sflag:$0x5], $0x80, $0x38;
	[tilespmem:$0x16C00] =	vst v63  }
0x265: {  	s13 =	sadd.s32 $0xE510, s10;
	s14 =	sadd.s32 $0x20, s15  }
0x266: {  	[hbm4b:s14+s3] =	stream.linear.scatter [tilespmem:s13], [sflag:$0x5], $0x80, $0x38;
	[tilespmem:$0x16C00] =	vst v63  }
0x267: {  	s13 =	sadd.s32 $0xE598, s10;
	s14 =	sadd.s32 $0x30, s15  }
0x268: {  	[hbm4b:s14+s3] =	stream.linear.scatter [tilespmem:s13], [sflag:$0x5], $0x80, $0x38;
	[tilespmem:$0x16C00] =	vst v63  }
0x269: {  	s13 =	sadd.s32 $0xE620, s10;
	s14 =	sadd.s32 $0x40, s15  }
0x26a: {  	[hbm4b:s14+s3] =	stream.linear.scatter [tilespmem:s13], [sflag:$0x5], $0x80, $0x38;
	[tilespmem:$0x16C00] =	vst v63  }
0x26b: {  	s13 =	sadd.s32 $0xE6A8, s10;
	s14 =	sadd.s32 $0x50, s15  }
0x26c: {  	[hbm4b:s14+s3] =	stream.linear.scatter [tilespmem:s13], [sflag:$0x5], $0x80, $0x38;
	[tilespmem:$0x16C00] =	vst v63  }
0x26d: {  	s13 =	sadd.s32 $0xE730, s10;
	s14 =	sadd.s32 $0x60, s15  }
0x26e: {  	[hbm4b:s14+s3] =	stream.linear.scatter [tilespmem:s13], [sflag:$0x5], $0x80, $0x38;
	[tilespmem:$0x16C00] =	vst v63  }
0x26f: {  	s13 =	sshll.u32 s16, $0xB  }
0x270: {  	s12 =	sadd.s32 $0x70, s15;
	s11 =	sadd.s32 $0xE7B8, s10;
	s15 =	sshra.s32 s13, $0x2  }
0x271: {  	[hbm4b:s12+s3] =	stream.linear.scatter [tilespmem:s11], [sflag:$0x5], $0x80, $0x38;
	[tilespmem:$0x16C00] =	vst v63  }
0x272: {  	s10 =	sadd.s32 $0x200, s15  }
0x273: {  	[tilespmem:s18], [sflag:$0x1] =	stream.indirect.gather [hbm4b:s4+s17], $0x40, s10, s17, $0xb8;
	[tilespmem:$0x16C00] =	vst v63  }
0x274: {  	_ =	swait.ge [sflag:s28], $0x2000  }
0x275: {  	[sflag:s28] =	ssyncset.done $0x0  }
0x276: {  	[sflag:s28] =	ssyncadd.s32 $0xFFFFE000  }
0x277: {  	_ =	swait.ge [sflag:s0], $0x2000  }
0x278: {  	[sflag:s0] =	ssyncset.done $0x0  }
0x279: {  	s14 =	simm.s32 $0x0;
	[sflag:s0] =	ssyncadd.s32 $0xFFFFE000  }
0x27a: {  	v14 =	vld [tilespmem:s14+$0x8440]  }
0x27b: {  	v12 =	vld [tilespmem:s14+$0x8470]  }
0x27c: {  	v4 =	vld [tilespmem:s14+$0x84F0]  }
0x27d: {  	v5 =	vld [tilespmem:s14+$0x84E0]  }
0x27e: {  	v6 =	vld [tilespmem:s14+$0x84D0]  }
0x27f: {  	v8 =	vld [tilespmem:s14+$0x84C0]  }
0x280: {  	v10 =	vld [tilespmem:s14+$0x84B0]  }
0x281: {  	v16 =	vld [tilespmem:s14+$0x8460]  }
0x282: {  	v7 =	vimm.s32 $0x0;
	v15 =	vld [tilespmem:s14+$0x8430]  }
0x283: {  	v9 =	vand.u32 $0xFFFFFFFC, v7;
	v21 =	vld [tilespmem:s14+$0x8420]  }
0x284: {  	v22 =	vadd.s32 v0, v9;
	v23 =	vld [tilespmem:s14+$0x8400]  }
0x285: {  	v25 =	vadd.s32 v1, v9;
	v24 =	vld [tilespmem:s14+$0x8410]  }
0x286: {  	v27 =	vadd.s32 v2, v9;
	v20 =	vld [tilespmem:s14+$0x8450]  }
0x287: {  	v11 =	vimm.s32 $0x1;
	v29 =	vadd.s32 v3, v9;
	v17 =	vld [tilespmem:s14+$0x84A0]  }
0x288: {  	v26 =	vadd.s32 v0, v11;
	v18 =	vld [tilespmem:s14+$0x8490]  }
0x289: {  	v13 =	vimm.s32 $0x2;
	v19 =	vld [tilespmem:s14+$0x8480];
	[tilespmem:v22+s29+$0x0] =	vst.idx.msk $0xffff, v23;
	v23 =	vadd.s32 v1, v11  }
0x28a: {  	v28 =	vand.u32 $0xFFFFFFFE, v13;
	v22 =	vadd.s32 v2, v11;
	[tilespmem:v25+s29+$0x0] =	vst.idx.msk $0xffff, v24  }
0x28b: {  	v9 =	vimm.s32 $0x3;
	v24 =	vadd.s32 v3, v11;
	v25 =	vadd.s32 v0, v28;
	[tilespmem:v27+s29+$0x0] =	vst.idx.msk $0xffff, v21  }
0x28c: {  	s10 =	simm.s32 $0x400;
	v21 =	vadd.s32 v2, v28;
	v27 =	vadd.s32 v1, v28;
	[tilespmem:v29+s29+$0x0] =	vst.idx.msk $0xffff, v15;
	v15 =	vadd.s32 $0x4, v9  }
.LBB2_23:
0x28d: {  	p0 =	sne.s32 s10, $0x7C00;
	[tilespmem:v26+s29+$0x0] =	vst.idx.msk $0xffff, v14;
	v7 =	vadd.s32 $0x4, v7;
	v11 =	vadd.s32 $0x4, v11;
	v13 =	vadd.s32 $0x4, v13;
	s11 =	smov.u32 s10;
	s10 =	sadd.s32 $0x400, s10  }
0x28e: {  	v14 =	vadd.s32 v3, v28;
	[tilespmem:v23+s29+$0x0] =	vst.idx.msk $0xffff, v20  }
0x28f: {  	[tilespmem:v22+s29+$0x0] =	vst.idx.msk $0xffff, v16;
	v16 =	vadd.s32 v0, v9  }
0x290: {  	[tilespmem:v24+s29+$0x0] =	vst.idx.msk $0xffff, v12;
	v12 =	vadd.s32 v1, v9  }
0x291: {  	[tilespmem:v25+s29+$0x0] =	vst.idx.msk $0xffff, v19;
	v19 =	vadd.s32 v2, v9  }
0x292: {  	[tilespmem:v27+s29+$0x0] =	vst.idx.msk $0xffff, v18;
	v18 =	vadd.s32 v3, v9;
	v9 =	vmov v15  }
0x293: {  	[tilespmem:v21+s29+$0x0] =	vst.idx.msk $0xffff, v17  }
0x294: {  	[tilespmem:v14+s29+$0x0] =	vst.idx.msk $0xffff, v10  }
0x295: {  	[tilespmem:v16+s29+$0x0] =	vst.idx.msk $0xffff, v8  }
0x296: {  	[tilespmem:v12+s29+$0x0] =	vst.idx.msk $0xffff, v6  }
0x297: {  	[tilespmem:v19+s29+$0x0] =	vst.idx.msk $0xffff, v5  }
0x298: {  	s11 =	sshra.s32 s11, $0x2;
	v6 =	vand.u32 $0xFFFFFFFC, v7;
	[tilespmem:v18+s29+$0x0] =	vst.idx.msk $0xffff, v4  }
0x299: {  	v21 =	vadd.s32 v0, v6;
	v14 =	vld [tilespmem:s11+$0x8440]  }
0x29a: {  	v24 =	vadd.s32 v1, v6;
	v12 =	vld [tilespmem:s11+$0x8470]  }
0x29b: {  	v25 =	vadd.s32 v2, v6;
	v4 =	vld [tilespmem:s11+$0x84F0]  }
0x29c: {  	v27 =	vadd.s32 v3, v6;
	v5 =	vld [tilespmem:s11+$0x84E0]  }
0x29d: {  	v6 =	vld [tilespmem:s11+$0x84D0]  }
0x29e: {  	v8 =	vld [tilespmem:s11+$0x84C0]  }
0x29f: {  	v10 =	vld [tilespmem:s11+$0x84B0]  }
0x2a0: {  	v16 =	vld [tilespmem:s11+$0x8460]  }
0x2a1: {  	v29 =	vld [tilespmem:s11+$0x8430]  }
0x2a2: {  	v30 =	vld [tilespmem:s11+$0x8420]  }
0x2a3: {  	v28 =	vld [tilespmem:s11+$0x8410]  }
0x2a4: {  	v22 =	vld [tilespmem:s11+$0x8400]  }
0x2a5: {  	v20 =	vld [tilespmem:s11+$0x8450]  }
0x2a6: {  	v17 =	vld [tilespmem:s11+$0x84A0]  }
0x2a7: {  	v26 =	vadd.s32 v0, v11;
	v18 =	vld [tilespmem:s11+$0x8490]  }
.Ltmp10:
0x2a8: {  	v23 =	vadd.s32 v1, v11;
	v19 =	vld [tilespmem:s11+$0x8480];
	(pc) =	sbr.rel @p0 .LBB2_23-.Ltmp10, $4  }
0x2a9: {  	[tilespmem:v21+s29+$0x0] =	vst.idx.msk $0xffff, v22;
	v22 =	vadd.s32 v2, v11  }
0x2aa: {  	[tilespmem:v24+s29+$0x0] =	vst.idx.msk $0xffff, v28;
	v24 =	vadd.s32 v3, v11;
	v28 =	vand.u32 $0xFFFFFFFE, v13  }
0x2ab: {  	[tilespmem:v25+s29+$0x0] =	vst.idx.msk $0xffff, v30;
	v25 =	vadd.s32 v0, v28;
	v21 =	vadd.s32 v2, v28  }
0x2ac: {  	v15 =	vadd.s32 $0x4, v15;
	[tilespmem:v27+s29+$0x0] =	vst.idx.msk $0xffff, v29;
	v27 =	vadd.s32 v1, v28  }
0x2ad: {  	_ =	sdelay $0x3  }
0x2ae: {  	[tilespmem:v26+s29+$0x0] =	vst.idx.msk $0xffff, v14  }
0x2af: {  	[tilespmem:v23+s29+$0x0] =	vst.idx.msk $0xffff, v20  }
0x2b0: {  	v7 =	vadd.s32 v3, v28;
	[tilespmem:v22+s29+$0x0] =	vst.idx.msk $0xffff, v16  }
0x2b1: {  	v11 =	vadd.s32 v0, v9;
	[tilespmem:v24+s29+$0x0] =	vst.idx.msk $0xffff, v12  }
0x2b2: {  	v62 =	vadd.s32 v1, v9;
	[tilespmem:v25+s29+$0x0] =	vst.idx.msk $0xffff, v19  }
0x2b3: {  	v13 =	vadd.s32 v2, v9;
	[tilespmem:v27+s29+$0x0] =	vst.idx.msk $0xffff, v18  }
0x2b4: {  	v63 =	vadd.s32 v3, v9;
	[tilespmem:v21+s29+$0x0] =	vst.idx.msk $0xffff, v17  }
0x2b5: {  	[tilespmem:v7+s29+$0x0] =	vst.idx.msk $0xffff, v10  }
0x2b6: {  	[tilespmem:v11+s29+$0x0] =	vst.idx.msk $0xffff, v8  }
0x2b7: {  	s9 =	sadd.s32 s2, s9;
	[tilespmem:v62+s29+$0x0] =	vst.idx.msk $0xffff, v6  }
0x2b8: {  	s8 =	sadd.s32 s8, s9;
	[tilespmem:v13+s29+$0x0] =	vst.idx.msk $0xffff, v5  }
0x2b9: {  	s11 =	simm.s32 $0x10600;
	s10 =	sadd.s32 $0x80, s8;
	[tilespmem:v63+s29+$0x0] =	vst.idx.msk $0xffff, v4  }
0x2ba: {  	[hbm4b:s10+s3] =	stream.linear.scatter [tilespmem:s11], [sflag:$0x6], $0x80, $0x38;
	[tilespmem:$0x16C00] =	vst v63  }
0x2bb: {  	s12 =	simm.s32 $0x10688;
	s11 =	sadd.s32 $0x10, s10  }
0x2bc: {  	[hbm4b:s11+s3] =	stream.linear.scatter [tilespmem:s12], [sflag:$0x6], $0x80, $0x38;
	[tilespmem:$0x16C00] =	vst v63  }
0x2bd: {  	s13 =	simm.s32 $0x10710;
	s14 =	sadd.s32 $0x20, s10  }
0x2be: {  	[hbm4b:s14+s3] =	stream.linear.scatter [tilespmem:s13], [sflag:$0x6], $0x80, $0x38;
	[tilespmem:$0x16C00] =	vst v63  }
0x2bf: {  	s11 =	simm.s32 $0x10798;
	s12 =	sadd.s32 $0x30, s10  }
0x2c0: {  	[hbm4b:s12+s3] =	stream.linear.scatter [tilespmem:s11], [sflag:$0x6], $0x80, $0x38;
	[tilespmem:$0x16C00] =	vst v63  }
0x2c1: {  	s13 =	simm.s32 $0x10820;
	s14 =	sadd.s32 $0x40, s10  }
0x2c2: {  	[hbm4b:s14+s3] =	stream.linear.scatter [tilespmem:s13], [sflag:$0x6], $0x80, $0x38;
	[tilespmem:$0x16C00] =	vst v63  }
0x2c3: {  	s9 =	simm.s32 $0x440;
	s11 =	simm.s32 $0x108A8;
	s12 =	sadd.s32 $0x50, s10  }
0x2c4: {  	[hbm4b:s12+s3] =	stream.linear.scatter [tilespmem:s11], [sflag:$0x6], $0x80, $0x38;
	[tilespmem:$0x16C00] =	vst v63  }
0x2c5: {  	s13 =	simm.s32 $0x10930;
	s14 =	sadd.s32 $0x60, s10;
	s11 =	simm.s32 $0x2200  }
0x2c6: {  	[hbm4b:s14+s3] =	stream.linear.scatter [tilespmem:s13], [sflag:$0x6], $0x80, $0x38;
	[tilespmem:$0x16C00] =	vst v63  }
0x2c7: {  	s12 =	simm.s32 $0x109B8;
	s13 =	sadd.s32 $0x70, s10;
	s10 =	sadd.s32 $0x1000, s10  }
.LBB2_25:
0x2c8: {  	[hbm4b:s13+s3] =	stream.linear.scatter [tilespmem:s12], [sflag:$0x6], $0x80, $0x38;
	[tilespmem:$0x16C00] =	vst v63  }
0x2c9: {  	s12 =	smov.u32 s9;
	s9 =	smov.u32 s11  }
0x2ca: {  	s14 =	sadd.s32 $0x1100, s11;
	s9 =	sshra.s32 s9, $0x2;
	s13 =	sadd.s32 $0x10600, s12  }
0x2cb: {  	[hbm4b:s10+s3] =	stream.linear.scatter [tilespmem:s13], [sflag:$0x6], $0x80, $0x38;
	[tilespmem:$0x16C00] =	vst v63  }
0x2cc: {  	p0 =	sne.s32 s11, $0x7700;
	s11 =	sadd.s32 $0x10688, s12;
	s13 =	sadd.s32 $0x10, s10  }
0x2cd: {  	[hbm4b:s13+s3] =	stream.linear.scatter [tilespmem:s11], [sflag:$0x6], $0x80, $0x38;
	[tilespmem:$0x16C00] =	vst v63  }
0x2ce: {  	s11 =	sadd.s32 $0x10710, s12;
	s13 =	sadd.s32 $0x20, s10  }
0x2cf: {  	[hbm4b:s13+s3] =	stream.linear.scatter [tilespmem:s11], [sflag:$0x6], $0x80, $0x38;
	[tilespmem:$0x16C00] =	vst v63  }
0x2d0: {  	s11 =	sadd.s32 $0x10798, s12;
	s13 =	sadd.s32 $0x30, s10  }
0x2d1: {  	[hbm4b:s13+s3] =	stream.linear.scatter [tilespmem:s11], [sflag:$0x6], $0x80, $0x38;
	[tilespmem:$0x16C00] =	vst v63  }
0x2d2: {  	s11 =	sadd.s32 $0x10820, s12;
	s13 =	sadd.s32 $0x40, s10  }
0x2d3: {  	[hbm4b:s13+s3] =	stream.linear.scatter [tilespmem:s11], [sflag:$0x6], $0x80, $0x38;
	[tilespmem:$0x16C00] =	vst v63  }
.Ltmp11:
0x2d4: {  	s11 =	sadd.s32 $0x108A8, s12;
	s13 =	sadd.s32 $0x50, s10;
	(pc) =	sbr.rel @p0 .LBB2_25-.Ltmp11, $4  }
0x2d5: {  	[hbm4b:s13+s3] =	stream.linear.scatter [tilespmem:s11], [sflag:$0x6], $0x80, $0x38;
	[tilespmem:$0x16C00] =	vst v63  }
0x2d6: {  	s11 =	sadd.s32 $0x10930, s12;
	s13 =	sadd.s32 $0x60, s10;
	s12 =	sadd.s32 $0x109B8, s12  }
0x2d7: {  	[hbm4b:s13+s3] =	stream.linear.scatter [tilespmem:s11], [sflag:$0x6], $0x80, $0x38;
	[tilespmem:$0x16C00] =	vst v63  }
0x2d8: {  	s13 =	sadd.s32 $0x70, s10;
	s10 =	sadd.s32 $0x1000, s10;
	s11 =	smov.u32 s14  }
0x2d9: {  	[hbm4b:s13+s3] =	stream.linear.scatter [tilespmem:s12], [sflag:$0x6], $0x80, $0x38;
	[tilespmem:$0x16C00] =	vst v63  }
0x2da: {  	s11 =	sadd.s32 $0x10600, s9  }
0x2db: {  	[hbm4b:s10+s3] =	stream.linear.scatter [tilespmem:s11], [sflag:$0x6], $0x80, $0x38;
	[tilespmem:$0x16C00] =	vst v63  }
0x2dc: {  	s13 =	sadd.s32 $0x10688, s9;
	s14 =	sadd.s32 $0x10, s10  }
0x2dd: {  	[hbm4b:s14+s3] =	stream.linear.scatter [tilespmem:s13], [sflag:$0x6], $0x80, $0x38;
	[tilespmem:$0x16C00] =	vst v63  }
0x2de: {  	s13 =	sadd.s32 $0x10710, s9;
	s14 =	sadd.s32 $0x20, s10  }
0x2df: {  	[hbm4b:s14+s3] =	stream.linear.scatter [tilespmem:s13], [sflag:$0x6], $0x80, $0x38;
	[tilespmem:$0x16C00] =	vst v63  }
0x2e0: {  	s13 =	sadd.s32 $0x10798, s9;
	s14 =	sadd.s32 $0x30, s10  }
0x2e1: {  	[hbm4b:s14+s3] =	stream.linear.scatter [tilespmem:s13], [sflag:$0x6], $0x80, $0x38;
	[tilespmem:$0x16C00] =	vst v63  }
0x2e2: {  	s13 =	sadd.s32 $0x10820, s9;
	s14 =	sadd.s32 $0x40, s10  }
0x2e3: {  	[hbm4b:s14+s3] =	stream.linear.scatter [tilespmem:s13], [sflag:$0x6], $0x80, $0x38;
	[tilespmem:$0x16C00] =	vst v63  }
0x2e4: {  	s13 =	sadd.s32 $0x108A8, s9;
	s14 =	sadd.s32 $0x50, s10  }
0x2e5: {  	[hbm4b:s14+s3] =	stream.linear.scatter [tilespmem:s13], [sflag:$0x6], $0x80, $0x38;
	[tilespmem:$0x16C00] =	vst v63  }
0x2e6: {  	s13 =	sadd.s32 $0x10930, s9;
	s14 =	sadd.s32 $0x60, s10  }
0x2e7: {  	[hbm4b:s14+s3] =	stream.linear.scatter [tilespmem:s13], [sflag:$0x6], $0x80, $0x38;
	[tilespmem:$0x16C00] =	vst v63  }
0x2e8: {  	s12 =	sadd.s32 $0x70, s10;
	s11 =	sadd.s32 $0x109B8, s9  }
0x2e9: {  	[hbm4b:s12+s3] =	stream.linear.scatter [tilespmem:s11], [sflag:$0x6], $0x80, $0x38;
	[tilespmem:$0x16C00] =	vst v63  }
0x2ea: {  	s13 =	sadd.s32 $0x280, s15  }
0x2eb: {  	[tilespmem:s19], [sflag:$0x2] =	stream.indirect.gather [hbm4b:s4+s17], $0x40, s13, s17, $0xb8;
	[tilespmem:$0x16C00] =	vst v63  }
0x2ec: {  	_ =	swait.ge [sflag:s31], $0x2000  }
0x2ed: {  	[sflag:s31] =	ssyncset.done $0x0  }
0x2ee: {  	[sflag:s31] =	ssyncadd.s32 $0xFFFFE000  }
0x2ef: {  	_ =	swait.ge [sflag:s26], $0x2000  }
0x2f0: {  	[sflag:s26] =	ssyncset.done $0x0  }
0x2f1: {  	s14 =	simm.s32 $0x0;
	[sflag:s26] =	ssyncadd.s32 $0xFFFFE000  }
0x2f2: {  	v14 =	vld [tilespmem:s14+$0xA440]  }
0x2f3: {  	v12 =	vld [tilespmem:s14+$0xA470]  }
0x2f4: {  	v4 =	vld [tilespmem:s14+$0xA4F0]  }
0x2f5: {  	v5 =	vld [tilespmem:s14+$0xA4E0]  }
0x2f6: {  	v6 =	vld [tilespmem:s14+$0xA4D0]  }
0x2f7: {  	v8 =	vld [tilespmem:s14+$0xA4C0]  }
0x2f8: {  	v10 =	vld [tilespmem:s14+$0xA4B0]  }
0x2f9: {  	v16 =	vld [tilespmem:s14+$0xA460]  }
0x2fa: {  	v7 =	vimm.s32 $0x0;
	v15 =	vld [tilespmem:s14+$0xA430]  }
0x2fb: {  	v9 =	vand.u32 $0xFFFFFFFC, v7;
	v21 =	vld [tilespmem:s14+$0xA420]  }
0x2fc: {  	v22 =	vadd.s32 v0, v9;
	v23 =	vld [tilespmem:s14+$0xA400]  }
0x2fd: {  	v25 =	vadd.s32 v1, v9;
	v24 =	vld [tilespmem:s14+$0xA410]  }
0x2fe: {  	v27 =	vadd.s32 v2, v9;
	v20 =	vld [tilespmem:s14+$0xA450]  }
0x2ff: {  	v11 =	vimm.s32 $0x1;
	v29 =	vadd.s32 v3, v9;
	v17 =	vld [tilespmem:s14+$0xA4A0]  }
0x300: {  	v26 =	vadd.s32 v0, v11;
	v18 =	vld [tilespmem:s14+$0xA490]  }
0x301: {  	v13 =	vimm.s32 $0x2;
	v19 =	vld [tilespmem:s14+$0xA480];
	[tilespmem:v22+s1+$0x0] =	vst.idx.msk $0xffff, v23;
	v23 =	vadd.s32 v1, v11  }
0x302: {  	v28 =	vand.u32 $0xFFFFFFFE, v13;
	v22 =	vadd.s32 v2, v11;
	[tilespmem:v25+s1+$0x0] =	vst.idx.msk $0xffff, v24  }
0x303: {  	v9 =	vimm.s32 $0x3;
	v24 =	vadd.s32 v3, v11;
	v25 =	vadd.s32 v0, v28;
	[tilespmem:v27+s1+$0x0] =	vst.idx.msk $0xffff, v21  }
0x304: {  	s9 =	simm.s32 $0x400;
	v21 =	vadd.s32 v2, v28;
	v27 =	vadd.s32 v1, v28;
	[tilespmem:v29+s1+$0x0] =	vst.idx.msk $0xffff, v15;
	v15 =	vadd.s32 $0x4, v9  }
.LBB2_27:
0x305: {  	p0 =	sne.s32 s9, $0x7C00;
	[tilespmem:v26+s1+$0x0] =	vst.idx.msk $0xffff, v14;
	v7 =	vadd.s32 $0x4, v7;
	v11 =	vadd.s32 $0x4, v11;
	v13 =	vadd.s32 $0x4, v13;
	s10 =	smov.u32 s9;
	s9 =	sadd.s32 $0x400, s9  }
0x306: {  	v14 =	vadd.s32 v3, v28;
	[tilespmem:v23+s1+$0x0] =	vst.idx.msk $0xffff, v20  }
0x307: {  	[tilespmem:v22+s1+$0x0] =	vst.idx.msk $0xffff, v16;
	v16 =	vadd.s32 v0, v9  }
0x308: {  	[tilespmem:v24+s1+$0x0] =	vst.idx.msk $0xffff, v12;
	v12 =	vadd.s32 v1, v9  }
0x309: {  	[tilespmem:v25+s1+$0x0] =	vst.idx.msk $0xffff, v19;
	v19 =	vadd.s32 v2, v9  }
0x30a: {  	[tilespmem:v27+s1+$0x0] =	vst.idx.msk $0xffff, v18;
	v18 =	vadd.s32 v3, v9;
	v9 =	vmov v15  }
0x30b: {  	[tilespmem:v21+s1+$0x0] =	vst.idx.msk $0xffff, v17  }
0x30c: {  	[tilespmem:v14+s1+$0x0] =	vst.idx.msk $0xffff, v10  }
0x30d: {  	[tilespmem:v16+s1+$0x0] =	vst.idx.msk $0xffff, v8  }
0x30e: {  	[tilespmem:v12+s1+$0x0] =	vst.idx.msk $0xffff, v6  }
0x30f: {  	[tilespmem:v19+s1+$0x0] =	vst.idx.msk $0xffff, v5  }
0x310: {  	s10 =	sshra.s32 s10, $0x2;
	v6 =	vand.u32 $0xFFFFFFFC, v7;
	[tilespmem:v18+s1+$0x0] =	vst.idx.msk $0xffff, v4  }
0x311: {  	v21 =	vadd.s32 v0, v6;
	v14 =	vld [tilespmem:s10+$0xA440]  }
0x312: {  	v24 =	vadd.s32 v1, v6;
	v12 =	vld [tilespmem:s10+$0xA470]  }
0x313: {  	v25 =	vadd.s32 v2, v6;
	v4 =	vld [tilespmem:s10+$0xA4F0]  }
0x314: {  	v27 =	vadd.s32 v3, v6;
	v5 =	vld [tilespmem:s10+$0xA4E0]  }
0x315: {  	v6 =	vld [tilespmem:s10+$0xA4D0]  }
0x316: {  	v8 =	vld [tilespmem:s10+$0xA4C0]  }
0x317: {  	v10 =	vld [tilespmem:s10+$0xA4B0]  }
0x318: {  	v16 =	vld [tilespmem:s10+$0xA460]  }
0x319: {  	v29 =	vld [tilespmem:s10+$0xA430]  }
0x31a: {  	v30 =	vld [tilespmem:s10+$0xA420]  }
0x31b: {  	v28 =	vld [tilespmem:s10+$0xA410]  }
0x31c: {  	v22 =	vld [tilespmem:s10+$0xA400]  }
0x31d: {  	v20 =	vld [tilespmem:s10+$0xA450]  }
0x31e: {  	v17 =	vld [tilespmem:s10+$0xA4A0]  }
0x31f: {  	v26 =	vadd.s32 v0, v11;
	v18 =	vld [tilespmem:s10+$0xA490]  }
.Ltmp12:
0x320: {  	v23 =	vadd.s32 v1, v11;
	v19 =	vld [tilespmem:s10+$0xA480];
	(pc) =	sbr.rel @p0 .LBB2_27-.Ltmp12, $4  }
0x321: {  	[tilespmem:v21+s1+$0x0] =	vst.idx.msk $0xffff, v22;
	v22 =	vadd.s32 v2, v11  }
0x322: {  	[tilespmem:v24+s1+$0x0] =	vst.idx.msk $0xffff, v28;
	v24 =	vadd.s32 v3, v11;
	v28 =	vand.u32 $0xFFFFFFFE, v13  }
0x323: {  	[tilespmem:v25+s1+$0x0] =	vst.idx.msk $0xffff, v30;
	v25 =	vadd.s32 v0, v28;
	v21 =	vadd.s32 v2, v28  }
0x324: {  	v15 =	vadd.s32 $0x4, v15;
	[tilespmem:v27+s1+$0x0] =	vst.idx.msk $0xffff, v29;
	v27 =	vadd.s32 v1, v28  }
0x325: {  	_ =	sdelay $0x3  }
0x326: {  	[tilespmem:v26+s1+$0x0] =	vst.idx.msk $0xffff, v14  }
0x327: {  	[tilespmem:v23+s1+$0x0] =	vst.idx.msk $0xffff, v20  }
0x328: {  	v7 =	vadd.s32 v3, v28;
	[tilespmem:v22+s1+$0x0] =	vst.idx.msk $0xffff, v16  }
0x329: {  	v11 =	vadd.s32 v0, v9;
	[tilespmem:v24+s1+$0x0] =	vst.idx.msk $0xffff, v12  }
0x32a: {  	v62 =	vadd.s32 v1, v9;
	[tilespmem:v25+s1+$0x0] =	vst.idx.msk $0xffff, v19  }
0x32b: {  	v13 =	vadd.s32 v2, v9;
	[tilespmem:v27+s1+$0x0] =	vst.idx.msk $0xffff, v18  }
0x32c: {  	v63 =	vadd.s32 v3, v9;
	[tilespmem:v21+s1+$0x0] =	vst.idx.msk $0xffff, v17  }
0x32d: {  	[tilespmem:v7+s1+$0x0] =	vst.idx.msk $0xffff, v10  }
0x32e: {  	[tilespmem:v11+s1+$0x0] =	vst.idx.msk $0xffff, v8  }
0x32f: {  	[tilespmem:v62+s1+$0x0] =	vst.idx.msk $0xffff, v6  }
0x330: {  	[tilespmem:v13+s1+$0x0] =	vst.idx.msk $0xffff, v5  }
0x331: {  	s10 =	sadd.s32 $0x100, s8;
	s9 =	simm.s32 $0x12800;
	[tilespmem:v63+s1+$0x0] =	vst.idx.msk $0xffff, v4  }
0x332: {  	[hbm4b:s10+s3] =	stream.linear.scatter [tilespmem:s9], [sflag:$0x7], $0x80, $0x38;
	[tilespmem:$0x16C00] =	vst v63  }
0x333: {  	s12 =	simm.s32 $0x12888;
	s11 =	sadd.s32 $0x10, s10  }
0x334: {  	[hbm4b:s11+s3] =	stream.linear.scatter [tilespmem:s12], [sflag:$0x7], $0x80, $0x38;
	[tilespmem:$0x16C00] =	vst v63  }
0x335: {  	s13 =	simm.s32 $0x12910;
	s14 =	sadd.s32 $0x20, s10  }
0x336: {  	[hbm4b:s14+s3] =	stream.linear.scatter [tilespmem:s13], [sflag:$0x7], $0x80, $0x38;
	[tilespmem:$0x16C00] =	vst v63  }
0x337: {  	s11 =	simm.s32 $0x12998;
	s12 =	sadd.s32 $0x30, s10  }
0x338: {  	[hbm4b:s12+s3] =	stream.linear.scatter [tilespmem:s11], [sflag:$0x7], $0x80, $0x38;
	[tilespmem:$0x16C00] =	vst v63  }
0x339: {  	s13 =	simm.s32 $0x12A20;
	s14 =	sadd.s32 $0x40, s10  }
0x33a: {  	[hbm4b:s14+s3] =	stream.linear.scatter [tilespmem:s13], [sflag:$0x7], $0x80, $0x38;
	[tilespmem:$0x16C00] =	vst v63  }
0x33b: {  	s9 =	simm.s32 $0x440;
	s11 =	simm.s32 $0x12AA8;
	s12 =	sadd.s32 $0x50, s10  }
0x33c: {  	[hbm4b:s12+s3] =	stream.linear.scatter [tilespmem:s11], [sflag:$0x7], $0x80, $0x38;
	[tilespmem:$0x16C00] =	vst v63  }
0x33d: {  	s13 =	simm.s32 $0x12B30;
	s14 =	sadd.s32 $0x60, s10;
	s11 =	simm.s32 $0x2200  }
0x33e: {  	[hbm4b:s14+s3] =	stream.linear.scatter [tilespmem:s13], [sflag:$0x7], $0x80, $0x38;
	[tilespmem:$0x16C00] =	vst v63  }
0x33f: {  	s12 =	simm.s32 $0x12BB8;
	s13 =	sadd.s32 $0x70, s10;
	s10 =	sadd.s32 $0x1000, s10  }
.LBB2_29:
0x340: {  	[hbm4b:s13+s3] =	stream.linear.scatter [tilespmem:s12], [sflag:$0x7], $0x80, $0x38;
	[tilespmem:$0x16C00] =	vst v63  }
0x341: {  	s12 =	smov.u32 s9;
	s9 =	smov.u32 s11  }
0x342: {  	s14 =	sadd.s32 $0x1100, s11;
	s9 =	sshra.s32 s9, $0x2;
	s13 =	sadd.s32 $0x12800, s12  }
0x343: {  	[hbm4b:s10+s3] =	stream.linear.scatter [tilespmem:s13], [sflag:$0x7], $0x80, $0x38;
	[tilespmem:$0x16C00] =	vst v63  }
0x344: {  	p0 =	sne.s32 s11, $0x7700;
	s11 =	sadd.s32 $0x12888, s12;
	s13 =	sadd.s32 $0x10, s10  }
0x345: {  	[hbm4b:s13+s3] =	stream.linear.scatter [tilespmem:s11], [sflag:$0x7], $0x80, $0x38;
	[tilespmem:$0x16C00] =	vst v63  }
0x346: {  	s11 =	sadd.s32 $0x12910, s12;
	s13 =	sadd.s32 $0x20, s10  }
0x347: {  	[hbm4b:s13+s3] =	stream.linear.scatter [tilespmem:s11], [sflag:$0x7], $0x80, $0x38;
	[tilespmem:$0x16C00] =	vst v63  }
0x348: {  	s11 =	sadd.s32 $0x12998, s12;
	s13 =	sadd.s32 $0x30, s10  }
0x349: {  	[hbm4b:s13+s3] =	stream.linear.scatter [tilespmem:s11], [sflag:$0x7], $0x80, $0x38;
	[tilespmem:$0x16C00] =	vst v63  }
0x34a: {  	s11 =	sadd.s32 $0x12A20, s12;
	s13 =	sadd.s32 $0x40, s10  }
0x34b: {  	[hbm4b:s13+s3] =	stream.linear.scatter [tilespmem:s11], [sflag:$0x7], $0x80, $0x38;
	[tilespmem:$0x16C00] =	vst v63  }
.Ltmp13:
0x34c: {  	s11 =	sadd.s32 $0x12AA8, s12;
	s13 =	sadd.s32 $0x50, s10;
	(pc) =	sbr.rel @p0 .LBB2_29-.Ltmp13, $4  }
0x34d: {  	[hbm4b:s13+s3] =	stream.linear.scatter [tilespmem:s11], [sflag:$0x7], $0x80, $0x38;
	[tilespmem:$0x16C00] =	vst v63  }
0x34e: {  	s11 =	sadd.s32 $0x12B30, s12;
	s13 =	sadd.s32 $0x60, s10;
	s12 =	sadd.s32 $0x12BB8, s12  }
0x34f: {  	[hbm4b:s13+s3] =	stream.linear.scatter [tilespmem:s11], [sflag:$0x7], $0x80, $0x38;
	[tilespmem:$0x16C00] =	vst v63  }
0x350: {  	s13 =	sadd.s32 $0x70, s10;
	s10 =	sadd.s32 $0x1000, s10;
	s11 =	smov.u32 s14  }
0x351: {  	[hbm4b:s13+s3] =	stream.linear.scatter [tilespmem:s12], [sflag:$0x7], $0x80, $0x38;
	[tilespmem:$0x16C00] =	vst v63  }
0x352: {  	s11 =	sadd.s32 $0x12800, s9  }
0x353: {  	[hbm4b:s10+s3] =	stream.linear.scatter [tilespmem:s11], [sflag:$0x7], $0x80, $0x38;
	[tilespmem:$0x16C00] =	vst v63  }
0x354: {  	s13 =	sadd.s32 $0x12888, s9;
	s14 =	sadd.s32 $0x10, s10  }
0x355: {  	[hbm4b:s14+s3] =	stream.linear.scatter [tilespmem:s13], [sflag:$0x7], $0x80, $0x38;
	[tilespmem:$0x16C00] =	vst v63  }
0x356: {  	s13 =	sadd.s32 $0x12910, s9;
	s14 =	sadd.s32 $0x20, s10  }
0x357: {  	[hbm4b:s14+s3] =	stream.linear.scatter [tilespmem:s13], [sflag:$0x7], $0x80, $0x38;
	[tilespmem:$0x16C00] =	vst v63  }
0x358: {  	s13 =	sadd.s32 $0x12998, s9;
	s14 =	sadd.s32 $0x30, s10  }
0x359: {  	[hbm4b:s14+s3] =	stream.linear.scatter [tilespmem:s13], [sflag:$0x7], $0x80, $0x38;
	[tilespmem:$0x16C00] =	vst v63  }
0x35a: {  	s13 =	sadd.s32 $0x12A20, s9;
	s14 =	sadd.s32 $0x40, s10  }
0x35b: {  	[hbm4b:s14+s3] =	stream.linear.scatter [tilespmem:s13], [sflag:$0x7], $0x80, $0x38;
	[tilespmem:$0x16C00] =	vst v63  }
0x35c: {  	s13 =	sadd.s32 $0x12AA8, s9;
	s14 =	sadd.s32 $0x50, s10  }
0x35d: {  	[hbm4b:s14+s3] =	stream.linear.scatter [tilespmem:s13], [sflag:$0x7], $0x80, $0x38;
	[tilespmem:$0x16C00] =	vst v63  }
0x35e: {  	s13 =	sadd.s32 $0x12B30, s9;
	s14 =	sadd.s32 $0x60, s10  }
0x35f: {  	[hbm4b:s14+s3] =	stream.linear.scatter [tilespmem:s13], [sflag:$0x7], $0x80, $0x38;
	[tilespmem:$0x16C00] =	vst v63  }
0x360: {  	s12 =	sadd.s32 $0x70, s10;
	s11 =	sadd.s32 $0x12BB8, s9  }
0x361: {  	[hbm4b:s12+s3] =	stream.linear.scatter [tilespmem:s11], [sflag:$0x7], $0x80, $0x38;
	[tilespmem:$0x16C00] =	vst v63  }
0x362: {  	s13 =	sadd.s32 $0x300, s15  }
0x363: {  	[tilespmem:s21], [sflag:$0x3] =	stream.indirect.gather [hbm4b:s4+s17], $0x40, s13, s17, $0xb8;
	[tilespmem:$0x16C00] =	vst v63  }
0x364: {  	_ =	swait.ge [sflag:s20], $0x2000  }
0x365: {  	[sflag:s20] =	ssyncset.done $0x0  }
0x366: {  	[sflag:s20] =	ssyncadd.s32 $0xFFFFE000  }
0x367: {  	_ =	swait.ge [sflag:s6], $0x2000  }
0x368: {  	[sflag:s6] =	ssyncset.done $0x0  }
0x369: {  	s14 =	simm.s32 $0x0;
	[sflag:s6] =	ssyncadd.s32 $0xFFFFE000  }
0x36a: {  	v14 =	vld [tilespmem:s14+$0xC440]  }
0x36b: {  	v12 =	vld [tilespmem:s14+$0xC470]  }
0x36c: {  	v4 =	vld [tilespmem:s14+$0xC4F0]  }
0x36d: {  	v5 =	vld [tilespmem:s14+$0xC4E0]  }
0x36e: {  	v6 =	vld [tilespmem:s14+$0xC4D0]  }
0x36f: {  	v8 =	vld [tilespmem:s14+$0xC4C0]  }
0x370: {  	v10 =	vld [tilespmem:s14+$0xC4B0]  }
0x371: {  	v16 =	vld [tilespmem:s14+$0xC460]  }
0x372: {  	v7 =	vimm.s32 $0x0;
	v15 =	vld [tilespmem:s14+$0xC430]  }
0x373: {  	v9 =	vand.u32 $0xFFFFFFFC, v7;
	v21 =	vld [tilespmem:s14+$0xC420]  }
0x374: {  	v22 =	vadd.s32 v0, v9;
	v23 =	vld [tilespmem:s14+$0xC400]  }
0x375: {  	v25 =	vadd.s32 v1, v9;
	v24 =	vld [tilespmem:s14+$0xC410]  }
0x376: {  	v27 =	vadd.s32 v2, v9;
	v20 =	vld [tilespmem:s14+$0xC450]  }
0x377: {  	v11 =	vimm.s32 $0x1;
	v29 =	vadd.s32 v3, v9;
	v17 =	vld [tilespmem:s14+$0xC4A0]  }
0x378: {  	v26 =	vadd.s32 v0, v11;
	v18 =	vld [tilespmem:s14+$0xC490]  }
0x379: {  	v13 =	vimm.s32 $0x2;
	v19 =	vld [tilespmem:s14+$0xC480];
	[tilespmem:v22+s22+$0x0] =	vst.idx.msk $0xffff, v23;
	v23 =	vadd.s32 v1, v11  }
0x37a: {  	v28 =	vand.u32 $0xFFFFFFFE, v13;
	v22 =	vadd.s32 v2, v11;
	[tilespmem:v25+s22+$0x0] =	vst.idx.msk $0xffff, v24  }
0x37b: {  	v9 =	vimm.s32 $0x3;
	v24 =	vadd.s32 v3, v11;
	v25 =	vadd.s32 v0, v28;
	[tilespmem:v27+s22+$0x0] =	vst.idx.msk $0xffff, v21  }
0x37c: {  	s9 =	simm.s32 $0x400;
	v21 =	vadd.s32 v2, v28;
	v27 =	vadd.s32 v1, v28;
	[tilespmem:v29+s22+$0x0] =	vst.idx.msk $0xffff, v15;
	v15 =	vadd.s32 $0x4, v9  }
.LBB2_31:
0x37d: {  	p0 =	sne.s32 s9, $0x7C00;
	[tilespmem:v26+s22+$0x0] =	vst.idx.msk $0xffff, v14;
	v7 =	vadd.s32 $0x4, v7;
	v11 =	vadd.s32 $0x4, v11;
	v13 =	vadd.s32 $0x4, v13;
	s10 =	smov.u32 s9;
	s9 =	sadd.s32 $0x400, s9  }
0x37e: {  	v14 =	vadd.s32 v3, v28;
	[tilespmem:v23+s22+$0x0] =	vst.idx.msk $0xffff, v20  }
0x37f: {  	[tilespmem:v22+s22+$0x0] =	vst.idx.msk $0xffff, v16;
	v16 =	vadd.s32 v0, v9  }
0x380: {  	[tilespmem:v24+s22+$0x0] =	vst.idx.msk $0xffff, v12;
	v12 =	vadd.s32 v1, v9  }
0x381: {  	[tilespmem:v25+s22+$0x0] =	vst.idx.msk $0xffff, v19;
	v19 =	vadd.s32 v2, v9  }
0x382: {  	[tilespmem:v27+s22+$0x0] =	vst.idx.msk $0xffff, v18;
	v18 =	vadd.s32 v3, v9;
	v9 =	vmov v15  }
0x383: {  	[tilespmem:v21+s22+$0x0] =	vst.idx.msk $0xffff, v17  }
0x384: {  	[tilespmem:v14+s22+$0x0] =	vst.idx.msk $0xffff, v10  }
0x385: {  	[tilespmem:v16+s22+$0x0] =	vst.idx.msk $0xffff, v8  }
0x386: {  	[tilespmem:v12+s22+$0x0] =	vst.idx.msk $0xffff, v6  }
0x387: {  	[tilespmem:v19+s22+$0x0] =	vst.idx.msk $0xffff, v5  }
0x388: {  	s10 =	sshra.s32 s10, $0x2;
	v6 =	vand.u32 $0xFFFFFFFC, v7;
	[tilespmem:v18+s22+$0x0] =	vst.idx.msk $0xffff, v4  }
0x389: {  	v21 =	vadd.s32 v0, v6;
	v14 =	vld [tilespmem:s10+$0xC440]  }
0x38a: {  	v24 =	vadd.s32 v1, v6;
	v12 =	vld [tilespmem:s10+$0xC470]  }
0x38b: {  	v25 =	vadd.s32 v2, v6;
	v4 =	vld [tilespmem:s10+$0xC4F0]  }
0x38c: {  	v27 =	vadd.s32 v3, v6;
	v5 =	vld [tilespmem:s10+$0xC4E0]  }
0x38d: {  	v6 =	vld [tilespmem:s10+$0xC4D0]  }
0x38e: {  	v8 =	vld [tilespmem:s10+$0xC4C0]  }
0x38f: {  	v10 =	vld [tilespmem:s10+$0xC4B0]  }
0x390: {  	v16 =	vld [tilespmem:s10+$0xC460]  }
0x391: {  	v29 =	vld [tilespmem:s10+$0xC430]  }
0x392: {  	v30 =	vld [tilespmem:s10+$0xC420]  }
0x393: {  	v28 =	vld [tilespmem:s10+$0xC410]  }
0x394: {  	v22 =	vld [tilespmem:s10+$0xC400]  }
0x395: {  	v20 =	vld [tilespmem:s10+$0xC450]  }
0x396: {  	v17 =	vld [tilespmem:s10+$0xC4A0]  }
0x397: {  	v26 =	vadd.s32 v0, v11;
	v18 =	vld [tilespmem:s10+$0xC490]  }
.Ltmp14:
0x398: {  	v23 =	vadd.s32 v1, v11;
	v19 =	vld [tilespmem:s10+$0xC480];
	(pc) =	sbr.rel @p0 .LBB2_31-.Ltmp14, $4  }
0x399: {  	[tilespmem:v21+s22+$0x0] =	vst.idx.msk $0xffff, v22;
	v22 =	vadd.s32 v2, v11  }
0x39a: {  	[tilespmem:v24+s22+$0x0] =	vst.idx.msk $0xffff, v28;
	v24 =	vadd.s32 v3, v11;
	v28 =	vand.u32 $0xFFFFFFFE, v13  }
0x39b: {  	[tilespmem:v25+s22+$0x0] =	vst.idx.msk $0xffff, v30;
	v25 =	vadd.s32 v0, v28;
	v21 =	vadd.s32 v2, v28  }
0x39c: {  	v15 =	vadd.s32 $0x4, v15;
	[tilespmem:v27+s22+$0x0] =	vst.idx.msk $0xffff, v29;
	v27 =	vadd.s32 v1, v28  }
0x39d: {  	_ =	sdelay $0x3  }
0x39e: {  	[tilespmem:v26+s22+$0x0] =	vst.idx.msk $0xffff, v14  }
0x39f: {  	[tilespmem:v23+s22+$0x0] =	vst.idx.msk $0xffff, v20  }
0x3a0: {  	v7 =	vadd.s32 v3, v28;
	[tilespmem:v22+s22+$0x0] =	vst.idx.msk $0xffff, v16  }
0x3a1: {  	v11 =	vadd.s32 v0, v9;
	[tilespmem:v24+s22+$0x0] =	vst.idx.msk $0xffff, v12  }
0x3a2: {  	v62 =	vadd.s32 v1, v9;
	[tilespmem:v25+s22+$0x0] =	vst.idx.msk $0xffff, v19  }
0x3a3: {  	v13 =	vadd.s32 v2, v9;
	[tilespmem:v27+s22+$0x0] =	vst.idx.msk $0xffff, v18  }
0x3a4: {  	v63 =	vadd.s32 v3, v9;
	[tilespmem:v21+s22+$0x0] =	vst.idx.msk $0xffff, v17  }
0x3a5: {  	[tilespmem:v7+s22+$0x0] =	vst.idx.msk $0xffff, v10  }
0x3a6: {  	[tilespmem:v11+s22+$0x0] =	vst.idx.msk $0xffff, v8  }
0x3a7: {  	[tilespmem:v62+s22+$0x0] =	vst.idx.msk $0xffff, v6  }
0x3a8: {  	[tilespmem:v13+s22+$0x0] =	vst.idx.msk $0xffff, v5  }
0x3a9: {  	s9 =	sadd.s32 $0x180, s8;
	s11 =	simm.s32 $0x14A00;
	[tilespmem:v63+s22+$0x0] =	vst.idx.msk $0xffff, v4  }
0x3aa: {  	[hbm4b:s9+s3] =	stream.linear.scatter [tilespmem:s11], [sflag:$0x8], $0x80, $0x38;
	[tilespmem:$0x16C00] =	vst v63  }
0x3ab: {  	s12 =	simm.s32 $0x14A88;
	s10 =	sadd.s32 $0x10, s9  }
0x3ac: {  	[hbm4b:s10+s3] =	stream.linear.scatter [tilespmem:s12], [sflag:$0x8], $0x80, $0x38;
	[tilespmem:$0x16C00] =	vst v63  }
0x3ad: {  	s13 =	simm.s32 $0x14B10;
	s8 =	simm.s32 $0x440;
	s14 =	sadd.s32 $0x20, s9  }
0x3ae: {  	[hbm4b:s14+s3] =	stream.linear.scatter [tilespmem:s13], [sflag:$0x8], $0x80, $0x38;
	[tilespmem:$0x16C00] =	vst v63  }
0x3af: {  	s11 =	simm.s32 $0x14B98;
	s12 =	sadd.s32 $0x30, s9;
	s10 =	simm.s32 $0x2200  }
0x3b0: {  	[hbm4b:s12+s3] =	stream.linear.scatter [tilespmem:s11], [sflag:$0x8], $0x80, $0x38;
	[tilespmem:$0x16C00] =	vst v63  }
0x3b1: {  	s13 =	simm.s32 $0x14C20;
	s14 =	sadd.s32 $0x40, s9;
	s11 =	simm.s32 $0x14CA8  }
0x3b2: {  	[hbm4b:s14+s3] =	stream.linear.scatter [tilespmem:s13], [sflag:$0x8], $0x80, $0x38;
	[tilespmem:$0x16C00] =	vst v63  }
0x3b3: {  	s12 =	sadd.s32 $0x50, s9;
	s13 =	simm.s32 $0x14D30;
	s14 =	sadd.s32 $0x60, s9  }
0x3b4: {  	[hbm4b:s12+s3] =	stream.linear.scatter [tilespmem:s11], [sflag:$0x8], $0x80, $0x38;
	[tilespmem:$0x16C00] =	vst v63  }
0x3b5: {  	s11 =	simm.s32 $0x14DB8;
	s12 =	sadd.s32 $0x70, s9;
	s9 =	sadd.s32 $0x1000, s9  }
0x3b6: {  	[hbm4b:s14+s3] =	stream.linear.scatter [tilespmem:s13], [sflag:$0x8], $0x80, $0x38;
	[tilespmem:$0x16C00] =	vst v63  }
.LBB2_33:
0x3b7: {  	[hbm4b:s12+s3] =	stream.linear.scatter [tilespmem:s11], [sflag:$0x8], $0x80, $0x38;
	[tilespmem:$0x16C00] =	vst v63  }
0x3b8: {  	s11 =	smov.u32 s8;
	s8 =	smov.u32 s10  }
0x3b9: {  	s13 =	sadd.s32 $0x1100, s10;
	s8 =	sshra.s32 s8, $0x2;
	s12 =	sadd.s32 $0x14A00, s11  }
0x3ba: {  	[hbm4b:s9+s3] =	stream.linear.scatter [tilespmem:s12], [sflag:$0x8], $0x80, $0x38;
	[tilespmem:$0x16C00] =	vst v63  }
0x3bb: {  	p0 =	sne.s32 s10, $0x7700;
	s10 =	sadd.s32 $0x14A88, s11;
	s12 =	sadd.s32 $0x10, s9  }
0x3bc: {  	[hbm4b:s12+s3] =	stream.linear.scatter [tilespmem:s10], [sflag:$0x8], $0x80, $0x38;
	[tilespmem:$0x16C00] =	vst v63  }
0x3bd: {  	s10 =	sadd.s32 $0x14B10, s11;
	s12 =	sadd.s32 $0x20, s9  }
0x3be: {  	[hbm4b:s12+s3] =	stream.linear.scatter [tilespmem:s10], [sflag:$0x8], $0x80, $0x38;
	[tilespmem:$0x16C00] =	vst v63  }
0x3bf: {  	s10 =	sadd.s32 $0x14B98, s11;
	s12 =	sadd.s32 $0x30, s9  }
0x3c0: {  	[hbm4b:s12+s3] =	stream.linear.scatter [tilespmem:s10], [sflag:$0x8], $0x80, $0x38;
	[tilespmem:$0x16C00] =	vst v63  }
0x3c1: {  	s10 =	sadd.s32 $0x14C20, s11;
	s12 =	sadd.s32 $0x40, s9  }
0x3c2: {  	[hbm4b:s12+s3] =	stream.linear.scatter [tilespmem:s10], [sflag:$0x8], $0x80, $0x38;
	[tilespmem:$0x16C00] =	vst v63  }
.Ltmp15:
0x3c3: {  	s10 =	sadd.s32 $0x14CA8, s11;
	s12 =	sadd.s32 $0x50, s9;
	(pc) =	sbr.rel @p0 .LBB2_33-.Ltmp15, $4  }
0x3c4: {  	[hbm4b:s12+s3] =	stream.linear.scatter [tilespmem:s10], [sflag:$0x8], $0x80, $0x38;
	[tilespmem:$0x16C00] =	vst v63  }
0x3c5: {  	s10 =	sadd.s32 $0x14D30, s11;
	s12 =	sadd.s32 $0x60, s9;
	s11 =	sadd.s32 $0x14DB8, s11  }
0x3c6: {  	[hbm4b:s12+s3] =	stream.linear.scatter [tilespmem:s10], [sflag:$0x8], $0x80, $0x38;
	[tilespmem:$0x16C00] =	vst v63  }
0x3c7: {  	s12 =	sadd.s32 $0x70, s9;
	s9 =	sadd.s32 $0x1000, s9;
	s10 =	smov.u32 s13  }
0x3c8: {  	[hbm4b:s12+s3] =	stream.linear.scatter [tilespmem:s11], [sflag:$0x8], $0x80, $0x38;
	[tilespmem:$0x16C00] =	vst v63  }
0x3c9: {  	s10 =	sadd.s32 $0x14A00, s8  }
0x3ca: {  	[hbm4b:s9+s3] =	stream.linear.scatter [tilespmem:s10], [sflag:$0x8], $0x80, $0x38;
	[tilespmem:$0x16C00] =	vst v63  }
0x3cb: {  	s13 =	sadd.s32 $0x14A88, s8;
	s14 =	sadd.s32 $0x10, s9  }
0x3cc: {  	[hbm4b:s14+s3] =	stream.linear.scatter [tilespmem:s13], [sflag:$0x8], $0x80, $0x38;
	[tilespmem:$0x16C00] =	vst v63  }
0x3cd: {  	s11 =	sadd.s32 $0x14B10, s8;
	s12 =	sadd.s32 $0x20, s9  }
0x3ce: {  	[hbm4b:s12+s3] =	stream.linear.scatter [tilespmem:s11], [sflag:$0x8], $0x80, $0x38;
	[tilespmem:$0x16C00] =	vst v63  }
0x3cf: {  	s13 =	sadd.s32 $0x14B98, s8;
	s14 =	sadd.s32 $0x30, s9  }
0x3d0: {  	[hbm4b:s14+s3] =	stream.linear.scatter [tilespmem:s13], [sflag:$0x8], $0x80, $0x38;
	[tilespmem:$0x16C00] =	vst v63  }
0x3d1: {  	s11 =	sadd.s32 $0x14C20, s8;
	s12 =	sadd.s32 $0x40, s9  }
0x3d2: {  	[hbm4b:s12+s3] =	stream.linear.scatter [tilespmem:s11], [sflag:$0x8], $0x80, $0x38;
	[tilespmem:$0x16C00] =	vst v63  }
0x3d3: {  	s16 =	sadd.s32 $0x1, s16;
	s13 =	sadd.s32 $0x14CA8, s8;
	s14 =	sadd.s32 $0x50, s9  }
0x3d4: {  	[hbm4b:s14+s3] =	stream.linear.scatter [tilespmem:s13], [sflag:$0x8], $0x80, $0x38;
	[tilespmem:$0x16C00] =	vst v63  }
0x3d5: {  	p0 =	sne.s32 s16, $0x31;
	s11 =	sadd.s32 $0x14D30, s8;
	s12 =	sadd.s32 $0x60, s9  }
0x3d6: {  	[hbm4b:s12+s3] =	stream.linear.scatter [tilespmem:s11], [sflag:$0x8], $0x80, $0x38;
	[tilespmem:$0x16C00] =	vst v63  }
.Ltmp16:
0x3d7: {  	_ = 	snop;
	(pc) =	sbr.rel @p0 .LBB2_18-.Ltmp16, $4  }
0x3d8: {  	s13 =	sadd.s32 $0x14DB8, s8;
	s14 =	sadd.s32 $0x70, s9  }
0x3d9: {  	[hbm4b:s14+s3] =	stream.linear.scatter [tilespmem:s13], [sflag:$0x8], $0x80, $0x38;
	[tilespmem:$0x16C00] =	vst v63  }
0x3da: {  	s15 =	sadd.s32 $0x380, s15  }
0x3db: {  	[tilespmem:s23], [sflag:$0x4] =	stream.indirect.gather [hbm4b:s4+s17], $0x40, s15, s17, $0xb8;
	[tilespmem:$0x16C00] =	vst v63  }
0x3dc: {  	_ =	swait.ge [sflag:s24], $0x2000  }
0x3dd: {  	[sflag:s24] =	ssyncset.done $0x0  }
0x3de: {  	[sflag:s24] =	ssyncadd.s32 $0xFFFFE000  }
0x3df: {  	_ =	swait.ge [sflag:s30], $0x2000  }
0x3e0: {  	[sflag:s30] =	ssyncset.done $0x0  }
0x3e1: {  	s8 =	simm.s32 $0x0;
	[sflag:s30] =	ssyncadd.s32 $0xFFFFE000  }
0x3e2: {  	v14 =	vld [tilespmem:s8+$0x6440]  }
0x3e3: {  	v12 =	vld [tilespmem:s8+$0x6470]  }
0x3e4: {  	v4 =	vld [tilespmem:s8+$0x64F0]  }
0x3e5: {  	v5 =	vld [tilespmem:s8+$0x64E0]  }
0x3e6: {  	v6 =	vld [tilespmem:s8+$0x64D0]  }
0x3e7: {  	v8 =	vld [tilespmem:s8+$0x64C0]  }
0x3e8: {  	v10 =	vld [tilespmem:s8+$0x64B0]  }
0x3e9: {  	v16 =	vld [tilespmem:s8+$0x6460]  }
0x3ea: {  	v7 =	vimm.s32 $0x0;
	v15 =	vld [tilespmem:s8+$0x6430]  }
0x3eb: {  	v9 =	vand.u32 $0xFFFFFFFC, v7;
	v21 =	vld [tilespmem:s8+$0x6420]  }
0x3ec: {  	v22 =	vadd.s32 v0, v9;
	v23 =	vld [tilespmem:s8+$0x6400]  }
0x3ed: {  	v25 =	vadd.s32 v1, v9;
	v24 =	vld [tilespmem:s8+$0x6410]  }
0x3ee: {  	v27 =	vadd.s32 v2, v9;
	v20 =	vld [tilespmem:s8+$0x6450]  }
0x3ef: {  	v11 =	vimm.s32 $0x1;
	v29 =	vadd.s32 v3, v9;
	v17 =	vld [tilespmem:s8+$0x64A0]  }
0x3f0: {  	v26 =	vadd.s32 v0, v11;
	v18 =	vld [tilespmem:s8+$0x6490]  }
0x3f1: {  	v13 =	vimm.s32 $0x2;
	v19 =	vld [tilespmem:s8+$0x6480];
	[tilespmem:v22+s25+$0x0] =	vst.idx.msk $0xffff, v23;
	v23 =	vadd.s32 v1, v11  }
0x3f2: {  	v28 =	vand.u32 $0xFFFFFFFE, v13;
	v22 =	vadd.s32 v2, v11;
	[tilespmem:v25+s25+$0x0] =	vst.idx.msk $0xffff, v24  }
0x3f3: {  	v9 =	vimm.s32 $0x3;
	v24 =	vadd.s32 v3, v11;
	v25 =	vadd.s32 v0, v28;
	[tilespmem:v27+s25+$0x0] =	vst.idx.msk $0xffff, v21  }
0x3f4: {  	s8 =	simm.s32 $0x400;
	v21 =	vadd.s32 v2, v28;
	v27 =	vadd.s32 v1, v28;
	[tilespmem:v29+s25+$0x0] =	vst.idx.msk $0xffff, v15;
	v15 =	vadd.s32 $0x4, v9  }
.LBB2_36:
0x3f5: {  	p0 =	sne.s32 s8, $0x7C00;
	[tilespmem:v26+s25+$0x0] =	vst.idx.msk $0xffff, v14;
	v7 =	vadd.s32 $0x4, v7;
	v11 =	vadd.s32 $0x4, v11;
	v13 =	vadd.s32 $0x4, v13;
	s9 =	smov.u32 s8;
	s8 =	sadd.s32 $0x400, s8  }
0x3f6: {  	v14 =	vadd.s32 v3, v28;
	[tilespmem:v23+s25+$0x0] =	vst.idx.msk $0xffff, v20  }
0x3f7: {  	[tilespmem:v22+s25+$0x0] =	vst.idx.msk $0xffff, v16;
	v16 =	vadd.s32 v0, v9  }
0x3f8: {  	[tilespmem:v24+s25+$0x0] =	vst.idx.msk $0xffff, v12;
	v12 =	vadd.s32 v1, v9  }
0x3f9: {  	[tilespmem:v25+s25+$0x0] =	vst.idx.msk $0xffff, v19;
	v19 =	vadd.s32 v2, v9  }
0x3fa: {  	[tilespmem:v27+s25+$0x0] =	vst.idx.msk $0xffff, v18;
	v18 =	vadd.s32 v3, v9;
	v9 =	vmov v15  }
0x3fb: {  	[tilespmem:v21+s25+$0x0] =	vst.idx.msk $0xffff, v17  }
0x3fc: {  	[tilespmem:v14+s25+$0x0] =	vst.idx.msk $0xffff, v10  }
0x3fd: {  	[tilespmem:v16+s25+$0x0] =	vst.idx.msk $0xffff, v8  }
0x3fe: {  	[tilespmem:v12+s25+$0x0] =	vst.idx.msk $0xffff, v6  }
0x3ff: {  	[tilespmem:v19+s25+$0x0] =	vst.idx.msk $0xffff, v5  }
0x400: {  	s9 =	sshra.s32 s9, $0x2;
	v6 =	vand.u32 $0xFFFFFFFC, v7;
	[tilespmem:v18+s25+$0x0] =	vst.idx.msk $0xffff, v4  }
0x401: {  	v21 =	vadd.s32 v0, v6;
	v14 =	vld [tilespmem:s9+$0x6440]  }
0x402: {  	v24 =	vadd.s32 v1, v6;
	v12 =	vld [tilespmem:s9+$0x6470]  }
0x403: {  	v25 =	vadd.s32 v2, v6;
	v4 =	vld [tilespmem:s9+$0x64F0]  }
0x404: {  	v27 =	vadd.s32 v3, v6;
	v5 =	vld [tilespmem:s9+$0x64E0]  }
0x405: {  	v6 =	vld [tilespmem:s9+$0x64D0]  }
0x406: {  	v8 =	vld [tilespmem:s9+$0x64C0]  }
0x407: {  	v10 =	vld [tilespmem:s9+$0x64B0]  }
0x408: {  	v16 =	vld [tilespmem:s9+$0x6460]  }
0x409: {  	v29 =	vld [tilespmem:s9+$0x6430]  }
0x40a: {  	v30 =	vld [tilespmem:s9+$0x6420]  }
0x40b: {  	v28 =	vld [tilespmem:s9+$0x6410]  }
0x40c: {  	v22 =	vld [tilespmem:s9+$0x6400]  }
0x40d: {  	v20 =	vld [tilespmem:s9+$0x6450]  }
0x40e: {  	v17 =	vld [tilespmem:s9+$0x64A0]  }
0x40f: {  	v26 =	vadd.s32 v0, v11;
	v18 =	vld [tilespmem:s9+$0x6490]  }
.Ltmp17:
0x410: {  	v23 =	vadd.s32 v1, v11;
	v19 =	vld [tilespmem:s9+$0x6480];
	(pc) =	sbr.rel @p0 .LBB2_36-.Ltmp17, $4  }
0x411: {  	[tilespmem:v21+s25+$0x0] =	vst.idx.msk $0xffff, v22;
	v22 =	vadd.s32 v2, v11  }
0x412: {  	[tilespmem:v24+s25+$0x0] =	vst.idx.msk $0xffff, v28;
	v24 =	vadd.s32 v3, v11;
	v28 =	vand.u32 $0xFFFFFFFE, v13  }
0x413: {  	[tilespmem:v25+s25+$0x0] =	vst.idx.msk $0xffff, v30;
	v25 =	vadd.s32 v0, v28;
	v21 =	vadd.s32 v2, v28  }
0x414: {  	v15 =	vadd.s32 $0x4, v15;
	[tilespmem:v27+s25+$0x0] =	vst.idx.msk $0xffff, v29;
	v27 =	vadd.s32 v1, v28  }
0x415: {  	_ =	sdelay $0x3  }
0x416: {  	[tilespmem:v26+s25+$0x0] =	vst.idx.msk $0xffff, v14  }
0x417: {  	[tilespmem:v23+s25+$0x0] =	vst.idx.msk $0xffff, v20  }
0x418: {  	v7 =	vadd.s32 v3, v28;
	[tilespmem:v22+s25+$0x0] =	vst.idx.msk $0xffff, v16  }
0x419: {  	v11 =	vadd.s32 v0, v9;
	[tilespmem:v24+s25+$0x0] =	vst.idx.msk $0xffff, v12  }
0x41a: {  	v62 =	vadd.s32 v1, v9;
	[tilespmem:v25+s25+$0x0] =	vst.idx.msk $0xffff, v19  }
0x41b: {  	v13 =	vadd.s32 v2, v9;
	[tilespmem:v27+s25+$0x0] =	vst.idx.msk $0xffff, v18  }
0x41c: {  	v63 =	vadd.s32 v3, v9;
	[tilespmem:v21+s25+$0x0] =	vst.idx.msk $0xffff, v17  }
0x41d: {  	[tilespmem:v7+s25+$0x0] =	vst.idx.msk $0xffff, v10  }
0x41e: {  	[tilespmem:v11+s25+$0x0] =	vst.idx.msk $0xffff, v8  }
0x41f: {  	[tilespmem:v62+s25+$0x0] =	vst.idx.msk $0xffff, v6  }
0x420: {  	[tilespmem:v13+s25+$0x0] =	vst.idx.msk $0xffff, v5  }
0x421: {  	s8 =	simm.s32 $0xE400;
	s13 =	rddreg [dreg:$0x7];
	[tilespmem:v63+s25+$0x0] =	vst.idx.msk $0xffff, v4  }
0x422: {  	[hbm4b:s13+s3] =	stream.linear.scatter [tilespmem:s8], [sflag:$0x5], $0x80, $0x38;
	[tilespmem:$0x16C00] =	vst v63  }
0x423: {  	s11 =	simm.s32 $0xE488;
	s9 =	sadd.s32 $0x10, s13  }
0x424: {  	[hbm4b:s9+s3] =	stream.linear.scatter [tilespmem:s11], [sflag:$0x5], $0x80, $0x38;
	[tilespmem:$0x16C00] =	vst v63  }
0x425: {  	s12 =	simm.s32 $0xE510;
	s15 =	simm.s32 $0xE598;
	s14 =	sadd.s32 $0x20, s13  }
0x426: {  	[hbm4b:s14+s3] =	stream.linear.scatter [tilespmem:s12], [sflag:$0x5], $0x80, $0x38;
	[tilespmem:$0x16C00] =	vst v63  }
0x427: {  	s10 =	simm.s32 $0xE620;
	s16 =	sadd.s32 $0x30, s13;
	s8 =	simm.s32 $0x440  }
0x428: {  	[hbm4b:s16+s3] =	stream.linear.scatter [tilespmem:s15], [sflag:$0x5], $0x80, $0x38;
	[tilespmem:$0x16C00] =	vst v63  }
0x429: {  	s11 =	sadd.s32 $0x40, s13;
	s9 =	sadd.s32 $0x1000, s13;
	s12 =	simm.s32 $0xE6A8  }
0x42a: {  	[hbm4b:s11+s3] =	stream.linear.scatter [tilespmem:s10], [sflag:$0x5], $0x80, $0x38;
	[tilespmem:$0x16C00] =	vst v63  }
0x42b: {  	s14 =	sadd.s32 $0x50, s13;
	s15 =	simm.s32 $0xE730;
	s16 =	sadd.s32 $0x60, s13  }
0x42c: {  	[hbm4b:s14+s3] =	stream.linear.scatter [tilespmem:s12], [sflag:$0x5], $0x80, $0x38;
	[tilespmem:$0x16C00] =	vst v63  }
0x42d: {  	s10 =	simm.s32 $0x2200;
	s11 =	simm.s32 $0xE7B8;
	s12 =	sadd.s32 $0x70, s13  }
0x42e: {  	[hbm4b:s16+s3] =	stream.linear.scatter [tilespmem:s15], [sflag:$0x5], $0x80, $0x38;
	[tilespmem:$0x16C00] =	vst v63  }
.LBB2_38:
0x42f: {  	[hbm4b:s12+s3] =	stream.linear.scatter [tilespmem:s11], [sflag:$0x5], $0x80, $0x38;
	[tilespmem:$0x16C00] =	vst v63  }
0x430: {  	s11 =	smov.u32 s8;
	s8 =	smov.u32 s10  }
0x431: {  	s13 =	sadd.s32 $0x1100, s10;
	s8 =	sshra.s32 s8, $0x2;
	s12 =	sadd.s32 $0xE400, s11  }
0x432: {  	[hbm4b:s9+s3] =	stream.linear.scatter [tilespmem:s12], [sflag:$0x5], $0x80, $0x38;
	[tilespmem:$0x16C00] =	vst v63  }
0x433: {  	p0 =	sne.s32 s10, $0x7700;
	s10 =	sadd.s32 $0xE488, s11;
	s12 =	sadd.s32 $0x10, s9  }
0x434: {  	[hbm4b:s12+s3] =	stream.linear.scatter [tilespmem:s10], [sflag:$0x5], $0x80, $0x38;
	[tilespmem:$0x16C00] =	vst v63  }
0x435: {  	s10 =	sadd.s32 $0xE510, s11;
	s12 =	sadd.s32 $0x20, s9  }
0x436: {  	[hbm4b:s12+s3] =	stream.linear.scatter [tilespmem:s10], [sflag:$0x5], $0x80, $0x38;
	[tilespmem:$0x16C00] =	vst v63  }
0x437: {  	s10 =	sadd.s32 $0xE598, s11;
	s12 =	sadd.s32 $0x30, s9  }
0x438: {  	[hbm4b:s12+s3] =	stream.linear.scatter [tilespmem:s10], [sflag:$0x5], $0x80, $0x38;
	[tilespmem:$0x16C00] =	vst v63  }
0x439: {  	s10 =	sadd.s32 $0xE620, s11;
	s12 =	sadd.s32 $0x40, s9  }
0x43a: {  	[hbm4b:s12+s3] =	stream.linear.scatter [tilespmem:s10], [sflag:$0x5], $0x80, $0x38;
	[tilespmem:$0x16C00] =	vst v63  }
.Ltmp18:
0x43b: {  	s10 =	sadd.s32 $0xE6A8, s11;
	s12 =	sadd.s32 $0x50, s9;
	(pc) =	sbr.rel @p0 .LBB2_38-.Ltmp18, $4  }
0x43c: {  	[hbm4b:s12+s3] =	stream.linear.scatter [tilespmem:s10], [sflag:$0x5], $0x80, $0x38;
	[tilespmem:$0x16C00] =	vst v63  }
0x43d: {  	s10 =	sadd.s32 $0xE730, s11;
	s12 =	sadd.s32 $0x60, s9;
	s11 =	sadd.s32 $0xE7B8, s11  }
0x43e: {  	[hbm4b:s12+s3] =	stream.linear.scatter [tilespmem:s10], [sflag:$0x5], $0x80, $0x38;
	[tilespmem:$0x16C00] =	vst v63  }
0x43f: {  	s12 =	sadd.s32 $0x70, s9;
	s9 =	sadd.s32 $0x1000, s9;
	s10 =	smov.u32 s13  }
0x440: {  	[hbm4b:s12+s3] =	stream.linear.scatter [tilespmem:s11], [sflag:$0x5], $0x80, $0x38;
	[tilespmem:$0x16C00] =	vst v63  }
0x441: {  	s10 =	sadd.s32 $0xE400, s8  }
0x442: {  	[hbm4b:s9+s3] =	stream.linear.scatter [tilespmem:s10], [sflag:$0x5], $0x80, $0x38;
	[tilespmem:$0x16C00] =	vst v63  }
0x443: {  	s13 =	sadd.s32 $0xE488, s8;
	s14 =	sadd.s32 $0x10, s9  }
0x444: {  	[hbm4b:s14+s3] =	stream.linear.scatter [tilespmem:s13], [sflag:$0x5], $0x80, $0x38;
	[tilespmem:$0x16C00] =	vst v63  }
0x445: {  	s15 =	sadd.s32 $0xE510, s8;
	s16 =	sadd.s32 $0x20, s9  }
0x446: {  	[hbm4b:s16+s3] =	stream.linear.scatter [tilespmem:s15], [sflag:$0x5], $0x80, $0x38;
	[tilespmem:$0x16C00] =	vst v63  }
0x447: {  	s11 =	sadd.s32 $0xE598, s8;
	s12 =	sadd.s32 $0x30, s9  }
0x448: {  	[hbm4b:s12+s3] =	stream.linear.scatter [tilespmem:s11], [sflag:$0x5], $0x80, $0x38;
	[tilespmem:$0x16C00] =	vst v63  }
0x449: {  	s13 =	sadd.s32 $0xE620, s8;
	s14 =	sadd.s32 $0x40, s9  }
0x44a: {  	[hbm4b:s14+s3] =	stream.linear.scatter [tilespmem:s13], [sflag:$0x5], $0x80, $0x38;
	[tilespmem:$0x16C00] =	vst v63  }
0x44b: {  	s15 =	sadd.s32 $0xE6A8, s8;
	s16 =	sadd.s32 $0x50, s9  }
0x44c: {  	[hbm4b:s16+s3] =	stream.linear.scatter [tilespmem:s15], [sflag:$0x5], $0x80, $0x38;
	[tilespmem:$0x16C00] =	vst v63  }
0x44d: {  	s12 =	sadd.s32 $0xE730, s8;
	s13 =	sadd.s32 $0x60, s9  }
0x44e: {  	[hbm4b:s13+s3] =	stream.linear.scatter [tilespmem:s12], [sflag:$0x5], $0x80, $0x38;
	[tilespmem:$0x16C00] =	vst v63  }
0x44f: {  	s14 =	sadd.s32 $0xE7B8, s8;
	s15 =	sadd.s32 $0x70, s9  }
0x450: {  	[hbm4b:s15+s3] =	stream.linear.scatter [tilespmem:s14], [sflag:$0x5], $0x80, $0x38;
	[tilespmem:$0x16C00] =	vst v63  }
0x451: {  	_ =	swait.ge [sflag:s28], $0x2000  }
0x452: {  	[sflag:s28] =	ssyncset.done $0x0  }
0x453: {  	[sflag:s28] =	ssyncadd.s32 $0xFFFFE000  }
0x454: {  	_ =	swait.ge [sflag:s0], $0x2000  }
0x455: {  	[sflag:s0] =	ssyncset.done $0x0  }
0x456: {  	s16 =	simm.s32 $0x0;
	[sflag:s0] =	ssyncadd.s32 $0xFFFFE000  }
0x457: {  	v14 =	vld [tilespmem:s16+$0x8440]  }
0x458: {  	v12 =	vld [tilespmem:s16+$0x8470]  }
0x459: {  	v4 =	vld [tilespmem:s16+$0x84F0]  }
0x45a: {  	v5 =	vld [tilespmem:s16+$0x84E0]  }
0x45b: {  	v6 =	vld [tilespmem:s16+$0x84D0]  }
0x45c: {  	v8 =	vld [tilespmem:s16+$0x84C0]  }
0x45d: {  	v10 =	vld [tilespmem:s16+$0x84B0]  }
0x45e: {  	v16 =	vld [tilespmem:s16+$0x8460]  }
0x45f: {  	v7 =	vimm.s32 $0x0;
	v15 =	vld [tilespmem:s16+$0x8430]  }
0x460: {  	v9 =	vand.u32 $0xFFFFFFFC, v7;
	v21 =	vld [tilespmem:s16+$0x8420]  }
0x461: {  	v22 =	vadd.s32 v0, v9;
	v23 =	vld [tilespmem:s16+$0x8400]  }
0x462: {  	v25 =	vadd.s32 v1, v9;
	v24 =	vld [tilespmem:s16+$0x8410]  }
0x463: {  	v27 =	vadd.s32 v2, v9;
	v20 =	vld [tilespmem:s16+$0x8450]  }
0x464: {  	v11 =	vimm.s32 $0x1;
	v29 =	vadd.s32 v3, v9;
	v17 =	vld [tilespmem:s16+$0x84A0]  }
0x465: {  	v26 =	vadd.s32 v0, v11;
	v18 =	vld [tilespmem:s16+$0x8490]  }
0x466: {  	v13 =	vimm.s32 $0x2;
	v19 =	vld [tilespmem:s16+$0x8480];
	[tilespmem:v22+s29+$0x0] =	vst.idx.msk $0xffff, v23;
	v23 =	vadd.s32 v1, v11  }
0x467: {  	v28 =	vand.u32 $0xFFFFFFFE, v13;
	v22 =	vadd.s32 v2, v11;
	[tilespmem:v25+s29+$0x0] =	vst.idx.msk $0xffff, v24  }
0x468: {  	v9 =	vimm.s32 $0x3;
	v24 =	vadd.s32 v3, v11;
	v25 =	vadd.s32 v0, v28;
	[tilespmem:v27+s29+$0x0] =	vst.idx.msk $0xffff, v21  }
0x469: {  	s8 =	simm.s32 $0x400;
	v21 =	vadd.s32 v2, v28;
	v27 =	vadd.s32 v1, v28;
	[tilespmem:v29+s29+$0x0] =	vst.idx.msk $0xffff, v15;
	v15 =	vadd.s32 $0x4, v9  }
.LBB2_40:
0x46a: {  	p0 =	sne.s32 s8, $0x7C00;
	[tilespmem:v26+s29+$0x0] =	vst.idx.msk $0xffff, v14;
	v7 =	vadd.s32 $0x4, v7;
	v11 =	vadd.s32 $0x4, v11;
	v13 =	vadd.s32 $0x4, v13;
	s9 =	smov.u32 s8;
	s8 =	sadd.s32 $0x400, s8  }
0x46b: {  	v14 =	vadd.s32 v3, v28;
	[tilespmem:v23+s29+$0x0] =	vst.idx.msk $0xffff, v20  }
0x46c: {  	[tilespmem:v22+s29+$0x0] =	vst.idx.msk $0xffff, v16;
	v16 =	vadd.s32 v0, v9  }
0x46d: {  	[tilespmem:v24+s29+$0x0] =	vst.idx.msk $0xffff, v12;
	v12 =	vadd.s32 v1, v9  }
0x46e: {  	[tilespmem:v25+s29+$0x0] =	vst.idx.msk $0xffff, v19;
	v19 =	vadd.s32 v2, v9  }
0x46f: {  	[tilespmem:v27+s29+$0x0] =	vst.idx.msk $0xffff, v18;
	v18 =	vadd.s32 v3, v9;
	v9 =	vmov v15  }
0x470: {  	[tilespmem:v21+s29+$0x0] =	vst.idx.msk $0xffff, v17  }
0x471: {  	[tilespmem:v14+s29+$0x0] =	vst.idx.msk $0xffff, v10  }
0x472: {  	[tilespmem:v16+s29+$0x0] =	vst.idx.msk $0xffff, v8  }
0x473: {  	[tilespmem:v12+s29+$0x0] =	vst.idx.msk $0xffff, v6  }
0x474: {  	[tilespmem:v19+s29+$0x0] =	vst.idx.msk $0xffff, v5  }
0x475: {  	s9 =	sshra.s32 s9, $0x2;
	v6 =	vand.u32 $0xFFFFFFFC, v7;
	[tilespmem:v18+s29+$0x0] =	vst.idx.msk $0xffff, v4  }
0x476: {  	v21 =	vadd.s32 v0, v6;
	v14 =	vld [tilespmem:s9+$0x8440]  }
0x477: {  	v24 =	vadd.s32 v1, v6;
	v12 =	vld [tilespmem:s9+$0x8470]  }
0x478: {  	v25 =	vadd.s32 v2, v6;
	v4 =	vld [tilespmem:s9+$0x84F0]  }
0x479: {  	v27 =	vadd.s32 v3, v6;
	v5 =	vld [tilespmem:s9+$0x84E0]  }
0x47a: {  	v6 =	vld [tilespmem:s9+$0x84D0]  }
0x47b: {  	v8 =	vld [tilespmem:s9+$0x84C0]  }
0x47c: {  	v10 =	vld [tilespmem:s9+$0x84B0]  }
0x47d: {  	v16 =	vld [tilespmem:s9+$0x8460]  }
0x47e: {  	v29 =	vld [tilespmem:s9+$0x8430]  }
0x47f: {  	v30 =	vld [tilespmem:s9+$0x8420]  }
0x480: {  	v28 =	vld [tilespmem:s9+$0x8410]  }
0x481: {  	v22 =	vld [tilespmem:s9+$0x8400]  }
0x482: {  	v20 =	vld [tilespmem:s9+$0x8450]  }
0x483: {  	v17 =	vld [tilespmem:s9+$0x84A0]  }
0x484: {  	v26 =	vadd.s32 v0, v11;
	v18 =	vld [tilespmem:s9+$0x8490]  }
.Ltmp19:
0x485: {  	v23 =	vadd.s32 v1, v11;
	v19 =	vld [tilespmem:s9+$0x8480];
	(pc) =	sbr.rel @p0 .LBB2_40-.Ltmp19, $4  }
0x486: {  	[tilespmem:v21+s29+$0x0] =	vst.idx.msk $0xffff, v22;
	v22 =	vadd.s32 v2, v11  }
0x487: {  	[tilespmem:v24+s29+$0x0] =	vst.idx.msk $0xffff, v28;
	v24 =	vadd.s32 v3, v11;
	v28 =	vand.u32 $0xFFFFFFFE, v13  }
0x488: {  	[tilespmem:v25+s29+$0x0] =	vst.idx.msk $0xffff, v30;
	v25 =	vadd.s32 v0, v28;
	v21 =	vadd.s32 v2, v28  }
0x489: {  	v15 =	vadd.s32 $0x4, v15;
	[tilespmem:v27+s29+$0x0] =	vst.idx.msk $0xffff, v29;
	v27 =	vadd.s32 v1, v28  }
0x48a: {  	_ =	sdelay $0x3  }
0x48b: {  	[tilespmem:v26+s29+$0x0] =	vst.idx.msk $0xffff, v14  }
0x48c: {  	[tilespmem:v23+s29+$0x0] =	vst.idx.msk $0xffff, v20  }
0x48d: {  	v7 =	vadd.s32 v3, v28;
	[tilespmem:v22+s29+$0x0] =	vst.idx.msk $0xffff, v16  }
0x48e: {  	v11 =	vadd.s32 v0, v9;
	[tilespmem:v24+s29+$0x0] =	vst.idx.msk $0xffff, v12  }
0x48f: {  	v62 =	vadd.s32 v1, v9;
	[tilespmem:v25+s29+$0x0] =	vst.idx.msk $0xffff, v19  }
0x490: {  	v13 =	vadd.s32 v2, v9;
	[tilespmem:v27+s29+$0x0] =	vst.idx.msk $0xffff, v18  }
0x491: {  	v63 =	vadd.s32 v3, v9;
	[tilespmem:v21+s29+$0x0] =	vst.idx.msk $0xffff, v17  }
0x492: {  	[tilespmem:v7+s29+$0x0] =	vst.idx.msk $0xffff, v10  }
0x493: {  	[tilespmem:v11+s29+$0x0] =	vst.idx.msk $0xffff, v8  }
0x494: {  	[tilespmem:v62+s29+$0x0] =	vst.idx.msk $0xffff, v6  }
0x495: {  	[tilespmem:v13+s29+$0x0] =	vst.idx.msk $0xffff, v5  }
0x496: {  	s8 =	simm.s32 $0x10600;
	s13 =	rddreg [dreg:$0x8];
	[tilespmem:v63+s29+$0x0] =	vst.idx.msk $0xffff, v4  }
0x497: {  	[hbm4b:s13+s3] =	stream.linear.scatter [tilespmem:s8], [sflag:$0x6], $0x80, $0x38;
	[tilespmem:$0x16C00] =	vst v63  }
0x498: {  	s11 =	simm.s32 $0x10688;
	s9 =	sadd.s32 $0x10, s13  }
0x499: {  	[hbm4b:s9+s3] =	stream.linear.scatter [tilespmem:s11], [sflag:$0x6], $0x80, $0x38;
	[tilespmem:$0x16C00] =	vst v63  }
0x49a: {  	s12 =	simm.s32 $0x10710;
	s15 =	simm.s32 $0x10798;
	s14 =	sadd.s32 $0x20, s13  }
0x49b: {  	[hbm4b:s14+s3] =	stream.linear.scatter [tilespmem:s12], [sflag:$0x6], $0x80, $0x38;
	[tilespmem:$0x16C00] =	vst v63  }
0x49c: {  	s10 =	simm.s32 $0x10820;
	s16 =	sadd.s32 $0x30, s13;
	s8 =	simm.s32 $0x440  }
0x49d: {  	[hbm4b:s16+s3] =	stream.linear.scatter [tilespmem:s15], [sflag:$0x6], $0x80, $0x38;
	[tilespmem:$0x16C00] =	vst v63  }
0x49e: {  	s11 =	sadd.s32 $0x40, s13;
	s9 =	sadd.s32 $0x1000, s13;
	s12 =	simm.s32 $0x108A8  }
0x49f: {  	[hbm4b:s11+s3] =	stream.linear.scatter [tilespmem:s10], [sflag:$0x6], $0x80, $0x38;
	[tilespmem:$0x16C00] =	vst v63  }
0x4a0: {  	s14 =	sadd.s32 $0x50, s13;
	s15 =	simm.s32 $0x10930;
	s16 =	sadd.s32 $0x60, s13  }
0x4a1: {  	[hbm4b:s14+s3] =	stream.linear.scatter [tilespmem:s12], [sflag:$0x6], $0x80, $0x38;
	[tilespmem:$0x16C00] =	vst v63  }
0x4a2: {  	s10 =	simm.s32 $0x2200;
	s11 =	simm.s32 $0x109B8;
	s12 =	sadd.s32 $0x70, s13  }
0x4a3: {  	[hbm4b:s16+s3] =	stream.linear.scatter [tilespmem:s15], [sflag:$0x6], $0x80, $0x38;
	[tilespmem:$0x16C00] =	vst v63  }
.LBB2_42:
0x4a4: {  	[hbm4b:s12+s3] =	stream.linear.scatter [tilespmem:s11], [sflag:$0x6], $0x80, $0x38;
	[tilespmem:$0x16C00] =	vst v63  }
0x4a5: {  	s11 =	smov.u32 s8;
	s8 =	smov.u32 s10  }
0x4a6: {  	s13 =	sadd.s32 $0x1100, s10;
	s8 =	sshra.s32 s8, $0x2;
	s12 =	sadd.s32 $0x10600, s11  }
0x4a7: {  	[hbm4b:s9+s3] =	stream.linear.scatter [tilespmem:s12], [sflag:$0x6], $0x80, $0x38;
	[tilespmem:$0x16C00] =	vst v63  }
0x4a8: {  	p0 =	sne.s32 s10, $0x7700;
	s10 =	sadd.s32 $0x10688, s11;
	s12 =	sadd.s32 $0x10, s9  }
0x4a9: {  	[hbm4b:s12+s3] =	stream.linear.scatter [tilespmem:s10], [sflag:$0x6], $0x80, $0x38;
	[tilespmem:$0x16C00] =	vst v63  }
0x4aa: {  	s10 =	sadd.s32 $0x10710, s11;
	s12 =	sadd.s32 $0x20, s9  }
0x4ab: {  	[hbm4b:s12+s3] =	stream.linear.scatter [tilespmem:s10], [sflag:$0x6], $0x80, $0x38;
	[tilespmem:$0x16C00] =	vst v63  }
0x4ac: {  	s10 =	sadd.s32 $0x10798, s11;
	s12 =	sadd.s32 $0x30, s9  }
0x4ad: {  	[hbm4b:s12+s3] =	stream.linear.scatter [tilespmem:s10], [sflag:$0x6], $0x80, $0x38;
	[tilespmem:$0x16C00] =	vst v63  }
0x4ae: {  	s10 =	sadd.s32 $0x10820, s11;
	s12 =	sadd.s32 $0x40, s9  }
0x4af: {  	[hbm4b:s12+s3] =	stream.linear.scatter [tilespmem:s10], [sflag:$0x6], $0x80, $0x38;
	[tilespmem:$0x16C00] =	vst v63  }
.Ltmp20:
0x4b0: {  	s10 =	sadd.s32 $0x108A8, s11;
	s12 =	sadd.s32 $0x50, s9;
	(pc) =	sbr.rel @p0 .LBB2_42-.Ltmp20, $4  }
0x4b1: {  	[hbm4b:s12+s3] =	stream.linear.scatter [tilespmem:s10], [sflag:$0x6], $0x80, $0x38;
	[tilespmem:$0x16C00] =	vst v63  }
0x4b2: {  	s10 =	sadd.s32 $0x10930, s11;
	s12 =	sadd.s32 $0x60, s9;
	s11 =	sadd.s32 $0x109B8, s11  }
0x4b3: {  	[hbm4b:s12+s3] =	stream.linear.scatter [tilespmem:s10], [sflag:$0x6], $0x80, $0x38;
	[tilespmem:$0x16C00] =	vst v63  }
0x4b4: {  	s12 =	sadd.s32 $0x70, s9;
	s9 =	sadd.s32 $0x1000, s9;
	s10 =	smov.u32 s13  }
0x4b5: {  	[hbm4b:s12+s3] =	stream.linear.scatter [tilespmem:s11], [sflag:$0x6], $0x80, $0x38;
	[tilespmem:$0x16C00] =	vst v63  }
0x4b6: {  	s10 =	sadd.s32 $0x10600, s8  }
0x4b7: {  	[hbm4b:s9+s3] =	stream.linear.scatter [tilespmem:s10], [sflag:$0x6], $0x80, $0x38;
	[tilespmem:$0x16C00] =	vst v63  }
0x4b8: {  	s13 =	sadd.s32 $0x10688, s8;
	s14 =	sadd.s32 $0x10, s9  }
0x4b9: {  	[hbm4b:s14+s3] =	stream.linear.scatter [tilespmem:s13], [sflag:$0x6], $0x80, $0x38;
	[tilespmem:$0x16C00] =	vst v63  }
0x4ba: {  	s15 =	sadd.s32 $0x10710, s8;
	s16 =	sadd.s32 $0x20, s9  }
0x4bb: {  	[hbm4b:s16+s3] =	stream.linear.scatter [tilespmem:s15], [sflag:$0x6], $0x80, $0x38;
	[tilespmem:$0x16C00] =	vst v63  }
0x4bc: {  	s11 =	sadd.s32 $0x10798, s8;
	s12 =	sadd.s32 $0x30, s9  }
0x4bd: {  	[hbm4b:s12+s3] =	stream.linear.scatter [tilespmem:s11], [sflag:$0x6], $0x80, $0x38;
	[tilespmem:$0x16C00] =	vst v63  }
0x4be: {  	s13 =	sadd.s32 $0x10820, s8;
	s14 =	sadd.s32 $0x40, s9  }
0x4bf: {  	[hbm4b:s14+s3] =	stream.linear.scatter [tilespmem:s13], [sflag:$0x6], $0x80, $0x38;
	[tilespmem:$0x16C00] =	vst v63  }
0x4c0: {  	s15 =	sadd.s32 $0x108A8, s8;
	s16 =	sadd.s32 $0x50, s9  }
0x4c1: {  	[hbm4b:s16+s3] =	stream.linear.scatter [tilespmem:s15], [sflag:$0x6], $0x80, $0x38;
	[tilespmem:$0x16C00] =	vst v63  }
0x4c2: {  	s12 =	sadd.s32 $0x10930, s8;
	s13 =	sadd.s32 $0x60, s9  }
0x4c3: {  	[hbm4b:s13+s3] =	stream.linear.scatter [tilespmem:s12], [sflag:$0x6], $0x80, $0x38;
	[tilespmem:$0x16C00] =	vst v63  }
0x4c4: {  	s14 =	sadd.s32 $0x109B8, s8;
	s15 =	sadd.s32 $0x70, s9  }
0x4c5: {  	[hbm4b:s15+s3] =	stream.linear.scatter [tilespmem:s14], [sflag:$0x6], $0x80, $0x38;
	[tilespmem:$0x16C00] =	vst v63  }
0x4c6: {  	_ =	swait.ge [sflag:s31], $0x2000  }
0x4c7: {  	[sflag:s31] =	ssyncset.done $0x0  }
0x4c8: {  	[sflag:s31] =	ssyncadd.s32 $0xFFFFE000  }
0x4c9: {  	_ =	swait.ge [sflag:s26], $0x2000  }
0x4ca: {  	[sflag:s26] =	ssyncset.done $0x0  }
0x4cb: {  	s16 =	simm.s32 $0x0;
	[sflag:s26] =	ssyncadd.s32 $0xFFFFE000  }
0x4cc: {  	v14 =	vld [tilespmem:s16+$0xA440]  }
0x4cd: {  	v12 =	vld [tilespmem:s16+$0xA470]  }
0x4ce: {  	v4 =	vld [tilespmem:s16+$0xA4F0]  }
0x4cf: {  	v5 =	vld [tilespmem:s16+$0xA4E0]  }
0x4d0: {  	v6 =	vld [tilespmem:s16+$0xA4D0]  }
0x4d1: {  	v8 =	vld [tilespmem:s16+$0xA4C0]  }
0x4d2: {  	v10 =	vld [tilespmem:s16+$0xA4B0]  }
0x4d3: {  	v16 =	vld [tilespmem:s16+$0xA460]  }
0x4d4: {  	v7 =	vimm.s32 $0x0;
	v15 =	vld [tilespmem:s16+$0xA430]  }
0x4d5: {  	v9 =	vand.u32 $0xFFFFFFFC, v7;
	v21 =	vld [tilespmem:s16+$0xA420]  }
0x4d6: {  	v22 =	vadd.s32 v0, v9;
	v23 =	vld [tilespmem:s16+$0xA400]  }
0x4d7: {  	v25 =	vadd.s32 v1, v9;
	v24 =	vld [tilespmem:s16+$0xA410]  }
0x4d8: {  	v27 =	vadd.s32 v2, v9;
	v20 =	vld [tilespmem:s16+$0xA450]  }
0x4d9: {  	v11 =	vimm.s32 $0x1;
	v29 =	vadd.s32 v3, v9;
	v17 =	vld [tilespmem:s16+$0xA4A0]  }
0x4da: {  	v26 =	vadd.s32 v0, v11;
	v18 =	vld [tilespmem:s16+$0xA490]  }
0x4db: {  	v13 =	vimm.s32 $0x2;
	v19 =	vld [tilespmem:s16+$0xA480];
	[tilespmem:v22+s1+$0x0] =	vst.idx.msk $0xffff, v23;
	v23 =	vadd.s32 v1, v11  }
0x4dc: {  	v28 =	vand.u32 $0xFFFFFFFE, v13;
	v22 =	vadd.s32 v2, v11;
	[tilespmem:v25+s1+$0x0] =	vst.idx.msk $0xffff, v24  }
0x4dd: {  	v9 =	vimm.s32 $0x3;
	v24 =	vadd.s32 v3, v11;
	v25 =	vadd.s32 v0, v28;
	[tilespmem:v27+s1+$0x0] =	vst.idx.msk $0xffff, v21  }
0x4de: {  	s8 =	simm.s32 $0x400;
	v21 =	vadd.s32 v2, v28;
	v27 =	vadd.s32 v1, v28;
	[tilespmem:v29+s1+$0x0] =	vst.idx.msk $0xffff, v15;
	v15 =	vadd.s32 $0x4, v9  }
.LBB2_44:
0x4df: {  	p0 =	sne.s32 s8, $0x7C00;
	[tilespmem:v26+s1+$0x0] =	vst.idx.msk $0xffff, v14;
	v7 =	vadd.s32 $0x4, v7;
	v11 =	vadd.s32 $0x4, v11;
	v13 =	vadd.s32 $0x4, v13;
	s9 =	smov.u32 s8;
	s8 =	sadd.s32 $0x400, s8  }
0x4e0: {  	v14 =	vadd.s32 v3, v28;
	[tilespmem:v23+s1+$0x0] =	vst.idx.msk $0xffff, v20  }
0x4e1: {  	[tilespmem:v22+s1+$0x0] =	vst.idx.msk $0xffff, v16;
	v16 =	vadd.s32 v0, v9  }
0x4e2: {  	[tilespmem:v24+s1+$0x0] =	vst.idx.msk $0xffff, v12;
	v12 =	vadd.s32 v1, v9  }
0x4e3: {  	[tilespmem:v25+s1+$0x0] =	vst.idx.msk $0xffff, v19;
	v19 =	vadd.s32 v2, v9  }
0x4e4: {  	[tilespmem:v27+s1+$0x0] =	vst.idx.msk $0xffff, v18;
	v18 =	vadd.s32 v3, v9;
	v9 =	vmov v15  }
0x4e5: {  	[tilespmem:v21+s1+$0x0] =	vst.idx.msk $0xffff, v17  }
0x4e6: {  	[tilespmem:v14+s1+$0x0] =	vst.idx.msk $0xffff, v10  }
0x4e7: {  	[tilespmem:v16+s1+$0x0] =	vst.idx.msk $0xffff, v8  }
0x4e8: {  	[tilespmem:v12+s1+$0x0] =	vst.idx.msk $0xffff, v6  }
0x4e9: {  	[tilespmem:v19+s1+$0x0] =	vst.idx.msk $0xffff, v5  }
0x4ea: {  	s9 =	sshra.s32 s9, $0x2;
	v6 =	vand.u32 $0xFFFFFFFC, v7;
	[tilespmem:v18+s1+$0x0] =	vst.idx.msk $0xffff, v4  }
0x4eb: {  	v21 =	vadd.s32 v0, v6;
	v14 =	vld [tilespmem:s9+$0xA440]  }
0x4ec: {  	v24 =	vadd.s32 v1, v6;
	v12 =	vld [tilespmem:s9+$0xA470]  }
0x4ed: {  	v25 =	vadd.s32 v2, v6;
	v4 =	vld [tilespmem:s9+$0xA4F0]  }
0x4ee: {  	v27 =	vadd.s32 v3, v6;
	v5 =	vld [tilespmem:s9+$0xA4E0]  }
0x4ef: {  	v6 =	vld [tilespmem:s9+$0xA4D0]  }
0x4f0: {  	v8 =	vld [tilespmem:s9+$0xA4C0]  }
0x4f1: {  	v10 =	vld [tilespmem:s9+$0xA4B0]  }
0x4f2: {  	v16 =	vld [tilespmem:s9+$0xA460]  }
0x4f3: {  	v29 =	vld [tilespmem:s9+$0xA430]  }
0x4f4: {  	v30 =	vld [tilespmem:s9+$0xA420]  }
0x4f5: {  	v28 =	vld [tilespmem:s9+$0xA410]  }
0x4f6: {  	v22 =	vld [tilespmem:s9+$0xA400]  }
0x4f7: {  	v20 =	vld [tilespmem:s9+$0xA450]  }
0x4f8: {  	v17 =	vld [tilespmem:s9+$0xA4A0]  }
0x4f9: {  	v26 =	vadd.s32 v0, v11;
	v18 =	vld [tilespmem:s9+$0xA490]  }
.Ltmp21:
0x4fa: {  	v23 =	vadd.s32 v1, v11;
	v19 =	vld [tilespmem:s9+$0xA480];
	(pc) =	sbr.rel @p0 .LBB2_44-.Ltmp21, $4  }
0x4fb: {  	[tilespmem:v21+s1+$0x0] =	vst.idx.msk $0xffff, v22;
	v22 =	vadd.s32 v2, v11  }
0x4fc: {  	[tilespmem:v24+s1+$0x0] =	vst.idx.msk $0xffff, v28;
	v24 =	vadd.s32 v3, v11;
	v28 =	vand.u32 $0xFFFFFFFE, v13  }
0x4fd: {  	[tilespmem:v25+s1+$0x0] =	vst.idx.msk $0xffff, v30;
	v25 =	vadd.s32 v0, v28;
	v21 =	vadd.s32 v2, v28  }
0x4fe: {  	v15 =	vadd.s32 $0x4, v15;
	[tilespmem:v27+s1+$0x0] =	vst.idx.msk $0xffff, v29;
	v27 =	vadd.s32 v1, v28  }
0x4ff: {  	_ =	sdelay $0x3  }
0x500: {  	[tilespmem:v26+s1+$0x0] =	vst.idx.msk $0xffff, v14  }
0x501: {  	[tilespmem:v23+s1+$0x0] =	vst.idx.msk $0xffff, v20  }
0x502: {  	v7 =	vadd.s32 v3, v28;
	[tilespmem:v22+s1+$0x0] =	vst.idx.msk $0xffff, v16  }
0x503: {  	v11 =	vadd.s32 v0, v9;
	[tilespmem:v24+s1+$0x0] =	vst.idx.msk $0xffff, v12  }
0x504: {  	v62 =	vadd.s32 v1, v9;
	[tilespmem:v25+s1+$0x0] =	vst.idx.msk $0xffff, v19  }
0x505: {  	v13 =	vadd.s32 v2, v9;
	[tilespmem:v27+s1+$0x0] =	vst.idx.msk $0xffff, v18  }
0x506: {  	v63 =	vadd.s32 v3, v9;
	[tilespmem:v21+s1+$0x0] =	vst.idx.msk $0xffff, v17  }
0x507: {  	[tilespmem:v7+s1+$0x0] =	vst.idx.msk $0xffff, v10  }
0x508: {  	[tilespmem:v11+s1+$0x0] =	vst.idx.msk $0xffff, v8  }
0x509: {  	[tilespmem:v62+s1+$0x0] =	vst.idx.msk $0xffff, v6  }
0x50a: {  	[tilespmem:v13+s1+$0x0] =	vst.idx.msk $0xffff, v5  }
0x50b: {  	s8 =	simm.s32 $0x12800;
	s13 =	rddreg [dreg:$0x9];
	[tilespmem:v63+s1+$0x0] =	vst.idx.msk $0xffff, v4  }
0x50c: {  	[hbm4b:s13+s3] =	stream.linear.scatter [tilespmem:s8], [sflag:$0x7], $0x80, $0x38;
	[tilespmem:$0x16C00] =	vst v63  }
0x50d: {  	s11 =	simm.s32 $0x12888;
	s9 =	sadd.s32 $0x10, s13  }
0x50e: {  	[hbm4b:s9+s3] =	stream.linear.scatter [tilespmem:s11], [sflag:$0x7], $0x80, $0x38;
	[tilespmem:$0x16C00] =	vst v63  }
0x50f: {  	s12 =	simm.s32 $0x12910;
	s15 =	simm.s32 $0x12998;
	s14 =	sadd.s32 $0x20, s13  }
0x510: {  	[hbm4b:s14+s3] =	stream.linear.scatter [tilespmem:s12], [sflag:$0x7], $0x80, $0x38;
	[tilespmem:$0x16C00] =	vst v63  }
0x511: {  	s10 =	simm.s32 $0x12A20;
	s16 =	sadd.s32 $0x30, s13;
	s8 =	simm.s32 $0x440  }
0x512: {  	[hbm4b:s16+s3] =	stream.linear.scatter [tilespmem:s15], [sflag:$0x7], $0x80, $0x38;
	[tilespmem:$0x16C00] =	vst v63  }
0x513: {  	s11 =	sadd.s32 $0x40, s13;
	s9 =	sadd.s32 $0x1000, s13;
	s12 =	simm.s32 $0x12AA8  }
0x514: {  	[hbm4b:s11+s3] =	stream.linear.scatter [tilespmem:s10], [sflag:$0x7], $0x80, $0x38;
	[tilespmem:$0x16C00] =	vst v63  }
0x515: {  	s14 =	sadd.s32 $0x50, s13;
	s15 =	simm.s32 $0x12B30;
	s16 =	sadd.s32 $0x60, s13  }
0x516: {  	[hbm4b:s14+s3] =	stream.linear.scatter [tilespmem:s12], [sflag:$0x7], $0x80, $0x38;
	[tilespmem:$0x16C00] =	vst v63  }
0x517: {  	s10 =	simm.s32 $0x2200;
	s11 =	simm.s32 $0x12BB8;
	s12 =	sadd.s32 $0x70, s13  }
0x518: {  	[hbm4b:s16+s3] =	stream.linear.scatter [tilespmem:s15], [sflag:$0x7], $0x80, $0x38;
	[tilespmem:$0x16C00] =	vst v63  }
.LBB2_46:
0x519: {  	[hbm4b:s12+s3] =	stream.linear.scatter [tilespmem:s11], [sflag:$0x7], $0x80, $0x38;
	[tilespmem:$0x16C00] =	vst v63  }
0x51a: {  	s11 =	smov.u32 s8;
	s8 =	smov.u32 s10  }
0x51b: {  	s13 =	sadd.s32 $0x1100, s10;
	s8 =	sshra.s32 s8, $0x2;
	s12 =	sadd.s32 $0x12800, s11  }
0x51c: {  	[hbm4b:s9+s3] =	stream.linear.scatter [tilespmem:s12], [sflag:$0x7], $0x80, $0x38;
	[tilespmem:$0x16C00] =	vst v63  }
0x51d: {  	p0 =	sne.s32 s10, $0x7700;
	s10 =	sadd.s32 $0x12888, s11;
	s12 =	sadd.s32 $0x10, s9  }
0x51e: {  	[hbm4b:s12+s3] =	stream.linear.scatter [tilespmem:s10], [sflag:$0x7], $0x80, $0x38;
	[tilespmem:$0x16C00] =	vst v63  }
0x51f: {  	s10 =	sadd.s32 $0x12910, s11;
	s12 =	sadd.s32 $0x20, s9  }
0x520: {  	[hbm4b:s12+s3] =	stream.linear.scatter [tilespmem:s10], [sflag:$0x7], $0x80, $0x38;
	[tilespmem:$0x16C00] =	vst v63  }
0x521: {  	s10 =	sadd.s32 $0x12998, s11;
	s12 =	sadd.s32 $0x30, s9  }
0x522: {  	[hbm4b:s12+s3] =	stream.linear.scatter [tilespmem:s10], [sflag:$0x7], $0x80, $0x38;
	[tilespmem:$0x16C00] =	vst v63  }
0x523: {  	s10 =	sadd.s32 $0x12A20, s11;
	s12 =	sadd.s32 $0x40, s9  }
0x524: {  	[hbm4b:s12+s3] =	stream.linear.scatter [tilespmem:s10], [sflag:$0x7], $0x80, $0x38;
	[tilespmem:$0x16C00] =	vst v63  }
.Ltmp22:
0x525: {  	s10 =	sadd.s32 $0x12AA8, s11;
	s12 =	sadd.s32 $0x50, s9;
	(pc) =	sbr.rel @p0 .LBB2_46-.Ltmp22, $4  }
0x526: {  	[hbm4b:s12+s3] =	stream.linear.scatter [tilespmem:s10], [sflag:$0x7], $0x80, $0x38;
	[tilespmem:$0x16C00] =	vst v63  }
0x527: {  	s10 =	sadd.s32 $0x12B30, s11;
	s12 =	sadd.s32 $0x60, s9;
	s11 =	sadd.s32 $0x12BB8, s11  }
0x528: {  	[hbm4b:s12+s3] =	stream.linear.scatter [tilespmem:s10], [sflag:$0x7], $0x80, $0x38;
	[tilespmem:$0x16C00] =	vst v63  }
0x529: {  	s12 =	sadd.s32 $0x70, s9;
	s9 =	sadd.s32 $0x1000, s9;
	s10 =	smov.u32 s13  }
0x52a: {  	[hbm4b:s12+s3] =	stream.linear.scatter [tilespmem:s11], [sflag:$0x7], $0x80, $0x38;
	[tilespmem:$0x16C00] =	vst v63  }
0x52b: {  	s10 =	sadd.s32 $0x12800, s8  }
0x52c: {  	[hbm4b:s9+s3] =	stream.linear.scatter [tilespmem:s10], [sflag:$0x7], $0x80, $0x38;
	[tilespmem:$0x16C00] =	vst v63  }
0x52d: {  	s13 =	sadd.s32 $0x12888, s8;
	s14 =	sadd.s32 $0x10, s9  }
0x52e: {  	[hbm4b:s14+s3] =	stream.linear.scatter [tilespmem:s13], [sflag:$0x7], $0x80, $0x38;
	[tilespmem:$0x16C00] =	vst v63  }
0x52f: {  	s15 =	sadd.s32 $0x12910, s8;
	s16 =	sadd.s32 $0x20, s9  }
0x530: {  	[hbm4b:s16+s3] =	stream.linear.scatter [tilespmem:s15], [sflag:$0x7], $0x80, $0x38;
	[tilespmem:$0x16C00] =	vst v63  }
0x531: {  	s11 =	sadd.s32 $0x12998, s8;
	s12 =	sadd.s32 $0x30, s9  }
0x532: {  	[hbm4b:s12+s3] =	stream.linear.scatter [tilespmem:s11], [sflag:$0x7], $0x80, $0x38;
	[tilespmem:$0x16C00] =	vst v63  }
0x533: {  	s13 =	sadd.s32 $0x12A20, s8;
	s14 =	sadd.s32 $0x40, s9  }
0x534: {  	[hbm4b:s14+s3] =	stream.linear.scatter [tilespmem:s13], [sflag:$0x7], $0x80, $0x38;
	[tilespmem:$0x16C00] =	vst v63  }
0x535: {  	s15 =	sadd.s32 $0x12AA8, s8;
	s16 =	sadd.s32 $0x50, s9  }
0x536: {  	[hbm4b:s16+s3] =	stream.linear.scatter [tilespmem:s15], [sflag:$0x7], $0x80, $0x38;
	[tilespmem:$0x16C00] =	vst v63  }
0x537: {  	s12 =	sadd.s32 $0x12B30, s8;
	s13 =	sadd.s32 $0x60, s9  }
0x538: {  	[hbm4b:s13+s3] =	stream.linear.scatter [tilespmem:s12], [sflag:$0x7], $0x80, $0x38;
	[tilespmem:$0x16C00] =	vst v63  }
0x539: {  	s14 =	sadd.s32 $0x12BB8, s8;
	s15 =	sadd.s32 $0x70, s9  }
0x53a: {  	[hbm4b:s15+s3] =	stream.linear.scatter [tilespmem:s14], [sflag:$0x7], $0x80, $0x38;
	[tilespmem:$0x16C00] =	vst v63  }
0x53b: {  	_ =	swait.ge [sflag:s20], $0x2000  }
0x53c: {  	[sflag:s20] =	ssyncset.done $0x0  }
0x53d: {  	[sflag:s20] =	ssyncadd.s32 $0xFFFFE000  }
0x53e: {  	_ =	swait.ge [sflag:s6], $0x2000  }
0x53f: {  	[sflag:s6] =	ssyncset.done $0x0  }
0x540: {  	s16 =	simm.s32 $0x0;
	[sflag:s6] =	ssyncadd.s32 $0xFFFFE000  }
0x541: {  	v14 =	vld [tilespmem:s16+$0xC440]  }
0x542: {  	v12 =	vld [tilespmem:s16+$0xC470]  }
0x543: {  	v4 =	vld [tilespmem:s16+$0xC4F0]  }
0x544: {  	v5 =	vld [tilespmem:s16+$0xC4E0]  }
0x545: {  	v6 =	vld [tilespmem:s16+$0xC4D0]  }
0x546: {  	v8 =	vld [tilespmem:s16+$0xC4C0]  }
0x547: {  	v10 =	vld [tilespmem:s16+$0xC4B0]  }
0x548: {  	v16 =	vld [tilespmem:s16+$0xC460]  }
0x549: {  	v7 =	vimm.s32 $0x0;
	v15 =	vld [tilespmem:s16+$0xC430]  }
0x54a: {  	v9 =	vand.u32 $0xFFFFFFFC, v7;
	v21 =	vld [tilespmem:s16+$0xC420]  }
0x54b: {  	v22 =	vadd.s32 v0, v9;
	v23 =	vld [tilespmem:s16+$0xC400]  }
0x54c: {  	v25 =	vadd.s32 v1, v9;
	v24 =	vld [tilespmem:s16+$0xC410]  }
0x54d: {  	v27 =	vadd.s32 v2, v9;
	v20 =	vld [tilespmem:s16+$0xC450]  }
0x54e: {  	v11 =	vimm.s32 $0x1;
	v29 =	vadd.s32 v3, v9;
	v17 =	vld [tilespmem:s16+$0xC4A0]  }
0x54f: {  	v26 =	vadd.s32 v0, v11;
	v18 =	vld [tilespmem:s16+$0xC490]  }
0x550: {  	v13 =	vimm.s32 $0x2;
	v19 =	vld [tilespmem:s16+$0xC480];
	[tilespmem:v22+s22+$0x0] =	vst.idx.msk $0xffff, v23;
	v23 =	vadd.s32 v1, v11  }
0x551: {  	v28 =	vand.u32 $0xFFFFFFFE, v13;
	v22 =	vadd.s32 v2, v11;
	[tilespmem:v25+s22+$0x0] =	vst.idx.msk $0xffff, v24  }
0x552: {  	v9 =	vimm.s32 $0x3;
	v24 =	vadd.s32 v3, v11;
	v25 =	vadd.s32 v0, v28;
	[tilespmem:v27+s22+$0x0] =	vst.idx.msk $0xffff, v21  }
0x553: {  	s8 =	simm.s32 $0x400;
	v21 =	vadd.s32 v2, v28;
	v27 =	vadd.s32 v1, v28;
	[tilespmem:v29+s22+$0x0] =	vst.idx.msk $0xffff, v15;
	v15 =	vadd.s32 $0x4, v9  }
.LBB2_48:
0x554: {  	p0 =	sne.s32 s8, $0x7C00;
	[tilespmem:v26+s22+$0x0] =	vst.idx.msk $0xffff, v14;
	v7 =	vadd.s32 $0x4, v7;
	v11 =	vadd.s32 $0x4, v11;
	v13 =	vadd.s32 $0x4, v13;
	s9 =	smov.u32 s8;
	s8 =	sadd.s32 $0x400, s8  }
0x555: {  	v14 =	vadd.s32 v3, v28;
	[tilespmem:v23+s22+$0x0] =	vst.idx.msk $0xffff, v20  }
0x556: {  	[tilespmem:v22+s22+$0x0] =	vst.idx.msk $0xffff, v16;
	v16 =	vadd.s32 v0, v9  }
0x557: {  	[tilespmem:v24+s22+$0x0] =	vst.idx.msk $0xffff, v12;
	v12 =	vadd.s32 v1, v9  }
0x558: {  	[tilespmem:v25+s22+$0x0] =	vst.idx.msk $0xffff, v19;
	v19 =	vadd.s32 v2, v9  }
0x559: {  	[tilespmem:v27+s22+$0x0] =	vst.idx.msk $0xffff, v18;
	v18 =	vadd.s32 v3, v9;
	v9 =	vmov v15  }
0x55a: {  	[tilespmem:v21+s22+$0x0] =	vst.idx.msk $0xffff, v17  }
0x55b: {  	[tilespmem:v14+s22+$0x0] =	vst.idx.msk $0xffff, v10  }
0x55c: {  	[tilespmem:v16+s22+$0x0] =	vst.idx.msk $0xffff, v8  }
0x55d: {  	[tilespmem:v12+s22+$0x0] =	vst.idx.msk $0xffff, v6  }
0x55e: {  	[tilespmem:v19+s22+$0x0] =	vst.idx.msk $0xffff, v5  }
0x55f: {  	s9 =	sshra.s32 s9, $0x2;
	v6 =	vand.u32 $0xFFFFFFFC, v7;
	[tilespmem:v18+s22+$0x0] =	vst.idx.msk $0xffff, v4  }
0x560: {  	v21 =	vadd.s32 v0, v6;
	v14 =	vld [tilespmem:s9+$0xC440]  }
0x561: {  	v24 =	vadd.s32 v1, v6;
	v12 =	vld [tilespmem:s9+$0xC470]  }
0x562: {  	v25 =	vadd.s32 v2, v6;
	v4 =	vld [tilespmem:s9+$0xC4F0]  }
0x563: {  	v27 =	vadd.s32 v3, v6;
	v5 =	vld [tilespmem:s9+$0xC4E0]  }
0x564: {  	v6 =	vld [tilespmem:s9+$0xC4D0]  }
0x565: {  	v8 =	vld [tilespmem:s9+$0xC4C0]  }
0x566: {  	v10 =	vld [tilespmem:s9+$0xC4B0]  }
0x567: {  	v16 =	vld [tilespmem:s9+$0xC460]  }
0x568: {  	v29 =	vld [tilespmem:s9+$0xC430]  }
0x569: {  	v30 =	vld [tilespmem:s9+$0xC420]  }
0x56a: {  	v28 =	vld [tilespmem:s9+$0xC410]  }
0x56b: {  	v22 =	vld [tilespmem:s9+$0xC400]  }
0x56c: {  	v20 =	vld [tilespmem:s9+$0xC450]  }
0x56d: {  	v17 =	vld [tilespmem:s9+$0xC4A0]  }
0x56e: {  	v26 =	vadd.s32 v0, v11;
	v18 =	vld [tilespmem:s9+$0xC490]  }
.Ltmp23:
0x56f: {  	v23 =	vadd.s32 v1, v11;
	v19 =	vld [tilespmem:s9+$0xC480];
	(pc) =	sbr.rel @p0 .LBB2_48-.Ltmp23, $4  }
0x570: {  	[tilespmem:v21+s22+$0x0] =	vst.idx.msk $0xffff, v22;
	v22 =	vadd.s32 v2, v11  }
0x571: {  	[tilespmem:v24+s22+$0x0] =	vst.idx.msk $0xffff, v28;
	v24 =	vadd.s32 v3, v11;
	v28 =	vand.u32 $0xFFFFFFFE, v13  }
0x572: {  	[tilespmem:v25+s22+$0x0] =	vst.idx.msk $0xffff, v30;
	v25 =	vadd.s32 v0, v28;
	v21 =	vadd.s32 v2, v28  }
0x573: {  	v15 =	vadd.s32 $0x4, v15;
	[tilespmem:v27+s22+$0x0] =	vst.idx.msk $0xffff, v29;
	v27 =	vadd.s32 v1, v28  }
0x574: {  	_ =	sdelay $0x3  }
0x575: {  	[tilespmem:v26+s22+$0x0] =	vst.idx.msk $0xffff, v14  }
0x576: {  	[tilespmem:v23+s22+$0x0] =	vst.idx.msk $0xffff, v20  }
0x577: {  	v7 =	vadd.s32 v3, v28;
	[tilespmem:v22+s22+$0x0] =	vst.idx.msk $0xffff, v16  }
0x578: {  	v11 =	vadd.s32 v0, v9;
	[tilespmem:v24+s22+$0x0] =	vst.idx.msk $0xffff, v12  }
0x579: {  	v62 =	vadd.s32 v1, v9;
	[tilespmem:v25+s22+$0x0] =	vst.idx.msk $0xffff, v19  }
0x57a: {  	v13 =	vadd.s32 v2, v9;
	[tilespmem:v27+s22+$0x0] =	vst.idx.msk $0xffff, v18  }
0x57b: {  	v63 =	vadd.s32 v3, v9;
	[tilespmem:v21+s22+$0x0] =	vst.idx.msk $0xffff, v17  }
0x57c: {  	[tilespmem:v7+s22+$0x0] =	vst.idx.msk $0xffff, v10  }
0x57d: {  	[tilespmem:v11+s22+$0x0] =	vst.idx.msk $0xffff, v8  }
0x57e: {  	[tilespmem:v62+s22+$0x0] =	vst.idx.msk $0xffff, v6  }
0x57f: {  	[tilespmem:v13+s22+$0x0] =	vst.idx.msk $0xffff, v5  }
0x580: {  	s8 =	simm.s32 $0x14A00;
	s13 =	rddreg [dreg:$0xa];
	[tilespmem:v63+s22+$0x0] =	vst.idx.msk $0xffff, v4  }
0x581: {  	[hbm4b:s13+s3] =	stream.linear.scatter [tilespmem:s8], [sflag:$0x8], $0x80, $0x38;
	[tilespmem:$0x16C00] =	vst v63  }
0x582: {  	s11 =	simm.s32 $0x14A88;
	s9 =	sadd.s32 $0x10, s13  }
0x583: {  	[hbm4b:s9+s3] =	stream.linear.scatter [tilespmem:s11], [sflag:$0x8], $0x80, $0x38;
	[tilespmem:$0x16C00] =	vst v63  }
0x584: {  	s12 =	simm.s32 $0x14B10;
	s15 =	simm.s32 $0x14B98;
	s14 =	sadd.s32 $0x20, s13  }
0x585: {  	[hbm4b:s14+s3] =	stream.linear.scatter [tilespmem:s12], [sflag:$0x8], $0x80, $0x38;
	[tilespmem:$0x16C00] =	vst v63  }
0x586: {  	s10 =	simm.s32 $0x14C20;
	s16 =	sadd.s32 $0x30, s13;
	s8 =	simm.s32 $0x440  }
0x587: {  	[hbm4b:s16+s3] =	stream.linear.scatter [tilespmem:s15], [sflag:$0x8], $0x80, $0x38;
	[tilespmem:$0x16C00] =	vst v63  }
0x588: {  	s11 =	sadd.s32 $0x40, s13;
	s9 =	sadd.s32 $0x1000, s13;
	s12 =	simm.s32 $0x14CA8  }
0x589: {  	[hbm4b:s11+s3] =	stream.linear.scatter [tilespmem:s10], [sflag:$0x8], $0x80, $0x38;
	[tilespmem:$0x16C00] =	vst v63  }
0x58a: {  	s14 =	sadd.s32 $0x50, s13;
	s15 =	simm.s32 $0x14D30;
	s16 =	sadd.s32 $0x60, s13  }
0x58b: {  	[hbm4b:s14+s3] =	stream.linear.scatter [tilespmem:s12], [sflag:$0x8], $0x80, $0x38;
	[tilespmem:$0x16C00] =	vst v63  }
0x58c: {  	s10 =	simm.s32 $0x2200;
	s11 =	simm.s32 $0x14DB8;
	s12 =	sadd.s32 $0x70, s13  }
0x58d: {  	[hbm4b:s16+s3] =	stream.linear.scatter [tilespmem:s15], [sflag:$0x8], $0x80, $0x38;
	[tilespmem:$0x16C00] =	vst v63  }
.LBB2_50:
0x58e: {  	[hbm4b:s12+s3] =	stream.linear.scatter [tilespmem:s11], [sflag:$0x8], $0x80, $0x38;
	[tilespmem:$0x16C00] =	vst v63  }
0x58f: {  	s11 =	smov.u32 s8;
	s8 =	smov.u32 s10  }
0x590: {  	s13 =	sadd.s32 $0x1100, s10;
	s8 =	sshra.s32 s8, $0x2;
	s12 =	sadd.s32 $0x14A00, s11  }
0x591: {  	[hbm4b:s9+s3] =	stream.linear.scatter [tilespmem:s12], [sflag:$0x8], $0x80, $0x38;
	[tilespmem:$0x16C00] =	vst v63  }
0x592: {  	p0 =	sne.s32 s10, $0x7700;
	s10 =	sadd.s32 $0x14A88, s11;
	s12 =	sadd.s32 $0x10, s9  }
0x593: {  	[hbm4b:s12+s3] =	stream.linear.scatter [tilespmem:s10], [sflag:$0x8], $0x80, $0x38;
	[tilespmem:$0x16C00] =	vst v63  }
0x594: {  	s10 =	sadd.s32 $0x14B10, s11;
	s12 =	sadd.s32 $0x20, s9  }
0x595: {  	[hbm4b:s12+s3] =	stream.linear.scatter [tilespmem:s10], [sflag:$0x8], $0x80, $0x38;
	[tilespmem:$0x16C00] =	vst v63  }
0x596: {  	s10 =	sadd.s32 $0x14B98, s11;
	s12 =	sadd.s32 $0x30, s9  }
0x597: {  	[hbm4b:s12+s3] =	stream.linear.scatter [tilespmem:s10], [sflag:$0x8], $0x80, $0x38;
	[tilespmem:$0x16C00] =	vst v63  }
0x598: {  	s10 =	sadd.s32 $0x14C20, s11;
	s12 =	sadd.s32 $0x40, s9  }
0x599: {  	[hbm4b:s12+s3] =	stream.linear.scatter [tilespmem:s10], [sflag:$0x8], $0x80, $0x38;
	[tilespmem:$0x16C00] =	vst v63  }
.Ltmp24:
0x59a: {  	s10 =	sadd.s32 $0x14CA8, s11;
	s12 =	sadd.s32 $0x50, s9;
	(pc) =	sbr.rel @p0 .LBB2_50-.Ltmp24, $4  }
0x59b: {  	[hbm4b:s12+s3] =	stream.linear.scatter [tilespmem:s10], [sflag:$0x8], $0x80, $0x38;
	[tilespmem:$0x16C00] =	vst v63  }
0x59c: {  	s10 =	sadd.s32 $0x14D30, s11;
	s12 =	sadd.s32 $0x60, s9;
	s11 =	sadd.s32 $0x14DB8, s11  }
0x59d: {  	[hbm4b:s12+s3] =	stream.linear.scatter [tilespmem:s10], [sflag:$0x8], $0x80, $0x38;
	[tilespmem:$0x16C00] =	vst v63  }
0x59e: {  	s12 =	sadd.s32 $0x70, s9;
	s9 =	sadd.s32 $0x1000, s9;
	s10 =	smov.u32 s13  }
0x59f: {  	[hbm4b:s12+s3] =	stream.linear.scatter [tilespmem:s11], [sflag:$0x8], $0x80, $0x38;
	[tilespmem:$0x16C00] =	vst v63  }
0x5a0: {  	s10 =	sadd.s32 $0x14A00, s8  }
0x5a1: {  	[hbm4b:s9+s3] =	stream.linear.scatter [tilespmem:s10], [sflag:$0x8], $0x80, $0x38;
	[tilespmem:$0x16C00] =	vst v63  }
0x5a2: {  	s13 =	sadd.s32 $0x14A88, s8;
	s14 =	sadd.s32 $0x10, s9  }
0x5a3: {  	[hbm4b:s14+s3] =	stream.linear.scatter [tilespmem:s13], [sflag:$0x8], $0x80, $0x38;
	[tilespmem:$0x16C00] =	vst v63  }
0x5a4: {  	s15 =	sadd.s32 $0x14B10, s8;
	s16 =	sadd.s32 $0x20, s9  }
0x5a5: {  	[hbm4b:s16+s3] =	stream.linear.scatter [tilespmem:s15], [sflag:$0x8], $0x80, $0x38;
	[tilespmem:$0x16C00] =	vst v63  }
0x5a6: {  	s11 =	sadd.s32 $0x14B98, s8;
	s12 =	sadd.s32 $0x30, s9  }
0x5a7: {  	[hbm4b:s12+s3] =	stream.linear.scatter [tilespmem:s11], [sflag:$0x8], $0x80, $0x38;
	[tilespmem:$0x16C00] =	vst v63  }
0x5a8: {  	s13 =	sadd.s32 $0x14C20, s8;
	s14 =	sadd.s32 $0x40, s9  }
0x5a9: {  	[hbm4b:s14+s3] =	stream.linear.scatter [tilespmem:s13], [sflag:$0x8], $0x80, $0x38;
	[tilespmem:$0x16C00] =	vst v63  }
0x5aa: {  	s15 =	sadd.s32 $0x14CA8, s8;
	s16 =	sadd.s32 $0x50, s9  }
0x5ab: {  	[hbm4b:s16+s3] =	stream.linear.scatter [tilespmem:s15], [sflag:$0x8], $0x80, $0x38;
	[tilespmem:$0x16C00] =	vst v63  }
0x5ac: {  	s11 =	sadd.s32 $0x14D30, s8;
	s12 =	sadd.s32 $0x60, s9  }
0x5ad: {  	[hbm4b:s12+s3] =	stream.linear.scatter [tilespmem:s11], [sflag:$0x8], $0x80, $0x38;
	[tilespmem:$0x16C00] =	vst v63  }
0x5ae: {  	s13 =	sadd.s32 $0x14DB8, s8;
	s14 =	sadd.s32 $0x70, s9  }
0x5af: {  	[hbm4b:s14+s3] =	stream.linear.scatter [tilespmem:s13], [sflag:$0x8], $0x80, $0x38;
	[tilespmem:$0x16C00] =	vst v63  }
0x5b0: {  	_ =	swait.ge [sflag:s30], $0x2000  }
0x5b1: {  	[sflag:s30] =	ssyncset.done $0x0  }
0x5b2: {  	[sflag:s30] =	ssyncadd.s32 $0xFFFFE000  }
0x5b3: {  	_ =	swait.ge [sflag:s0], $0x2000  }
0x5b4: {  	[sflag:s0] =	ssyncset.done $0x0  }
0x5b5: {  	[sflag:s0] =	ssyncadd.s32 $0xFFFFE000  }
0x5b6: {  	_ =	swait.ge [sflag:s26], $0x2000  }
0x5b7: {  	[sflag:s26] =	ssyncset.done $0x0  }
0x5b8: {  	[sflag:s26] =	ssyncadd.s32 $0xFFFFE000  }
0x5b9: {  	_ =	swait.ge [sflag:s6], $0x2000  }
0x5ba: {  	s15 =	rddreg [dreg:$0xc]  }
0x5bb: {  	s16 =	rddreg [dreg:$0xb];
	s9 =	sadd.s32 $0x1, s15  }
0x5bc: {  	p0 =	sne.s32 s9, s16  }
.Ltmp25:
0x5bd: {  	_ = 	snop;
	(pc) =	sbr.rel @p0 .LBB2_1-.Ltmp25, $3  }
0x5be: {  	_ =	sdelay $0x1  }
0x5bf: {  	[sflag:s6] =	ssyncset.done $0x0  }
0x5c0: {  	[sflag:s6] =	ssyncadd.s32 $0xFFFFE000  }
0x5c1: {  	_ =	sfence.sel $0x180000  }
0x5c2: {  	[bflag:$0x0] =	sbarrier.arrive $0xFFFF  }
0x5c3: {  	_ =	strace $0x90000047  }
0x5c4: {  	s0 =	stileid.u32;
	[bflag:$0x2] =	sbarrier.arrive $0xFFFF  }
0x5c5: {  	p0 =	sne.s32 s0, $0x0;
	s0 =	rddreg [dreg:$0x2]  }
0x5c6: {  	s0 =	sadd.s32 @!p0 $0x100000, s0  }
0x5c7: {  	[sflag:s0] =	ssyncadd.tile.s32 @!p0 $0x1;
	_ =	shalt  }
.Lfunc_end2:
_tile_overlayer_lowered:
.L_overlay_start_2:
0x5c8: {  	(tag) =	ssettag $0x2  }
0x5c9: {  	s0 =	rddreg [dreg:$0x0];
	s2 =	stileid.u32  }
0x5ca: {  	s1 =	rddreg [dreg:$0x1];
	p0 =	sne.s32 s2, $0x0  }
0x5cb: {  	s3 =	rddreg [dreg:$0x2];
	[bflag:$0x3] =	sbarrier.arrive $0xFFFF;
	s2 =	simm.s32 @!p0 $0x1C09  }
0x5cc: {  	[timem:s3], [sflag:s2] =	dma.local @!p0 [hbm:s0], s1  }
0x5cd: {  	s0 =	simm.s32 @!p0 $0x9  }
0x5ce: {  	_ =	swait.ge @!p0 [sflag:s0], s1  }
0x5cf: {  	s1 =	ssub.s32 @!p0 $0x0, s1;
	[sflag:s0] =	ssyncset.done @!p0 $0x0  }
0x5d0: {  	[sflag:s0] =	ssyncadd.s32 @!p0 s1  }
0x5d1: {  	[bflag:$0x3] =	sbarrier.arrive $0xFFFF  }
0x5d2: {  	_ =	shalt  }

</sc_bundles>
